<compile_context>
chip_gen: v7x
topology: tpu7x:2x2x1
jax: 0.10.2.dev20260603
libtpu: 0.0.44.dev20260713+nightly
codegen_flags: <defaults>
</compile_context>

<pallas_src>
import functools

import jax
import jax.numpy as jnp
from jax import lax
from jax.experimental import pallas as pl
from jax.experimental.pallas import tpu as pltpu
from jax.experimental.pallas import tpu_sc as plsc




def _prologue_body(ef_ref, x_ref, w_ref, b_ref, out_ref, pf_ref, pt_ref):
    de = ef_ref.shape[-1]
    d = x_ref.shape[-1]
    w = w_ref[w_ref.shape[0] - de :, :]
    ep = jnp.dot(ef_ref[...], w, preferred_element_type=jnp.float32) + b_ref[...]
    bits = lax.bitcast_convert_type(ep.astype(jnp.bfloat16), jnp.uint16)
    half = ep.shape[-1] // 2
    lo = bits[:, :half].astype(jnp.uint32)
    hi = bits[:, half:].astype(jnp.uint32)
    out_ref[...] = lax.bitcast_convert_type(lo | (hi << 16), jnp.int32)

    @pl.when(pl.program_id(0) < _PROJ_STEPS)
    def _():
        x = x_ref[...]
        pf_ref[...] = jnp.dot(x, w_ref[0:d, :], preferred_element_type=jnp.float32)
        pt_ref[...] = jnp.dot(
            x, w_ref[d : 2 * d, :], preferred_element_type=jnp.float32
        )


_PROJ_STEPS = 5


def _prologue(edge_features, node_features, msg_W, msg_b):
    e, de = edge_features.shape
    n, d = node_features.shape
    dout = msg_W.shape[1]
    blk = 3200
    grid = e // blk
    nblk = n // _PROJ_STEPS
    assert grid >= _PROJ_STEPS

    def clamp(i):
        return jnp.minimum(i, _PROJ_STEPS - 1)

    return pl.pallas_call(
        _prologue_body,
        grid=(grid,),
        in_specs=[
            pl.BlockSpec((blk, de), lambda i: (i, 0)),
            pl.BlockSpec((nblk, d), lambda i: (clamp(i), 0)),
            pl.BlockSpec(msg_W.shape, lambda i: (0, 0)),
            pl.BlockSpec((1, dout), lambda i: (0, 0)),
        ],
        out_specs=[
            pl.BlockSpec((blk, dout // 2), lambda i: (i, 0)),
            pl.BlockSpec((nblk, dout), lambda i: (clamp(i), 0)),
            pl.BlockSpec((nblk, dout), lambda i: (clamp(i), 0)),
        ],
        out_shape=[
            jax.ShapeDtypeStruct((e, dout // 2), jnp.int32),
            jax.ShapeDtypeStruct((n, dout), jnp.float32),
            jax.ShapeDtypeStruct((n, dout), jnp.float32),
        ],
    )(edge_features, node_features, msg_W, msg_b.reshape(1, dout))


def _mlp_body(agg_ref, x_ref, w1_ref, b1_ref, w2_ref, b2_ref, out_ref):
    agg = agg_ref[0] + agg_ref[1]
    x = x_ref[...]
    d = x.shape[-1]
    h = jnp.maximum(
        jnp.dot(agg, w1_ref[0:d, :], preferred_element_type=jnp.float32)
        + jnp.dot(x, w1_ref[d : 2 * d, :], preferred_element_type=jnp.float32)
        + b1_ref[...],
        0.0,
    )
    h = jnp.maximum(
        jnp.dot(h, w2_ref[...], preferred_element_type=jnp.float32) + b2_ref[...],
        0.0,
    )
    out_ref[...] = x + h


def _node_update(agg_partials, node_features, mlp_W1, mlp_b1, mlp_W2, mlp_b2):
    n, d = node_features.shape
    blk = 2000
    grid = n // blk
    return pl.pallas_call(
        _mlp_body,
        grid=(grid,),
        in_specs=[
            pl.BlockSpec((2, blk, d), lambda i: (0, i, 0)),
            pl.BlockSpec((blk, d), lambda i: (i, 0)),
            pl.BlockSpec(mlp_W1.shape, lambda i: (0, 0)),
            pl.BlockSpec((1, d), lambda i: (0, 0)),
            pl.BlockSpec(mlp_W2.shape, lambda i: (0, 0)),
            pl.BlockSpec((1, d), lambda i: (0, 0)),
        ],
        out_specs=pl.BlockSpec((blk, d), lambda i: (i, 0)),
        out_shape=jax.ShapeDtypeStruct((n, d), jnp.float32),
    )(
        agg_partials,
        node_features,
        mlp_W1,
        mlp_b1.reshape(1, d),
        mlp_W2,
        mlp_b2.reshape(1, d),
    )



_NC = 2
_NS = 16
_NW = _NC * _NS
_B = 40
_CHUNK = 2000
_L = 16


def _sc_body(
    pf_hbm,
    pt_hbm,
    ep_hbm,
    fidx_hbm,
    tidx_hbm,
    zeros_hbm,
    out_hbm,
    acc_sh,
    *slot_refs,
):
    d = pf_hbm.shape[1]
    dw = d // 2
    n_pad = zeros_hbm.shape[0]
    e = fidx_hbm.shape[0]
    ept = e // _NW
    nblocks = ept // _B
    rows = n_pad // _NS

    cid = lax.axis_index("c")
    sid = lax.axis_index("s")
    wid = sid * _NC + cid

    row0 = sid * rows
    pltpu.sync_copy(zeros_hbm.at[pl.ds(row0, rows), :], acc_sh.at[pl.ds(row0, rows), :])
    plsc.subcore_barrier()

    base0 = wid * ept

    slots = [tuple(slot_refs[k * 10 : (k + 1) * 10]) for k in range(3)]

    def issue_idx(i, slot):
        fidx, tidx, _fr, _tr, _ep, semi, *_ = slot
        base = base0 + i * _B
        pltpu.async_copy(fidx_hbm.at[pl.ds(base, _B)], fidx, semi)
        pltpu.async_copy(tidx_hbm.at[pl.ds(base, _B)], tidx, semi)

    def wait_idx(i, slot):
        fidx, tidx, _fr, _tr, _ep, semi, *_ = slot
        base = base0 + i * _B
        pltpu.make_async_copy(fidx_hbm.at[pl.ds(base, _B)], fidx, semi).wait()
        pltpu.make_async_copy(tidx_hbm.at[pl.ds(base, _B)], tidx, semi).wait()

    def issue_gathers(i, slot):
        fidx, tidx, fr, tr, ep, _semi, semf, semt, seme, _sems = slot
        base = base0 + i * _B
        pltpu.async_copy(pf_hbm.at[fidx], fr, semf)
        pltpu.async_copy(pt_hbm.at[tidx], tr, semt)
        pltpu.async_copy(ep_hbm.at[pl.ds(base, _B), :], ep, seme)

    def wait_scatter(slot):
        _fidx, tidx, fr, _tr, _ep, _semi, _semf, _semt, _seme, sems = slot
        pltpu.make_async_copy(fr, acc_sh.at[tidx], sems).wait()

    himask = jnp.full((_L,), -65536, jnp.int32)
    sixteen = jnp.full((_L,), 16, jnp.int32)

    def lo_f32(w):
        return lax.bitcast_convert_type(jnp.left_shift(w, sixteen), jnp.float32)

    def hi_f32(w):
        return lax.bitcast_convert_type(jnp.bitwise_and(w, himask), jnp.float32)

    def process(i, slot):
        fidx, tidx, fr, tr, ep, _semi, semf, semt, seme, sems = slot
        base = base0 + i * _B
        pltpu.make_async_copy(pf_hbm.at[fidx], fr, semf).wait()
        pltpu.make_async_copy(pt_hbm.at[tidx], tr, semt).wait()
        pltpu.make_async_copy(ep_hbm.at[pl.ds(base, _B), :], ep, seme).wait()

        def row(r2, c2):
            for u in range(2):
                r = 2 * r2 + u
                for g in range(dw // _L):
                    we = ep[r, pl.ds(g * _L, _L)]
                    slo = pl.ds(g * _L, _L)
                    shi = pl.ds(dw + g * _L, _L)
                    mlo = fr[r, slo] + tr[r, slo] + lo_f32(we)
                    mhi = fr[r, shi] + tr[r, shi] + hi_f32(we)
                    fr[r, slo] = jnp.maximum(mlo, 0.0)
                    fr[r, shi] = jnp.maximum(mhi, 0.0)
            return c2

        lax.fori_loop(0, _B // 2, row, 0)
        pltpu.async_copy(fr, acc_sh.at[tidx], sems, add=True)

    def step(i, k, first=False, want_gather=True, want_idx=True):
        s, s1, s2 = slots[k], slots[(k + 1) % 3], slots[(k + 2) % 3]
        if want_gather:
            wait_idx(i + 1, s1)
            issue_gathers(i + 1, s1)
        process(i, s)
        if not first:
            wait_scatter(s2)
        if want_idx:
            issue_idx(i + 2, s2)

    issue_idx(0, slots[0])
    issue_idx(1, slots[1])
    wait_idx(0, slots[0])
    issue_gathers(0, slots[0])
    step(0, 0, first=True)

    def triple(g, c2):
        i = 3 * g + 1
        step(i, 1)
        step(i + 1, 2)
        step(i + 2, 0)
        return c2

    lax.fori_loop(0, (nblocks - 4) // 3, triple, 0)

    step(nblocks - 3, (nblocks - 3) % 3)
    step(nblocks - 2, (nblocks - 2) % 3, want_idx=False)
    step(nblocks - 1, (nblocks - 1) % 3, want_gather=False, want_idx=False)
    wait_scatter(slots[(nblocks - 1) % 3])

    plsc.subcore_barrier()
    pltpu.sync_copy(
        acc_sh.at[pl.ds(row0, rows), :], out_hbm.at[cid, pl.ds(row0, rows), :]
    )


def _sc_aggregate(p_from, p_to, eproj, from_idx, to_idx, zeros):
    d = p_from.shape[1]
    dw = d // 2
    n_pad = zeros.shape[0]
    mesh = plsc.VectorSubcoreMesh(core_axis_name="c", subcore_axis_name="s")
    slot = [
        pltpu.VMEM((_B,), jnp.int32),
        pltpu.VMEM((_B,), jnp.int32),
        pltpu.VMEM((_B, d), jnp.float32),
        pltpu.VMEM((_B, d), jnp.float32),
        pltpu.VMEM((_B, dw), jnp.int32),
        pltpu.SemaphoreType.DMA,
        pltpu.SemaphoreType.DMA,
        pltpu.SemaphoreType.DMA,
        pltpu.SemaphoreType.DMA,
        pltpu.SemaphoreType.DMA,
    ]
    kern = functools.partial(
        pl.kernel,
        out_type=jax.ShapeDtypeStruct((_NC, n_pad, d), jnp.float32),
        mesh=mesh,
        scratch_types=[pltpu.VMEM_SHARED((n_pad, d), jnp.float32)] + slot * 3,
    )(_sc_body)
    return kern(p_from, p_to, eproj, from_idx, to_idx, zeros)




def kernel(
    node_features,
    from_idx,
    to_idx,
    edge_features,
    msg_W,
    msg_b,
    mlp_W1,
    mlp_b1,
    mlp_W2,
    mlp_b2,
):
    n, d = node_features.shape
    eproj, p_from, p_to = _prologue(edge_features, node_features, msg_W, msg_b)
    n_pad = -(-n // (8 * _NS)) * (8 * _NS)
    zeros = jnp.zeros((n_pad, d), jnp.float32)
    agg_partials = _sc_aggregate(p_from, p_to, eproj, from_idx, to_idx, zeros)
    return _node_update(agg_partials, node_features, mlp_W1, mlp_b1, mlp_W2, mlp_b2)

# --- scband reference (transcript-rebuilt; emitter-appended) ---
"""Pipeline reference for scband-graph-prop-81492709474574 (READ-ONLY COPY).

The authoritative reference and input builder live on the scoring server;
editing this copy changes nothing except your own understanding.
"""

import jax, jax.numpy as jnp
import numpy as np

N = 10000
E = 320000
D = 128
DE = 16
MSG_IN = 2 * D + DE  # 272
MLP_IN = 2 * D       # 256 (embedding prop, residual update)


def _linear_init(key, fan_in, fan_out):
    # mimic torch.nn.Linear default init: U(-1/sqrt(fan_in), 1/sqrt(fan_in))
    kw, kb = jax.random.split(key)
    bound = 1.0 / np.sqrt(fan_in)
    W = jax.random.uniform(kw, (fan_in, fan_out), minval=-bound, maxval=bound, dtype=jnp.float32)
    b = jax.random.uniform(kb, (fan_out,), minval=-bound, maxval=bound, dtype=jnp.float32)
    return W, b


def setup_inputs(seed: int = 0) -> dict:
    key = jax.random.key(seed)
    k1, k2, k3, k4, k5, k6, k7 = jax.random.split(key, 7)
    node_features = jax.random.normal(k1, (N, D), dtype=jnp.float32)
    from_idx = jax.random.randint(k2, (E,), 0, N, dtype=jnp.int32)
    to_idx = jax.random.randint(k3, (E,), 0, N, dtype=jnp.int32)
    edge_features = jax.random.normal(k4, (E, DE), dtype=jnp.float32)
    # message net: Linear(272 -> 128)
    msg_W, msg_b = _linear_init(k5, MSG_IN, 128)
    # node-update MLP: Linear(256 -> 128), Linear(128 -> 128)
    mlp_W1, mlp_b1 = _linear_init(k6, MLP_IN, 128)
    mlp_W2, mlp_b2 = _linear_init(k7, 128, 128)
    return {
        "node_features": node_features,
        "from_idx": from_idx,
        "to_idx": to_idx,
        "edge_features": edge_features,
        "msg_W": msg_W, "msg_b": msg_b,
        "mlp_W1": mlp_W1, "mlp_b1": mlp_b1,
        "mlp_W2": mlp_W2, "mlp_b2": mlp_b2,
    }


def reference(node_features, from_idx, to_idx, edge_features,
              msg_W, msg_b, mlp_W1, mlp_b1, mlp_W2, mlp_b2):
    # _compute_messages: gather endpoint features, concat edge features, LRL (relu after every linear)
    from_features = jnp.take(node_features, from_idx, axis=0)
    to_features = jnp.take(node_features, to_idx, axis=0)
    net_inputs = jnp.concatenate([from_features, to_features, edge_features], axis=-1)
    messages = jax.nn.relu(net_inputs @ msg_W + msg_b)
    # _aggregate_messages: unsorted_segment_sum over destination nodes
    aggregated = jax.ops.segment_sum(messages, to_idx, num_segments=N)
    # _compute_node_update (node_update_type='residual', prop_type='embedding')
    node_inputs = jnp.concatenate([aggregated, node_features], axis=-1)
    h = jax.nn.relu(node_inputs @ mlp_W1 + mlp_b1)
    h = jax.nn.relu(h @ mlp_W2 + mlp_b2)
    return node_features + h

if __name__ == "__main__":
    import jax
    _d = setup_inputs()
    print(jax.jit(kernel)(*tuple(_d.values())))

</pallas_src>

<mosaic_0001>
#map = affine_map<(d0, d1) -> (0, 0)>
#map1 = affine_map<(d0, d1) -> (0)>
#map2 = affine_map<(d0, d1) -> (0, 0, 0)>
module attributes {stable_mosaic.version = 14 : i64} {
  func.func @_sc_body(%arg0: i32, %arg1: i32, %arg2: memref<10000x128xf32, #tpu.memory_space<hbm>>, %arg3: memref<10000x128xf32, #tpu.memory_space<hbm>>, %arg4: memref<320000x64xi32, #tpu.memory_space<hbm>>, %arg5: memref<320000xi32, #tpu.memory_space<hbm>>, %arg6: memref<320000xi32, #tpu.memory_space<hbm>>, %arg7: memref<10112x128xf32, #tpu.memory_space<hbm>>, %arg8: memref<2x10112x128xf32, #tpu.memory_space<hbm>>, %arg9: memref<10112x128xf32, #tpu.memory_space<vmem_shared>>, %arg10: memref<40xi32, #tpu.memory_space<vmem>>, %arg11: memref<40xi32, #tpu.memory_space<vmem>>, %arg12: memref<40x128xf32, #tpu.memory_space<vmem>>, %arg13: memref<40x128xf32, #tpu.memory_space<vmem>>, %arg14: memref<40x64xi32, #tpu.memory_space<vmem>>, %arg15: memref<!tpu.dma_semaphore, #tpu.memory_space<semaphore_mem>>, %arg16: memref<!tpu.dma_semaphore, #tpu.memory_space<semaphore_mem>>, %arg17: memref<!tpu.dma_semaphore, #tpu.memory_space<semaphore_mem>>, %arg18: memref<!tpu.dma_semaphore, #tpu.memory_space<semaphore_mem>>, %arg19: memref<!tpu.dma_semaphore, #tpu.memory_space<semaphore_mem>>, %arg20: memref<40xi32, #tpu.memory_space<vmem>>, %arg21: memref<40xi32, #tpu.memory_space<vmem>>, %arg22: memref<40x128xf32, #tpu.memory_space<vmem>>, %arg23: memref<40x128xf32, #tpu.memory_space<vmem>>, %arg24: memref<40x64xi32, #tpu.memory_space<vmem>>, %arg25: memref<!tpu.dma_semaphore, #tpu.memory_space<semaphore_mem>>, %arg26: memref<!tpu.dma_semaphore, #tpu.memory_space<semaphore_mem>>, %arg27: memref<!tpu.dma_semaphore, #tpu.memory_space<semaphore_mem>>, %arg28: memref<!tpu.dma_semaphore, #tpu.memory_space<semaphore_mem>>, %arg29: memref<!tpu.dma_semaphore, #tpu.memory_space<semaphore_mem>>, %arg30: memref<40xi32, #tpu.memory_space<vmem>>, %arg31: memref<40xi32, #tpu.memory_space<vmem>>, %arg32: memref<40x128xf32, #tpu.memory_space<vmem>>, %arg33: memref<40x128xf32, #tpu.memory_space<vmem>>, %arg34: memref<40x64xi32, #tpu.memory_space<vmem>>, %arg35: memref<!tpu.dma_semaphore, #tpu.memory_space<semaphore_mem>>, %arg36: memref<!tpu.dma_semaphore, #tpu.memory_space<semaphore_mem>>, %arg37: memref<!tpu.dma_semaphore, #tpu.memory_space<semaphore_mem>>, %arg38: memref<!tpu.dma_semaphore, #tpu.memory_space<semaphore_mem>>, %arg39: memref<!tpu.dma_semaphore, #tpu.memory_space<semaphore_mem>>) attributes {dimension_semantics = [#tpu.dimension_semantics<core_parallel>, #tpu.dimension_semantics<subcore_parallel>], iteration_bounds = array<i64: 2, 16>, scalar_prefetch = 0 : i64, scratch_operands = 31 : i64, tpu.core_type = #tpu.core_type<sc_vector_subcore>, window_params = [{transform_indices = #map}, {transform_indices = #map}, {transform_indices = #map}, {transform_indices = #map1}, {transform_indices = #map1}, {transform_indices = #map}, {transform_indices = #map2}]} {
    %mul3A = arith.constant 2 : i32
    %mul3A_0 = arith.muli %arg1, %mul3A : i32
    %add3A = arith.addi %mul3A_0, %arg0 : i32
    %mul3A_1 = arith.constant 632 : i32
    %mul3A_2 = arith.muli %arg1, %mul3A_1 : i32
    "tpu.region"() ({
      %run_scoped3A = tpu.sem_alloc : memref<!tpu.dma_semaphore, #tpu.memory_space<semaphore_mem>>
      %dma_start3A_204 = arith.constant 0 : i32
      %dma_start3A_205 = tpu.memref_slice %arg9[%mul3A_2, %dma_start3A_204] : memref<10112x128xf32, #tpu.memory_space<vmem_shared>> -> memref<632x128xf32, #tpu.memory_space<vmem_shared>>
      %dma_start3A_206 = arith.constant 0 : i32
      %dma_start3A_207 = tpu.memref_slice %arg7[%mul3A_2, %dma_start3A_206] : memref<10112x128xf32, #tpu.memory_space<hbm>> -> memref<632x128xf32, #tpu.memory_space<hbm>>
      tpu.enqueue_dma source(%dma_start3A_207 : memref<632x128xf32, #tpu.memory_space<hbm>>) target(%dma_start3A_205 : memref<632x128xf32, #tpu.memory_space<vmem_shared>>) target_semaphore(%run_scoped3A : memref<!tpu.dma_semaphore, #tpu.memory_space<semaphore_mem>>)
      %dma_wait3A_208 = arith.constant 0 : i32
      %dma_wait3A_209 = tpu.memref_slice %arg9[%mul3A_2, %dma_wait3A_208] : memref<10112x128xf32, #tpu.memory_space<vmem_shared>> -> memref<632x128xf32, #tpu.memory_space<vmem_shared>>
      %dma_wait3A_210 = arith.constant 0 : i32
      %dma_wait3A_211 = tpu.memref_slice %arg7[%mul3A_2, %dma_wait3A_210] : memref<10112x128xf32, #tpu.memory_space<hbm>> -> memref<632x128xf32, #tpu.memory_space<hbm>>
      tpu.wait_dma2 semaphore(%run_scoped3A : memref<!tpu.dma_semaphore, #tpu.memory_space<semaphore_mem>>) src(%dma_wait3A_211 : memref<632x128xf32, #tpu.memory_space<hbm>>) dst(%dma_wait3A_209 : memref<632x128xf32, #tpu.memory_space<vmem_shared>>)
      tpu.yield
    }) : () -> ()
    %barrier3A = arith.constant 0 : index
    tpu.barrier barrier_id(%barrier3A)
    %mul3A_3 = arith.constant 10000 : i32
    %mul3A_4 = arith.muli %add3A, %mul3A_3 : i32
    %broadcast_in_dim3A = arith.constant -65536 : i32
    %broadcast_in_dim3A_5 = vector.broadcast %broadcast_in_dim3A : i32 to vector<16xi32>
    %broadcast_in_dim3A_6 = arith.constant 16 : i32
    %broadcast_in_dim3A_7 = vector.broadcast %broadcast_in_dim3A_6 : i32 to vector<16xi32>
    %add3A_8 = arith.constant 0 : i32
    %add3A_9 = arith.addi %mul3A_4, %add3A_8 : i32
    %dma_start3A = tpu.memref_slice %arg5[%add3A_9] : memref<320000xi32, #tpu.memory_space<hbm>> -> memref<40xi32, #tpu.memory_space<hbm>>
    %dma_start3A_10 = tpu.memref_slice %arg5[%add3A_9] : memref<320000xi32, #tpu.memory_space<hbm>> -> memref<40xi32, #tpu.memory_space<hbm>>
    tpu.enqueue_dma source(%dma_start3A_10 : memref<40xi32, #tpu.memory_space<hbm>>) target(%arg10 : memref<40xi32, #tpu.memory_space<vmem>>) target_semaphore(%arg15 : memref<!tpu.dma_semaphore, #tpu.memory_space<semaphore_mem>>)
    %dma_start3A_11 = tpu.memref_slice %arg6[%add3A_9] : memref<320000xi32, #tpu.memory_space<hbm>> -> memref<40xi32, #tpu.memory_space<hbm>>
    %dma_start3A_12 = tpu.memref_slice %arg6[%add3A_9] : memref<320000xi32, #tpu.memory_space<hbm>> -> memref<40xi32, #tpu.memory_space<hbm>>
    tpu.enqueue_dma source(%dma_start3A_12 : memref<40xi32, #tpu.memory_space<hbm>>) target(%arg11 : memref<40xi32, #tpu.memory_space<vmem>>) target_semaphore(%arg15 : memref<!tpu.dma_semaphore, #tpu.memory_space<semaphore_mem>>)
    %add3A_13 = arith.constant 40 : i32
    %add3A_14 = arith.addi %mul3A_4, %add3A_13 : i32
    %dma_start3A_15 = tpu.memref_slice %arg5[%add3A_14] : memref<320000xi32, #tpu.memory_space<hbm>> -> memref<40xi32, #tpu.memory_space<hbm>>
    %dma_start3A_16 = tpu.memref_slice %arg5[%add3A_14] : memref<320000xi32, #tpu.memory_space<hbm>> -> memref<40xi32, #tpu.memory_space<hbm>>
    tpu.enqueue_dma source(%dma_start3A_16 : memref<40xi32, #tpu.memory_space<hbm>>) target(%arg20 : memref<40xi32, #tpu.memory_space<vmem>>) target_semaphore(%arg25 : memref<!tpu.dma_semaphore, #tpu.memory_space<semaphore_mem>>)
    %dma_start3A_17 = tpu.memref_slice %arg6[%add3A_14] : memref<320000xi32, #tpu.memory_space<hbm>> -> memref<40xi32, #tpu.memory_space<hbm>>
    %dma_start3A_18 = tpu.memref_slice %arg6[%add3A_14] : memref<320000xi32, #tpu.memory_space<hbm>> -> memref<40xi32, #tpu.memory_space<hbm>>
    tpu.enqueue_dma source(%dma_start3A_18 : memref<40xi32, #tpu.memory_space<hbm>>) target(%arg21 : memref<40xi32, #tpu.memory_space<vmem>>) target_semaphore(%arg25 : memref<!tpu.dma_semaphore, #tpu.memory_space<semaphore_mem>>)
    %add3A_19 = arith.constant 0 : i32
    %add3A_20 = arith.addi %mul3A_4, %add3A_19 : i32
    %dma_wait3A = tpu.memref_slice %arg5[%add3A_20] : memref<320000xi32, #tpu.memory_space<hbm>> -> memref<40xi32, #tpu.memory_space<hbm>>
    %dma_wait3A_21 = tpu.memref_slice %arg5[%add3A_20] : memref<320000xi32, #tpu.memory_space<hbm>> -> memref<40xi32, #tpu.memory_space<hbm>>
    tpu.wait_dma2 semaphore(%arg15 : memref<!tpu.dma_semaphore, #tpu.memory_space<semaphore_mem>>) src(%dma_wait3A_21 : memref<40xi32, #tpu.memory_space<hbm>>) dst(%arg10 : memref<40xi32, #tpu.memory_space<vmem>>)
    %dma_wait3A_22 = tpu.memref_slice %arg6[%add3A_20] : memref<320000xi32, #tpu.memory_space<hbm>> -> memref<40xi32, #tpu.memory_space<hbm>>
    %dma_wait3A_23 = tpu.memref_slice %arg6[%add3A_20] : memref<320000xi32, #tpu.memory_space<hbm>> -> memref<40xi32, #tpu.memory_space<hbm>>
    tpu.wait_dma2 semaphore(%arg15 : memref<!tpu.dma_semaphore, #tpu.memory_space<semaphore_mem>>) src(%dma_wait3A_23 : memref<40xi32, #tpu.memory_space<hbm>>) dst(%arg11 : memref<40xi32, #tpu.memory_space<vmem>>)
    %add3A_24 = arith.constant 0 : i32
    %add3A_25 = arith.addi %mul3A_4, %add3A_24 : i32
    %dma_start3A_26 = arith.constant 0 : i32
    %dma_start3A_27 = arith.constant 0 : i32
    %dma_start3A_28 = tpu.memref_slice %arg2[%dma_start3A_26, %dma_start3A_27] : memref<10000x128xf32, #tpu.memory_space<hbm>> -> memref<10000x128xf32, #tpu.memory_space<hbm>>
    tpu.enqueue_indirect_dma source(%dma_start3A_28 : memref<10000x128xf32, #tpu.memory_space<hbm>>) target(%arg12 : memref<40x128xf32, #tpu.memory_space<vmem>>) offsets(%arg10 : memref<40xi32, #tpu.memory_space<vmem>>) semaphore(%arg16 : memref<!tpu.dma_semaphore, #tpu.memory_space<semaphore_mem>>)
    %dma_start3A_29 = arith.constant 0 : i32
    %dma_start3A_30 = arith.constant 0 : i32
    %dma_start3A_31 = tpu.memref_slice %arg3[%dma_start3A_29, %dma_start3A_30] : memref<10000x128xf32, #tpu.memory_space<hbm>> -> memref<10000x128xf32, #tpu.memory_space<hbm>>
    tpu.enqueue_indirect_dma source(%dma_start3A_31 : memref<10000x128xf32, #tpu.memory_space<hbm>>) target(%arg13 : memref<40x128xf32, #tpu.memory_space<vmem>>) offsets(%arg11 : memref<40xi32, #tpu.memory_space<vmem>>) semaphore(%arg17 : memref<!tpu.dma_semaphore, #tpu.memory_space<semaphore_mem>>)
    %dma_start3A_32 = arith.constant 0 : i32
    %dma_start3A_33 = tpu.memref_slice %arg4[%add3A_25, %dma_start3A_32] : memref<320000x64xi32, #tpu.memory_space<hbm>> -> memref<40x64xi32, #tpu.memory_space<hbm>>
    %dma_start3A_34 = arith.constant 0 : i32
    %dma_start3A_35 = tpu.memref_slice %arg4[%add3A_25, %dma_start3A_34] : memref<320000x64xi32, #tpu.memory_space<hbm>> -> memref<40x64xi32, #tpu.memory_space<hbm>>
    tpu.enqueue_dma source(%dma_start3A_35 : memref<40x64xi32, #tpu.memory_space<hbm>>) target(%arg14 : memref<40x64xi32, #tpu.memory_space<vmem>>) target_semaphore(%arg18 : memref<!tpu.dma_semaphore, #tpu.memory_space<semaphore_mem>>)
    %add3A_36 = arith.constant 40 : i32
    %add3A_37 = arith.addi %mul3A_4, %add3A_36 : i32
    %dma_wait3A_38 = tpu.memref_slice %arg5[%add3A_37] : memref<320000xi32, #tpu.memory_space<hbm>> -> memref<40xi32, #tpu.memory_space<hbm>>
    %dma_wait3A_39 = tpu.memref_slice %arg5[%add3A_37] : memref<320000xi32, #tpu.memory_space<hbm>> -> memref<40xi32, #tpu.memory_space<hbm>>
    tpu.wait_dma2 semaphore(%arg25 : memref<!tpu.dma_semaphore, #tpu.memory_space<semaphore_mem>>) src(%dma_wait3A_39 : memref<40xi32, #tpu.memory_space<hbm>>) dst(%arg20 : memref<40xi32, #tpu.memory_space<vmem>>)
    %dma_wait3A_40 = tpu.memref_slice %arg6[%add3A_37] : memref<320000xi32, #tpu.memory_space<hbm>> -> memref<40xi32, #tpu.memory_space<hbm>>
    %dma_wait3A_41 = tpu.memref_slice %arg6[%add3A_37] : memref<320000xi32, #tpu.memory_space<hbm>> -> memref<40xi32, #tpu.memory_space<hbm>>
    tpu.wait_dma2 semaphore(%arg25 : memref<!tpu.dma_semaphore, #tpu.memory_space<semaphore_mem>>) src(%dma_wait3A_41 : memref<40xi32, #tpu.memory_space<hbm>>) dst(%arg21 : memref<40xi32, #tpu.memory_space<vmem>>)
    %add3A_42 = arith.constant 40 : i32
    %add3A_43 = arith.addi %mul3A_4, %add3A_42 : i32
    %dma_start3A_44 = arith.constant 0 : i32
    %dma_start3A_45 = arith.constant 0 : i32
    %dma_start3A_46 = tpu.memref_slice %arg2[%dma_start3A_44, %dma_start3A_45] : memref<10000x128xf32, #tpu.memory_space<hbm>> -> memref<10000x128xf32, #tpu.memory_space<hbm>>
    tpu.enqueue_indirect_dma source(%dma_start3A_46 : memref<10000x128xf32, #tpu.memory_space<hbm>>) target(%arg22 : memref<40x128xf32, #tpu.memory_space<vmem>>) offsets(%arg20 : memref<40xi32, #tpu.memory_space<vmem>>) semaphore(%arg26 : memref<!tpu.dma_semaphore, #tpu.memory_space<semaphore_mem>>)
    %dma_start3A_47 = arith.constant 0 : i32
    %dma_start3A_48 = arith.constant 0 : i32
    %dma_start3A_49 = tpu.memref_slice %arg3[%dma_start3A_47, %dma_start3A_48] : memref<10000x128xf32, #tpu.memory_space<hbm>> -> memref<10000x128xf32, #tpu.memory_space<hbm>>
    tpu.enqueue_indirect_dma source(%dma_start3A_49 : memref<10000x128xf32, #tpu.memory_space<hbm>>) target(%arg23 : memref<40x128xf32, #tpu.memory_space<vmem>>) offsets(%arg21 : memref<40xi32, #tpu.memory_space<vmem>>) semaphore(%arg27 : memref<!tpu.dma_semaphore, #tpu.memory_space<semaphore_mem>>)
    %dma_start3A_50 = arith.constant 0 : i32
    %dma_start3A_51 = tpu.memref_slice %arg4[%add3A_43, %dma_start3A_50] : memref<320000x64xi32, #tpu.memory_space<hbm>> -> memref<40x64xi32, #tpu.memory_space<hbm>>
    %dma_start3A_52 = arith.constant 0 : i32
    %dma_start3A_53 = tpu.memref_slice %arg4[%add3A_43, %dma_start3A_52] : memref<320000x64xi32, #tpu.memory_space<hbm>> -> memref<40x64xi32, #tpu.memory_space<hbm>>
    tpu.enqueue_dma source(%dma_start3A_53 : memref<40x64xi32, #tpu.memory_space<hbm>>) target(%arg24 : memref<40x64xi32, #tpu.memory_space<vmem>>) target_semaphore(%arg28 : memref<!tpu.dma_semaphore, #tpu.memory_space<semaphore_mem>>)
    %add3A_54 = arith.constant 0 : i32
    %add3A_55 = arith.addi %mul3A_4, %add3A_54 : i32
    %dma_wait3A_56 = arith.constant 0 : i32
    %dma_wait3A_57 = arith.constant 0 : i32
    %dma_wait3A_58 = tpu.memref_slice %arg2[%dma_wait3A_56, %dma_wait3A_57] : memref<10000x128xf32, #tpu.memory_space<hbm>> -> memref<10000x128xf32, #tpu.memory_space<hbm>>
    tpu.wait_indirect_dma semaphore(%arg16 : memref<!tpu.dma_semaphore, #tpu.memory_space<semaphore_mem>>) src(%dma_wait3A_58 : memref<10000x128xf32, #tpu.memory_space<hbm>>) dst(%arg12 : memref<40x128xf32, #tpu.memory_space<vmem>>)
    %dma_wait3A_59 = arith.constant 0 : i32
    %dma_wait3A_60 = arith.constant 0 : i32
    %dma_wait3A_61 = tpu.memref_slice %arg3[%dma_wait3A_59, %dma_wait3A_60] : memref<10000x128xf32, #tpu.memory_space<hbm>> -> memref<10000x128xf32, #tpu.memory_space<hbm>>
    tpu.wait_indirect_dma semaphore(%arg17 : memref<!tpu.dma_semaphore, #tpu.memory_space<semaphore_mem>>) src(%dma_wait3A_61 : memref<10000x128xf32, #tpu.memory_space<hbm>>) dst(%arg13 : memref<40x128xf32, #tpu.memory_space<vmem>>)
    %dma_wait3A_62 = arith.constant 0 : i32
    %dma_wait3A_63 = tpu.memref_slice %arg4[%add3A_55, %dma_wait3A_62] : memref<320000x64xi32, #tpu.memory_space<hbm>> -> memref<40x64xi32, #tpu.memory_space<hbm>>
    %dma_wait3A_64 = arith.constant 0 : i32
    %dma_wait3A_65 = tpu.memref_slice %arg4[%add3A_55, %dma_wait3A_64] : memref<320000x64xi32, #tpu.memory_space<hbm>> -> memref<40x64xi32, #tpu.memory_space<hbm>>
    tpu.wait_dma2 semaphore(%arg18 : memref<!tpu.dma_semaphore, #tpu.memory_space<semaphore_mem>>) src(%dma_wait3A_65 : memref<40x64xi32, #tpu.memory_space<hbm>>) dst(%arg14 : memref<40x64xi32, #tpu.memory_space<vmem>>)
    %scan3A = arith.constant 0 : i32
    %scan3A_66 = arith.constant 0 : i32
    %scan3A_67 = arith.constant 20 : i32
    %scan3A_68 = arith.addi %scan3A_66, %scan3A_67 : i32
    %scan3A_69 = arith.constant 1 : i32
    scf.for %scan3A_204 = %scan3A_66 to %scan3A_68 step %scan3A_69  : i32 {
      %mul3A_205 = arith.constant 2 : i32
      %mul3A_206 = arith.muli %mul3A_205, %scan3A_204 : i32
      %add3A_207 = arith.constant 0 : i32
      %add3A_208 = arith.addi %mul3A_206, %add3A_207 : i32
      %get3A = arith.index_cast %add3A_208 : i32 to index
      %get3A_209 = arith.constant 0 : index
      %get3A_210 = tpu.vector_load %arg14[%get3A, %get3A_209] {strides = array<i32>} : memref<40x64xi32, #tpu.memory_space<vmem>>, vector<1x16xi32>,
      %get3A_211 = vector.shape_cast %get3A_210 : vector<1x16xi32> to vector<16xi32>
      %get3A_212 = arith.index_cast %add3A_208 : i32 to index
      %get3A_213 = arith.constant 0 : index
      %get3A_214 = tpu.vector_load %arg12[%get3A_212, %get3A_213] {strides = array<i32>} : memref<40x128xf32, #tpu.memory_space<vmem>>, vector<1x16xf32>,
      %get3A_215 = vector.shape_cast %get3A_214 : vector<1x16xf32> to vector<16xf32>
      %get3A_216 = arith.index_cast %add3A_208 : i32 to index
      %get3A_217 = arith.constant 0 : index
      %get3A_218 = tpu.vector_load %arg13[%get3A_216, %get3A_217] {strides = array<i32>} : memref<40x128xf32, #tpu.memory_space<vmem>>, vector<1x16xf32>,
      %get3A_219 = vector.shape_cast %get3A_218 : vector<1x16xf32> to vector<16xf32>
      %add3A_220 = arith.addf %get3A_215, %get3A_219 : vector<16xf32>
      %shift_left3A = arith.shli %get3A_211, %broadcast_in_dim3A_7 : vector<16xi32>
      %bitcast_convert_type3A = tpu.bitcast %shift_left3A : vector<16xi32> -> vector<16xf32>
      %add3A_221 = arith.addf %add3A_220, %bitcast_convert_type3A : vector<16xf32>
      %get3A_222 = arith.index_cast %add3A_208 : i32 to index
      %get3A_223 = arith.constant 64 : index
      %get3A_224 = tpu.vector_load %arg12[%get3A_222, %get3A_223] {strides = array<i32>} : memref<40x128xf32, #tpu.memory_space<vmem>>, vector<1x16xf32>,
      %get3A_225 = vector.shape_cast %get3A_224 : vector<1x16xf32> to vector<16xf32>
      %get3A_226 = arith.index_cast %add3A_208 : i32 to index
      %get3A_227 = arith.constant 64 : index
      %get3A_228 = tpu.vector_load %arg13[%get3A_226, %get3A_227] {strides = array<i32>} : memref<40x128xf32, #tpu.memory_space<vmem>>, vector<1x16xf32>,
      %get3A_229 = vector.shape_cast %get3A_228 : vector<1x16xf32> to vector<16xf32>
      %add3A_230 = arith.addf %get3A_225, %get3A_229 : vector<16xf32>
      %and3A = arith.andi %get3A_211, %broadcast_in_dim3A_5 : vector<16xi32>
      %bitcast_convert_type3A_231 = tpu.bitcast %and3A : vector<16xi32> -> vector<16xf32>
      %add3A_232 = arith.addf %add3A_230, %bitcast_convert_type3A_231 : vector<16xf32>
      %max3A = arith.constant 0.000000e+00 : f32
      %max3A_233 = vector.broadcast %max3A : f32 to vector<16xf32>
      %max3A_234 = arith.maximumf %add3A_221, %max3A_233 : vector<16xf32>
      %swap3A = arith.index_cast %add3A_208 : i32 to index
      %swap3A_235 = arith.constant 0 : index
      %swap3A_236 = tpu.vector_load %arg12[%swap3A, %swap3A_235] {strides = array<i32>} : memref<40x128xf32, #tpu.memory_space<vmem>>, vector<1x16xf32>,
      %swap3A_237 = vector.shape_cast %swap3A_236 : vector<1x16xf32> to vector<16xf32>
      %swap3A_238 = vector.shape_cast %max3A_234 : vector<16xf32> to vector<1x16xf32>
      tpu.vector_store %arg12[%swap3A, %swap3A_235], %swap3A_238 {strides = array<i32>} : memref<40x128xf32, #tpu.memory_space<vmem>>, vector<1x16xf32>,
      %max3A_239 = arith.constant 0.000000e+00 : f32
      %max3A_240 = vector.broadcast %max3A_239 : f32 to vector<16xf32>
      %max3A_241 = arith.maximumf %add3A_232, %max3A_240 : vector<16xf32>
      %swap3A_242 = arith.index_cast %add3A_208 : i32 to index
      %swap3A_243 = arith.constant 64 : index
      %swap3A_244 = tpu.vector_load %arg12[%swap3A_242, %swap3A_243] {strides = array<i32>} : memref<40x128xf32, #tpu.memory_space<vmem>>, vector<1x16xf32>,
      %swap3A_245 = vector.shape_cast %swap3A_244 : vector<1x16xf32> to vector<16xf32>
      %swap3A_246 = vector.shape_cast %max3A_241 : vector<16xf32> to vector<1x16xf32>
      tpu.vector_store %arg12[%swap3A_242, %swap3A_243], %swap3A_246 {strides = array<i32>} : memref<40x128xf32, #tpu.memory_space<vmem>>, vector<1x16xf32>,
      %get3A_247 = arith.index_cast %add3A_208 : i32 to index
      %get3A_248 = arith.constant 16 : index
      %get3A_249 = tpu.vector_load %arg14[%get3A_247, %get3A_248] {strides = array<i32>} : memref<40x64xi32, #tpu.memory_space<vmem>>, vector<1x16xi32>,
      %get3A_250 = vector.shape_cast %get3A_249 : vector<1x16xi32> to vector<16xi32>
      %get3A_251 = arith.index_cast %add3A_208 : i32 to index
      %get3A_252 = arith.constant 16 : index
      %get3A_253 = tpu.vector_load %arg12[%get3A_251, %get3A_252] {strides = array<i32>} : memref<40x128xf32, #tpu.memory_space<vmem>>, vector<1x16xf32>,
      %get3A_254 = vector.shape_cast %get3A_253 : vector<1x16xf32> to vector<16xf32>
      %get3A_255 = arith.index_cast %add3A_208 : i32 to index
      %get3A_256 = arith.constant 16 : index
      %get3A_257 = tpu.vector_load %arg13[%get3A_255, %get3A_256] {strides = array<i32>} : memref<40x128xf32, #tpu.memory_space<vmem>>, vector<1x16xf32>,
      %get3A_258 = vector.shape_cast %get3A_257 : vector<1x16xf32> to vector<16xf32>
      %add3A_259 = arith.addf %get3A_254, %get3A_258 : vector<16xf32>
      %shift_left3A_260 = arith.shli %get3A_250, %broadcast_in_dim3A_7 : vector<16xi32>
      %bitcast_convert_type3A_261 = tpu.bitcast %shift_left3A_260 : vector<16xi32> -> vector<16xf32>
      %add3A_262 = arith.addf %add3A_259, %bitcast_convert_type3A_261 : vector<16xf32>
      %get3A_263 = arith.index_cast %add3A_208 : i32 to index
      %get3A_264 = arith.constant 80 : index
      %get3A_265 = tpu.vector_load %arg12[%get3A_263, %get3A_264] {strides = array<i32>} : memref<40x128xf32, #tpu.memory_space<vmem>>, vector<1x16xf32>,
      %get3A_266 = vector.shape_cast %get3A_265 : vector<1x16xf32> to vector<16xf32>
      %get3A_267 = arith.index_cast %add3A_208 : i32 to index
      %get3A_268 = arith.constant 80 : index
      %get3A_269 = tpu.vector_load %arg13[%get3A_267, %get3A_268] {strides = array<i32>} : memref<40x128xf32, #tpu.memory_space<vmem>>, vector<1x16xf32>,
      %get3A_270 = vector.shape_cast %get3A_269 : vector<1x16xf32> to vector<16xf32>
      %add3A_271 = arith.addf %get3A_266, %get3A_270 : vector<16xf32>
      %and3A_272 = arith.andi %get3A_250, %broadcast_in_dim3A_5 : vector<16xi32>
      %bitcast_convert_type3A_273 = tpu.bitcast %and3A_272 : vector<16xi32> -> vector<16xf32>
      %add3A_274 = arith.addf %add3A_271, %bitcast_convert_type3A_273 : vector<16xf32>
      %max3A_275 = arith.constant 0.000000e+00 : f32
      %max3A_276 = vector.broadcast %max3A_275 : f32 to vector<16xf32>
      %max3A_277 = arith.maximumf %add3A_262, %max3A_276 : vector<16xf32>
      %swap3A_278 = arith.index_cast %add3A_208 : i32 to index
      %swap3A_279 = arith.constant 16 : index
      %swap3A_280 = tpu.vector_load %arg12[%swap3A_278, %swap3A_279] {strides = array<i32>} : memref<40x128xf32, #tpu.memory_space<vmem>>, vector<1x16xf32>,
      %swap3A_281 = vector.shape_cast %swap3A_280 : vector<1x16xf32> to vector<16xf32>
      %swap3A_282 = vector.shape_cast %max3A_277 : vector<16xf32> to vector<1x16xf32>
      tpu.vector_store %arg12[%swap3A_278, %swap3A_279], %swap3A_282 {strides = array<i32>} : memref<40x128xf32, #tpu.memory_space<vmem>>, vector<1x16xf32>,
      %max3A_283 = arith.constant 0.000000e+00 : f32
      %max3A_284 = vector.broadcast %max3A_283 : f32 to vector<16xf32>
      %max3A_285 = arith.maximumf %add3A_274, %max3A_284 : vector<16xf32>
      %swap3A_286 = arith.index_cast %add3A_208 : i32 to index
      %swap3A_287 = arith.constant 80 : index
      %swap3A_288 = tpu.vector_load %arg12[%swap3A_286, %swap3A_287] {strides = array<i32>} : memref<40x128xf32, #tpu.memory_space<vmem>>, vector<1x16xf32>,
      %swap3A_289 = vector.shape_cast %swap3A_288 : vector<1x16xf32> to vector<16xf32>
      %swap3A_290 = vector.shape_cast %max3A_285 : vector<16xf32> to vector<1x16xf32>
      tpu.vector_store %arg12[%swap3A_286, %swap3A_287], %swap3A_290 {strides = array<i32>} : memref<40x128xf32, #tpu.memory_space<vmem>>, vector<1x16xf32>,
      %get3A_291 = arith.index_cast %add3A_208 : i32 to index
      %get3A_292 = arith.constant 32 : index
      %get3A_293 = tpu.vector_load %arg14[%get3A_291, %get3A_292] {strides = array<i32>} : memref<40x64xi32, #tpu.memory_space<vmem>>, vector<1x16xi32>,
      %get3A_294 = vector.shape_cast %get3A_293 : vector<1x16xi32> to vector<16xi32>
      %get3A_295 = arith.index_cast %add3A_208 : i32 to index
      %get3A_296 = arith.constant 32 : index
      %get3A_297 = tpu.vector_load %arg12[%get3A_295, %get3A_296] {strides = array<i32>} : memref<40x128xf32, #tpu.memory_space<vmem>>, vector<1x16xf32>,
      %get3A_298 = vector.shape_cast %get3A_297 : vector<1x16xf32> to vector<16xf32>
      %get3A_299 = arith.index_cast %add3A_208 : i32 to index
      %get3A_300 = arith.constant 32 : index
      %get3A_301 = tpu.vector_load %arg13[%get3A_299, %get3A_300] {strides = array<i32>} : memref<40x128xf32, #tpu.memory_space<vmem>>, vector<1x16xf32>,
      %get3A_302 = vector.shape_cast %get3A_301 : vector<1x16xf32> to vector<16xf32>
      %add3A_303 = arith.addf %get3A_298, %get3A_302 : vector<16xf32>
      %shift_left3A_304 = arith.shli %get3A_294, %broadcast_in_dim3A_7 : vector<16xi32>
      %bitcast_convert_type3A_305 = tpu.bitcast %shift_left3A_304 : vector<16xi32> -> vector<16xf32>
      %add3A_306 = arith.addf %add3A_303, %bitcast_convert_type3A_305 : vector<16xf32>
      %get3A_307 = arith.index_cast %add3A_208 : i32 to index
      %get3A_308 = arith.constant 96 : index
      %get3A_309 = tpu.vector_load %arg12[%get3A_307, %get3A_308] {strides = array<i32>} : memref<40x128xf32, #tpu.memory_space<vmem>>, vector<1x16xf32>,
      %get3A_310 = vector.shape_cast %get3A_309 : vector<1x16xf32> to vector<16xf32>
      %get3A_311 = arith.index_cast %add3A_208 : i32 to index
      %get3A_312 = arith.constant 96 : index
      %get3A_313 = tpu.vector_load %arg13[%get3A_311, %get3A_312] {strides = array<i32>} : memref<40x128xf32, #tpu.memory_space<vmem>>, vector<1x16xf32>,
      %get3A_314 = vector.shape_cast %get3A_313 : vector<1x16xf32> to vector<16xf32>
      %add3A_315 = arith.addf %get3A_310, %get3A_314 : vector<16xf32>
      %and3A_316 = arith.andi %get3A_294, %broadcast_in_dim3A_5 : vector<16xi32>
      %bitcast_convert_type3A_317 = tpu.bitcast %and3A_316 : vector<16xi32> -> vector<16xf32>
      %add3A_318 = arith.addf %add3A_315, %bitcast_convert_type3A_317 : vector<16xf32>
      %max3A_319 = arith.constant 0.000000e+00 : f32
      %max3A_320 = vector.broadcast %max3A_319 : f32 to vector<16xf32>
      %max3A_321 = arith.maximumf %add3A_306, %max3A_320 : vector<16xf32>
      %swap3A_322 = arith.index_cast %add3A_208 : i32 to index
      %swap3A_323 = arith.constant 32 : index
      %swap3A_324 = tpu.vector_load %arg12[%swap3A_322, %swap3A_323] {strides = array<i32>} : memref<40x128xf32, #tpu.memory_space<vmem>>, vector<1x16xf32>,
      %swap3A_325 = vector.shape_cast %swap3A_324 : vector<1x16xf32> to vector<16xf32>
      %swap3A_326 = vector.shape_cast %max3A_321 : vector<16xf32> to vector<1x16xf32>
      tpu.vector_store %arg12[%swap3A_322, %swap3A_323], %swap3A_326 {strides = array<i32>} : memref<40x128xf32, #tpu.memory_space<vmem>>, vector<1x16xf32>,
      %max3A_327 = arith.constant 0.000000e+00 : f32
      %max3A_328 = vector.broadcast %max3A_327 : f32 to vector<16xf32>
      %max3A_329 = arith.maximumf %add3A_318, %max3A_328 : vector<16xf32>
      %swap3A_330 = arith.index_cast %add3A_208 : i32 to index
      %swap3A_331 = arith.constant 96 : index
      %swap3A_332 = tpu.vector_load %arg12[%swap3A_330, %swap3A_331] {strides = array<i32>} : memref<40x128xf32, #tpu.memory_space<vmem>>, vector<1x16xf32>,
      %swap3A_333 = vector.shape_cast %swap3A_332 : vector<1x16xf32> to vector<16xf32>
      %swap3A_334 = vector.shape_cast %max3A_329 : vector<16xf32> to vector<1x16xf32>
      tpu.vector_store %arg12[%swap3A_330, %swap3A_331], %swap3A_334 {strides = array<i32>} : memref<40x128xf32, #tpu.memory_space<vmem>>, vector<1x16xf32>,
      %get3A_335 = arith.index_cast %add3A_208 : i32 to index
      %get3A_336 = arith.constant 48 : index
      %get3A_337 = tpu.vector_load %arg14[%get3A_335, %get3A_336] {strides = array<i32>} : memref<40x64xi32, #tpu.memory_space<vmem>>, vector<1x16xi32>,
      %get3A_338 = vector.shape_cast %get3A_337 : vector<1x16xi32> to vector<16xi32>
      %get3A_339 = arith.index_cast %add3A_208 : i32 to index
      %get3A_340 = arith.constant 48 : index
      %get3A_341 = tpu.vector_load %arg12[%get3A_339, %get3A_340] {strides = array<i32>} : memref<40x128xf32, #tpu.memory_space<vmem>>, vector<1x16xf32>,
      %get3A_342 = vector.shape_cast %get3A_341 : vector<1x16xf32> to vector<16xf32>
      %get3A_343 = arith.index_cast %add3A_208 : i32 to index
      %get3A_344 = arith.constant 48 : index
      %get3A_345 = tpu.vector_load %arg13[%get3A_343, %get3A_344] {strides = array<i32>} : memref<40x128xf32, #tpu.memory_space<vmem>>, vector<1x16xf32>,
      %get3A_346 = vector.shape_cast %get3A_345 : vector<1x16xf32> to vector<16xf32>
      %add3A_347 = arith.addf %get3A_342, %get3A_346 : vector<16xf32>
      %shift_left3A_348 = arith.shli %get3A_338, %broadcast_in_dim3A_7 : vector<16xi32>
      %bitcast_convert_type3A_349 = tpu.bitcast %shift_left3A_348 : vector<16xi32> -> vector<16xf32>
      %add3A_350 = arith.addf %add3A_347, %bitcast_convert_type3A_349 : vector<16xf32>
      %get3A_351 = arith.index_cast %add3A_208 : i32 to index
      %get3A_352 = arith.constant 112 : index
      %get3A_353 = tpu.vector_load %arg12[%get3A_351, %get3A_352] {strides = array<i32>} : memref<40x128xf32, #tpu.memory_space<vmem>>, vector<1x16xf32>,
      %get3A_354 = vector.shape_cast %get3A_353 : vector<1x16xf32> to vector<16xf32>
      %get3A_355 = arith.index_cast %add3A_208 : i32 to index
      %get3A_356 = arith.constant 112 : index
      %get3A_357 = tpu.vector_load %arg13[%get3A_355, %get3A_356] {strides = array<i32>} : memref<40x128xf32, #tpu.memory_space<vmem>>, vector<1x16xf32>,
      %get3A_358 = vector.shape_cast %get3A_357 : vector<1x16xf32> to vector<16xf32>
      %add3A_359 = arith.addf %get3A_354, %get3A_358 : vector<16xf32>
      %and3A_360 = arith.andi %get3A_338, %broadcast_in_dim3A_5 : vector<16xi32>
      %bitcast_convert_type3A_361 = tpu.bitcast %and3A_360 : vector<16xi32> -> vector<16xf32>
      %add3A_362 = arith.addf %add3A_359, %bitcast_convert_type3A_361 : vector<16xf32>
      %max3A_363 = arith.constant 0.000000e+00 : f32
      %max3A_364 = vector.broadcast %max3A_363 : f32 to vector<16xf32>
      %max3A_365 = arith.maximumf %add3A_350, %max3A_364 : vector<16xf32>
      %swap3A_366 = arith.index_cast %add3A_208 : i32 to index
      %swap3A_367 = arith.constant 48 : index
      %swap3A_368 = tpu.vector_load %arg12[%swap3A_366, %swap3A_367] {strides = array<i32>} : memref<40x128xf32, #tpu.memory_space<vmem>>, vector<1x16xf32>,
      %swap3A_369 = vector.shape_cast %swap3A_368 : vector<1x16xf32> to vector<16xf32>
      %swap3A_370 = vector.shape_cast %max3A_365 : vector<16xf32> to vector<1x16xf32>
      tpu.vector_store %arg12[%swap3A_366, %swap3A_367], %swap3A_370 {strides = array<i32>} : memref<40x128xf32, #tpu.memory_space<vmem>>, vector<1x16xf32>,
      %max3A_371 = arith.constant 0.000000e+00 : f32
      %max3A_372 = vector.broadcast %max3A_371 : f32 to vector<16xf32>
      %max3A_373 = arith.maximumf %add3A_362, %max3A_372 : vector<16xf32>
      %swap3A_374 = arith.index_cast %add3A_208 : i32 to index
      %swap3A_375 = arith.constant 112 : index
      %swap3A_376 = tpu.vector_load %arg12[%swap3A_374, %swap3A_375] {strides = array<i32>} : memref<40x128xf32, #tpu.memory_space<vmem>>, vector<1x16xf32>,
      %swap3A_377 = vector.shape_cast %swap3A_376 : vector<1x16xf32> to vector<16xf32>
      %swap3A_378 = vector.shape_cast %max3A_373 : vector<16xf32> to vector<1x16xf32>
      tpu.vector_store %arg12[%swap3A_374, %swap3A_375], %swap3A_378 {strides = array<i32>} : memref<40x128xf32, #tpu.memory_space<vmem>>, vector<1x16xf32>,
      %mul3A_379 = arith.constant 2 : i32
      %mul3A_380 = arith.muli %mul3A_379, %scan3A_204 : i32
      %add3A_381 = arith.constant 1 : i32
      %add3A_382 = arith.addi %mul3A_380, %add3A_381 : i32
      %get3A_383 = arith.index_cast %add3A_382 : i32 to index
      %get3A_384 = arith.constant 0 : index
      %get3A_385 = tpu.vector_load %arg14[%get3A_383, %get3A_384] {strides = array<i32>} : memref<40x64xi32, #tpu.memory_space<vmem>>, vector<1x16xi32>,
      %get3A_386 = vector.shape_cast %get3A_385 : vector<1x16xi32> to vector<16xi32>
      %get3A_387 = arith.index_cast %add3A_382 : i32 to index
      %get3A_388 = arith.constant 0 : index
      %get3A_389 = tpu.vector_load %arg12[%get3A_387, %get3A_388] {strides = array<i32>} : memref<40x128xf32, #tpu.memory_space<vmem>>, vector<1x16xf32>,
      %get3A_390 = vector.shape_cast %get3A_389 : vector<1x16xf32> to vector<16xf32>
      %get3A_391 = arith.index_cast %add3A_382 : i32 to index
      %get3A_392 = arith.constant 0 : index
      %get3A_393 = tpu.vector_load %arg13[%get3A_391, %get3A_392] {strides = array<i32>} : memref<40x128xf32, #tpu.memory_space<vmem>>, vector<1x16xf32>,
      %get3A_394 = vector.shape_cast %get3A_393 : vector<1x16xf32> to vector<16xf32>
      %add3A_395 = arith.addf %get3A_390, %get3A_394 : vector<16xf32>
      %shift_left3A_396 = arith.shli %get3A_386, %broadcast_in_dim3A_7 : vector<16xi32>
      %bitcast_convert_type3A_397 = tpu.bitcast %shift_left3A_396 : vector<16xi32> -> vector<16xf32>
      %add3A_398 = arith.addf %add3A_395, %bitcast_convert_type3A_397 : vector<16xf32>
      %get3A_399 = arith.index_cast %add3A_382 : i32 to index
      %get3A_400 = arith.constant 64 : index
      %get3A_401 = tpu.vector_load %arg12[%get3A_399, %get3A_400] {strides = array<i32>} : memref<40x128xf32, #tpu.memory_space<vmem>>, vector<1x16xf32>,
      %get3A_402 = vector.shape_cast %get3A_401 : vector<1x16xf32> to vector<16xf32>
      %get3A_403 = arith.index_cast %add3A_382 : i32 to index
      %get3A_404 = arith.constant 64 : index
      %get3A_405 = tpu.vector_load %arg13[%get3A_403, %get3A_404] {strides = array<i32>} : memref<40x128xf32, #tpu.memory_space<vmem>>, vector<1x16xf32>,
      %get3A_406 = vector.shape_cast %get3A_405 : vector<1x16xf32> to vector<16xf32>
      %add3A_407 = arith.addf %get3A_402, %get3A_406 : vector<16xf32>
      %and3A_408 = arith.andi %get3A_386, %broadcast_in_dim3A_5 : vector<16xi32>
      %bitcast_convert_type3A_409 = tpu.bitcast %and3A_408 : vector<16xi32> -> vector<16xf32>
      %add3A_410 = arith.addf %add3A_407, %bitcast_convert_type3A_409 : vector<16xf32>
      %max3A_411 = arith.constant 0.000000e+00 : f32
      %max3A_412 = vector.broadcast %max3A_411 : f32 to vector<16xf32>
      %max3A_413 = arith.maximumf %add3A_398, %max3A_412 : vector<16xf32>
      %swap3A_414 = arith.index_cast %add3A_382 : i32 to index
      %swap3A_415 = arith.constant 0 : index
      %swap3A_416 = tpu.vector_load %arg12[%swap3A_414, %swap3A_415] {strides = array<i32>} : memref<40x128xf32, #tpu.memory_space<vmem>>, vector<1x16xf32>,
      %swap3A_417 = vector.shape_cast %swap3A_416 : vector<1x16xf32> to vector<16xf32>
      %swap3A_418 = vector.shape_cast %max3A_413 : vector<16xf32> to vector<1x16xf32>
      tpu.vector_store %arg12[%swap3A_414, %swap3A_415], %swap3A_418 {strides = array<i32>} : memref<40x128xf32, #tpu.memory_space<vmem>>, vector<1x16xf32>,
      %max3A_419 = arith.constant 0.000000e+00 : f32
      %max3A_420 = vector.broadcast %max3A_419 : f32 to vector<16xf32>
      %max3A_421 = arith.maximumf %add3A_410, %max3A_420 : vector<16xf32>
      %swap3A_422 = arith.index_cast %add3A_382 : i32 to index
      %swap3A_423 = arith.constant 64 : index
      %swap3A_424 = tpu.vector_load %arg12[%swap3A_422, %swap3A_423] {strides = array<i32>} : memref<40x128xf32, #tpu.memory_space<vmem>>, vector<1x16xf32>,
      %swap3A_425 = vector.shape_cast %swap3A_424 : vector<1x16xf32> to vector<16xf32>
      %swap3A_426 = vector.shape_cast %max3A_421 : vector<16xf32> to vector<1x16xf32>
      tpu.vector_store %arg12[%swap3A_422, %swap3A_423], %swap3A_426 {strides = array<i32>} : memref<40x128xf32, #tpu.memory_space<vmem>>, vector<1x16xf32>,
      %get3A_427 = arith.index_cast %add3A_382 : i32 to index
      %get3A_428 = arith.constant 16 : index
      %get3A_429 = tpu.vector_load %arg14[%get3A_427, %get3A_428] {strides = array<i32>} : memref<40x64xi32, #tpu.memory_space<vmem>>, vector<1x16xi32>,
      %get3A_430 = vector.shape_cast %get3A_429 : vector<1x16xi32> to vector<16xi32>
      %get3A_431 = arith.index_cast %add3A_382 : i32 to index
      %get3A_432 = arith.constant 16 : index
      %get3A_433 = tpu.vector_load %arg12[%get3A_431, %get3A_432] {strides = array<i32>} : memref<40x128xf32, #tpu.memory_space<vmem>>, vector<1x16xf32>,
      %get3A_434 = vector.shape_cast %get3A_433 : vector<1x16xf32> to vector<16xf32>
      %get3A_435 = arith.index_cast %add3A_382 : i32 to index
      %get3A_436 = arith.constant 16 : index
      %get3A_437 = tpu.vector_load %arg13[%get3A_435, %get3A_436] {strides = array<i32>} : memref<40x128xf32, #tpu.memory_space<vmem>>, vector<1x16xf32>,
      %get3A_438 = vector.shape_cast %get3A_437 : vector<1x16xf32> to vector<16xf32>
      %add3A_439 = arith.addf %get3A_434, %get3A_438 : vector<16xf32>
      %shift_left3A_440 = arith.shli %get3A_430, %broadcast_in_dim3A_7 : vector<16xi32>
      %bitcast_convert_type3A_441 = tpu.bitcast %shift_left3A_440 : vector<16xi32> -> vector<16xf32>
      %add3A_442 = arith.addf %add3A_439, %bitcast_convert_type3A_441 : vector<16xf32>
      %get3A_443 = arith.index_cast %add3A_382 : i32 to index
      %get3A_444 = arith.constant 80 : index
      %get3A_445 = tpu.vector_load %arg12[%get3A_443, %get3A_444] {strides = array<i32>} : memref<40x128xf32, #tpu.memory_space<vmem>>, vector<1x16xf32>,
      %get3A_446 = vector.shape_cast %get3A_445 : vector<1x16xf32> to vector<16xf32>
      %get3A_447 = arith.index_cast %add3A_382 : i32 to index
      %get3A_448 = arith.constant 80 : index
      %get3A_449 = tpu.vector_load %arg13[%get3A_447, %get3A_448] {strides = array<i32>} : memref<40x128xf32, #tpu.memory_space<vmem>>, vector<1x16xf32>,
      %get3A_450 = vector.shape_cast %get3A_449 : vector<1x16xf32> to vector<16xf32>
      %add3A_451 = arith.addf %get3A_446, %get3A_450 : vector<16xf32>
      %and3A_452 = arith.andi %get3A_430, %broadcast_in_dim3A_5 : vector<16xi32>
      %bitcast_convert_type3A_453 = tpu.bitcast %and3A_452 : vector<16xi32> -> vector<16xf32>
      %add3A_454 = arith.addf %add3A_451, %bitcast_convert_type3A_453 : vector<16xf32>
      %max3A_455 = arith.constant 0.000000e+00 : f32
      %max3A_456 = vector.broadcast %max3A_455 : f32 to vector<16xf32>
      %max3A_457 = arith.maximumf %add3A_442, %max3A_456 : vector<16xf32>
      %swap3A_458 = arith.index_cast %add3A_382 : i32 to index
      %swap3A_459 = arith.constant 16 : index
      %swap3A_460 = tpu.vector_load %arg12[%swap3A_458, %swap3A_459] {strides = array<i32>} : memref<40x128xf32, #tpu.memory_space<vmem>>, vector<1x16xf32>,
      %swap3A_461 = vector.shape_cast %swap3A_460 : vector<1x16xf32> to vector<16xf32>
      %swap3A_462 = vector.shape_cast %max3A_457 : vector<16xf32> to vector<1x16xf32>
      tpu.vector_store %arg12[%swap3A_458, %swap3A_459], %swap3A_462 {strides = array<i32>} : memref<40x128xf32, #tpu.memory_space<vmem>>, vector<1x16xf32>,
      %max3A_463 = arith.constant 0.000000e+00 : f32
      %max3A_464 = vector.broadcast %max3A_463 : f32 to vector<16xf32>
      %max3A_465 = arith.maximumf %add3A_454, %max3A_464 : vector<16xf32>
      %swap3A_466 = arith.index_cast %add3A_382 : i32 to index
      %swap3A_467 = arith.constant 80 : index
      %swap3A_468 = tpu.vector_load %arg12[%swap3A_466, %swap3A_467] {strides = array<i32>} : memref<40x128xf32, #tpu.memory_space<vmem>>, vector<1x16xf32>,
      %swap3A_469 = vector.shape_cast %swap3A_468 : vector<1x16xf32> to vector<16xf32>
      %swap3A_470 = vector.shape_cast %max3A_465 : vector<16xf32> to vector<1x16xf32>
      tpu.vector_store %arg12[%swap3A_466, %swap3A_467], %swap3A_470 {strides = array<i32>} : memref<40x128xf32, #tpu.memory_space<vmem>>, vector<1x16xf32>,
      %get3A_471 = arith.index_cast %add3A_382 : i32 to index
      %get3A_472 = arith.constant 32 : index
      %get3A_473 = tpu.vector_load %arg14[%get3A_471, %get3A_472] {strides = array<i32>} : memref<40x64xi32, #tpu.memory_space<vmem>>, vector<1x16xi32>,
      %get3A_474 = vector.shape_cast %get3A_473 : vector<1x16xi32> to vector<16xi32>
      %get3A_475 = arith.index_cast %add3A_382 : i32 to index
      %get3A_476 = arith.constant 32 : index
      %get3A_477 = tpu.vector_load %arg12[%get3A_475, %get3A_476] {strides = array<i32>} : memref<40x128xf32, #tpu.memory_space<vmem>>, vector<1x16xf32>,
      %get3A_478 = vector.shape_cast %get3A_477 : vector<1x16xf32> to vector<16xf32>
      %get3A_479 = arith.index_cast %add3A_382 : i32 to index
      %get3A_480 = arith.constant 32 : index
      %get3A_481 = tpu.vector_load %arg13[%get3A_479, %get3A_480] {strides = array<i32>} : memref<40x128xf32, #tpu.memory_space<vmem>>, vector<1x16xf32>,
      %get3A_482 = vector.shape_cast %get3A_481 : vector<1x16xf32> to vector<16xf32>
      %add3A_483 = arith.addf %get3A_478, %get3A_482 : vector<16xf32>
      %shift_left3A_484 = arith.shli %get3A_474, %broadcast_in_dim3A_7 : vector<16xi32>
      %bitcast_convert_type3A_485 = tpu.bitcast %shift_left3A_484 : vector<16xi32> -> vector<16xf32>
      %add3A_486 = arith.addf %add3A_483, %bitcast_convert_type3A_485 : vector<16xf32>
      %get3A_487 = arith.index_cast %add3A_382 : i32 to index
      %get3A_488 = arith.constant 96 : index
      %get3A_489 = tpu.vector_load %arg12[%get3A_487, %get3A_488] {strides = array<i32>} : memref<40x128xf32, #tpu.memory_space<vmem>>, vector<1x16xf32>,
      %get3A_490 = vector.shape_cast %get3A_489 : vector<1x16xf32> to vector<16xf32>
      %get3A_491 = arith.index_cast %add3A_382 : i32 to index
      %get3A_492 = arith.constant 96 : index
      %get3A_493 = tpu.vector_load %arg13[%get3A_491, %get3A_492] {strides = array<i32>} : memref<40x128xf32, #tpu.memory_space<vmem>>, vector<1x16xf32>,
      %get3A_494 = vector.shape_cast %get3A_493 : vector<1x16xf32> to vector<16xf32>
      %add3A_495 = arith.addf %get3A_490, %get3A_494 : vector<16xf32>
      %and3A_496 = arith.andi %get3A_474, %broadcast_in_dim3A_5 : vector<16xi32>
      %bitcast_convert_type3A_497 = tpu.bitcast %and3A_496 : vector<16xi32> -> vector<16xf32>
      %add3A_498 = arith.addf %add3A_495, %bitcast_convert_type3A_497 : vector<16xf32>
      %max3A_499 = arith.constant 0.000000e+00 : f32
      %max3A_500 = vector.broadcast %max3A_499 : f32 to vector<16xf32>
      %max3A_501 = arith.maximumf %add3A_486, %max3A_500 : vector<16xf32>
      %swap3A_502 = arith.index_cast %add3A_382 : i32 to index
      %swap3A_503 = arith.constant 32 : index
      %swap3A_504 = tpu.vector_load %arg12[%swap3A_502, %swap3A_503] {strides = array<i32>} : memref<40x128xf32, #tpu.memory_space<vmem>>, vector<1x16xf32>,
      %swap3A_505 = vector.shape_cast %swap3A_504 : vector<1x16xf32> to vector<16xf32>
      %swap3A_506 = vector.shape_cast %max3A_501 : vector<16xf32> to vector<1x16xf32>
      tpu.vector_store %arg12[%swap3A_502, %swap3A_503], %swap3A_506 {strides = array<i32>} : memref<40x128xf32, #tpu.memory_space<vmem>>, vector<1x16xf32>,
      %max3A_507 = arith.constant 0.000000e+00 : f32
      %max3A_508 = vector.broadcast %max3A_507 : f32 to vector<16xf32>
      %max3A_509 = arith.maximumf %add3A_498, %max3A_508 : vector<16xf32>
      %swap3A_510 = arith.index_cast %add3A_382 : i32 to index
      %swap3A_511 = arith.constant 96 : index
      %swap3A_512 = tpu.vector_load %arg12[%swap3A_510, %swap3A_511] {strides = array<i32>} : memref<40x128xf32, #tpu.memory_space<vmem>>, vector<1x16xf32>,
      %swap3A_513 = vector.shape_cast %swap3A_512 : vector<1x16xf32> to vector<16xf32>
      %swap3A_514 = vector.shape_cast %max3A_509 : vector<16xf32> to vector<1x16xf32>
      tpu.vector_store %arg12[%swap3A_510, %swap3A_511], %swap3A_514 {strides = array<i32>} : memref<40x128xf32, #tpu.memory_space<vmem>>, vector<1x16xf32>,
      %get3A_515 = arith.index_cast %add3A_382 : i32 to index
      %get3A_516 = arith.constant 48 : index
      %get3A_517 = tpu.vector_load %arg14[%get3A_515, %get3A_516] {strides = array<i32>} : memref<40x64xi32, #tpu.memory_space<vmem>>, vector<1x16xi32>,
      %get3A_518 = vector.shape_cast %get3A_517 : vector<1x16xi32> to vector<16xi32>
      %get3A_519 = arith.index_cast %add3A_382 : i32 to index
      %get3A_520 = arith.constant 48 : index
      %get3A_521 = tpu.vector_load %arg12[%get3A_519, %get3A_520] {strides = array<i32>} : memref<40x128xf32, #tpu.memory_space<vmem>>, vector<1x16xf32>,
      %get3A_522 = vector.shape_cast %get3A_521 : vector<1x16xf32> to vector<16xf32>
      %get3A_523 = arith.index_cast %add3A_382 : i32 to index
      %get3A_524 = arith.constant 48 : index
      %get3A_525 = tpu.vector_load %arg13[%get3A_523, %get3A_524] {strides = array<i32>} : memref<40x128xf32, #tpu.memory_space<vmem>>, vector<1x16xf32>,
      %get3A_526 = vector.shape_cast %get3A_525 : vector<1x16xf32> to vector<16xf32>
      %add3A_527 = arith.addf %get3A_522, %get3A_526 : vector<16xf32>
      %shift_left3A_528 = arith.shli %get3A_518, %broadcast_in_dim3A_7 : vector<16xi32>
      %bitcast_convert_type3A_529 = tpu.bitcast %shift_left3A_528 : vector<16xi32> -> vector<16xf32>
      %add3A_530 = arith.addf %add3A_527, %bitcast_convert_type3A_529 : vector<16xf32>
      %get3A_531 = arith.index_cast %add3A_382 : i32 to index
      %get3A_532 = arith.constant 112 : index
      %get3A_533 = tpu.vector_load %arg12[%get3A_531, %get3A_532] {strides = array<i32>} : memref<40x128xf32, #tpu.memory_space<vmem>>, vector<1x16xf32>,
      %get3A_534 = vector.shape_cast %get3A_533 : vector<1x16xf32> to vector<16xf32>
      %get3A_535 = arith.index_cast %add3A_382 : i32 to index
      %get3A_536 = arith.constant 112 : index
      %get3A_537 = tpu.vector_load %arg13[%get3A_535, %get3A_536] {strides = array<i32>} : memref<40x128xf32, #tpu.memory_space<vmem>>, vector<1x16xf32>,
      %get3A_538 = vector.shape_cast %get3A_537 : vector<1x16xf32> to vector<16xf32>
      %add3A_539 = arith.addf %get3A_534, %get3A_538 : vector<16xf32>
      %and3A_540 = arith.andi %get3A_518, %broadcast_in_dim3A_5 : vector<16xi32>
      %bitcast_convert_type3A_541 = tpu.bitcast %and3A_540 : vector<16xi32> -> vector<16xf32>
      %add3A_542 = arith.addf %add3A_539, %bitcast_convert_type3A_541 : vector<16xf32>
      %max3A_543 = arith.constant 0.000000e+00 : f32
      %max3A_544 = vector.broadcast %max3A_543 : f32 to vector<16xf32>
      %max3A_545 = arith.maximumf %add3A_530, %max3A_544 : vector<16xf32>
      %swap3A_546 = arith.index_cast %add3A_382 : i32 to index
      %swap3A_547 = arith.constant 48 : index
      %swap3A_548 = tpu.vector_load %arg12[%swap3A_546, %swap3A_547] {strides = array<i32>} : memref<40x128xf32, #tpu.memory_space<vmem>>, vector<1x16xf32>,
      %swap3A_549 = vector.shape_cast %swap3A_548 : vector<1x16xf32> to vector<16xf32>
      %swap3A_550 = vector.shape_cast %max3A_545 : vector<16xf32> to vector<1x16xf32>
      tpu.vector_store %arg12[%swap3A_546, %swap3A_547], %swap3A_550 {strides = array<i32>} : memref<40x128xf32, #tpu.memory_space<vmem>>, vector<1x16xf32>,
      %max3A_551 = arith.constant 0.000000e+00 : f32
      %max3A_552 = vector.broadcast %max3A_551 : f32 to vector<16xf32>
      %max3A_553 = arith.maximumf %add3A_542, %max3A_552 : vector<16xf32>
      %swap3A_554 = arith.index_cast %add3A_382 : i32 to index
      %swap3A_555 = arith.constant 112 : index
      %swap3A_556 = tpu.vector_load %arg12[%swap3A_554, %swap3A_555] {strides = array<i32>} : memref<40x128xf32, #tpu.memory_space<vmem>>, vector<1x16xf32>,
      %swap3A_557 = vector.shape_cast %swap3A_556 : vector<1x16xf32> to vector<16xf32>
      %swap3A_558 = vector.shape_cast %max3A_553 : vector<16xf32> to vector<1x16xf32>
      tpu.vector_store %arg12[%swap3A_554, %swap3A_555], %swap3A_558 {strides = array<i32>} : memref<40x128xf32, #tpu.memory_space<vmem>>, vector<1x16xf32>,
    }
    %scan3A_70 = arith.constant 20 : i32
    %dma_start3A_71 = arith.constant 0 : i32
    %dma_start3A_72 = arith.constant 0 : i32
    %dma_start3A_73 = tpu.memref_slice %arg9[%dma_start3A_71, %dma_start3A_72] : memref<10112x128xf32, #tpu.memory_space<vmem_shared>> -> memref<10112x128xf32, #tpu.memory_space<vmem_shared>>
    tpu.enqueue_indirect_dma source(%arg12 : memref<40x128xf32, #tpu.memory_space<vmem>>) target(%dma_start3A_73 : memref<10112x128xf32, #tpu.memory_space<vmem_shared>>) offsets(%arg11 : memref<40xi32, #tpu.memory_space<vmem>>) semaphore(%arg19 : memref<!tpu.dma_semaphore, #tpu.memory_space<semaphore_mem>>) {add = true}
    %add3A_74 = arith.constant 80 : i32
    %add3A_75 = arith.addi %mul3A_4, %add3A_74 : i32
    %dma_start3A_76 = tpu.memref_slice %arg5[%add3A_75] : memref<320000xi32, #tpu.memory_space<hbm>> -> memref<40xi32, #tpu.memory_space<hbm>>
    %dma_start3A_77 = tpu.memref_slice %arg5[%add3A_75] : memref<320000xi32, #tpu.memory_space<hbm>> -> memref<40xi32, #tpu.memory_space<hbm>>
    tpu.enqueue_dma source(%dma_start3A_77 : memref<40xi32, #tpu.memory_space<hbm>>) target(%arg30 : memref<40xi32, #tpu.memory_space<vmem>>) target_semaphore(%arg35 : memref<!tpu.dma_semaphore, #tpu.memory_space<semaphore_mem>>)
    %dma_start3A_78 = tpu.memref_slice %arg6[%add3A_75] : memref<320000xi32, #tpu.memory_space<hbm>> -> memref<40xi32, #tpu.memory_space<hbm>>
    %dma_start3A_79 = tpu.memref_slice %arg6[%add3A_75] : memref<320000xi32, #tpu.memory_space<hbm>> -> memref<40xi32, #tpu.memory_space<hbm>>
    tpu.enqueue_dma source(%dma_start3A_79 : memref<40xi32, #tpu.memory_space<hbm>>) target(%arg31 : memref<40xi32, #tpu.memory_space<vmem>>) target_semaphore(%arg35 : memref<!tpu.dma_semaphore, #tpu.memory_space<semaphore_mem>>)
    %scan3A_80 = arith.constant 0 : i32
    %scan3A_81 = arith.constant 0 : i32
    %scan3A_82 = arith.constant 82 : i32
    %scan3A_83 = arith.addi %scan3A_81, %scan3A_82 : i32
    %scan3A_84 = arith.constant 1 : i32
    scf.for %scan3A_204 = %scan3A_81 to %scan3A_83 step %scan3A_84  : i32 {
      %mul3A_205 = arith.constant 3 : i32
      %mul3A_206 = arith.muli %mul3A_205, %scan3A_204 : i32
      %add3A_207 = arith.constant 1 : i32
      %add3A_208 = arith.addi %mul3A_206, %add3A_207 : i32
      %add3A_209 = arith.constant 1 : i32
      %add3A_210 = arith.addi %add3A_208, %add3A_209 : i32
      %mul3A_211 = arith.constant 40 : i32
      %mul3A_212 = arith.muli %add3A_210, %mul3A_211 : i32
      %add3A_213 = arith.addi %mul3A_4, %mul3A_212 : i32
      %dma_wait3A_214 = tpu.memref_slice %arg5[%add3A_213] : memref<320000xi32, #tpu.memory_space<hbm>> -> memref<40xi32, #tpu.memory_space<hbm>>
      %dma_wait3A_215 = tpu.memref_slice %arg5[%add3A_213] : memref<320000xi32, #tpu.memory_space<hbm>> -> memref<40xi32, #tpu.memory_space<hbm>>
      tpu.wait_dma2 semaphore(%arg35 : memref<!tpu.dma_semaphore, #tpu.memory_space<semaphore_mem>>) src(%dma_wait3A_215 : memref<40xi32, #tpu.memory_space<hbm>>) dst(%arg30 : memref<40xi32, #tpu.memory_space<vmem>>)
      %dma_wait3A_216 = tpu.memref_slice %arg6[%add3A_213] : memref<320000xi32, #tpu.memory_space<hbm>> -> memref<40xi32, #tpu.memory_space<hbm>>
      %dma_wait3A_217 = tpu.memref_slice %arg6[%add3A_213] : memref<320000xi32, #tpu.memory_space<hbm>> -> memref<40xi32, #tpu.memory_space<hbm>>
      tpu.wait_dma2 semaphore(%arg35 : memref<!tpu.dma_semaphore, #tpu.memory_space<semaphore_mem>>) src(%dma_wait3A_217 : memref<40xi32, #tpu.memory_space<hbm>>) dst(%arg31 : memref<40xi32, #tpu.memory_space<vmem>>)
      %add3A_218 = arith.constant 1 : i32
      %add3A_219 = arith.addi %add3A_208, %add3A_218 : i32
      %mul3A_220 = arith.constant 40 : i32
      %mul3A_221 = arith.muli %add3A_219, %mul3A_220 : i32
      %add3A_222 = arith.addi %mul3A_4, %mul3A_221 : i32
      %dma_start3A_223 = arith.constant 0 : i32
      %dma_start3A_224 = arith.constant 0 : i32
      %dma_start3A_225 = tpu.memref_slice %arg2[%dma_start3A_223, %dma_start3A_224] : memref<10000x128xf32, #tpu.memory_space<hbm>> -> memref<10000x128xf32, #tpu.memory_space<hbm>>
      tpu.enqueue_indirect_dma source(%dma_start3A_225 : memref<10000x128xf32, #tpu.memory_space<hbm>>) target(%arg32 : memref<40x128xf32, #tpu.memory_space<vmem>>) offsets(%arg30 : memref<40xi32, #tpu.memory_space<vmem>>) semaphore(%arg36 : memref<!tpu.dma_semaphore, #tpu.memory_space<semaphore_mem>>)
      %dma_start3A_226 = arith.constant 0 : i32
      %dma_start3A_227 = arith.constant 0 : i32
      %dma_start3A_228 = tpu.memref_slice %arg3[%dma_start3A_226, %dma_start3A_227] : memref<10000x128xf32, #tpu.memory_space<hbm>> -> memref<10000x128xf32, #tpu.memory_space<hbm>>
      tpu.enqueue_indirect_dma source(%dma_start3A_228 : memref<10000x128xf32, #tpu.memory_space<hbm>>) target(%arg33 : memref<40x128xf32, #tpu.memory_space<vmem>>) offsets(%arg31 : memref<40xi32, #tpu.memory_space<vmem>>) semaphore(%arg37 : memref<!tpu.dma_semaphore, #tpu.memory_space<semaphore_mem>>)
      %dma_start3A_229 = arith.constant 0 : i32
      %dma_start3A_230 = tpu.memref_slice %arg4[%add3A_222, %dma_start3A_229] : memref<320000x64xi32, #tpu.memory_space<hbm>> -> memref<40x64xi32, #tpu.memory_space<hbm>>
      %dma_start3A_231 = arith.constant 0 : i32
      %dma_start3A_232 = tpu.memref_slice %arg4[%add3A_222, %dma_start3A_231] : memref<320000x64xi32, #tpu.memory_space<hbm>> -> memref<40x64xi32, #tpu.memory_space<hbm>>
      tpu.enqueue_dma source(%dma_start3A_232 : memref<40x64xi32, #tpu.memory_space<hbm>>) target(%arg34 : memref<40x64xi32, #tpu.memory_space<vmem>>) target_semaphore(%arg38 : memref<!tpu.dma_semaphore, #tpu.memory_space<semaphore_mem>>)
      %mul3A_233 = arith.constant 40 : i32
      %mul3A_234 = arith.muli %add3A_208, %mul3A_233 : i32
      %add3A_235 = arith.addi %mul3A_4, %mul3A_234 : i32
      %dma_wait3A_236 = arith.constant 0 : i32
      %dma_wait3A_237 = arith.constant 0 : i32
      %dma_wait3A_238 = tpu.memref_slice %arg2[%dma_wait3A_236, %dma_wait3A_237] : memref<10000x128xf32, #tpu.memory_space<hbm>> -> memref<10000x128xf32, #tpu.memory_space<hbm>>
      tpu.wait_indirect_dma semaphore(%arg26 : memref<!tpu.dma_semaphore, #tpu.memory_space<semaphore_mem>>) src(%dma_wait3A_238 : memref<10000x128xf32, #tpu.memory_space<hbm>>) dst(%arg22 : memref<40x128xf32, #tpu.memory_space<vmem>>)
      %dma_wait3A_239 = arith.constant 0 : i32
      %dma_wait3A_240 = arith.constant 0 : i32
      %dma_wait3A_241 = tpu.memref_slice %arg3[%dma_wait3A_239, %dma_wait3A_240] : memref<10000x128xf32, #tpu.memory_space<hbm>> -> memref<10000x128xf32, #tpu.memory_space<hbm>>
      tpu.wait_indirect_dma semaphore(%arg27 : memref<!tpu.dma_semaphore, #tpu.memory_space<semaphore_mem>>) src(%dma_wait3A_241 : memref<10000x128xf32, #tpu.memory_space<hbm>>) dst(%arg23 : memref<40x128xf32, #tpu.memory_space<vmem>>)
      %dma_wait3A_242 = arith.constant 0 : i32
      %dma_wait3A_243 = tpu.memref_slice %arg4[%add3A_235, %dma_wait3A_242] : memref<320000x64xi32, #tpu.memory_space<hbm>> -> memref<40x64xi32, #tpu.memory_space<hbm>>
      %dma_wait3A_244 = arith.constant 0 : i32
      %dma_wait3A_245 = tpu.memref_slice %arg4[%add3A_235, %dma_wait3A_244] : memref<320000x64xi32, #tpu.memory_space<hbm>> -> memref<40x64xi32, #tpu.memory_space<hbm>>
      tpu.wait_dma2 semaphore(%arg28 : memref<!tpu.dma_semaphore, #tpu.memory_space<semaphore_mem>>) src(%dma_wait3A_245 : memref<40x64xi32, #tpu.memory_space<hbm>>) dst(%arg24 : memref<40x64xi32, #tpu.memory_space<vmem>>)
      %scan3A_246 = arith.constant 0 : i32
      %scan3A_247 = arith.constant 0 : i32
      %scan3A_248 = arith.constant 20 : i32
      %scan3A_249 = arith.addi %scan3A_247, %scan3A_248 : i32
      %scan3A_250 = arith.constant 1 : i32
      scf.for %scan3A_387 = %scan3A_247 to %scan3A_249 step %scan3A_250  : i32 {
        %mul3A_388 = arith.constant 2 : i32
        %mul3A_389 = arith.muli %mul3A_388, %scan3A_387 : i32
        %add3A_390 = arith.constant 0 : i32
        %add3A_391 = arith.addi %mul3A_389, %add3A_390 : i32
        %get3A = arith.index_cast %add3A_391 : i32 to index
        %get3A_392 = arith.constant 0 : index
        %get3A_393 = tpu.vector_load %arg24[%get3A, %get3A_392] {strides = array<i32>} : memref<40x64xi32, #tpu.memory_space<vmem>>, vector<1x16xi32>,
        %get3A_394 = vector.shape_cast %get3A_393 : vector<1x16xi32> to vector<16xi32>
        %get3A_395 = arith.index_cast %add3A_391 : i32 to index
        %get3A_396 = arith.constant 0 : index
        %get3A_397 = tpu.vector_load %arg22[%get3A_395, %get3A_396] {strides = array<i32>} : memref<40x128xf32, #tpu.memory_space<vmem>>, vector<1x16xf32>,
        %get3A_398 = vector.shape_cast %get3A_397 : vector<1x16xf32> to vector<16xf32>
        %get3A_399 = arith.index_cast %add3A_391 : i32 to index
        %get3A_400 = arith.constant 0 : index
        %get3A_401 = tpu.vector_load %arg23[%get3A_399, %get3A_400] {strides = array<i32>} : memref<40x128xf32, #tpu.memory_space<vmem>>, vector<1x16xf32>,
        %get3A_402 = vector.shape_cast %get3A_401 : vector<1x16xf32> to vector<16xf32>
        %add3A_403 = arith.addf %get3A_398, %get3A_402 : vector<16xf32>
        %shift_left3A = arith.shli %get3A_394, %broadcast_in_dim3A_7 : vector<16xi32>
        %bitcast_convert_type3A = tpu.bitcast %shift_left3A : vector<16xi32> -> vector<16xf32>
        %add3A_404 = arith.addf %add3A_403, %bitcast_convert_type3A : vector<16xf32>
        %get3A_405 = arith.index_cast %add3A_391 : i32 to index
        %get3A_406 = arith.constant 64 : index
        %get3A_407 = tpu.vector_load %arg22[%get3A_405, %get3A_406] {strides = array<i32>} : memref<40x128xf32, #tpu.memory_space<vmem>>, vector<1x16xf32>,
        %get3A_408 = vector.shape_cast %get3A_407 : vector<1x16xf32> to vector<16xf32>
        %get3A_409 = arith.index_cast %add3A_391 : i32 to index
        %get3A_410 = arith.constant 64 : index
        %get3A_411 = tpu.vector_load %arg23[%get3A_409, %get3A_410] {strides = array<i32>} : memref<40x128xf32, #tpu.memory_space<vmem>>, vector<1x16xf32>,
        %get3A_412 = vector.shape_cast %get3A_411 : vector<1x16xf32> to vector<16xf32>
        %add3A_413 = arith.addf %get3A_408, %get3A_412 : vector<16xf32>
        %and3A = arith.andi %get3A_394, %broadcast_in_dim3A_5 : vector<16xi32>
        %bitcast_convert_type3A_414 = tpu.bitcast %and3A : vector<16xi32> -> vector<16xf32>
        %add3A_415 = arith.addf %add3A_413, %bitcast_convert_type3A_414 : vector<16xf32>
        %max3A = arith.constant 0.000000e+00 : f32
        %max3A_416 = vector.broadcast %max3A : f32 to vector<16xf32>
        %max3A_417 = arith.maximumf %add3A_404, %max3A_416 : vector<16xf32>
        %swap3A = arith.index_cast %add3A_391 : i32 to index
        %swap3A_418 = arith.constant 0 : index
        %swap3A_419 = tpu.vector_load %arg22[%swap3A, %swap3A_418] {strides = array<i32>} : memref<40x128xf32, #tpu.memory_space<vmem>>, vector<1x16xf32>,
        %swap3A_420 = vector.shape_cast %swap3A_419 : vector<1x16xf32> to vector<16xf32>
        %swap3A_421 = vector.shape_cast %max3A_417 : vector<16xf32> to vector<1x16xf32>
        tpu.vector_store %arg22[%swap3A, %swap3A_418], %swap3A_421 {strides = array<i32>} : memref<40x128xf32, #tpu.memory_space<vmem>>, vector<1x16xf32>,
        %max3A_422 = arith.constant 0.000000e+00 : f32
        %max3A_423 = vector.broadcast %max3A_422 : f32 to vector<16xf32>
        %max3A_424 = arith.maximumf %add3A_415, %max3A_423 : vector<16xf32>
        %swap3A_425 = arith.index_cast %add3A_391 : i32 to index
        %swap3A_426 = arith.constant 64 : index
        %swap3A_427 = tpu.vector_load %arg22[%swap3A_425, %swap3A_426] {strides = array<i32>} : memref<40x128xf32, #tpu.memory_space<vmem>>, vector<1x16xf32>,
        %swap3A_428 = vector.shape_cast %swap3A_427 : vector<1x16xf32> to vector<16xf32>
        %swap3A_429 = vector.shape_cast %max3A_424 : vector<16xf32> to vector<1x16xf32>
        tpu.vector_store %arg22[%swap3A_425, %swap3A_426], %swap3A_429 {strides = array<i32>} : memref<40x128xf32, #tpu.memory_space<vmem>>, vector<1x16xf32>,
        %get3A_430 = arith.index_cast %add3A_391 : i32 to index
        %get3A_431 = arith.constant 16 : index
        %get3A_432 = tpu.vector_load %arg24[%get3A_430, %get3A_431] {strides = array<i32>} : memref<40x64xi32, #tpu.memory_space<vmem>>, vector<1x16xi32>,
        %get3A_433 = vector.shape_cast %get3A_432 : vector<1x16xi32> to vector<16xi32>
        %get3A_434 = arith.index_cast %add3A_391 : i32 to index
        %get3A_435 = arith.constant 16 : index
        %get3A_436 = tpu.vector_load %arg22[%get3A_434, %get3A_435] {strides = array<i32>} : memref<40x128xf32, #tpu.memory_space<vmem>>, vector<1x16xf32>,
        %get3A_437 = vector.shape_cast %get3A_436 : vector<1x16xf32> to vector<16xf32>
        %get3A_438 = arith.index_cast %add3A_391 : i32 to index
        %get3A_439 = arith.constant 16 : index
        %get3A_440 = tpu.vector_load %arg23[%get3A_438, %get3A_439] {strides = array<i32>} : memref<40x128xf32, #tpu.memory_space<vmem>>, vector<1x16xf32>,
        %get3A_441 = vector.shape_cast %get3A_440 : vector<1x16xf32> to vector<16xf32>
        %add3A_442 = arith.addf %get3A_437, %get3A_441 : vector<16xf32>
        %shift_left3A_443 = arith.shli %get3A_433, %broadcast_in_dim3A_7 : vector<16xi32>
        %bitcast_convert_type3A_444 = tpu.bitcast %shift_left3A_443 : vector<16xi32> -> vector<16xf32>
        %add3A_445 = arith.addf %add3A_442, %bitcast_convert_type3A_444 : vector<16xf32>
        %get3A_446 = arith.index_cast %add3A_391 : i32 to index
        %get3A_447 = arith.constant 80 : index
        %get3A_448 = tpu.vector_load %arg22[%get3A_446, %get3A_447] {strides = array<i32>} : memref<40x128xf32, #tpu.memory_space<vmem>>, vector<1x16xf32>,
        %get3A_449 = vector.shape_cast %get3A_448 : vector<1x16xf32> to vector<16xf32>
        %get3A_450 = arith.index_cast %add3A_391 : i32 to index
        %get3A_451 = arith.constant 80 : index
        %get3A_452 = tpu.vector_load %arg23[%get3A_450, %get3A_451] {strides = array<i32>} : memref<40x128xf32, #tpu.memory_space<vmem>>, vector<1x16xf32>,
        %get3A_453 = vector.shape_cast %get3A_452 : vector<1x16xf32> to vector<16xf32>
        %add3A_454 = arith.addf %get3A_449, %get3A_453 : vector<16xf32>
        %and3A_455 = arith.andi %get3A_433, %broadcast_in_dim3A_5 : vector<16xi32>
        %bitcast_convert_type3A_456 = tpu.bitcast %and3A_455 : vector<16xi32> -> vector<16xf32>
        %add3A_457 = arith.addf %add3A_454, %bitcast_convert_type3A_456 : vector<16xf32>
        %max3A_458 = arith.constant 0.000000e+00 : f32
        %max3A_459 = vector.broadcast %max3A_458 : f32 to vector<16xf32>
        %max3A_460 = arith.maximumf %add3A_445, %max3A_459 : vector<16xf32>
        %swap3A_461 = arith.index_cast %add3A_391 : i32 to index
        %swap3A_462 = arith.constant 16 : index
        %swap3A_463 = tpu.vector_load %arg22[%swap3A_461, %swap3A_462] {strides = array<i32>} : memref<40x128xf32, #tpu.memory_space<vmem>>, vector<1x16xf32>,
        %swap3A_464 = vector.shape_cast %swap3A_463 : vector<1x16xf32> to vector<16xf32>
        %swap3A_465 = vector.shape_cast %max3A_460 : vector<16xf32> to vector<1x16xf32>
        tpu.vector_store %arg22[%swap3A_461, %swap3A_462], %swap3A_465 {strides = array<i32>} : memref<40x128xf32, #tpu.memory_space<vmem>>, vector<1x16xf32>,
        %max3A_466 = arith.constant 0.000000e+00 : f32
        %max3A_467 = vector.broadcast %max3A_466 : f32 to vector<16xf32>
        %max3A_468 = arith.maximumf %add3A_457, %max3A_467 : vector<16xf32>
        %swap3A_469 = arith.index_cast %add3A_391 : i32 to index
        %swap3A_470 = arith.constant 80 : index
        %swap3A_471 = tpu.vector_load %arg22[%swap3A_469, %swap3A_470] {strides = array<i32>} : memref<40x128xf32, #tpu.memory_space<vmem>>, vector<1x16xf32>,
        %swap3A_472 = vector.shape_cast %swap3A_471 : vector<1x16xf32> to vector<16xf32>
        %swap3A_473 = vector.shape_cast %max3A_468 : vector<16xf32> to vector<1x16xf32>
        tpu.vector_store %arg22[%swap3A_469, %swap3A_470], %swap3A_473 {strides = array<i32>} : memref<40x128xf32, #tpu.memory_space<vmem>>, vector<1x16xf32>,
        %get3A_474 = arith.index_cast %add3A_391 : i32 to index
        %get3A_475 = arith.constant 32 : index
        %get3A_476 = tpu.vector_load %arg24[%get3A_474, %get3A_475] {strides = array<i32>} : memref<40x64xi32, #tpu.memory_space<vmem>>, vector<1x16xi32>,
        %get3A_477 = vector.shape_cast %get3A_476 : vector<1x16xi32> to vector<16xi32>
        %get3A_478 = arith.index_cast %add3A_391 : i32 to index
        %get3A_479 = arith.constant 32 : index
        %get3A_480 = tpu.vector_load %arg22[%get3A_478, %get3A_479] {strides = array<i32>} : memref<40x128xf32, #tpu.memory_space<vmem>>, vector<1x16xf32>,
        %get3A_481 = vector.shape_cast %get3A_480 : vector<1x16xf32> to vector<16xf32>
        %get3A_482 = arith.index_cast %add3A_391 : i32 to index
        %get3A_483 = arith.constant 32 : index
        %get3A_484 = tpu.vector_load %arg23[%get3A_482, %get3A_483] {strides = array<i32>} : memref<40x128xf32, #tpu.memory_space<vmem>>, vector<1x16xf32>,
        %get3A_485 = vector.shape_cast %get3A_484 : vector<1x16xf32> to vector<16xf32>
        %add3A_486 = arith.addf %get3A_481, %get3A_485 : vector<16xf32>
        %shift_left3A_487 = arith.shli %get3A_477, %broadcast_in_dim3A_7 : vector<16xi32>
        %bitcast_convert_type3A_488 = tpu.bitcast %shift_left3A_487 : vector<16xi32> -> vector<16xf32>
        %add3A_489 = arith.addf %add3A_486, %bitcast_convert_type3A_488 : vector<16xf32>
        %get3A_490 = arith.index_cast %add3A_391 : i32 to index
        %get3A_491 = arith.constant 96 : index
        %get3A_492 = tpu.vector_load %arg22[%get3A_490, %get3A_491] {strides = array<i32>} : memref<40x128xf32, #tpu.memory_space<vmem>>, vector<1x16xf32>,
        %get3A_493 = vector.shape_cast %get3A_492 : vector<1x16xf32> to vector<16xf32>
        %get3A_494 = arith.index_cast %add3A_391 : i32 to index
        %get3A_495 = arith.constant 96 : index
        %get3A_496 = tpu.vector_load %arg23[%get3A_494, %get3A_495] {strides = array<i32>} : memref<40x128xf32, #tpu.memory_space<vmem>>, vector<1x16xf32>,
        %get3A_497 = vector.shape_cast %get3A_496 : vector<1x16xf32> to vector<16xf32>
        %add3A_498 = arith.addf %get3A_493, %get3A_497 : vector<16xf32>
        %and3A_499 = arith.andi %get3A_477, %broadcast_in_dim3A_5 : vector<16xi32>
        %bitcast_convert_type3A_500 = tpu.bitcast %and3A_499 : vector<16xi32> -> vector<16xf32>
        %add3A_501 = arith.addf %add3A_498, %bitcast_convert_type3A_500 : vector<16xf32>
        %max3A_502 = arith.constant 0.000000e+00 : f32
        %max3A_503 = vector.broadcast %max3A_502 : f32 to vector<16xf32>
        %max3A_504 = arith.maximumf %add3A_489, %max3A_503 : vector<16xf32>
        %swap3A_505 = arith.index_cast %add3A_391 : i32 to index
        %swap3A_506 = arith.constant 32 : index
        %swap3A_507 = tpu.vector_load %arg22[%swap3A_505, %swap3A_506] {strides = array<i32>} : memref<40x128xf32, #tpu.memory_space<vmem>>, vector<1x16xf32>,
        %swap3A_508 = vector.shape_cast %swap3A_507 : vector<1x16xf32> to vector<16xf32>
        %swap3A_509 = vector.shape_cast %max3A_504 : vector<16xf32> to vector<1x16xf32>
        tpu.vector_store %arg22[%swap3A_505, %swap3A_506], %swap3A_509 {strides = array<i32>} : memref<40x128xf32, #tpu.memory_space<vmem>>, vector<1x16xf32>,
        %max3A_510 = arith.constant 0.000000e+00 : f32
        %max3A_511 = vector.broadcast %max3A_510 : f32 to vector<16xf32>
        %max3A_512 = arith.maximumf %add3A_501, %max3A_511 : vector<16xf32>
        %swap3A_513 = arith.index_cast %add3A_391 : i32 to index
        %swap3A_514 = arith.constant 96 : index
        %swap3A_515 = tpu.vector_load %arg22[%swap3A_513, %swap3A_514] {strides = array<i32>} : memref<40x128xf32, #tpu.memory_space<vmem>>, vector<1x16xf32>,
        %swap3A_516 = vector.shape_cast %swap3A_515 : vector<1x16xf32> to vector<16xf32>
        %swap3A_517 = vector.shape_cast %max3A_512 : vector<16xf32> to vector<1x16xf32>
        tpu.vector_store %arg22[%swap3A_513, %swap3A_514], %swap3A_517 {strides = array<i32>} : memref<40x128xf32, #tpu.memory_space<vmem>>, vector<1x16xf32>,
        %get3A_518 = arith.index_cast %add3A_391 : i32 to index
        %get3A_519 = arith.constant 48 : index
        %get3A_520 = tpu.vector_load %arg24[%get3A_518, %get3A_519] {strides = array<i32>} : memref<40x64xi32, #tpu.memory_space<vmem>>, vector<1x16xi32>,
        %get3A_521 = vector.shape_cast %get3A_520 : vector<1x16xi32> to vector<16xi32>
        %get3A_522 = arith.index_cast %add3A_391 : i32 to index
        %get3A_523 = arith.constant 48 : index
        %get3A_524 = tpu.vector_load %arg22[%get3A_522, %get3A_523] {strides = array<i32>} : memref<40x128xf32, #tpu.memory_space<vmem>>, vector<1x16xf32>,
        %get3A_525 = vector.shape_cast %get3A_524 : vector<1x16xf32> to vector<16xf32>
        %get3A_526 = arith.index_cast %add3A_391 : i32 to index
        %get3A_527 = arith.constant 48 : index
        %get3A_528 = tpu.vector_load %arg23[%get3A_526, %get3A_527] {strides = array<i32>} : memref<40x128xf32, #tpu.memory_space<vmem>>, vector<1x16xf32>,
        %get3A_529 = vector.shape_cast %get3A_528 : vector<1x16xf32> to vector<16xf32>
        %add3A_530 = arith.addf %get3A_525, %get3A_529 : vector<16xf32>
        %shift_left3A_531 = arith.shli %get3A_521, %broadcast_in_dim3A_7 : vector<16xi32>
        %bitcast_convert_type3A_532 = tpu.bitcast %shift_left3A_531 : vector<16xi32> -> vector<16xf32>
        %add3A_533 = arith.addf %add3A_530, %bitcast_convert_type3A_532 : vector<16xf32>
        %get3A_534 = arith.index_cast %add3A_391 : i32 to index
        %get3A_535 = arith.constant 112 : index
        %get3A_536 = tpu.vector_load %arg22[%get3A_534, %get3A_535] {strides = array<i32>} : memref<40x128xf32, #tpu.memory_space<vmem>>, vector<1x16xf32>,
        %get3A_537 = vector.shape_cast %get3A_536 : vector<1x16xf32> to vector<16xf32>
        %get3A_538 = arith.index_cast %add3A_391 : i32 to index
        %get3A_539 = arith.constant 112 : index
        %get3A_540 = tpu.vector_load %arg23[%get3A_538, %get3A_539] {strides = array<i32>} : memref<40x128xf32, #tpu.memory_space<vmem>>, vector<1x16xf32>,
        %get3A_541 = vector.shape_cast %get3A_540 : vector<1x16xf32> to vector<16xf32>
        %add3A_542 = arith.addf %get3A_537, %get3A_541 : vector<16xf32>
        %and3A_543 = arith.andi %get3A_521, %broadcast_in_dim3A_5 : vector<16xi32>
        %bitcast_convert_type3A_544 = tpu.bitcast %and3A_543 : vector<16xi32> -> vector<16xf32>
        %add3A_545 = arith.addf %add3A_542, %bitcast_convert_type3A_544 : vector<16xf32>
        %max3A_546 = arith.constant 0.000000e+00 : f32
        %max3A_547 = vector.broadcast %max3A_546 : f32 to vector<16xf32>
        %max3A_548 = arith.maximumf %add3A_533, %max3A_547 : vector<16xf32>
        %swap3A_549 = arith.index_cast %add3A_391 : i32 to index
        %swap3A_550 = arith.constant 48 : index
        %swap3A_551 = tpu.vector_load %arg22[%swap3A_549, %swap3A_550] {strides = array<i32>} : memref<40x128xf32, #tpu.memory_space<vmem>>, vector<1x16xf32>,
        %swap3A_552 = vector.shape_cast %swap3A_551 : vector<1x16xf32> to vector<16xf32>
        %swap3A_553 = vector.shape_cast %max3A_548 : vector<16xf32> to vector<1x16xf32>
        tpu.vector_store %arg22[%swap3A_549, %swap3A_550], %swap3A_553 {strides = array<i32>} : memref<40x128xf32, #tpu.memory_space<vmem>>, vector<1x16xf32>,
        %max3A_554 = arith.constant 0.000000e+00 : f32
        %max3A_555 = vector.broadcast %max3A_554 : f32 to vector<16xf32>
        %max3A_556 = arith.maximumf %add3A_545, %max3A_555 : vector<16xf32>
        %swap3A_557 = arith.index_cast %add3A_391 : i32 to index
        %swap3A_558 = arith.constant 112 : index
        %swap3A_559 = tpu.vector_load %arg22[%swap3A_557, %swap3A_558] {strides = array<i32>} : memref<40x128xf32, #tpu.memory_space<vmem>>, vector<1x16xf32>,
        %swap3A_560 = vector.shape_cast %swap3A_559 : vector<1x16xf32> to vector<16xf32>
        %swap3A_561 = vector.shape_cast %max3A_556 : vector<16xf32> to vector<1x16xf32>
        tpu.vector_store %arg22[%swap3A_557, %swap3A_558], %swap3A_561 {strides = array<i32>} : memref<40x128xf32, #tpu.memory_space<vmem>>, vector<1x16xf32>,
        %mul3A_562 = arith.constant 2 : i32
        %mul3A_563 = arith.muli %mul3A_562, %scan3A_387 : i32
        %add3A_564 = arith.constant 1 : i32
        %add3A_565 = arith.addi %mul3A_563, %add3A_564 : i32
        %get3A_566 = arith.index_cast %add3A_565 : i32 to index
        %get3A_567 = arith.constant 0 : index
        %get3A_568 = tpu.vector_load %arg24[%get3A_566, %get3A_567] {strides = array<i32>} : memref<40x64xi32, #tpu.memory_space<vmem>>, vector<1x16xi32>,
        %get3A_569 = vector.shape_cast %get3A_568 : vector<1x16xi32> to vector<16xi32>
        %get3A_570 = arith.index_cast %add3A_565 : i32 to index
        %get3A_571 = arith.constant 0 : index
        %get3A_572 = tpu.vector_load %arg22[%get3A_570, %get3A_571] {strides = array<i32>} : memref<40x128xf32, #tpu.memory_space<vmem>>, vector<1x16xf32>,
        %get3A_573 = vector.shape_cast %get3A_572 : vector<1x16xf32> to vector<16xf32>
        %get3A_574 = arith.index_cast %add3A_565 : i32 to index
        %get3A_575 = arith.constant 0 : index
        %get3A_576 = tpu.vector_load %arg23[%get3A_574, %get3A_575] {strides = array<i32>} : memref<40x128xf32, #tpu.memory_space<vmem>>, vector<1x16xf32>,
        %get3A_577 = vector.shape_cast %get3A_576 : vector<1x16xf32> to vector<16xf32>
        %add3A_578 = arith.addf %get3A_573, %get3A_577 : vector<16xf32>
        %shift_left3A_579 = arith.shli %get3A_569, %broadcast_in_dim3A_7 : vector<16xi32>
        %bitcast_convert_type3A_580 = tpu.bitcast %shift_left3A_579 : vector<16xi32> -> vector<16xf32>
        %add3A_581 = arith.addf %add3A_578, %bitcast_convert_type3A_580 : vector<16xf32>
        %get3A_582 = arith.index_cast %add3A_565 : i32 to index
        %get3A_583 = arith.constant 64 : index
        %get3A_584 = tpu.vector_load %arg22[%get3A_582, %get3A_583] {strides = array<i32>} : memref<40x128xf32, #tpu.memory_space<vmem>>, vector<1x16xf32>,
        %get3A_585 = vector.shape_cast %get3A_584 : vector<1x16xf32> to vector<16xf32>
        %get3A_586 = arith.index_cast %add3A_565 : i32 to index
        %get3A_587 = arith.constant 64 : index
        %get3A_588 = tpu.vector_load %arg23[%get3A_586, %get3A_587] {strides = array<i32>} : memref<40x128xf32, #tpu.memory_space<vmem>>, vector<1x16xf32>,
        %get3A_589 = vector.shape_cast %get3A_588 : vector<1x16xf32> to vector<16xf32>
        %add3A_590 = arith.addf %get3A_585, %get3A_589 : vector<16xf32>
        %and3A_591 = arith.andi %get3A_569, %broadcast_in_dim3A_5 : vector<16xi32>
        %bitcast_convert_type3A_592 = tpu.bitcast %and3A_591 : vector<16xi32> -> vector<16xf32>
        %add3A_593 = arith.addf %add3A_590, %bitcast_convert_type3A_592 : vector<16xf32>
        %max3A_594 = arith.constant 0.000000e+00 : f32
        %max3A_595 = vector.broadcast %max3A_594 : f32 to vector<16xf32>
        %max3A_596 = arith.maximumf %add3A_581, %max3A_595 : vector<16xf32>
        %swap3A_597 = arith.index_cast %add3A_565 : i32 to index
        %swap3A_598 = arith.constant 0 : index
        %swap3A_599 = tpu.vector_load %arg22[%swap3A_597, %swap3A_598] {strides = array<i32>} : memref<40x128xf32, #tpu.memory_space<vmem>>, vector<1x16xf32>,
        %swap3A_600 = vector.shape_cast %swap3A_599 : vector<1x16xf32> to vector<16xf32>
        %swap3A_601 = vector.shape_cast %max3A_596 : vector<16xf32> to vector<1x16xf32>
        tpu.vector_store %arg22[%swap3A_597, %swap3A_598], %swap3A_601 {strides = array<i32>} : memref<40x128xf32, #tpu.memory_space<vmem>>, vector<1x16xf32>,
        %max3A_602 = arith.constant 0.000000e+00 : f32
        %max3A_603 = vector.broadcast %max3A_602 : f32 to vector<16xf32>
        %max3A_604 = arith.maximumf %add3A_593, %max3A_603 : vector<16xf32>
        %swap3A_605 = arith.index_cast %add3A_565 : i32 to index
        %swap3A_606 = arith.constant 64 : index
        %swap3A_607 = tpu.vector_load %arg22[%swap3A_605, %swap3A_606] {strides = array<i32>} : memref<40x128xf32, #tpu.memory_space<vmem>>, vector<1x16xf32>,
        %swap3A_608 = vector.shape_cast %swap3A_607 : vector<1x16xf32> to vector<16xf32>
        %swap3A_609 = vector.shape_cast %max3A_604 : vector<16xf32> to vector<1x16xf32>
        tpu.vector_store %arg22[%swap3A_605, %swap3A_606], %swap3A_609 {strides = array<i32>} : memref<40x128xf32, #tpu.memory_space<vmem>>, vector<1x16xf32>,
        %get3A_610 = arith.index_cast %add3A_565 : i32 to index
        %get3A_611 = arith.constant 16 : index
        %get3A_612 = tpu.vector_load %arg24[%get3A_610, %get3A_611] {strides = array<i32>} : memref<40x64xi32, #tpu.memory_space<vmem>>, vector<1x16xi32>,
        %get3A_613 = vector.shape_cast %get3A_612 : vector<1x16xi32> to vector<16xi32>
        %get3A_614 = arith.index_cast %add3A_565 : i32 to index
        %get3A_615 = arith.constant 16 : index
        %get3A_616 = tpu.vector_load %arg22[%get3A_614, %get3A_615] {strides = array<i32>} : memref<40x128xf32, #tpu.memory_space<vmem>>, vector<1x16xf32>,
        %get3A_617 = vector.shape_cast %get3A_616 : vector<1x16xf32> to vector<16xf32>
        %get3A_618 = arith.index_cast %add3A_565 : i32 to index
        %get3A_619 = arith.constant 16 : index
        %get3A_620 = tpu.vector_load %arg23[%get3A_618, %get3A_619] {strides = array<i32>} : memref<40x128xf32, #tpu.memory_space<vmem>>, vector<1x16xf32>,
        %get3A_621 = vector.shape_cast %get3A_620 : vector<1x16xf32> to vector<16xf32>
        %add3A_622 = arith.addf %get3A_617, %get3A_621 : vector<16xf32>
        %shift_left3A_623 = arith.shli %get3A_613, %broadcast_in_dim3A_7 : vector<16xi32>
        %bitcast_convert_type3A_624 = tpu.bitcast %shift_left3A_623 : vector<16xi32> -> vector<16xf32>
        %add3A_625 = arith.addf %add3A_622, %bitcast_convert_type3A_624 : vector<16xf32>
        %get3A_626 = arith.index_cast %add3A_565 : i32 to index
        %get3A_627 = arith.constant 80 : index
        %get3A_628 = tpu.vector_load %arg22[%get3A_626, %get3A_627] {strides = array<i32>} : memref<40x128xf32, #tpu.memory_space<vmem>>, vector<1x16xf32>,
        %get3A_629 = vector.shape_cast %get3A_628 : vector<1x16xf32> to vector<16xf32>
        %get3A_630 = arith.index_cast %add3A_565 : i32 to index
        %get3A_631 = arith.constant 80 : index
        %get3A_632 = tpu.vector_load %arg23[%get3A_630, %get3A_631] {strides = array<i32>} : memref<40x128xf32, #tpu.memory_space<vmem>>, vector<1x16xf32>,
        %get3A_633 = vector.shape_cast %get3A_632 : vector<1x16xf32> to vector<16xf32>
        %add3A_634 = arith.addf %get3A_629, %get3A_633 : vector<16xf32>
        %and3A_635 = arith.andi %get3A_613, %broadcast_in_dim3A_5 : vector<16xi32>
        %bitcast_convert_type3A_636 = tpu.bitcast %and3A_635 : vector<16xi32> -> vector<16xf32>
        %add3A_637 = arith.addf %add3A_634, %bitcast_convert_type3A_636 : vector<16xf32>
        %max3A_638 = arith.constant 0.000000e+00 : f32
        %max3A_639 = vector.broadcast %max3A_638 : f32 to vector<16xf32>
        %max3A_640 = arith.maximumf %add3A_625, %max3A_639 : vector<16xf32>
        %swap3A_641 = arith.index_cast %add3A_565 : i32 to index
        %swap3A_642 = arith.constant 16 : index
        %swap3A_643 = tpu.vector_load %arg22[%swap3A_641, %swap3A_642] {strides = array<i32>} : memref<40x128xf32, #tpu.memory_space<vmem>>, vector<1x16xf32>,
        %swap3A_644 = vector.shape_cast %swap3A_643 : vector<1x16xf32> to vector<16xf32>
        %swap3A_645 = vector.shape_cast %max3A_640 : vector<16xf32> to vector<1x16xf32>
        tpu.vector_store %arg22[%swap3A_641, %swap3A_642], %swap3A_645 {strides = array<i32>} : memref<40x128xf32, #tpu.memory_space<vmem>>, vector<1x16xf32>,
        %max3A_646 = arith.constant 0.000000e+00 : f32
        %max3A_647 = vector.broadcast %max3A_646 : f32 to vector<16xf32>
        %max3A_648 = arith.maximumf %add3A_637, %max3A_647 : vector<16xf32>
        %swap3A_649 = arith.index_cast %add3A_565 : i32 to index
        %swap3A_650 = arith.constant 80 : index
        %swap3A_651 = tpu.vector_load %arg22[%swap3A_649, %swap3A_650] {strides = array<i32>} : memref<40x128xf32, #tpu.memory_space<vmem>>, vector<1x16xf32>,
        %swap3A_652 = vector.shape_cast %swap3A_651 : vector<1x16xf32> to vector<16xf32>
        %swap3A_653 = vector.shape_cast %max3A_648 : vector<16xf32> to vector<1x16xf32>
        tpu.vector_store %arg22[%swap3A_649, %swap3A_650], %swap3A_653 {strides = array<i32>} : memref<40x128xf32, #tpu.memory_space<vmem>>, vector<1x16xf32>,
        %get3A_654 = arith.index_cast %add3A_565 : i32 to index
        %get3A_655 = arith.constant 32 : index
        %get3A_656 = tpu.vector_load %arg24[%get3A_654, %get3A_655] {strides = array<i32>} : memref<40x64xi32, #tpu.memory_space<vmem>>, vector<1x16xi32>,
        %get3A_657 = vector.shape_cast %get3A_656 : vector<1x16xi32> to vector<16xi32>
        %get3A_658 = arith.index_cast %add3A_565 : i32 to index
        %get3A_659 = arith.constant 32 : index
        %get3A_660 = tpu.vector_load %arg22[%get3A_658, %get3A_659] {strides = array<i32>} : memref<40x128xf32, #tpu.memory_space<vmem>>, vector<1x16xf32>,
        %get3A_661 = vector.shape_cast %get3A_660 : vector<1x16xf32> to vector<16xf32>
        %get3A_662 = arith.index_cast %add3A_565 : i32 to index
        %get3A_663 = arith.constant 32 : index
        %get3A_664 = tpu.vector_load %arg23[%get3A_662, %get3A_663] {strides = array<i32>} : memref<40x128xf32, #tpu.memory_space<vmem>>, vector<1x16xf32>,
        %get3A_665 = vector.shape_cast %get3A_664 : vector<1x16xf32> to vector<16xf32>
        %add3A_666 = arith.addf %get3A_661, %get3A_665 : vector<16xf32>
        %shift_left3A_667 = arith.shli %get3A_657, %broadcast_in_dim3A_7 : vector<16xi32>
        %bitcast_convert_type3A_668 = tpu.bitcast %shift_left3A_667 : vector<16xi32> -> vector<16xf32>
        %add3A_669 = arith.addf %add3A_666, %bitcast_convert_type3A_668 : vector<16xf32>
        %get3A_670 = arith.index_cast %add3A_565 : i32 to index
        %get3A_671 = arith.constant 96 : index
        %get3A_672 = tpu.vector_load %arg22[%get3A_670, %get3A_671] {strides = array<i32>} : memref<40x128xf32, #tpu.memory_space<vmem>>, vector<1x16xf32>,
        %get3A_673 = vector.shape_cast %get3A_672 : vector<1x16xf32> to vector<16xf32>
        %get3A_674 = arith.index_cast %add3A_565 : i32 to index
        %get3A_675 = arith.constant 96 : index
        %get3A_676 = tpu.vector_load %arg23[%get3A_674, %get3A_675] {strides = array<i32>} : memref<40x128xf32, #tpu.memory_space<vmem>>, vector<1x16xf32>,
        %get3A_677 = vector.shape_cast %get3A_676 : vector<1x16xf32> to vector<16xf32>
        %add3A_678 = arith.addf %get3A_673, %get3A_677 : vector<16xf32>
        %and3A_679 = arith.andi %get3A_657, %broadcast_in_dim3A_5 : vector<16xi32>
        %bitcast_convert_type3A_680 = tpu.bitcast %and3A_679 : vector<16xi32> -> vector<16xf32>
        %add3A_681 = arith.addf %add3A_678, %bitcast_convert_type3A_680 : vector<16xf32>
        %max3A_682 = arith.constant 0.000000e+00 : f32
        %max3A_683 = vector.broadcast %max3A_682 : f32 to vector<16xf32>
        %max3A_684 = arith.maximumf %add3A_669, %max3A_683 : vector<16xf32>
        %swap3A_685 = arith.index_cast %add3A_565 : i32 to index
        %swap3A_686 = arith.constant 32 : index
        %swap3A_687 = tpu.vector_load %arg22[%swap3A_685, %swap3A_686] {strides = array<i32>} : memref<40x128xf32, #tpu.memory_space<vmem>>, vector<1x16xf32>,
        %swap3A_688 = vector.shape_cast %swap3A_687 : vector<1x16xf32> to vector<16xf32>
        %swap3A_689 = vector.shape_cast %max3A_684 : vector<16xf32> to vector<1x16xf32>
        tpu.vector_store %arg22[%swap3A_685, %swap3A_686], %swap3A_689 {strides = array<i32>} : memref<40x128xf32, #tpu.memory_space<vmem>>, vector<1x16xf32>,
        %max3A_690 = arith.constant 0.000000e+00 : f32
        %max3A_691 = vector.broadcast %max3A_690 : f32 to vector<16xf32>
        %max3A_692 = arith.maximumf %add3A_681, %max3A_691 : vector<16xf32>
        %swap3A_693 = arith.index_cast %add3A_565 : i32 to index
        %swap3A_694 = arith.constant 96 : index
        %swap3A_695 = tpu.vector_load %arg22[%swap3A_693, %swap3A_694] {strides = array<i32>} : memref<40x128xf32, #tpu.memory_space<vmem>>, vector<1x16xf32>,
        %swap3A_696 = vector.shape_cast %swap3A_695 : vector<1x16xf32> to vector<16xf32>
        %swap3A_697 = vector.shape_cast %max3A_692 : vector<16xf32> to vector<1x16xf32>
        tpu.vector_store %arg22[%swap3A_693, %swap3A_694], %swap3A_697 {strides = array<i32>} : memref<40x128xf32, #tpu.memory_space<vmem>>, vector<1x16xf32>,
        %get3A_698 = arith.index_cast %add3A_565 : i32 to index
        %get3A_699 = arith.constant 48 : index
        %get3A_700 = tpu.vector_load %arg24[%get3A_698, %get3A_699] {strides = array<i32>} : memref<40x64xi32, #tpu.memory_space<vmem>>, vector<1x16xi32>,
        %get3A_701 = vector.shape_cast %get3A_700 : vector<1x16xi32> to vector<16xi32>
        %get3A_702 = arith.index_cast %add3A_565 : i32 to index
        %get3A_703 = arith.constant 48 : index
        %get3A_704 = tpu.vector_load %arg22[%get3A_702, %get3A_703] {strides = array<i32>} : memref<40x128xf32, #tpu.memory_space<vmem>>, vector<1x16xf32>,
        %get3A_705 = vector.shape_cast %get3A_704 : vector<1x16xf32> to vector<16xf32>
        %get3A_706 = arith.index_cast %add3A_565 : i32 to index
        %get3A_707 = arith.constant 48 : index
        %get3A_708 = tpu.vector_load %arg23[%get3A_706, %get3A_707] {strides = array<i32>} : memref<40x128xf32, #tpu.memory_space<vmem>>, vector<1x16xf32>,
        %get3A_709 = vector.shape_cast %get3A_708 : vector<1x16xf32> to vector<16xf32>
        %add3A_710 = arith.addf %get3A_705, %get3A_709 : vector<16xf32>
        %shift_left3A_711 = arith.shli %get3A_701, %broadcast_in_dim3A_7 : vector<16xi32>
        %bitcast_convert_type3A_712 = tpu.bitcast %shift_left3A_711 : vector<16xi32> -> vector<16xf32>
        %add3A_713 = arith.addf %add3A_710, %bitcast_convert_type3A_712 : vector<16xf32>
        %get3A_714 = arith.index_cast %add3A_565 : i32 to index
        %get3A_715 = arith.constant 112 : index
        %get3A_716 = tpu.vector_load %arg22[%get3A_714, %get3A_715] {strides = array<i32>} : memref<40x128xf32, #tpu.memory_space<vmem>>, vector<1x16xf32>,
        %get3A_717 = vector.shape_cast %get3A_716 : vector<1x16xf32> to vector<16xf32>
        %get3A_718 = arith.index_cast %add3A_565 : i32 to index
        %get3A_719 = arith.constant 112 : index
        %get3A_720 = tpu.vector_load %arg23[%get3A_718, %get3A_719] {strides = array<i32>} : memref<40x128xf32, #tpu.memory_space<vmem>>, vector<1x16xf32>,
        %get3A_721 = vector.shape_cast %get3A_720 : vector<1x16xf32> to vector<16xf32>
        %add3A_722 = arith.addf %get3A_717, %get3A_721 : vector<16xf32>
        %and3A_723 = arith.andi %get3A_701, %broadcast_in_dim3A_5 : vector<16xi32>
        %bitcast_convert_type3A_724 = tpu.bitcast %and3A_723 : vector<16xi32> -> vector<16xf32>
        %add3A_725 = arith.addf %add3A_722, %bitcast_convert_type3A_724 : vector<16xf32>
        %max3A_726 = arith.constant 0.000000e+00 : f32
        %max3A_727 = vector.broadcast %max3A_726 : f32 to vector<16xf32>
        %max3A_728 = arith.maximumf %add3A_713, %max3A_727 : vector<16xf32>
        %swap3A_729 = arith.index_cast %add3A_565 : i32 to index
        %swap3A_730 = arith.constant 48 : index
        %swap3A_731 = tpu.vector_load %arg22[%swap3A_729, %swap3A_730] {strides = array<i32>} : memref<40x128xf32, #tpu.memory_space<vmem>>, vector<1x16xf32>,
        %swap3A_732 = vector.shape_cast %swap3A_731 : vector<1x16xf32> to vector<16xf32>
        %swap3A_733 = vector.shape_cast %max3A_728 : vector<16xf32> to vector<1x16xf32>
        tpu.vector_store %arg22[%swap3A_729, %swap3A_730], %swap3A_733 {strides = array<i32>} : memref<40x128xf32, #tpu.memory_space<vmem>>, vector<1x16xf32>,
        %max3A_734 = arith.constant 0.000000e+00 : f32
        %max3A_735 = vector.broadcast %max3A_734 : f32 to vector<16xf32>
        %max3A_736 = arith.maximumf %add3A_725, %max3A_735 : vector<16xf32>
        %swap3A_737 = arith.index_cast %add3A_565 : i32 to index
        %swap3A_738 = arith.constant 112 : index
        %swap3A_739 = tpu.vector_load %arg22[%swap3A_737, %swap3A_738] {strides = array<i32>} : memref<40x128xf32, #tpu.memory_space<vmem>>, vector<1x16xf32>,
        %swap3A_740 = vector.shape_cast %swap3A_739 : vector<1x16xf32> to vector<16xf32>
        %swap3A_741 = vector.shape_cast %max3A_736 : vector<16xf32> to vector<1x16xf32>
        tpu.vector_store %arg22[%swap3A_737, %swap3A_738], %swap3A_741 {strides = array<i32>} : memref<40x128xf32, #tpu.memory_space<vmem>>, vector<1x16xf32>,
      }
      %scan3A_251 = arith.constant 20 : i32
      %dma_start3A_252 = arith.constant 0 : i32
      %dma_start3A_253 = arith.constant 0 : i32
      %dma_start3A_254 = tpu.memref_slice %arg9[%dma_start3A_252, %dma_start3A_253] : memref<10112x128xf32, #tpu.memory_space<vmem_shared>> -> memref<10112x128xf32, #tpu.memory_space<vmem_shared>>
      tpu.enqueue_indirect_dma source(%arg22 : memref<40x128xf32, #tpu.memory_space<vmem>>) target(%dma_start3A_254 : memref<10112x128xf32, #tpu.memory_space<vmem_shared>>) offsets(%arg21 : memref<40xi32, #tpu.memory_space<vmem>>) semaphore(%arg29 : memref<!tpu.dma_semaphore, #tpu.memory_space<semaphore_mem>>) {add = true}
      %dma_wait3A_255 = arith.constant 0 : i32
      %dma_wait3A_256 = arith.constant 0 : i32
      %dma_wait3A_257 = tpu.memref_slice %arg9[%dma_wait3A_255, %dma_wait3A_256] : memref<10112x128xf32, #tpu.memory_space<vmem_shared>> -> memref<10112x128xf32, #tpu.memory_space<vmem_shared>>
      tpu.wait_indirect_dma semaphore(%arg19 : memref<!tpu.dma_semaphore, #tpu.memory_space<semaphore_mem>>) src(%arg12 : memref<40x128xf32, #tpu.memory_space<vmem>>) dst(%dma_wait3A_257 : memref<10112x128xf32, #tpu.memory_space<vmem_shared>>)
      %add3A_258 = arith.constant 2 : i32
      %add3A_259 = arith.addi %add3A_208, %add3A_258 : i32
      %mul3A_260 = arith.constant 40 : i32
      %mul3A_261 = arith.muli %add3A_259, %mul3A_260 : i32
      %add3A_262 = arith.addi %mul3A_4, %mul3A_261 : i32
      %dma_start3A_263 = tpu.memref_slice %arg5[%add3A_262] : memref<320000xi32, #tpu.memory_space<hbm>> -> memref<40xi32, #tpu.memory_space<hbm>>
      %dma_start3A_264 = tpu.memref_slice %arg5[%add3A_262] : memref<320000xi32, #tpu.memory_space<hbm>> -> memref<40xi32, #tpu.memory_space<hbm>>
      tpu.enqueue_dma source(%dma_start3A_264 : memref<40xi32, #tpu.memory_space<hbm>>) target(%arg10 : memref<40xi32, #tpu.memory_space<vmem>>) target_semaphore(%arg15 : memref<!tpu.dma_semaphore, #tpu.memory_space<semaphore_mem>>)
      %dma_start3A_265 = tpu.memref_slice %arg6[%add3A_262] : memref<320000xi32, #tpu.memory_space<hbm>> -> memref<40xi32, #tpu.memory_space<hbm>>
      %dma_start3A_266 = tpu.memref_slice %arg6[%add3A_262] : memref<320000xi32, #tpu.memory_space<hbm>> -> memref<40xi32, #tpu.memory_space<hbm>>
      tpu.enqueue_dma source(%dma_start3A_266 : memref<40xi32, #tpu.memory_space<hbm>>) target(%arg11 : memref<40xi32, #tpu.memory_space<vmem>>) target_semaphore(%arg15 : memref<!tpu.dma_semaphore, #tpu.memory_space<semaphore_mem>>)
      %add3A_267 = arith.constant 1 : i32
      %add3A_268 = arith.addi %add3A_208, %add3A_267 : i32
      %add3A_269 = arith.constant 1 : i32
      %add3A_270 = arith.addi %add3A_268, %add3A_269 : i32
      %mul3A_271 = arith.constant 40 : i32
      %mul3A_272 = arith.muli %add3A_270, %mul3A_271 : i32
      %add3A_273 = arith.addi %mul3A_4, %mul3A_272 : i32
      %dma_wait3A_274 = tpu.memref_slice %arg5[%add3A_273] : memref<320000xi32, #tpu.memory_space<hbm>> -> memref<40xi32, #tpu.memory_space<hbm>>
      %dma_wait3A_275 = tpu.memref_slice %arg5[%add3A_273] : memref<320000xi32, #tpu.memory_space<hbm>> -> memref<40xi32, #tpu.memory_space<hbm>>
      tpu.wait_dma2 semaphore(%arg15 : memref<!tpu.dma_semaphore, #tpu.memory_space<semaphore_mem>>) src(%dma_wait3A_275 : memref<40xi32, #tpu.memory_space<hbm>>) dst(%arg10 : memref<40xi32, #tpu.memory_space<vmem>>)
      %dma_wait3A_276 = tpu.memref_slice %arg6[%add3A_273] : memref<320000xi32, #tpu.memory_space<hbm>> -> memref<40xi32, #tpu.memory_space<hbm>>
      %dma_wait3A_277 = tpu.memref_slice %arg6[%add3A_273] : memref<320000xi32, #tpu.memory_space<hbm>> -> memref<40xi32, #tpu.memory_space<hbm>>
      tpu.wait_dma2 semaphore(%arg15 : memref<!tpu.dma_semaphore, #tpu.memory_space<semaphore_mem>>) src(%dma_wait3A_277 : memref<40xi32, #tpu.memory_space<hbm>>) dst(%arg11 : memref<40xi32, #tpu.memory_space<vmem>>)
      %add3A_278 = arith.constant 1 : i32
      %add3A_279 = arith.addi %add3A_268, %add3A_278 : i32
      %mul3A_280 = arith.constant 40 : i32
      %mul3A_281 = arith.muli %add3A_279, %mul3A_280 : i32
      %add3A_282 = arith.addi %mul3A_4, %mul3A_281 : i32
      %dma_start3A_283 = arith.constant 0 : i32
      %dma_start3A_284 = arith.constant 0 : i32
      %dma_start3A_285 = tpu.memref_slice %arg2[%dma_start3A_283, %dma_start3A_284] : memref<10000x128xf32, #tpu.memory_space<hbm>> -> memref<10000x128xf32, #tpu.memory_space<hbm>>
      tpu.enqueue_indirect_dma source(%dma_start3A_285 : memref<10000x128xf32, #tpu.memory_space<hbm>>) target(%arg12 : memref<40x128xf32, #tpu.memory_space<vmem>>) offsets(%arg10 : memref<40xi32, #tpu.memory_space<vmem>>) semaphore(%arg16 : memref<!tpu.dma_semaphore, #tpu.memory_space<semaphore_mem>>)
      %dma_start3A_286 = arith.constant 0 : i32
      %dma_start3A_287 = arith.constant 0 : i32
      %dma_start3A_288 = tpu.memref_slice %arg3[%dma_start3A_286, %dma_start3A_287] : memref<10000x128xf32, #tpu.memory_space<hbm>> -> memref<10000x128xf32, #tpu.memory_space<hbm>>
      tpu.enqueue_indirect_dma source(%dma_start3A_288 : memref<10000x128xf32, #tpu.memory_space<hbm>>) target(%arg13 : memref<40x128xf32, #tpu.memory_space<vmem>>) offsets(%arg11 : memref<40xi32, #tpu.memory_space<vmem>>) semaphore(%arg17 : memref<!tpu.dma_semaphore, #tpu.memory_space<semaphore_mem>>)
      %dma_start3A_289 = arith.constant 0 : i32
      %dma_start3A_290 = tpu.memref_slice %arg4[%add3A_282, %dma_start3A_289] : memref<320000x64xi32, #tpu.memory_space<hbm>> -> memref<40x64xi32, #tpu.memory_space<hbm>>
      %dma_start3A_291 = arith.constant 0 : i32
      %dma_start3A_292 = tpu.memref_slice %arg4[%add3A_282, %dma_start3A_291] : memref<320000x64xi32, #tpu.memory_space<hbm>> -> memref<40x64xi32, #tpu.memory_space<hbm>>
      tpu.enqueue_dma source(%dma_start3A_292 : memref<40x64xi32, #tpu.memory_space<hbm>>) target(%arg14 : memref<40x64xi32, #tpu.memory_space<vmem>>) target_semaphore(%arg18 : memref<!tpu.dma_semaphore, #tpu.memory_space<semaphore_mem>>)
      %mul3A_293 = arith.constant 40 : i32
      %mul3A_294 = arith.muli %add3A_268, %mul3A_293 : i32
      %add3A_295 = arith.addi %mul3A_4, %mul3A_294 : i32
      %dma_wait3A_296 = arith.constant 0 : i32
      %dma_wait3A_297 = arith.constant 0 : i32
      %dma_wait3A_298 = tpu.memref_slice %arg2[%dma_wait3A_296, %dma_wait3A_297] : memref<10000x128xf32, #tpu.memory_space<hbm>> -> memref<10000x128xf32, #tpu.memory_space<hbm>>
      tpu.wait_indirect_dma semaphore(%arg36 : memref<!tpu.dma_semaphore, #tpu.memory_space<semaphore_mem>>) src(%dma_wait3A_298 : memref<10000x128xf32, #tpu.memory_space<hbm>>) dst(%arg32 : memref<40x128xf32, #tpu.memory_space<vmem>>)
      %dma_wait3A_299 = arith.constant 0 : i32
      %dma_wait3A_300 = arith.constant 0 : i32
      %dma_wait3A_301 = tpu.memref_slice %arg3[%dma_wait3A_299, %dma_wait3A_300] : memref<10000x128xf32, #tpu.memory_space<hbm>> -> memref<10000x128xf32, #tpu.memory_space<hbm>>
      tpu.wait_indirect_dma semaphore(%arg37 : memref<!tpu.dma_semaphore, #tpu.memory_space<semaphore_mem>>) src(%dma_wait3A_301 : memref<10000x128xf32, #tpu.memory_space<hbm>>) dst(%arg33 : memref<40x128xf32, #tpu.memory_space<vmem>>)
      %dma_wait3A_302 = arith.constant 0 : i32
      %dma_wait3A_303 = tpu.memref_slice %arg4[%add3A_295, %dma_wait3A_302] : memref<320000x64xi32, #tpu.memory_space<hbm>> -> memref<40x64xi32, #tpu.memory_space<hbm>>
      %dma_wait3A_304 = arith.constant 0 : i32
      %dma_wait3A_305 = tpu.memref_slice %arg4[%add3A_295, %dma_wait3A_304] : memref<320000x64xi32, #tpu.memory_space<hbm>> -> memref<40x64xi32, #tpu.memory_space<hbm>>
      tpu.wait_dma2 semaphore(%arg38 : memref<!tpu.dma_semaphore, #tpu.memory_space<semaphore_mem>>) src(%dma_wait3A_305 : memref<40x64xi32, #tpu.memory_space<hbm>>) dst(%arg34 : memref<40x64xi32, #tpu.memory_space<vmem>>)
      %scan3A_306 = arith.constant 0 : i32
      %scan3A_307 = arith.constant 0 : i32
      %scan3A_308 = arith.constant 20 : i32
      %scan3A_309 = arith.addi %scan3A_307, %scan3A_308 : i32
      %scan3A_310 = arith.constant 1 : i32
      scf.for %scan3A_387 = %scan3A_307 to %scan3A_309 step %scan3A_310  : i32 {
        %mul3A_388 = arith.constant 2 : i32
        %mul3A_389 = arith.muli %mul3A_388, %scan3A_387 : i32
        %add3A_390 = arith.constant 0 : i32
        %add3A_391 = arith.addi %mul3A_389, %add3A_390 : i32
        %get3A = arith.index_cast %add3A_391 : i32 to index
        %get3A_392 = arith.constant 0 : index
        %get3A_393 = tpu.vector_load %arg34[%get3A, %get3A_392] {strides = array<i32>} : memref<40x64xi32, #tpu.memory_space<vmem>>, vector<1x16xi32>,
        %get3A_394 = vector.shape_cast %get3A_393 : vector<1x16xi32> to vector<16xi32>
        %get3A_395 = arith.index_cast %add3A_391 : i32 to index
        %get3A_396 = arith.constant 0 : index
        %get3A_397 = tpu.vector_load %arg32[%get3A_395, %get3A_396] {strides = array<i32>} : memref<40x128xf32, #tpu.memory_space<vmem>>, vector<1x16xf32>,
        %get3A_398 = vector.shape_cast %get3A_397 : vector<1x16xf32> to vector<16xf32>
        %get3A_399 = arith.index_cast %add3A_391 : i32 to index
        %get3A_400 = arith.constant 0 : index
        %get3A_401 = tpu.vector_load %arg33[%get3A_399, %get3A_400] {strides = array<i32>} : memref<40x128xf32, #tpu.memory_space<vmem>>, vector<1x16xf32>,
        %get3A_402 = vector.shape_cast %get3A_401 : vector<1x16xf32> to vector<16xf32>
        %add3A_403 = arith.addf %get3A_398, %get3A_402 : vector<16xf32>
        %shift_left3A = arith.shli %get3A_394, %broadcast_in_dim3A_7 : vector<16xi32>
        %bitcast_convert_type3A = tpu.bitcast %shift_left3A : vector<16xi32> -> vector<16xf32>
        %add3A_404 = arith.addf %add3A_403, %bitcast_convert_type3A : vector<16xf32>
        %get3A_405 = arith.index_cast %add3A_391 : i32 to index
        %get3A_406 = arith.constant 64 : index
        %get3A_407 = tpu.vector_load %arg32[%get3A_405, %get3A_406] {strides = array<i32>} : memref<40x128xf32, #tpu.memory_space<vmem>>, vector<1x16xf32>,
        %get3A_408 = vector.shape_cast %get3A_407 : vector<1x16xf32> to vector<16xf32>
        %get3A_409 = arith.index_cast %add3A_391 : i32 to index
        %get3A_410 = arith.constant 64 : index
        %get3A_411 = tpu.vector_load %arg33[%get3A_409, %get3A_410] {strides = array<i32>} : memref<40x128xf32, #tpu.memory_space<vmem>>, vector<1x16xf32>,
        %get3A_412 = vector.shape_cast %get3A_411 : vector<1x16xf32> to vector<16xf32>
        %add3A_413 = arith.addf %get3A_408, %get3A_412 : vector<16xf32>
        %and3A = arith.andi %get3A_394, %broadcast_in_dim3A_5 : vector<16xi32>
        %bitcast_convert_type3A_414 = tpu.bitcast %and3A : vector<16xi32> -> vector<16xf32>
        %add3A_415 = arith.addf %add3A_413, %bitcast_convert_type3A_414 : vector<16xf32>
        %max3A = arith.constant 0.000000e+00 : f32
        %max3A_416 = vector.broadcast %max3A : f32 to vector<16xf32>
        %max3A_417 = arith.maximumf %add3A_404, %max3A_416 : vector<16xf32>
        %swap3A = arith.index_cast %add3A_391 : i32 to index
        %swap3A_418 = arith.constant 0 : index
        %swap3A_419 = tpu.vector_load %arg32[%swap3A, %swap3A_418] {strides = array<i32>} : memref<40x128xf32, #tpu.memory_space<vmem>>, vector<1x16xf32>,
        %swap3A_420 = vector.shape_cast %swap3A_419 : vector<1x16xf32> to vector<16xf32>
        %swap3A_421 = vector.shape_cast %max3A_417 : vector<16xf32> to vector<1x16xf32>
        tpu.vector_store %arg32[%swap3A, %swap3A_418], %swap3A_421 {strides = array<i32>} : memref<40x128xf32, #tpu.memory_space<vmem>>, vector<1x16xf32>,
        %max3A_422 = arith.constant 0.000000e+00 : f32
        %max3A_423 = vector.broadcast %max3A_422 : f32 to vector<16xf32>
        %max3A_424 = arith.maximumf %add3A_415, %max3A_423 : vector<16xf32>
        %swap3A_425 = arith.index_cast %add3A_391 : i32 to index
        %swap3A_426 = arith.constant 64 : index
        %swap3A_427 = tpu.vector_load %arg32[%swap3A_425, %swap3A_426] {strides = array<i32>} : memref<40x128xf32, #tpu.memory_space<vmem>>, vector<1x16xf32>,
        %swap3A_428 = vector.shape_cast %swap3A_427 : vector<1x16xf32> to vector<16xf32>
        %swap3A_429 = vector.shape_cast %max3A_424 : vector<16xf32> to vector<1x16xf32>
        tpu.vector_store %arg32[%swap3A_425, %swap3A_426], %swap3A_429 {strides = array<i32>} : memref<40x128xf32, #tpu.memory_space<vmem>>, vector<1x16xf32>,
        %get3A_430 = arith.index_cast %add3A_391 : i32 to index
        %get3A_431 = arith.constant 16 : index
        %get3A_432 = tpu.vector_load %arg34[%get3A_430, %get3A_431] {strides = array<i32>} : memref<40x64xi32, #tpu.memory_space<vmem>>, vector<1x16xi32>,
        %get3A_433 = vector.shape_cast %get3A_432 : vector<1x16xi32> to vector<16xi32>
        %get3A_434 = arith.index_cast %add3A_391 : i32 to index
        %get3A_435 = arith.constant 16 : index
        %get3A_436 = tpu.vector_load %arg32[%get3A_434, %get3A_435] {strides = array<i32>} : memref<40x128xf32, #tpu.memory_space<vmem>>, vector<1x16xf32>,
        %get3A_437 = vector.shape_cast %get3A_436 : vector<1x16xf32> to vector<16xf32>
        %get3A_438 = arith.index_cast %add3A_391 : i32 to index
        %get3A_439 = arith.constant 16 : index
        %get3A_440 = tpu.vector_load %arg33[%get3A_438, %get3A_439] {strides = array<i32>} : memref<40x128xf32, #tpu.memory_space<vmem>>, vector<1x16xf32>,
        %get3A_441 = vector.shape_cast %get3A_440 : vector<1x16xf32> to vector<16xf32>
        %add3A_442 = arith.addf %get3A_437, %get3A_441 : vector<16xf32>
        %shift_left3A_443 = arith.shli %get3A_433, %broadcast_in_dim3A_7 : vector<16xi32>
        %bitcast_convert_type3A_444 = tpu.bitcast %shift_left3A_443 : vector<16xi32> -> vector<16xf32>
        %add3A_445 = arith.addf %add3A_442, %bitcast_convert_type3A_444 : vector<16xf32>
        %get3A_446 = arith.index_cast %add3A_391 : i32 to index
        %get3A_447 = arith.constant 80 : index
        %get3A_448 = tpu.vector_load %arg32[%get3A_446, %get3A_447] {strides = array<i32>} : memref<40x128xf32, #tpu.memory_space<vmem>>, vector<1x16xf32>,
        %get3A_449 = vector.shape_cast %get3A_448 : vector<1x16xf32> to vector<16xf32>
        %get3A_450 = arith.index_cast %add3A_391 : i32 to index
        %get3A_451 = arith.constant 80 : index
        %get3A_452 = tpu.vector_load %arg33[%get3A_450, %get3A_451] {strides = array<i32>} : memref<40x128xf32, #tpu.memory_space<vmem>>, vector<1x16xf32>,
        %get3A_453 = vector.shape_cast %get3A_452 : vector<1x16xf32> to vector<16xf32>
        %add3A_454 = arith.addf %get3A_449, %get3A_453 : vector<16xf32>
        %and3A_455 = arith.andi %get3A_433, %broadcast_in_dim3A_5 : vector<16xi32>
        %bitcast_convert_type3A_456 = tpu.bitcast %and3A_455 : vector<16xi32> -> vector<16xf32>
        %add3A_457 = arith.addf %add3A_454, %bitcast_convert_type3A_456 : vector<16xf32>
        %max3A_458 = arith.constant 0.000000e+00 : f32
        %max3A_459 = vector.broadcast %max3A_458 : f32 to vector<16xf32>
        %max3A_460 = arith.maximumf %add3A_445, %max3A_459 : vector<16xf32>
        %swap3A_461 = arith.index_cast %add3A_391 : i32 to index
        %swap3A_462 = arith.constant 16 : index
        %swap3A_463 = tpu.vector_load %arg32[%swap3A_461, %swap3A_462] {strides = array<i32>} : memref<40x128xf32, #tpu.memory_space<vmem>>, vector<1x16xf32>,
        %swap3A_464 = vector.shape_cast %swap3A_463 : vector<1x16xf32> to vector<16xf32>
        %swap3A_465 = vector.shape_cast %max3A_460 : vector<16xf32> to vector<1x16xf32>
        tpu.vector_store %arg32[%swap3A_461, %swap3A_462], %swap3A_465 {strides = array<i32>} : memref<40x128xf32, #tpu.memory_space<vmem>>, vector<1x16xf32>,
        %max3A_466 = arith.constant 0.000000e+00 : f32
        %max3A_467 = vector.broadcast %max3A_466 : f32 to vector<16xf32>
        %max3A_468 = arith.maximumf %add3A_457, %max3A_467 : vector<16xf32>
        %swap3A_469 = arith.index_cast %add3A_391 : i32 to index
        %swap3A_470 = arith.constant 80 : index
        %swap3A_471 = tpu.vector_load %arg32[%swap3A_469, %swap3A_470] {strides = array<i32>} : memref<40x128xf32, #tpu.memory_space<vmem>>, vector<1x16xf32>,
        %swap3A_472 = vector.shape_cast %swap3A_471 : vector<1x16xf32> to vector<16xf32>
        %swap3A_473 = vector.shape_cast %max3A_468 : vector<16xf32> to vector<1x16xf32>
        tpu.vector_store %arg32[%swap3A_469, %swap3A_470], %swap3A_473 {strides = array<i32>} : memref<40x128xf32, #tpu.memory_space<vmem>>, vector<1x16xf32>,
        %get3A_474 = arith.index_cast %add3A_391 : i32 to index
        %get3A_475 = arith.constant 32 : index
        %get3A_476 = tpu.vector_load %arg34[%get3A_474, %get3A_475] {strides = array<i32>} : memref<40x64xi32, #tpu.memory_space<vmem>>, vector<1x16xi32>,
        %get3A_477 = vector.shape_cast %get3A_476 : vector<1x16xi32> to vector<16xi32>
        %get3A_478 = arith.index_cast %add3A_391 : i32 to index
        %get3A_479 = arith.constant 32 : index
        %get3A_480 = tpu.vector_load %arg32[%get3A_478, %get3A_479] {strides = array<i32>} : memref<40x128xf32, #tpu.memory_space<vmem>>, vector<1x16xf32>,
        %get3A_481 = vector.shape_cast %get3A_480 : vector<1x16xf32> to vector<16xf32>
        %get3A_482 = arith.index_cast %add3A_391 : i32 to index
        %get3A_483 = arith.constant 32 : index
        %get3A_484 = tpu.vector_load %arg33[%get3A_482, %get3A_483] {strides = array<i32>} : memref<40x128xf32, #tpu.memory_space<vmem>>, vector<1x16xf32>,
        %get3A_485 = vector.shape_cast %get3A_484 : vector<1x16xf32> to vector<16xf32>
        %add3A_486 = arith.addf %get3A_481, %get3A_485 : vector<16xf32>
        %shift_left3A_487 = arith.shli %get3A_477, %broadcast_in_dim3A_7 : vector<16xi32>
        %bitcast_convert_type3A_488 = tpu.bitcast %shift_left3A_487 : vector<16xi32> -> vector<16xf32>
        %add3A_489 = arith.addf %add3A_486, %bitcast_convert_type3A_488 : vector<16xf32>
        %get3A_490 = arith.index_cast %add3A_391 : i32 to index
        %get3A_491 = arith.constant 96 : index
        %get3A_492 = tpu.vector_load %arg32[%get3A_490, %get3A_491] {strides = array<i32>} : memref<40x128xf32, #tpu.memory_space<vmem>>, vector<1x16xf32>,
        %get3A_493 = vector.shape_cast %get3A_492 : vector<1x16xf32> to vector<16xf32>
        %get3A_494 = arith.index_cast %add3A_391 : i32 to index
        %get3A_495 = arith.constant 96 : index
        %get3A_496 = tpu.vector_load %arg33[%get3A_494, %get3A_495] {strides = array<i32>} : memref<40x128xf32, #tpu.memory_space<vmem>>, vector<1x16xf32>,
        %get3A_497 = vector.shape_cast %get3A_496 : vector<1x16xf32> to vector<16xf32>
        %add3A_498 = arith.addf %get3A_493, %get3A_497 : vector<16xf32>
        %and3A_499 = arith.andi %get3A_477, %broadcast_in_dim3A_5 : vector<16xi32>
        %bitcast_convert_type3A_500 = tpu.bitcast %and3A_499 : vector<16xi32> -> vector<16xf32>
        %add3A_501 = arith.addf %add3A_498, %bitcast_convert_type3A_500 : vector<16xf32>
        %max3A_502 = arith.constant 0.000000e+00 : f32
        %max3A_503 = vector.broadcast %max3A_502 : f32 to vector<16xf32>
        %max3A_504 = arith.maximumf %add3A_489, %max3A_503 : vector<16xf32>
        %swap3A_505 = arith.index_cast %add3A_391 : i32 to index
        %swap3A_506 = arith.constant 32 : index
        %swap3A_507 = tpu.vector_load %arg32[%swap3A_505, %swap3A_506] {strides = array<i32>} : memref<40x128xf32, #tpu.memory_space<vmem>>, vector<1x16xf32>,
        %swap3A_508 = vector.shape_cast %swap3A_507 : vector<1x16xf32> to vector<16xf32>
        %swap3A_509 = vector.shape_cast %max3A_504 : vector<16xf32> to vector<1x16xf32>
        tpu.vector_store %arg32[%swap3A_505, %swap3A_506], %swap3A_509 {strides = array<i32>} : memref<40x128xf32, #tpu.memory_space<vmem>>, vector<1x16xf32>,
        %max3A_510 = arith.constant 0.000000e+00 : f32
        %max3A_511 = vector.broadcast %max3A_510 : f32 to vector<16xf32>
        %max3A_512 = arith.maximumf %add3A_501, %max3A_511 : vector<16xf32>
        %swap3A_513 = arith.index_cast %add3A_391 : i32 to index
        %swap3A_514 = arith.constant 96 : index
        %swap3A_515 = tpu.vector_load %arg32[%swap3A_513, %swap3A_514] {strides = array<i32>} : memref<40x128xf32, #tpu.memory_space<vmem>>, vector<1x16xf32>,
        %swap3A_516 = vector.shape_cast %swap3A_515 : vector<1x16xf32> to vector<16xf32>
        %swap3A_517 = vector.shape_cast %max3A_512 : vector<16xf32> to vector<1x16xf32>
        tpu.vector_store %arg32[%swap3A_513, %swap3A_514], %swap3A_517 {strides = array<i32>} : memref<40x128xf32, #tpu.memory_space<vmem>>, vector<1x16xf32>,
        %get3A_518 = arith.index_cast %add3A_391 : i32 to index
        %get3A_519 = arith.constant 48 : index
        %get3A_520 = tpu.vector_load %arg34[%get3A_518, %get3A_519] {strides = array<i32>} : memref<40x64xi32, #tpu.memory_space<vmem>>, vector<1x16xi32>,
        %get3A_521 = vector.shape_cast %get3A_520 : vector<1x16xi32> to vector<16xi32>
        %get3A_522 = arith.index_cast %add3A_391 : i32 to index
        %get3A_523 = arith.constant 48 : index
        %get3A_524 = tpu.vector_load %arg32[%get3A_522, %get3A_523] {strides = array<i32>} : memref<40x128xf32, #tpu.memory_space<vmem>>, vector<1x16xf32>,
        %get3A_525 = vector.shape_cast %get3A_524 : vector<1x16xf32> to vector<16xf32>
        %get3A_526 = arith.index_cast %add3A_391 : i32 to index
        %get3A_527 = arith.constant 48 : index
        %get3A_528 = tpu.vector_load %arg33[%get3A_526, %get3A_527] {strides = array<i32>} : memref<40x128xf32, #tpu.memory_space<vmem>>, vector<1x16xf32>,
        %get3A_529 = vector.shape_cast %get3A_528 : vector<1x16xf32> to vector<16xf32>
        %add3A_530 = arith.addf %get3A_525, %get3A_529 : vector<16xf32>
        %shift_left3A_531 = arith.shli %get3A_521, %broadcast_in_dim3A_7 : vector<16xi32>
        %bitcast_convert_type3A_532 = tpu.bitcast %shift_left3A_531 : vector<16xi32> -> vector<16xf32>
        %add3A_533 = arith.addf %add3A_530, %bitcast_convert_type3A_532 : vector<16xf32>
        %get3A_534 = arith.index_cast %add3A_391 : i32 to index
        %get3A_535 = arith.constant 112 : index
        %get3A_536 = tpu.vector_load %arg32[%get3A_534, %get3A_535] {strides = array<i32>} : memref<40x128xf32, #tpu.memory_space<vmem>>, vector<1x16xf32>,
        %get3A_537 = vector.shape_cast %get3A_536 : vector<1x16xf32> to vector<16xf32>
        %get3A_538 = arith.index_cast %add3A_391 : i32 to index
        %get3A_539 = arith.constant 112 : index
        %get3A_540 = tpu.vector_load %arg33[%get3A_538, %get3A_539] {strides = array<i32>} : memref<40x128xf32, #tpu.memory_space<vmem>>, vector<1x16xf32>,
        %get3A_541 = vector.shape_cast %get3A_540 : vector<1x16xf32> to vector<16xf32>
        %add3A_542 = arith.addf %get3A_537, %get3A_541 : vector<16xf32>
        %and3A_543 = arith.andi %get3A_521, %broadcast_in_dim3A_5 : vector<16xi32>
        %bitcast_convert_type3A_544 = tpu.bitcast %and3A_543 : vector<16xi32> -> vector<16xf32>
        %add3A_545 = arith.addf %add3A_542, %bitcast_convert_type3A_544 : vector<16xf32>
        %max3A_546 = arith.constant 0.000000e+00 : f32
        %max3A_547 = vector.broadcast %max3A_546 : f32 to vector<16xf32>
        %max3A_548 = arith.maximumf %add3A_533, %max3A_547 : vector<16xf32>
        %swap3A_549 = arith.index_cast %add3A_391 : i32 to index
        %swap3A_550 = arith.constant 48 : index
        %swap3A_551 = tpu.vector_load %arg32[%swap3A_549, %swap3A_550] {strides = array<i32>} : memref<40x128xf32, #tpu.memory_space<vmem>>, vector<1x16xf32>,
        %swap3A_552 = vector.shape_cast %swap3A_551 : vector<1x16xf32> to vector<16xf32>
        %swap3A_553 = vector.shape_cast %max3A_548 : vector<16xf32> to vector<1x16xf32>
        tpu.vector_store %arg32[%swap3A_549, %swap3A_550], %swap3A_553 {strides = array<i32>} : memref<40x128xf32, #tpu.memory_space<vmem>>, vector<1x16xf32>,
        %max3A_554 = arith.constant 0.000000e+00 : f32
        %max3A_555 = vector.broadcast %max3A_554 : f32 to vector<16xf32>
        %max3A_556 = arith.maximumf %add3A_545, %max3A_555 : vector<16xf32>
        %swap3A_557 = arith.index_cast %add3A_391 : i32 to index
        %swap3A_558 = arith.constant 112 : index
        %swap3A_559 = tpu.vector_load %arg32[%swap3A_557, %swap3A_558] {strides = array<i32>} : memref<40x128xf32, #tpu.memory_space<vmem>>, vector<1x16xf32>,
        %swap3A_560 = vector.shape_cast %swap3A_559 : vector<1x16xf32> to vector<16xf32>
        %swap3A_561 = vector.shape_cast %max3A_556 : vector<16xf32> to vector<1x16xf32>
        tpu.vector_store %arg32[%swap3A_557, %swap3A_558], %swap3A_561 {strides = array<i32>} : memref<40x128xf32, #tpu.memory_space<vmem>>, vector<1x16xf32>,
        %mul3A_562 = arith.constant 2 : i32
        %mul3A_563 = arith.muli %mul3A_562, %scan3A_387 : i32
        %add3A_564 = arith.constant 1 : i32
        %add3A_565 = arith.addi %mul3A_563, %add3A_564 : i32
        %get3A_566 = arith.index_cast %add3A_565 : i32 to index
        %get3A_567 = arith.constant 0 : index
        %get3A_568 = tpu.vector_load %arg34[%get3A_566, %get3A_567] {strides = array<i32>} : memref<40x64xi32, #tpu.memory_space<vmem>>, vector<1x16xi32>,
        %get3A_569 = vector.shape_cast %get3A_568 : vector<1x16xi32> to vector<16xi32>
        %get3A_570 = arith.index_cast %add3A_565 : i32 to index
        %get3A_571 = arith.constant 0 : index
        %get3A_572 = tpu.vector_load %arg32[%get3A_570, %get3A_571] {strides = array<i32>} : memref<40x128xf32, #tpu.memory_space<vmem>>, vector<1x16xf32>,
        %get3A_573 = vector.shape_cast %get3A_572 : vector<1x16xf32> to vector<16xf32>
        %get3A_574 = arith.index_cast %add3A_565 : i32 to index
        %get3A_575 = arith.constant 0 : index
        %get3A_576 = tpu.vector_load %arg33[%get3A_574, %get3A_575] {strides = array<i32>} : memref<40x128xf32, #tpu.memory_space<vmem>>, vector<1x16xf32>,
        %get3A_577 = vector.shape_cast %get3A_576 : vector<1x16xf32> to vector<16xf32>
        %add3A_578 = arith.addf %get3A_573, %get3A_577 : vector<16xf32>
        %shift_left3A_579 = arith.shli %get3A_569, %broadcast_in_dim3A_7 : vector<16xi32>
        %bitcast_convert_type3A_580 = tpu.bitcast %shift_left3A_579 : vector<16xi32> -> vector<16xf32>
        %add3A_581 = arith.addf %add3A_578, %bitcast_convert_type3A_580 : vector<16xf32>
        %get3A_582 = arith.index_cast %add3A_565 : i32 to index
        %get3A_583 = arith.constant 64 : index
        %get3A_584 = tpu.vector_load %arg32[%get3A_582, %get3A_583] {strides = array<i32>} : memref<40x128xf32, #tpu.memory_space<vmem>>, vector<1x16xf32>,
        %get3A_585 = vector.shape_cast %get3A_584 : vector<1x16xf32> to vector<16xf32>
        %get3A_586 = arith.index_cast %add3A_565 : i32 to index
        %get3A_587 = arith.constant 64 : index
        %get3A_588 = tpu.vector_load %arg33[%get3A_586, %get3A_587] {strides = array<i32>} : memref<40x128xf32, #tpu.memory_space<vmem>>, vector<1x16xf32>,
        %get3A_589 = vector.shape_cast %get3A_588 : vector<1x16xf32> to vector<16xf32>
        %add3A_590 = arith.addf %get3A_585, %get3A_589 : vector<16xf32>
        %and3A_591 = arith.andi %get3A_569, %broadcast_in_dim3A_5 : vector<16xi32>
        %bitcast_convert_type3A_592 = tpu.bitcast %and3A_591 : vector<16xi32> -> vector<16xf32>
        %add3A_593 = arith.addf %add3A_590, %bitcast_convert_type3A_592 : vector<16xf32>
        %max3A_594 = arith.constant 0.000000e+00 : f32
        %max3A_595 = vector.broadcast %max3A_594 : f32 to vector<16xf32>
        %max3A_596 = arith.maximumf %add3A_581, %max3A_595 : vector<16xf32>
        %swap3A_597 = arith.index_cast %add3A_565 : i32 to index
        %swap3A_598 = arith.constant 0 : index
        %swap3A_599 = tpu.vector_load %arg32[%swap3A_597, %swap3A_598] {strides = array<i32>} : memref<40x128xf32, #tpu.memory_space<vmem>>, vector<1x16xf32>,
        %swap3A_600 = vector.shape_cast %swap3A_599 : vector<1x16xf32> to vector<16xf32>
        %swap3A_601 = vector.shape_cast %max3A_596 : vector<16xf32> to vector<1x16xf32>
        tpu.vector_store %arg32[%swap3A_597, %swap3A_598], %swap3A_601 {strides = array<i32>} : memref<40x128xf32, #tpu.memory_space<vmem>>, vector<1x16xf32>,
        %max3A_602 = arith.constant 0.000000e+00 : f32
        %max3A_603 = vector.broadcast %max3A_602 : f32 to vector<16xf32>
        %max3A_604 = arith.maximumf %add3A_593, %max3A_603 : vector<16xf32>
        %swap3A_605 = arith.index_cast %add3A_565 : i32 to index
        %swap3A_606 = arith.constant 64 : index
        %swap3A_607 = tpu.vector_load %arg32[%swap3A_605, %swap3A_606] {strides = array<i32>} : memref<40x128xf32, #tpu.memory_space<vmem>>, vector<1x16xf32>,
        %swap3A_608 = vector.shape_cast %swap3A_607 : vector<1x16xf32> to vector<16xf32>
        %swap3A_609 = vector.shape_cast %max3A_604 : vector<16xf32> to vector<1x16xf32>
        tpu.vector_store %arg32[%swap3A_605, %swap3A_606], %swap3A_609 {strides = array<i32>} : memref<40x128xf32, #tpu.memory_space<vmem>>, vector<1x16xf32>,
        %get3A_610 = arith.index_cast %add3A_565 : i32 to index
        %get3A_611 = arith.constant 16 : index
        %get3A_612 = tpu.vector_load %arg34[%get3A_610, %get3A_611] {strides = array<i32>} : memref<40x64xi32, #tpu.memory_space<vmem>>, vector<1x16xi32>,
        %get3A_613 = vector.shape_cast %get3A_612 : vector<1x16xi32> to vector<16xi32>
        %get3A_614 = arith.index_cast %add3A_565 : i32 to index
        %get3A_615 = arith.constant 16 : index
        %get3A_616 = tpu.vector_load %arg32[%get3A_614, %get3A_615] {strides = array<i32>} : memref<40x128xf32, #tpu.memory_space<vmem>>, vector<1x16xf32>,
        %get3A_617 = vector.shape_cast %get3A_616 : vector<1x16xf32> to vector<16xf32>
        %get3A_618 = arith.index_cast %add3A_565 : i32 to index
        %get3A_619 = arith.constant 16 : index
        %get3A_620 = tpu.vector_load %arg33[%get3A_618, %get3A_619] {strides = array<i32>} : memref<40x128xf32, #tpu.memory_space<vmem>>, vector<1x16xf32>,
        %get3A_621 = vector.shape_cast %get3A_620 : vector<1x16xf32> to vector<16xf32>
        %add3A_622 = arith.addf %get3A_617, %get3A_621 : vector<16xf32>
        %shift_left3A_623 = arith.shli %get3A_613, %broadcast_in_dim3A_7 : vector<16xi32>
        %bitcast_convert_type3A_624 = tpu.bitcast %shift_left3A_623 : vector<16xi32> -> vector<16xf32>
        %add3A_625 = arith.addf %add3A_622, %bitcast_convert_type3A_624 : vector<16xf32>
        %get3A_626 = arith.index_cast %add3A_565 : i32 to index
        %get3A_627 = arith.constant 80 : index
        %get3A_628 = tpu.vector_load %arg32[%get3A_626, %get3A_627] {strides = array<i32>} : memref<40x128xf32, #tpu.memory_space<vmem>>, vector<1x16xf32>,
        %get3A_629 = vector.shape_cast %get3A_628 : vector<1x16xf32> to vector<16xf32>
        %get3A_630 = arith.index_cast %add3A_565 : i32 to index
        %get3A_631 = arith.constant 80 : index
        %get3A_632 = tpu.vector_load %arg33[%get3A_630, %get3A_631] {strides = array<i32>} : memref<40x128xf32, #tpu.memory_space<vmem>>, vector<1x16xf32>,
        %get3A_633 = vector.shape_cast %get3A_632 : vector<1x16xf32> to vector<16xf32>
        %add3A_634 = arith.addf %get3A_629, %get3A_633 : vector<16xf32>
        %and3A_635 = arith.andi %get3A_613, %broadcast_in_dim3A_5 : vector<16xi32>
        %bitcast_convert_type3A_636 = tpu.bitcast %and3A_635 : vector<16xi32> -> vector<16xf32>
        %add3A_637 = arith.addf %add3A_634, %bitcast_convert_type3A_636 : vector<16xf32>
        %max3A_638 = arith.constant 0.000000e+00 : f32
        %max3A_639 = vector.broadcast %max3A_638 : f32 to vector<16xf32>
        %max3A_640 = arith.maximumf %add3A_625, %max3A_639 : vector<16xf32>
        %swap3A_641 = arith.index_cast %add3A_565 : i32 to index
        %swap3A_642 = arith.constant 16 : index
        %swap3A_643 = tpu.vector_load %arg32[%swap3A_641, %swap3A_642] {strides = array<i32>} : memref<40x128xf32, #tpu.memory_space<vmem>>, vector<1x16xf32>,
        %swap3A_644 = vector.shape_cast %swap3A_643 : vector<1x16xf32> to vector<16xf32>
        %swap3A_645 = vector.shape_cast %max3A_640 : vector<16xf32> to vector<1x16xf32>
        tpu.vector_store %arg32[%swap3A_641, %swap3A_642], %swap3A_645 {strides = array<i32>} : memref<40x128xf32, #tpu.memory_space<vmem>>, vector<1x16xf32>,
        %max3A_646 = arith.constant 0.000000e+00 : f32
        %max3A_647 = vector.broadcast %max3A_646 : f32 to vector<16xf32>
        %max3A_648 = arith.maximumf %add3A_637, %max3A_647 : vector<16xf32>
        %swap3A_649 = arith.index_cast %add3A_565 : i32 to index
        %swap3A_650 = arith.constant 80 : index
        %swap3A_651 = tpu.vector_load %arg32[%swap3A_649, %swap3A_650] {strides = array<i32>} : memref<40x128xf32, #tpu.memory_space<vmem>>, vector<1x16xf32>,
        %swap3A_652 = vector.shape_cast %swap3A_651 : vector<1x16xf32> to vector<16xf32>
        %swap3A_653 = vector.shape_cast %max3A_648 : vector<16xf32> to vector<1x16xf32>
        tpu.vector_store %arg32[%swap3A_649, %swap3A_650], %swap3A_653 {strides = array<i32>} : memref<40x128xf32, #tpu.memory_space<vmem>>, vector<1x16xf32>,
        %get3A_654 = arith.index_cast %add3A_565 : i32 to index
        %get3A_655 = arith.constant 32 : index
        %get3A_656 = tpu.vector_load %arg34[%get3A_654, %get3A_655] {strides = array<i32>} : memref<40x64xi32, #tpu.memory_space<vmem>>, vector<1x16xi32>,
        %get3A_657 = vector.shape_cast %get3A_656 : vector<1x16xi32> to vector<16xi32>
        %get3A_658 = arith.index_cast %add3A_565 : i32 to index
        %get3A_659 = arith.constant 32 : index
        %get3A_660 = tpu.vector_load %arg32[%get3A_658, %get3A_659] {strides = array<i32>} : memref<40x128xf32, #tpu.memory_space<vmem>>, vector<1x16xf32>,
        %get3A_661 = vector.shape_cast %get3A_660 : vector<1x16xf32> to vector<16xf32>
        %get3A_662 = arith.index_cast %add3A_565 : i32 to index
        %get3A_663 = arith.constant 32 : index
        %get3A_664 = tpu.vector_load %arg33[%get3A_662, %get3A_663] {strides = array<i32>} : memref<40x128xf32, #tpu.memory_space<vmem>>, vector<1x16xf32>,
        %get3A_665 = vector.shape_cast %get3A_664 : vector<1x16xf32> to vector<16xf32>
        %add3A_666 = arith.addf %get3A_661, %get3A_665 : vector<16xf32>
        %shift_left3A_667 = arith.shli %get3A_657, %broadcast_in_dim3A_7 : vector<16xi32>
        %bitcast_convert_type3A_668 = tpu.bitcast %shift_left3A_667 : vector<16xi32> -> vector<16xf32>
        %add3A_669 = arith.addf %add3A_666, %bitcast_convert_type3A_668 : vector<16xf32>
        %get3A_670 = arith.index_cast %add3A_565 : i32 to index
        %get3A_671 = arith.constant 96 : index
        %get3A_672 = tpu.vector_load %arg32[%get3A_670, %get3A_671] {strides = array<i32>} : memref<40x128xf32, #tpu.memory_space<vmem>>, vector<1x16xf32>,
        %get3A_673 = vector.shape_cast %get3A_672 : vector<1x16xf32> to vector<16xf32>
        %get3A_674 = arith.index_cast %add3A_565 : i32 to index
        %get3A_675 = arith.constant 96 : index
        %get3A_676 = tpu.vector_load %arg33[%get3A_674, %get3A_675] {strides = array<i32>} : memref<40x128xf32, #tpu.memory_space<vmem>>, vector<1x16xf32>,
        %get3A_677 = vector.shape_cast %get3A_676 : vector<1x16xf32> to vector<16xf32>
        %add3A_678 = arith.addf %get3A_673, %get3A_677 : vector<16xf32>
        %and3A_679 = arith.andi %get3A_657, %broadcast_in_dim3A_5 : vector<16xi32>
        %bitcast_convert_type3A_680 = tpu.bitcast %and3A_679 : vector<16xi32> -> vector<16xf32>
        %add3A_681 = arith.addf %add3A_678, %bitcast_convert_type3A_680 : vector<16xf32>
        %max3A_682 = arith.constant 0.000000e+00 : f32
        %max3A_683 = vector.broadcast %max3A_682 : f32 to vector<16xf32>
        %max3A_684 = arith.maximumf %add3A_669, %max3A_683 : vector<16xf32>
        %swap3A_685 = arith.index_cast %add3A_565 : i32 to index
        %swap3A_686 = arith.constant 32 : index
        %swap3A_687 = tpu.vector_load %arg32[%swap3A_685, %swap3A_686] {strides = array<i32>} : memref<40x128xf32, #tpu.memory_space<vmem>>, vector<1x16xf32>,
        %swap3A_688 = vector.shape_cast %swap3A_687 : vector<1x16xf32> to vector<16xf32>
        %swap3A_689 = vector.shape_cast %max3A_684 : vector<16xf32> to vector<1x16xf32>
        tpu.vector_store %arg32[%swap3A_685, %swap3A_686], %swap3A_689 {strides = array<i32>} : memref<40x128xf32, #tpu.memory_space<vmem>>, vector<1x16xf32>,
        %max3A_690 = arith.constant 0.000000e+00 : f32
        %max3A_691 = vector.broadcast %max3A_690 : f32 to vector<16xf32>
        %max3A_692 = arith.maximumf %add3A_681, %max3A_691 : vector<16xf32>
        %swap3A_693 = arith.index_cast %add3A_565 : i32 to index
        %swap3A_694 = arith.constant 96 : index
        %swap3A_695 = tpu.vector_load %arg32[%swap3A_693, %swap3A_694] {strides = array<i32>} : memref<40x128xf32, #tpu.memory_space<vmem>>, vector<1x16xf32>,
        %swap3A_696 = vector.shape_cast %swap3A_695 : vector<1x16xf32> to vector<16xf32>
        %swap3A_697 = vector.shape_cast %max3A_692 : vector<16xf32> to vector<1x16xf32>
        tpu.vector_store %arg32[%swap3A_693, %swap3A_694], %swap3A_697 {strides = array<i32>} : memref<40x128xf32, #tpu.memory_space<vmem>>, vector<1x16xf32>,
        %get3A_698 = arith.index_cast %add3A_565 : i32 to index
        %get3A_699 = arith.constant 48 : index
        %get3A_700 = tpu.vector_load %arg34[%get3A_698, %get3A_699] {strides = array<i32>} : memref<40x64xi32, #tpu.memory_space<vmem>>, vector<1x16xi32>,
        %get3A_701 = vector.shape_cast %get3A_700 : vector<1x16xi32> to vector<16xi32>
        %get3A_702 = arith.index_cast %add3A_565 : i32 to index
        %get3A_703 = arith.constant 48 : index
        %get3A_704 = tpu.vector_load %arg32[%get3A_702, %get3A_703] {strides = array<i32>} : memref<40x128xf32, #tpu.memory_space<vmem>>, vector<1x16xf32>,
        %get3A_705 = vector.shape_cast %get3A_704 : vector<1x16xf32> to vector<16xf32>
        %get3A_706 = arith.index_cast %add3A_565 : i32 to index
        %get3A_707 = arith.constant 48 : index
        %get3A_708 = tpu.vector_load %arg33[%get3A_706, %get3A_707] {strides = array<i32>} : memref<40x128xf32, #tpu.memory_space<vmem>>, vector<1x16xf32>,
        %get3A_709 = vector.shape_cast %get3A_708 : vector<1x16xf32> to vector<16xf32>
        %add3A_710 = arith.addf %get3A_705, %get3A_709 : vector<16xf32>
        %shift_left3A_711 = arith.shli %get3A_701, %broadcast_in_dim3A_7 : vector<16xi32>
        %bitcast_convert_type3A_712 = tpu.bitcast %shift_left3A_711 : vector<16xi32> -> vector<16xf32>
        %add3A_713 = arith.addf %add3A_710, %bitcast_convert_type3A_712 : vector<16xf32>
        %get3A_714 = arith.index_cast %add3A_565 : i32 to index
        %get3A_715 = arith.constant 112 : index
        %get3A_716 = tpu.vector_load %arg32[%get3A_714, %get3A_715] {strides = array<i32>} : memref<40x128xf32, #tpu.memory_space<vmem>>, vector<1x16xf32>,
        %get3A_717 = vector.shape_cast %get3A_716 : vector<1x16xf32> to vector<16xf32>
        %get3A_718 = arith.index_cast %add3A_565 : i32 to index
        %get3A_719 = arith.constant 112 : index
        %get3A_720 = tpu.vector_load %arg33[%get3A_718, %get3A_719] {strides = array<i32>} : memref<40x128xf32, #tpu.memory_space<vmem>>, vector<1x16xf32>,
        %get3A_721 = vector.shape_cast %get3A_720 : vector<1x16xf32> to vector<16xf32>
        %add3A_722 = arith.addf %get3A_717, %get3A_721 : vector<16xf32>
        %and3A_723 = arith.andi %get3A_701, %broadcast_in_dim3A_5 : vector<16xi32>
        %bitcast_convert_type3A_724 = tpu.bitcast %and3A_723 : vector<16xi32> -> vector<16xf32>
        %add3A_725 = arith.addf %add3A_722, %bitcast_convert_type3A_724 : vector<16xf32>
        %max3A_726 = arith.constant 0.000000e+00 : f32
        %max3A_727 = vector.broadcast %max3A_726 : f32 to vector<16xf32>
        %max3A_728 = arith.maximumf %add3A_713, %max3A_727 : vector<16xf32>
        %swap3A_729 = arith.index_cast %add3A_565 : i32 to index
        %swap3A_730 = arith.constant 48 : index
        %swap3A_731 = tpu.vector_load %arg32[%swap3A_729, %swap3A_730] {strides = array<i32>} : memref<40x128xf32, #tpu.memory_space<vmem>>, vector<1x16xf32>,
        %swap3A_732 = vector.shape_cast %swap3A_731 : vector<1x16xf32> to vector<16xf32>
        %swap3A_733 = vector.shape_cast %max3A_728 : vector<16xf32> to vector<1x16xf32>
        tpu.vector_store %arg32[%swap3A_729, %swap3A_730], %swap3A_733 {strides = array<i32>} : memref<40x128xf32, #tpu.memory_space<vmem>>, vector<1x16xf32>,
        %max3A_734 = arith.constant 0.000000e+00 : f32
        %max3A_735 = vector.broadcast %max3A_734 : f32 to vector<16xf32>
        %max3A_736 = arith.maximumf %add3A_725, %max3A_735 : vector<16xf32>
        %swap3A_737 = arith.index_cast %add3A_565 : i32 to index
        %swap3A_738 = arith.constant 112 : index
        %swap3A_739 = tpu.vector_load %arg32[%swap3A_737, %swap3A_738] {strides = array<i32>} : memref<40x128xf32, #tpu.memory_space<vmem>>, vector<1x16xf32>,
        %swap3A_740 = vector.shape_cast %swap3A_739 : vector<1x16xf32> to vector<16xf32>
        %swap3A_741 = vector.shape_cast %max3A_736 : vector<16xf32> to vector<1x16xf32>
        tpu.vector_store %arg32[%swap3A_737, %swap3A_738], %swap3A_741 {strides = array<i32>} : memref<40x128xf32, #tpu.memory_space<vmem>>, vector<1x16xf32>,
      }
      %scan3A_311 = arith.constant 20 : i32
      %dma_start3A_312 = arith.constant 0 : i32
      %dma_start3A_313 = arith.constant 0 : i32
      %dma_start3A_314 = tpu.memref_slice %arg9[%dma_start3A_312, %dma_start3A_313] : memref<10112x128xf32, #tpu.memory_space<vmem_shared>> -> memref<10112x128xf32, #tpu.memory_space<vmem_shared>>
      tpu.enqueue_indirect_dma source(%arg32 : memref<40x128xf32, #tpu.memory_space<vmem>>) target(%dma_start3A_314 : memref<10112x128xf32, #tpu.memory_space<vmem_shared>>) offsets(%arg31 : memref<40xi32, #tpu.memory_space<vmem>>) semaphore(%arg39 : memref<!tpu.dma_semaphore, #tpu.memory_space<semaphore_mem>>) {add = true}
      %dma_wait3A_315 = arith.constant 0 : i32
      %dma_wait3A_316 = arith.constant 0 : i32
      %dma_wait3A_317 = tpu.memref_slice %arg9[%dma_wait3A_315, %dma_wait3A_316] : memref<10112x128xf32, #tpu.memory_space<vmem_shared>> -> memref<10112x128xf32, #tpu.memory_space<vmem_shared>>
      tpu.wait_indirect_dma semaphore(%arg29 : memref<!tpu.dma_semaphore, #tpu.memory_space<semaphore_mem>>) src(%arg22 : memref<40x128xf32, #tpu.memory_space<vmem>>) dst(%dma_wait3A_317 : memref<10112x128xf32, #tpu.memory_space<vmem_shared>>)
      %add3A_318 = arith.constant 2 : i32
      %add3A_319 = arith.addi %add3A_268, %add3A_318 : i32
      %mul3A_320 = arith.constant 40 : i32
      %mul3A_321 = arith.muli %add3A_319, %mul3A_320 : i32
      %add3A_322 = arith.addi %mul3A_4, %mul3A_321 : i32
      %dma_start3A_323 = tpu.memref_slice %arg5[%add3A_322] : memref<320000xi32, #tpu.memory_space<hbm>> -> memref<40xi32, #tpu.memory_space<hbm>>
      %dma_start3A_324 = tpu.memref_slice %arg5[%add3A_322] : memref<320000xi32, #tpu.memory_space<hbm>> -> memref<40xi32, #tpu.memory_space<hbm>>
      tpu.enqueue_dma source(%dma_start3A_324 : memref<40xi32, #tpu.memory_space<hbm>>) target(%arg20 : memref<40xi32, #tpu.memory_space<vmem>>) target_semaphore(%arg25 : memref<!tpu.dma_semaphore, #tpu.memory_space<semaphore_mem>>)
      %dma_start3A_325 = tpu.memref_slice %arg6[%add3A_322] : memref<320000xi32, #tpu.memory_space<hbm>> -> memref<40xi32, #tpu.memory_space<hbm>>
      %dma_start3A_326 = tpu.memref_slice %arg6[%add3A_322] : memref<320000xi32, #tpu.memory_space<hbm>> -> memref<40xi32, #tpu.memory_space<hbm>>
      tpu.enqueue_dma source(%dma_start3A_326 : memref<40xi32, #tpu.memory_space<hbm>>) target(%arg21 : memref<40xi32, #tpu.memory_space<vmem>>) target_semaphore(%arg25 : memref<!tpu.dma_semaphore, #tpu.memory_space<semaphore_mem>>)
      %add3A_327 = arith.constant 2 : i32
      %add3A_328 = arith.addi %add3A_208, %add3A_327 : i32
      %add3A_329 = arith.constant 1 : i32
      %add3A_330 = arith.addi %add3A_328, %add3A_329 : i32
      %mul3A_331 = arith.constant 40 : i32
      %mul3A_332 = arith.muli %add3A_330, %mul3A_331 : i32
      %add3A_333 = arith.addi %mul3A_4, %mul3A_332 : i32
      %dma_wait3A_334 = tpu.memref_slice %arg5[%add3A_333] : memref<320000xi32, #tpu.memory_space<hbm>> -> memref<40xi32, #tpu.memory_space<hbm>>
      %dma_wait3A_335 = tpu.memref_slice %arg5[%add3A_333] : memref<320000xi32, #tpu.memory_space<hbm>> -> memref<40xi32, #tpu.memory_space<hbm>>
      tpu.wait_dma2 semaphore(%arg25 : memref<!tpu.dma_semaphore, #tpu.memory_space<semaphore_mem>>) src(%dma_wait3A_335 : memref<40xi32, #tpu.memory_space<hbm>>) dst(%arg20 : memref<40xi32, #tpu.memory_space<vmem>>)
      %dma_wait3A_336 = tpu.memref_slice %arg6[%add3A_333] : memref<320000xi32, #tpu.memory_space<hbm>> -> memref<40xi32, #tpu.memory_space<hbm>>
      %dma_wait3A_337 = tpu.memref_slice %arg6[%add3A_333] : memref<320000xi32, #tpu.memory_space<hbm>> -> memref<40xi32, #tpu.memory_space<hbm>>
      tpu.wait_dma2 semaphore(%arg25 : memref<!tpu.dma_semaphore, #tpu.memory_space<semaphore_mem>>) src(%dma_wait3A_337 : memref<40xi32, #tpu.memory_space<hbm>>) dst(%arg21 : memref<40xi32, #tpu.memory_space<vmem>>)
      %add3A_338 = arith.constant 1 : i32
      %add3A_339 = arith.addi %add3A_328, %add3A_338 : i32
      %mul3A_340 = arith.constant 40 : i32
      %mul3A_341 = arith.muli %add3A_339, %mul3A_340 : i32
      %add3A_342 = arith.addi %mul3A_4, %mul3A_341 : i32
      %dma_start3A_343 = arith.constant 0 : i32
      %dma_start3A_344 = arith.constant 0 : i32
      %dma_start3A_345 = tpu.memref_slice %arg2[%dma_start3A_343, %dma_start3A_344] : memref<10000x128xf32, #tpu.memory_space<hbm>> -> memref<10000x128xf32, #tpu.memory_space<hbm>>
      tpu.enqueue_indirect_dma source(%dma_start3A_345 : memref<10000x128xf32, #tpu.memory_space<hbm>>) target(%arg22 : memref<40x128xf32, #tpu.memory_space<vmem>>) offsets(%arg20 : memref<40xi32, #tpu.memory_space<vmem>>) semaphore(%arg26 : memref<!tpu.dma_semaphore, #tpu.memory_space<semaphore_mem>>)
      %dma_start3A_346 = arith.constant 0 : i32
      %dma_start3A_347 = arith.constant 0 : i32
      %dma_start3A_348 = tpu.memref_slice %arg3[%dma_start3A_346, %dma_start3A_347] : memref<10000x128xf32, #tpu.memory_space<hbm>> -> memref<10000x128xf32, #tpu.memory_space<hbm>>
      tpu.enqueue_indirect_dma source(%dma_start3A_348 : memref<10000x128xf32, #tpu.memory_space<hbm>>) target(%arg23 : memref<40x128xf32, #tpu.memory_space<vmem>>) offsets(%arg21 : memref<40xi32, #tpu.memory_space<vmem>>) semaphore(%arg27 : memref<!tpu.dma_semaphore, #tpu.memory_space<semaphore_mem>>)
      %dma_start3A_349 = arith.constant 0 : i32
      %dma_start3A_350 = tpu.memref_slice %arg4[%add3A_342, %dma_start3A_349] : memref<320000x64xi32, #tpu.memory_space<hbm>> -> memref<40x64xi32, #tpu.memory_space<hbm>>
      %dma_start3A_351 = arith.constant 0 : i32
      %dma_start3A_352 = tpu.memref_slice %arg4[%add3A_342, %dma_start3A_351] : memref<320000x64xi32, #tpu.memory_space<hbm>> -> memref<40x64xi32, #tpu.memory_space<hbm>>
      tpu.enqueue_dma source(%dma_start3A_352 : memref<40x64xi32, #tpu.memory_space<hbm>>) target(%arg24 : memref<40x64xi32, #tpu.memory_space<vmem>>) target_semaphore(%arg28 : memref<!tpu.dma_semaphore, #tpu.memory_space<semaphore_mem>>)
      %mul3A_353 = arith.constant 40 : i32
      %mul3A_354 = arith.muli %add3A_328, %mul3A_353 : i32
      %add3A_355 = arith.addi %mul3A_4, %mul3A_354 : i32
      %dma_wait3A_356 = arith.constant 0 : i32
      %dma_wait3A_357 = arith.constant 0 : i32
      %dma_wait3A_358 = tpu.memref_slice %arg2[%dma_wait3A_356, %dma_wait3A_357] : memref<10000x128xf32, #tpu.memory_space<hbm>> -> memref<10000x128xf32, #tpu.memory_space<hbm>>
      tpu.wait_indirect_dma semaphore(%arg16 : memref<!tpu.dma_semaphore, #tpu.memory_space<semaphore_mem>>) src(%dma_wait3A_358 : memref<10000x128xf32, #tpu.memory_space<hbm>>) dst(%arg12 : memref<40x128xf32, #tpu.memory_space<vmem>>)
      %dma_wait3A_359 = arith.constant 0 : i32
      %dma_wait3A_360 = arith.constant 0 : i32
      %dma_wait3A_361 = tpu.memref_slice %arg3[%dma_wait3A_359, %dma_wait3A_360] : memref<10000x128xf32, #tpu.memory_space<hbm>> -> memref<10000x128xf32, #tpu.memory_space<hbm>>
      tpu.wait_indirect_dma semaphore(%arg17 : memref<!tpu.dma_semaphore, #tpu.memory_space<semaphore_mem>>) src(%dma_wait3A_361 : memref<10000x128xf32, #tpu.memory_space<hbm>>) dst(%arg13 : memref<40x128xf32, #tpu.memory_space<vmem>>)
      %dma_wait3A_362 = arith.constant 0 : i32
      %dma_wait3A_363 = tpu.memref_slice %arg4[%add3A_355, %dma_wait3A_362] : memref<320000x64xi32, #tpu.memory_space<hbm>> -> memref<40x64xi32, #tpu.memory_space<hbm>>
      %dma_wait3A_364 = arith.constant 0 : i32
      %dma_wait3A_365 = tpu.memref_slice %arg4[%add3A_355, %dma_wait3A_364] : memref<320000x64xi32, #tpu.memory_space<hbm>> -> memref<40x64xi32, #tpu.memory_space<hbm>>
      tpu.wait_dma2 semaphore(%arg18 : memref<!tpu.dma_semaphore, #tpu.memory_space<semaphore_mem>>) src(%dma_wait3A_365 : memref<40x64xi32, #tpu.memory_space<hbm>>) dst(%arg14 : memref<40x64xi32, #tpu.memory_space<vmem>>)
      %scan3A_366 = arith.constant 0 : i32
      %scan3A_367 = arith.constant 0 : i32
      %scan3A_368 = arith.constant 20 : i32
      %scan3A_369 = arith.addi %scan3A_367, %scan3A_368 : i32
      %scan3A_370 = arith.constant 1 : i32
      scf.for %scan3A_387 = %scan3A_367 to %scan3A_369 step %scan3A_370  : i32 {
        %mul3A_388 = arith.constant 2 : i32
        %mul3A_389 = arith.muli %mul3A_388, %scan3A_387 : i32
        %add3A_390 = arith.constant 0 : i32
        %add3A_391 = arith.addi %mul3A_389, %add3A_390 : i32
        %get3A = arith.index_cast %add3A_391 : i32 to index
        %get3A_392 = arith.constant 0 : index
        %get3A_393 = tpu.vector_load %arg14[%get3A, %get3A_392] {strides = array<i32>} : memref<40x64xi32, #tpu.memory_space<vmem>>, vector<1x16xi32>,
        %get3A_394 = vector.shape_cast %get3A_393 : vector<1x16xi32> to vector<16xi32>
        %get3A_395 = arith.index_cast %add3A_391 : i32 to index
        %get3A_396 = arith.constant 0 : index
        %get3A_397 = tpu.vector_load %arg12[%get3A_395, %get3A_396] {strides = array<i32>} : memref<40x128xf32, #tpu.memory_space<vmem>>, vector<1x16xf32>,
        %get3A_398 = vector.shape_cast %get3A_397 : vector<1x16xf32> to vector<16xf32>
        %get3A_399 = arith.index_cast %add3A_391 : i32 to index
        %get3A_400 = arith.constant 0 : index
        %get3A_401 = tpu.vector_load %arg13[%get3A_399, %get3A_400] {strides = array<i32>} : memref<40x128xf32, #tpu.memory_space<vmem>>, vector<1x16xf32>,
        %get3A_402 = vector.shape_cast %get3A_401 : vector<1x16xf32> to vector<16xf32>
        %add3A_403 = arith.addf %get3A_398, %get3A_402 : vector<16xf32>
        %shift_left3A = arith.shli %get3A_394, %broadcast_in_dim3A_7 : vector<16xi32>
        %bitcast_convert_type3A = tpu.bitcast %shift_left3A : vector<16xi32> -> vector<16xf32>
        %add3A_404 = arith.addf %add3A_403, %bitcast_convert_type3A : vector<16xf32>
        %get3A_405 = arith.index_cast %add3A_391 : i32 to index
        %get3A_406 = arith.constant 64 : index
        %get3A_407 = tpu.vector_load %arg12[%get3A_405, %get3A_406] {strides = array<i32>} : memref<40x128xf32, #tpu.memory_space<vmem>>, vector<1x16xf32>,
        %get3A_408 = vector.shape_cast %get3A_407 : vector<1x16xf32> to vector<16xf32>
        %get3A_409 = arith.index_cast %add3A_391 : i32 to index
        %get3A_410 = arith.constant 64 : index
        %get3A_411 = tpu.vector_load %arg13[%get3A_409, %get3A_410] {strides = array<i32>} : memref<40x128xf32, #tpu.memory_space<vmem>>, vector<1x16xf32>,
        %get3A_412 = vector.shape_cast %get3A_411 : vector<1x16xf32> to vector<16xf32>
        %add3A_413 = arith.addf %get3A_408, %get3A_412 : vector<16xf32>
        %and3A = arith.andi %get3A_394, %broadcast_in_dim3A_5 : vector<16xi32>
        %bitcast_convert_type3A_414 = tpu.bitcast %and3A : vector<16xi32> -> vector<16xf32>
        %add3A_415 = arith.addf %add3A_413, %bitcast_convert_type3A_414 : vector<16xf32>
        %max3A = arith.constant 0.000000e+00 : f32
        %max3A_416 = vector.broadcast %max3A : f32 to vector<16xf32>
        %max3A_417 = arith.maximumf %add3A_404, %max3A_416 : vector<16xf32>
        %swap3A = arith.index_cast %add3A_391 : i32 to index
        %swap3A_418 = arith.constant 0 : index
        %swap3A_419 = tpu.vector_load %arg12[%swap3A, %swap3A_418] {strides = array<i32>} : memref<40x128xf32, #tpu.memory_space<vmem>>, vector<1x16xf32>,
        %swap3A_420 = vector.shape_cast %swap3A_419 : vector<1x16xf32> to vector<16xf32>
        %swap3A_421 = vector.shape_cast %max3A_417 : vector<16xf32> to vector<1x16xf32>
        tpu.vector_store %arg12[%swap3A, %swap3A_418], %swap3A_421 {strides = array<i32>} : memref<40x128xf32, #tpu.memory_space<vmem>>, vector<1x16xf32>,
        %max3A_422 = arith.constant 0.000000e+00 : f32
        %max3A_423 = vector.broadcast %max3A_422 : f32 to vector<16xf32>
        %max3A_424 = arith.maximumf %add3A_415, %max3A_423 : vector<16xf32>
        %swap3A_425 = arith.index_cast %add3A_391 : i32 to index
        %swap3A_426 = arith.constant 64 : index
        %swap3A_427 = tpu.vector_load %arg12[%swap3A_425, %swap3A_426] {strides = array<i32>} : memref<40x128xf32, #tpu.memory_space<vmem>>, vector<1x16xf32>,
        %swap3A_428 = vector.shape_cast %swap3A_427 : vector<1x16xf32> to vector<16xf32>
        %swap3A_429 = vector.shape_cast %max3A_424 : vector<16xf32> to vector<1x16xf32>
        tpu.vector_store %arg12[%swap3A_425, %swap3A_426], %swap3A_429 {strides = array<i32>} : memref<40x128xf32, #tpu.memory_space<vmem>>, vector<1x16xf32>,
        %get3A_430 = arith.index_cast %add3A_391 : i32 to index
        %get3A_431 = arith.constant 16 : index
        %get3A_432 = tpu.vector_load %arg14[%get3A_430, %get3A_431] {strides = array<i32>} : memref<40x64xi32, #tpu.memory_space<vmem>>, vector<1x16xi32>,
        %get3A_433 = vector.shape_cast %get3A_432 : vector<1x16xi32> to vector<16xi32>
        %get3A_434 = arith.index_cast %add3A_391 : i32 to index
        %get3A_435 = arith.constant 16 : index
        %get3A_436 = tpu.vector_load %arg12[%get3A_434, %get3A_435] {strides = array<i32>} : memref<40x128xf32, #tpu.memory_space<vmem>>, vector<1x16xf32>,
        %get3A_437 = vector.shape_cast %get3A_436 : vector<1x16xf32> to vector<16xf32>
        %get3A_438 = arith.index_cast %add3A_391 : i32 to index
        %get3A_439 = arith.constant 16 : index
        %get3A_440 = tpu.vector_load %arg13[%get3A_438, %get3A_439] {strides = array<i32>} : memref<40x128xf32, #tpu.memory_space<vmem>>, vector<1x16xf32>,
        %get3A_441 = vector.shape_cast %get3A_440 : vector<1x16xf32> to vector<16xf32>
        %add3A_442 = arith.addf %get3A_437, %get3A_441 : vector<16xf32>
        %shift_left3A_443 = arith.shli %get3A_433, %broadcast_in_dim3A_7 : vector<16xi32>
        %bitcast_convert_type3A_444 = tpu.bitcast %shift_left3A_443 : vector<16xi32> -> vector<16xf32>
        %add3A_445 = arith.addf %add3A_442, %bitcast_convert_type3A_444 : vector<16xf32>
        %get3A_446 = arith.index_cast %add3A_391 : i32 to index
        %get3A_447 = arith.constant 80 : index
        %get3A_448 = tpu.vector_load %arg12[%get3A_446, %get3A_447] {strides = array<i32>} : memref<40x128xf32, #tpu.memory_space<vmem>>, vector<1x16xf32>,
        %get3A_449 = vector.shape_cast %get3A_448 : vector<1x16xf32> to vector<16xf32>
        %get3A_450 = arith.index_cast %add3A_391 : i32 to index
        %get3A_451 = arith.constant 80 : index
        %get3A_452 = tpu.vector_load %arg13[%get3A_450, %get3A_451] {strides = array<i32>} : memref<40x128xf32, #tpu.memory_space<vmem>>, vector<1x16xf32>,
        %get3A_453 = vector.shape_cast %get3A_452 : vector<1x16xf32> to vector<16xf32>
        %add3A_454 = arith.addf %get3A_449, %get3A_453 : vector<16xf32>
        %and3A_455 = arith.andi %get3A_433, %broadcast_in_dim3A_5 : vector<16xi32>
        %bitcast_convert_type3A_456 = tpu.bitcast %and3A_455 : vector<16xi32> -> vector<16xf32>
        %add3A_457 = arith.addf %add3A_454, %bitcast_convert_type3A_456 : vector<16xf32>
        %max3A_458 = arith.constant 0.000000e+00 : f32
        %max3A_459 = vector.broadcast %max3A_458 : f32 to vector<16xf32>
        %max3A_460 = arith.maximumf %add3A_445, %max3A_459 : vector<16xf32>
        %swap3A_461 = arith.index_cast %add3A_391 : i32 to index
        %swap3A_462 = arith.constant 16 : index
        %swap3A_463 = tpu.vector_load %arg12[%swap3A_461, %swap3A_462] {strides = array<i32>} : memref<40x128xf32, #tpu.memory_space<vmem>>, vector<1x16xf32>,
        %swap3A_464 = vector.shape_cast %swap3A_463 : vector<1x16xf32> to vector<16xf32>
        %swap3A_465 = vector.shape_cast %max3A_460 : vector<16xf32> to vector<1x16xf32>
        tpu.vector_store %arg12[%swap3A_461, %swap3A_462], %swap3A_465 {strides = array<i32>} : memref<40x128xf32, #tpu.memory_space<vmem>>, vector<1x16xf32>,
        %max3A_466 = arith.constant 0.000000e+00 : f32
        %max3A_467 = vector.broadcast %max3A_466 : f32 to vector<16xf32>
        %max3A_468 = arith.maximumf %add3A_457, %max3A_467 : vector<16xf32>
        %swap3A_469 = arith.index_cast %add3A_391 : i32 to index
        %swap3A_470 = arith.constant 80 : index
        %swap3A_471 = tpu.vector_load %arg12[%swap3A_469, %swap3A_470] {strides = array<i32>} : memref<40x128xf32, #tpu.memory_space<vmem>>, vector<1x16xf32>,
        %swap3A_472 = vector.shape_cast %swap3A_471 : vector<1x16xf32> to vector<16xf32>
        %swap3A_473 = vector.shape_cast %max3A_468 : vector<16xf32> to vector<1x16xf32>
        tpu.vector_store %arg12[%swap3A_469, %swap3A_470], %swap3A_473 {strides = array<i32>} : memref<40x128xf32, #tpu.memory_space<vmem>>, vector<1x16xf32>,
        %get3A_474 = arith.index_cast %add3A_391 : i32 to index
        %get3A_475 = arith.constant 32 : index
        %get3A_476 = tpu.vector_load %arg14[%get3A_474, %get3A_475] {strides = array<i32>} : memref<40x64xi32, #tpu.memory_space<vmem>>, vector<1x16xi32>,
        %get3A_477 = vector.shape_cast %get3A_476 : vector<1x16xi32> to vector<16xi32>
        %get3A_478 = arith.index_cast %add3A_391 : i32 to index
        %get3A_479 = arith.constant 32 : index
        %get3A_480 = tpu.vector_load %arg12[%get3A_478, %get3A_479] {strides = array<i32>} : memref<40x128xf32, #tpu.memory_space<vmem>>, vector<1x16xf32>,
        %get3A_481 = vector.shape_cast %get3A_480 : vector<1x16xf32> to vector<16xf32>
        %get3A_482 = arith.index_cast %add3A_391 : i32 to index
        %get3A_483 = arith.constant 32 : index
        %get3A_484 = tpu.vector_load %arg13[%get3A_482, %get3A_483] {strides = array<i32>} : memref<40x128xf32, #tpu.memory_space<vmem>>, vector<1x16xf32>,
        %get3A_485 = vector.shape_cast %get3A_484 : vector<1x16xf32> to vector<16xf32>
        %add3A_486 = arith.addf %get3A_481, %get3A_485 : vector<16xf32>
        %shift_left3A_487 = arith.shli %get3A_477, %broadcast_in_dim3A_7 : vector<16xi32>
        %bitcast_convert_type3A_488 = tpu.bitcast %shift_left3A_487 : vector<16xi32> -> vector<16xf32>
        %add3A_489 = arith.addf %add3A_486, %bitcast_convert_type3A_488 : vector<16xf32>
        %get3A_490 = arith.index_cast %add3A_391 : i32 to index
        %get3A_491 = arith.constant 96 : index
        %get3A_492 = tpu.vector_load %arg12[%get3A_490, %get3A_491] {strides = array<i32>} : memref<40x128xf32, #tpu.memory_space<vmem>>, vector<1x16xf32>,
        %get3A_493 = vector.shape_cast %get3A_492 : vector<1x16xf32> to vector<16xf32>
        %get3A_494 = arith.index_cast %add3A_391 : i32 to index
        %get3A_495 = arith.constant 96 : index
        %get3A_496 = tpu.vector_load %arg13[%get3A_494, %get3A_495] {strides = array<i32>} : memref<40x128xf32, #tpu.memory_space<vmem>>, vector<1x16xf32>,
        %get3A_497 = vector.shape_cast %get3A_496 : vector<1x16xf32> to vector<16xf32>
        %add3A_498 = arith.addf %get3A_493, %get3A_497 : vector<16xf32>
        %and3A_499 = arith.andi %get3A_477, %broadcast_in_dim3A_5 : vector<16xi32>
        %bitcast_convert_type3A_500 = tpu.bitcast %and3A_499 : vector<16xi32> -> vector<16xf32>
        %add3A_501 = arith.addf %add3A_498, %bitcast_convert_type3A_500 : vector<16xf32>
        %max3A_502 = arith.constant 0.000000e+00 : f32
        %max3A_503 = vector.broadcast %max3A_502 : f32 to vector<16xf32>
        %max3A_504 = arith.maximumf %add3A_489, %max3A_503 : vector<16xf32>
        %swap3A_505 = arith.index_cast %add3A_391 : i32 to index
        %swap3A_506 = arith.constant 32 : index
        %swap3A_507 = tpu.vector_load %arg12[%swap3A_505, %swap3A_506] {strides = array<i32>} : memref<40x128xf32, #tpu.memory_space<vmem>>, vector<1x16xf32>,
        %swap3A_508 = vector.shape_cast %swap3A_507 : vector<1x16xf32> to vector<16xf32>
        %swap3A_509 = vector.shape_cast %max3A_504 : vector<16xf32> to vector<1x16xf32>
        tpu.vector_store %arg12[%swap3A_505, %swap3A_506], %swap3A_509 {strides = array<i32>} : memref<40x128xf32, #tpu.memory_space<vmem>>, vector<1x16xf32>,
        %max3A_510 = arith.constant 0.000000e+00 : f32
        %max3A_511 = vector.broadcast %max3A_510 : f32 to vector<16xf32>
        %max3A_512 = arith.maximumf %add3A_501, %max3A_511 : vector<16xf32>
        %swap3A_513 = arith.index_cast %add3A_391 : i32 to index
        %swap3A_514 = arith.constant 96 : index
        %swap3A_515 = tpu.vector_load %arg12[%swap3A_513, %swap3A_514] {strides = array<i32>} : memref<40x128xf32, #tpu.memory_space<vmem>>, vector<1x16xf32>,
        %swap3A_516 = vector.shape_cast %swap3A_515 : vector<1x16xf32> to vector<16xf32>
        %swap3A_517 = vector.shape_cast %max3A_512 : vector<16xf32> to vector<1x16xf32>
        tpu.vector_store %arg12[%swap3A_513, %swap3A_514], %swap3A_517 {strides = array<i32>} : memref<40x128xf32, #tpu.memory_space<vmem>>, vector<1x16xf32>,
        %get3A_518 = arith.index_cast %add3A_391 : i32 to index
        %get3A_519 = arith.constant 48 : index
        %get3A_520 = tpu.vector_load %arg14[%get3A_518, %get3A_519] {strides = array<i32>} : memref<40x64xi32, #tpu.memory_space<vmem>>, vector<1x16xi32>,
        %get3A_521 = vector.shape_cast %get3A_520 : vector<1x16xi32> to vector<16xi32>
        %get3A_522 = arith.index_cast %add3A_391 : i32 to index
        %get3A_523 = arith.constant 48 : index
        %get3A_524 = tpu.vector_load %arg12[%get3A_522, %get3A_523] {strides = array<i32>} : memref<40x128xf32, #tpu.memory_space<vmem>>, vector<1x16xf32>,
        %get3A_525 = vector.shape_cast %get3A_524 : vector<1x16xf32> to vector<16xf32>
        %get3A_526 = arith.index_cast %add3A_391 : i32 to index
        %get3A_527 = arith.constant 48 : index
        %get3A_528 = tpu.vector_load %arg13[%get3A_526, %get3A_527] {strides = array<i32>} : memref<40x128xf32, #tpu.memory_space<vmem>>, vector<1x16xf32>,
        %get3A_529 = vector.shape_cast %get3A_528 : vector<1x16xf32> to vector<16xf32>
        %add3A_530 = arith.addf %get3A_525, %get3A_529 : vector<16xf32>
        %shift_left3A_531 = arith.shli %get3A_521, %broadcast_in_dim3A_7 : vector<16xi32>
        %bitcast_convert_type3A_532 = tpu.bitcast %shift_left3A_531 : vector<16xi32> -> vector<16xf32>
        %add3A_533 = arith.addf %add3A_530, %bitcast_convert_type3A_532 : vector<16xf32>
        %get3A_534 = arith.index_cast %add3A_391 : i32 to index
        %get3A_535 = arith.constant 112 : index
        %get3A_536 = tpu.vector_load %arg12[%get3A_534, %get3A_535] {strides = array<i32>} : memref<40x128xf32, #tpu.memory_space<vmem>>, vector<1x16xf32>,
        %get3A_537 = vector.shape_cast %get3A_536 : vector<1x16xf32> to vector<16xf32>
        %get3A_538 = arith.index_cast %add3A_391 : i32 to index
        %get3A_539 = arith.constant 112 : index
        %get3A_540 = tpu.vector_load %arg13[%get3A_538, %get3A_539] {strides = array<i32>} : memref<40x128xf32, #tpu.memory_space<vmem>>, vector<1x16xf32>,
        %get3A_541 = vector.shape_cast %get3A_540 : vector<1x16xf32> to vector<16xf32>
        %add3A_542 = arith.addf %get3A_537, %get3A_541 : vector<16xf32>
        %and3A_543 = arith.andi %get3A_521, %broadcast_in_dim3A_5 : vector<16xi32>
        %bitcast_convert_type3A_544 = tpu.bitcast %and3A_543 : vector<16xi32> -> vector<16xf32>
        %add3A_545 = arith.addf %add3A_542, %bitcast_convert_type3A_544 : vector<16xf32>
        %max3A_546 = arith.constant 0.000000e+00 : f32
        %max3A_547 = vector.broadcast %max3A_546 : f32 to vector<16xf32>
        %max3A_548 = arith.maximumf %add3A_533, %max3A_547 : vector<16xf32>
        %swap3A_549 = arith.index_cast %add3A_391 : i32 to index
        %swap3A_550 = arith.constant 48 : index
        %swap3A_551 = tpu.vector_load %arg12[%swap3A_549, %swap3A_550] {strides = array<i32>} : memref<40x128xf32, #tpu.memory_space<vmem>>, vector<1x16xf32>,
        %swap3A_552 = vector.shape_cast %swap3A_551 : vector<1x16xf32> to vector<16xf32>
        %swap3A_553 = vector.shape_cast %max3A_548 : vector<16xf32> to vector<1x16xf32>
        tpu.vector_store %arg12[%swap3A_549, %swap3A_550], %swap3A_553 {strides = array<i32>} : memref<40x128xf32, #tpu.memory_space<vmem>>, vector<1x16xf32>,
        %max3A_554 = arith.constant 0.000000e+00 : f32
        %max3A_555 = vector.broadcast %max3A_554 : f32 to vector<16xf32>
        %max3A_556 = arith.maximumf %add3A_545, %max3A_555 : vector<16xf32>
        %swap3A_557 = arith.index_cast %add3A_391 : i32 to index
        %swap3A_558 = arith.constant 112 : index
        %swap3A_559 = tpu.vector_load %arg12[%swap3A_557, %swap3A_558] {strides = array<i32>} : memref<40x128xf32, #tpu.memory_space<vmem>>, vector<1x16xf32>,
        %swap3A_560 = vector.shape_cast %swap3A_559 : vector<1x16xf32> to vector<16xf32>
        %swap3A_561 = vector.shape_cast %max3A_556 : vector<16xf32> to vector<1x16xf32>
        tpu.vector_store %arg12[%swap3A_557, %swap3A_558], %swap3A_561 {strides = array<i32>} : memref<40x128xf32, #tpu.memory_space<vmem>>, vector<1x16xf32>,
        %mul3A_562 = arith.constant 2 : i32
        %mul3A_563 = arith.muli %mul3A_562, %scan3A_387 : i32
        %add3A_564 = arith.constant 1 : i32
        %add3A_565 = arith.addi %mul3A_563, %add3A_564 : i32
        %get3A_566 = arith.index_cast %add3A_565 : i32 to index
        %get3A_567 = arith.constant 0 : index
        %get3A_568 = tpu.vector_load %arg14[%get3A_566, %get3A_567] {strides = array<i32>} : memref<40x64xi32, #tpu.memory_space<vmem>>, vector<1x16xi32>,
        %get3A_569 = vector.shape_cast %get3A_568 : vector<1x16xi32> to vector<16xi32>
        %get3A_570 = arith.index_cast %add3A_565 : i32 to index
        %get3A_571 = arith.constant 0 : index
        %get3A_572 = tpu.vector_load %arg12[%get3A_570, %get3A_571] {strides = array<i32>} : memref<40x128xf32, #tpu.memory_space<vmem>>, vector<1x16xf32>,
        %get3A_573 = vector.shape_cast %get3A_572 : vector<1x16xf32> to vector<16xf32>
        %get3A_574 = arith.index_cast %add3A_565 : i32 to index
        %get3A_575 = arith.constant 0 : index
        %get3A_576 = tpu.vector_load %arg13[%get3A_574, %get3A_575] {strides = array<i32>} : memref<40x128xf32, #tpu.memory_space<vmem>>, vector<1x16xf32>,
        %get3A_577 = vector.shape_cast %get3A_576 : vector<1x16xf32> to vector<16xf32>
        %add3A_578 = arith.addf %get3A_573, %get3A_577 : vector<16xf32>
        %shift_left3A_579 = arith.shli %get3A_569, %broadcast_in_dim3A_7 : vector<16xi32>
        %bitcast_convert_type3A_580 = tpu.bitcast %shift_left3A_579 : vector<16xi32> -> vector<16xf32>
        %add3A_581 = arith.addf %add3A_578, %bitcast_convert_type3A_580 : vector<16xf32>
        %get3A_582 = arith.index_cast %add3A_565 : i32 to index
        %get3A_583 = arith.constant 64 : index
        %get3A_584 = tpu.vector_load %arg12[%get3A_582, %get3A_583] {strides = array<i32>} : memref<40x128xf32, #tpu.memory_space<vmem>>, vector<1x16xf32>,
        %get3A_585 = vector.shape_cast %get3A_584 : vector<1x16xf32> to vector<16xf32>
        %get3A_586 = arith.index_cast %add3A_565 : i32 to index
        %get3A_587 = arith.constant 64 : index
        %get3A_588 = tpu.vector_load %arg13[%get3A_586, %get3A_587] {strides = array<i32>} : memref<40x128xf32, #tpu.memory_space<vmem>>, vector<1x16xf32>,
        %get3A_589 = vector.shape_cast %get3A_588 : vector<1x16xf32> to vector<16xf32>
        %add3A_590 = arith.addf %get3A_585, %get3A_589 : vector<16xf32>
        %and3A_591 = arith.andi %get3A_569, %broadcast_in_dim3A_5 : vector<16xi32>
        %bitcast_convert_type3A_592 = tpu.bitcast %and3A_591 : vector<16xi32> -> vector<16xf32>
        %add3A_593 = arith.addf %add3A_590, %bitcast_convert_type3A_592 : vector<16xf32>
        %max3A_594 = arith.constant 0.000000e+00 : f32
        %max3A_595 = vector.broadcast %max3A_594 : f32 to vector<16xf32>
        %max3A_596 = arith.maximumf %add3A_581, %max3A_595 : vector<16xf32>
        %swap3A_597 = arith.index_cast %add3A_565 : i32 to index
        %swap3A_598 = arith.constant 0 : index
        %swap3A_599 = tpu.vector_load %arg12[%swap3A_597, %swap3A_598] {strides = array<i32>} : memref<40x128xf32, #tpu.memory_space<vmem>>, vector<1x16xf32>,
        %swap3A_600 = vector.shape_cast %swap3A_599 : vector<1x16xf32> to vector<16xf32>
        %swap3A_601 = vector.shape_cast %max3A_596 : vector<16xf32> to vector<1x16xf32>
        tpu.vector_store %arg12[%swap3A_597, %swap3A_598], %swap3A_601 {strides = array<i32>} : memref<40x128xf32, #tpu.memory_space<vmem>>, vector<1x16xf32>,
        %max3A_602 = arith.constant 0.000000e+00 : f32
        %max3A_603 = vector.broadcast %max3A_602 : f32 to vector<16xf32>
        %max3A_604 = arith.maximumf %add3A_593, %max3A_603 : vector<16xf32>
        %swap3A_605 = arith.index_cast %add3A_565 : i32 to index
        %swap3A_606 = arith.constant 64 : index
        %swap3A_607 = tpu.vector_load %arg12[%swap3A_605, %swap3A_606] {strides = array<i32>} : memref<40x128xf32, #tpu.memory_space<vmem>>, vector<1x16xf32>,
        %swap3A_608 = vector.shape_cast %swap3A_607 : vector<1x16xf32> to vector<16xf32>
        %swap3A_609 = vector.shape_cast %max3A_604 : vector<16xf32> to vector<1x16xf32>
        tpu.vector_store %arg12[%swap3A_605, %swap3A_606], %swap3A_609 {strides = array<i32>} : memref<40x128xf32, #tpu.memory_space<vmem>>, vector<1x16xf32>,
        %get3A_610 = arith.index_cast %add3A_565 : i32 to index
        %get3A_611 = arith.constant 16 : index
        %get3A_612 = tpu.vector_load %arg14[%get3A_610, %get3A_611] {strides = array<i32>} : memref<40x64xi32, #tpu.memory_space<vmem>>, vector<1x16xi32>,
        %get3A_613 = vector.shape_cast %get3A_612 : vector<1x16xi32> to vector<16xi32>
        %get3A_614 = arith.index_cast %add3A_565 : i32 to index
        %get3A_615 = arith.constant 16 : index
        %get3A_616 = tpu.vector_load %arg12[%get3A_614, %get3A_615] {strides = array<i32>} : memref<40x128xf32, #tpu.memory_space<vmem>>, vector<1x16xf32>,
        %get3A_617 = vector.shape_cast %get3A_616 : vector<1x16xf32> to vector<16xf32>
        %get3A_618 = arith.index_cast %add3A_565 : i32 to index
        %get3A_619 = arith.constant 16 : index
        %get3A_620 = tpu.vector_load %arg13[%get3A_618, %get3A_619] {strides = array<i32>} : memref<40x128xf32, #tpu.memory_space<vmem>>, vector<1x16xf32>,
        %get3A_621 = vector.shape_cast %get3A_620 : vector<1x16xf32> to vector<16xf32>
        %add3A_622 = arith.addf %get3A_617, %get3A_621 : vector<16xf32>
        %shift_left3A_623 = arith.shli %get3A_613, %broadcast_in_dim3A_7 : vector<16xi32>
        %bitcast_convert_type3A_624 = tpu.bitcast %shift_left3A_623 : vector<16xi32> -> vector<16xf32>
        %add3A_625 = arith.addf %add3A_622, %bitcast_convert_type3A_624 : vector<16xf32>
        %get3A_626 = arith.index_cast %add3A_565 : i32 to index
        %get3A_627 = arith.constant 80 : index
        %get3A_628 = tpu.vector_load %arg12[%get3A_626, %get3A_627] {strides = array<i32>} : memref<40x128xf32, #tpu.memory_space<vmem>>, vector<1x16xf32>,
        %get3A_629 = vector.shape_cast %get3A_628 : vector<1x16xf32> to vector<16xf32>
        %get3A_630 = arith.index_cast %add3A_565 : i32 to index
        %get3A_631 = arith.constant 80 : index
        %get3A_632 = tpu.vector_load %arg13[%get3A_630, %get3A_631] {strides = array<i32>} : memref<40x128xf32, #tpu.memory_space<vmem>>, vector<1x16xf32>,
        %get3A_633 = vector.shape_cast %get3A_632 : vector<1x16xf32> to vector<16xf32>
        %add3A_634 = arith.addf %get3A_629, %get3A_633 : vector<16xf32>
        %and3A_635 = arith.andi %get3A_613, %broadcast_in_dim3A_5 : vector<16xi32>
        %bitcast_convert_type3A_636 = tpu.bitcast %and3A_635 : vector<16xi32> -> vector<16xf32>
        %add3A_637 = arith.addf %add3A_634, %bitcast_convert_type3A_636 : vector<16xf32>
        %max3A_638 = arith.constant 0.000000e+00 : f32
        %max3A_639 = vector.broadcast %max3A_638 : f32 to vector<16xf32>
        %max3A_640 = arith.maximumf %add3A_625, %max3A_639 : vector<16xf32>
        %swap3A_641 = arith.index_cast %add3A_565 : i32 to index
        %swap3A_642 = arith.constant 16 : index
        %swap3A_643 = tpu.vector_load %arg12[%swap3A_641, %swap3A_642] {strides = array<i32>} : memref<40x128xf32, #tpu.memory_space<vmem>>, vector<1x16xf32>,
        %swap3A_644 = vector.shape_cast %swap3A_643 : vector<1x16xf32> to vector<16xf32>
        %swap3A_645 = vector.shape_cast %max3A_640 : vector<16xf32> to vector<1x16xf32>
        tpu.vector_store %arg12[%swap3A_641, %swap3A_642], %swap3A_645 {strides = array<i32>} : memref<40x128xf32, #tpu.memory_space<vmem>>, vector<1x16xf32>,
        %max3A_646 = arith.constant 0.000000e+00 : f32
        %max3A_647 = vector.broadcast %max3A_646 : f32 to vector<16xf32>
        %max3A_648 = arith.maximumf %add3A_637, %max3A_647 : vector<16xf32>
        %swap3A_649 = arith.index_cast %add3A_565 : i32 to index
        %swap3A_650 = arith.constant 80 : index
        %swap3A_651 = tpu.vector_load %arg12[%swap3A_649, %swap3A_650] {strides = array<i32>} : memref<40x128xf32, #tpu.memory_space<vmem>>, vector<1x16xf32>,
        %swap3A_652 = vector.shape_cast %swap3A_651 : vector<1x16xf32> to vector<16xf32>
        %swap3A_653 = vector.shape_cast %max3A_648 : vector<16xf32> to vector<1x16xf32>
        tpu.vector_store %arg12[%swap3A_649, %swap3A_650], %swap3A_653 {strides = array<i32>} : memref<40x128xf32, #tpu.memory_space<vmem>>, vector<1x16xf32>,
        %get3A_654 = arith.index_cast %add3A_565 : i32 to index
        %get3A_655 = arith.constant 32 : index
        %get3A_656 = tpu.vector_load %arg14[%get3A_654, %get3A_655] {strides = array<i32>} : memref<40x64xi32, #tpu.memory_space<vmem>>, vector<1x16xi32>,
        %get3A_657 = vector.shape_cast %get3A_656 : vector<1x16xi32> to vector<16xi32>
        %get3A_658 = arith.index_cast %add3A_565 : i32 to index
        %get3A_659 = arith.constant 32 : index
        %get3A_660 = tpu.vector_load %arg12[%get3A_658, %get3A_659] {strides = array<i32>} : memref<40x128xf32, #tpu.memory_space<vmem>>, vector<1x16xf32>,
        %get3A_661 = vector.shape_cast %get3A_660 : vector<1x16xf32> to vector<16xf32>
        %get3A_662 = arith.index_cast %add3A_565 : i32 to index
        %get3A_663 = arith.constant 32 : index
        %get3A_664 = tpu.vector_load %arg13[%get3A_662, %get3A_663] {strides = array<i32>} : memref<40x128xf32, #tpu.memory_space<vmem>>, vector<1x16xf32>,
        %get3A_665 = vector.shape_cast %get3A_664 : vector<1x16xf32> to vector<16xf32>
        %add3A_666 = arith.addf %get3A_661, %get3A_665 : vector<16xf32>
        %shift_left3A_667 = arith.shli %get3A_657, %broadcast_in_dim3A_7 : vector<16xi32>
        %bitcast_convert_type3A_668 = tpu.bitcast %shift_left3A_667 : vector<16xi32> -> vector<16xf32>
        %add3A_669 = arith.addf %add3A_666, %bitcast_convert_type3A_668 : vector<16xf32>
        %get3A_670 = arith.index_cast %add3A_565 : i32 to index
        %get3A_671 = arith.constant 96 : index
        %get3A_672 = tpu.vector_load %arg12[%get3A_670, %get3A_671] {strides = array<i32>} : memref<40x128xf32, #tpu.memory_space<vmem>>, vector<1x16xf32>,
        %get3A_673 = vector.shape_cast %get3A_672 : vector<1x16xf32> to vector<16xf32>
        %get3A_674 = arith.index_cast %add3A_565 : i32 to index
        %get3A_675 = arith.constant 96 : index
        %get3A_676 = tpu.vector_load %arg13[%get3A_674, %get3A_675] {strides = array<i32>} : memref<40x128xf32, #tpu.memory_space<vmem>>, vector<1x16xf32>,
        %get3A_677 = vector.shape_cast %get3A_676 : vector<1x16xf32> to vector<16xf32>
        %add3A_678 = arith.addf %get3A_673, %get3A_677 : vector<16xf32>
        %and3A_679 = arith.andi %get3A_657, %broadcast_in_dim3A_5 : vector<16xi32>
        %bitcast_convert_type3A_680 = tpu.bitcast %and3A_679 : vector<16xi32> -> vector<16xf32>
        %add3A_681 = arith.addf %add3A_678, %bitcast_convert_type3A_680 : vector<16xf32>
        %max3A_682 = arith.constant 0.000000e+00 : f32
        %max3A_683 = vector.broadcast %max3A_682 : f32 to vector<16xf32>
        %max3A_684 = arith.maximumf %add3A_669, %max3A_683 : vector<16xf32>
        %swap3A_685 = arith.index_cast %add3A_565 : i32 to index
        %swap3A_686 = arith.constant 32 : index
        %swap3A_687 = tpu.vector_load %arg12[%swap3A_685, %swap3A_686] {strides = array<i32>} : memref<40x128xf32, #tpu.memory_space<vmem>>, vector<1x16xf32>,
        %swap3A_688 = vector.shape_cast %swap3A_687 : vector<1x16xf32> to vector<16xf32>
        %swap3A_689 = vector.shape_cast %max3A_684 : vector<16xf32> to vector<1x16xf32>
        tpu.vector_store %arg12[%swap3A_685, %swap3A_686], %swap3A_689 {strides = array<i32>} : memref<40x128xf32, #tpu.memory_space<vmem>>, vector<1x16xf32>,
        %max3A_690 = arith.constant 0.000000e+00 : f32
        %max3A_691 = vector.broadcast %max3A_690 : f32 to vector<16xf32>
        %max3A_692 = arith.maximumf %add3A_681, %max3A_691 : vector<16xf32>
        %swap3A_693 = arith.index_cast %add3A_565 : i32 to index
        %swap3A_694 = arith.constant 96 : index
        %swap3A_695 = tpu.vector_load %arg12[%swap3A_693, %swap3A_694] {strides = array<i32>} : memref<40x128xf32, #tpu.memory_space<vmem>>, vector<1x16xf32>,
        %swap3A_696 = vector.shape_cast %swap3A_695 : vector<1x16xf32> to vector<16xf32>
        %swap3A_697 = vector.shape_cast %max3A_692 : vector<16xf32> to vector<1x16xf32>
        tpu.vector_store %arg12[%swap3A_693, %swap3A_694], %swap3A_697 {strides = array<i32>} : memref<40x128xf32, #tpu.memory_space<vmem>>, vector<1x16xf32>,
        %get3A_698 = arith.index_cast %add3A_565 : i32 to index
        %get3A_699 = arith.constant 48 : index
        %get3A_700 = tpu.vector_load %arg14[%get3A_698, %get3A_699] {strides = array<i32>} : memref<40x64xi32, #tpu.memory_space<vmem>>, vector<1x16xi32>,
        %get3A_701 = vector.shape_cast %get3A_700 : vector<1x16xi32> to vector<16xi32>
        %get3A_702 = arith.index_cast %add3A_565 : i32 to index
        %get3A_703 = arith.constant 48 : index
        %get3A_704 = tpu.vector_load %arg12[%get3A_702, %get3A_703] {strides = array<i32>} : memref<40x128xf32, #tpu.memory_space<vmem>>, vector<1x16xf32>,
        %get3A_705 = vector.shape_cast %get3A_704 : vector<1x16xf32> to vector<16xf32>
        %get3A_706 = arith.index_cast %add3A_565 : i32 to index
        %get3A_707 = arith.constant 48 : index
        %get3A_708 = tpu.vector_load %arg13[%get3A_706, %get3A_707] {strides = array<i32>} : memref<40x128xf32, #tpu.memory_space<vmem>>, vector<1x16xf32>,
        %get3A_709 = vector.shape_cast %get3A_708 : vector<1x16xf32> to vector<16xf32>
        %add3A_710 = arith.addf %get3A_705, %get3A_709 : vector<16xf32>
        %shift_left3A_711 = arith.shli %get3A_701, %broadcast_in_dim3A_7 : vector<16xi32>
        %bitcast_convert_type3A_712 = tpu.bitcast %shift_left3A_711 : vector<16xi32> -> vector<16xf32>
        %add3A_713 = arith.addf %add3A_710, %bitcast_convert_type3A_712 : vector<16xf32>
        %get3A_714 = arith.index_cast %add3A_565 : i32 to index
        %get3A_715 = arith.constant 112 : index
        %get3A_716 = tpu.vector_load %arg12[%get3A_714, %get3A_715] {strides = array<i32>} : memref<40x128xf32, #tpu.memory_space<vmem>>, vector<1x16xf32>,
        %get3A_717 = vector.shape_cast %get3A_716 : vector<1x16xf32> to vector<16xf32>
        %get3A_718 = arith.index_cast %add3A_565 : i32 to index
        %get3A_719 = arith.constant 112 : index
        %get3A_720 = tpu.vector_load %arg13[%get3A_718, %get3A_719] {strides = array<i32>} : memref<40x128xf32, #tpu.memory_space<vmem>>, vector<1x16xf32>,
        %get3A_721 = vector.shape_cast %get3A_720 : vector<1x16xf32> to vector<16xf32>
        %add3A_722 = arith.addf %get3A_717, %get3A_721 : vector<16xf32>
        %and3A_723 = arith.andi %get3A_701, %broadcast_in_dim3A_5 : vector<16xi32>
        %bitcast_convert_type3A_724 = tpu.bitcast %and3A_723 : vector<16xi32> -> vector<16xf32>
        %add3A_725 = arith.addf %add3A_722, %bitcast_convert_type3A_724 : vector<16xf32>
        %max3A_726 = arith.constant 0.000000e+00 : f32
        %max3A_727 = vector.broadcast %max3A_726 : f32 to vector<16xf32>
        %max3A_728 = arith.maximumf %add3A_713, %max3A_727 : vector<16xf32>
        %swap3A_729 = arith.index_cast %add3A_565 : i32 to index
        %swap3A_730 = arith.constant 48 : index
        %swap3A_731 = tpu.vector_load %arg12[%swap3A_729, %swap3A_730] {strides = array<i32>} : memref<40x128xf32, #tpu.memory_space<vmem>>, vector<1x16xf32>,
        %swap3A_732 = vector.shape_cast %swap3A_731 : vector<1x16xf32> to vector<16xf32>
        %swap3A_733 = vector.shape_cast %max3A_728 : vector<16xf32> to vector<1x16xf32>
        tpu.vector_store %arg12[%swap3A_729, %swap3A_730], %swap3A_733 {strides = array<i32>} : memref<40x128xf32, #tpu.memory_space<vmem>>, vector<1x16xf32>,
        %max3A_734 = arith.constant 0.000000e+00 : f32
        %max3A_735 = vector.broadcast %max3A_734 : f32 to vector<16xf32>
        %max3A_736 = arith.maximumf %add3A_725, %max3A_735 : vector<16xf32>
        %swap3A_737 = arith.index_cast %add3A_565 : i32 to index
        %swap3A_738 = arith.constant 112 : index
        %swap3A_739 = tpu.vector_load %arg12[%swap3A_737, %swap3A_738] {strides = array<i32>} : memref<40x128xf32, #tpu.memory_space<vmem>>, vector<1x16xf32>,
        %swap3A_740 = vector.shape_cast %swap3A_739 : vector<1x16xf32> to vector<16xf32>
        %swap3A_741 = vector.shape_cast %max3A_736 : vector<16xf32> to vector<1x16xf32>
        tpu.vector_store %arg12[%swap3A_737, %swap3A_738], %swap3A_741 {strides = array<i32>} : memref<40x128xf32, #tpu.memory_space<vmem>>, vector<1x16xf32>,
      }
      %scan3A_371 = arith.constant 20 : i32
      %dma_start3A_372 = arith.constant 0 : i32
      %dma_start3A_373 = arith.constant 0 : i32
      %dma_start3A_374 = tpu.memref_slice %arg9[%dma_start3A_372, %dma_start3A_373] : memref<10112x128xf32, #tpu.memory_space<vmem_shared>> -> memref<10112x128xf32, #tpu.memory_space<vmem_shared>>
      tpu.enqueue_indirect_dma source(%arg12 : memref<40x128xf32, #tpu.memory_space<vmem>>) target(%dma_start3A_374 : memref<10112x128xf32, #tpu.memory_space<vmem_shared>>) offsets(%arg11 : memref<40xi32, #tpu.memory_space<vmem>>) semaphore(%arg19 : memref<!tpu.dma_semaphore, #tpu.memory_space<semaphore_mem>>) {add = true}
      %dma_wait3A_375 = arith.constant 0 : i32
      %dma_wait3A_376 = arith.constant 0 : i32
      %dma_wait3A_377 = tpu.memref_slice %arg9[%dma_wait3A_375, %dma_wait3A_376] : memref<10112x128xf32, #tpu.memory_space<vmem_shared>> -> memref<10112x128xf32, #tpu.memory_space<vmem_shared>>
      tpu.wait_indirect_dma semaphore(%arg39 : memref<!tpu.dma_semaphore, #tpu.memory_space<semaphore_mem>>) src(%arg32 : memref<40x128xf32, #tpu.memory_space<vmem>>) dst(%dma_wait3A_377 : memref<10112x128xf32, #tpu.memory_space<vmem_shared>>)
      %add3A_378 = arith.constant 2 : i32
      %add3A_379 = arith.addi %add3A_328, %add3A_378 : i32
      %mul3A_380 = arith.constant 40 : i32
      %mul3A_381 = arith.muli %add3A_379, %mul3A_380 : i32
      %add3A_382 = arith.addi %mul3A_4, %mul3A_381 : i32
      %dma_start3A_383 = tpu.memref_slice %arg5[%add3A_382] : memref<320000xi32, #tpu.memory_space<hbm>> -> memref<40xi32, #tpu.memory_space<hbm>>
      %dma_start3A_384 = tpu.memref_slice %arg5[%add3A_382] : memref<320000xi32, #tpu.memory_space<hbm>> -> memref<40xi32, #tpu.memory_space<hbm>>
      tpu.enqueue_dma source(%dma_start3A_384 : memref<40xi32, #tpu.memory_space<hbm>>) target(%arg30 : memref<40xi32, #tpu.memory_space<vmem>>) target_semaphore(%arg35 : memref<!tpu.dma_semaphore, #tpu.memory_space<semaphore_mem>>)
      %dma_start3A_385 = tpu.memref_slice %arg6[%add3A_382] : memref<320000xi32, #tpu.memory_space<hbm>> -> memref<40xi32, #tpu.memory_space<hbm>>
      %dma_start3A_386 = tpu.memref_slice %arg6[%add3A_382] : memref<320000xi32, #tpu.memory_space<hbm>> -> memref<40xi32, #tpu.memory_space<hbm>>
      tpu.enqueue_dma source(%dma_start3A_386 : memref<40xi32, #tpu.memory_space<hbm>>) target(%arg31 : memref<40xi32, #tpu.memory_space<vmem>>) target_semaphore(%arg35 : memref<!tpu.dma_semaphore, #tpu.memory_space<semaphore_mem>>)
    }
    %scan3A_85 = arith.constant 82 : i32
    %add3A_86 = arith.constant 9920 : i32
    %add3A_87 = arith.addi %mul3A_4, %add3A_86 : i32
    %dma_wait3A_88 = tpu.memref_slice %arg5[%add3A_87] : memref<320000xi32, #tpu.memory_space<hbm>> -> memref<40xi32, #tpu.memory_space<hbm>>
    %dma_wait3A_89 = tpu.memref_slice %arg5[%add3A_87] : memref<320000xi32, #tpu.memory_space<hbm>> -> memref<40xi32, #tpu.memory_space<hbm>>
    tpu.wait_dma2 semaphore(%arg35 : memref<!tpu.dma_semaphore, #tpu.memory_space<semaphore_mem>>) src(%dma_wait3A_89 : memref<40xi32, #tpu.memory_space<hbm>>) dst(%arg30 : memref<40xi32, #tpu.memory_space<vmem>>)
    %dma_wait3A_90 = tpu.memref_slice %arg6[%add3A_87] : memref<320000xi32, #tpu.memory_space<hbm>> -> memref<40xi32, #tpu.memory_space<hbm>>
    %dma_wait3A_91 = tpu.memref_slice %arg6[%add3A_87] : memref<320000xi32, #tpu.memory_space<hbm>> -> memref<40xi32, #tpu.memory_space<hbm>>
    tpu.wait_dma2 semaphore(%arg35 : memref<!tpu.dma_semaphore, #tpu.memory_space<semaphore_mem>>) src(%dma_wait3A_91 : memref<40xi32, #tpu.memory_space<hbm>>) dst(%arg31 : memref<40xi32, #tpu.memory_space<vmem>>)
    %add3A_92 = arith.constant 9920 : i32
    %add3A_93 = arith.addi %mul3A_4, %add3A_92 : i32
    %dma_start3A_94 = arith.constant 0 : i32
    %dma_start3A_95 = arith.constant 0 : i32
    %dma_start3A_96 = tpu.memref_slice %arg2[%dma_start3A_94, %dma_start3A_95] : memref<10000x128xf32, #tpu.memory_space<hbm>> -> memref<10000x128xf32, #tpu.memory_space<hbm>>
    tpu.enqueue_indirect_dma source(%dma_start3A_96 : memref<10000x128xf32, #tpu.memory_space<hbm>>) target(%arg32 : memref<40x128xf32, #tpu.memory_space<vmem>>) offsets(%arg30 : memref<40xi32, #tpu.memory_space<vmem>>) semaphore(%arg36 : memref<!tpu.dma_semaphore, #tpu.memory_space<semaphore_mem>>)
    %dma_start3A_97 = arith.constant 0 : i32
    %dma_start3A_98 = arith.constant 0 : i32
    %dma_start3A_99 = tpu.memref_slice %arg3[%dma_start3A_97, %dma_start3A_98] : memref<10000x128xf32, #tpu.memory_space<hbm>> -> memref<10000x128xf32, #tpu.memory_space<hbm>>
    tpu.enqueue_indirect_dma source(%dma_start3A_99 : memref<10000x128xf32, #tpu.memory_space<hbm>>) target(%arg33 : memref<40x128xf32, #tpu.memory_space<vmem>>) offsets(%arg31 : memref<40xi32, #tpu.memory_space<vmem>>) semaphore(%arg37 : memref<!tpu.dma_semaphore, #tpu.memory_space<semaphore_mem>>)
    %dma_start3A_100 = arith.constant 0 : i32
    %dma_start3A_101 = tpu.memref_slice %arg4[%add3A_93, %dma_start3A_100] : memref<320000x64xi32, #tpu.memory_space<hbm>> -> memref<40x64xi32, #tpu.memory_space<hbm>>
    %dma_start3A_102 = arith.constant 0 : i32
    %dma_start3A_103 = tpu.memref_slice %arg4[%add3A_93, %dma_start3A_102] : memref<320000x64xi32, #tpu.memory_space<hbm>> -> memref<40x64xi32, #tpu.memory_space<hbm>>
    tpu.enqueue_dma source(%dma_start3A_103 : memref<40x64xi32, #tpu.memory_space<hbm>>) target(%arg34 : memref<40x64xi32, #tpu.memory_space<vmem>>) target_semaphore(%arg38 : memref<!tpu.dma_semaphore, #tpu.memory_space<semaphore_mem>>)
    %add3A_104 = arith.constant 9880 : i32
    %add3A_105 = arith.addi %mul3A_4, %add3A_104 : i32
    %dma_wait3A_106 = arith.constant 0 : i32
    %dma_wait3A_107 = arith.constant 0 : i32
    %dma_wait3A_108 = tpu.memref_slice %arg2[%dma_wait3A_106, %dma_wait3A_107] : memref<10000x128xf32, #tpu.memory_space<hbm>> -> memref<10000x128xf32, #tpu.memory_space<hbm>>
    tpu.wait_indirect_dma semaphore(%arg26 : memref<!tpu.dma_semaphore, #tpu.memory_space<semaphore_mem>>) src(%dma_wait3A_108 : memref<10000x128xf32, #tpu.memory_space<hbm>>) dst(%arg22 : memref<40x128xf32, #tpu.memory_space<vmem>>)
    %dma_wait3A_109 = arith.constant 0 : i32
    %dma_wait3A_110 = arith.constant 0 : i32
    %dma_wait3A_111 = tpu.memref_slice %arg3[%dma_wait3A_109, %dma_wait3A_110] : memref<10000x128xf32, #tpu.memory_space<hbm>> -> memref<10000x128xf32, #tpu.memory_space<hbm>>
    tpu.wait_indirect_dma semaphore(%arg27 : memref<!tpu.dma_semaphore, #tpu.memory_space<semaphore_mem>>) src(%dma_wait3A_111 : memref<10000x128xf32, #tpu.memory_space<hbm>>) dst(%arg23 : memref<40x128xf32, #tpu.memory_space<vmem>>)
    %dma_wait3A_112 = arith.constant 0 : i32
    %dma_wait3A_113 = tpu.memref_slice %arg4[%add3A_105, %dma_wait3A_112] : memref<320000x64xi32, #tpu.memory_space<hbm>> -> memref<40x64xi32, #tpu.memory_space<hbm>>
    %dma_wait3A_114 = arith.constant 0 : i32
    %dma_wait3A_115 = tpu.memref_slice %arg4[%add3A_105, %dma_wait3A_114] : memref<320000x64xi32, #tpu.memory_space<hbm>> -> memref<40x64xi32, #tpu.memory_space<hbm>>
    tpu.wait_dma2 semaphore(%arg28 : memref<!tpu.dma_semaphore, #tpu.memory_space<semaphore_mem>>) src(%dma_wait3A_115 : memref<40x64xi32, #tpu.memory_space<hbm>>) dst(%arg24 : memref<40x64xi32, #tpu.memory_space<vmem>>)
    %scan3A_116 = arith.constant 0 : i32
    %scan3A_117 = arith.constant 0 : i32
    %scan3A_118 = arith.constant 20 : i32
    %scan3A_119 = arith.addi %scan3A_117, %scan3A_118 : i32
    %scan3A_120 = arith.constant 1 : i32
    scf.for %scan3A_204 = %scan3A_117 to %scan3A_119 step %scan3A_120  : i32 {
      %mul3A_205 = arith.constant 2 : i32
      %mul3A_206 = arith.muli %mul3A_205, %scan3A_204 : i32
      %add3A_207 = arith.constant 0 : i32
      %add3A_208 = arith.addi %mul3A_206, %add3A_207 : i32
      %get3A = arith.index_cast %add3A_208 : i32 to index
      %get3A_209 = arith.constant 0 : index
      %get3A_210 = tpu.vector_load %arg24[%get3A, %get3A_209] {strides = array<i32>} : memref<40x64xi32, #tpu.memory_space<vmem>>, vector<1x16xi32>,
      %get3A_211 = vector.shape_cast %get3A_210 : vector<1x16xi32> to vector<16xi32>
      %get3A_212 = arith.index_cast %add3A_208 : i32 to index
      %get3A_213 = arith.constant 0 : index
      %get3A_214 = tpu.vector_load %arg22[%get3A_212, %get3A_213] {strides = array<i32>} : memref<40x128xf32, #tpu.memory_space<vmem>>, vector<1x16xf32>,
      %get3A_215 = vector.shape_cast %get3A_214 : vector<1x16xf32> to vector<16xf32>
      %get3A_216 = arith.index_cast %add3A_208 : i32 to index
      %get3A_217 = arith.constant 0 : index
      %get3A_218 = tpu.vector_load %arg23[%get3A_216, %get3A_217] {strides = array<i32>} : memref<40x128xf32, #tpu.memory_space<vmem>>, vector<1x16xf32>,
      %get3A_219 = vector.shape_cast %get3A_218 : vector<1x16xf32> to vector<16xf32>
      %add3A_220 = arith.addf %get3A_215, %get3A_219 : vector<16xf32>
      %shift_left3A = arith.shli %get3A_211, %broadcast_in_dim3A_7 : vector<16xi32>
      %bitcast_convert_type3A = tpu.bitcast %shift_left3A : vector<16xi32> -> vector<16xf32>
      %add3A_221 = arith.addf %add3A_220, %bitcast_convert_type3A : vector<16xf32>
      %get3A_222 = arith.index_cast %add3A_208 : i32 to index
      %get3A_223 = arith.constant 64 : index
      %get3A_224 = tpu.vector_load %arg22[%get3A_222, %get3A_223] {strides = array<i32>} : memref<40x128xf32, #tpu.memory_space<vmem>>, vector<1x16xf32>,
      %get3A_225 = vector.shape_cast %get3A_224 : vector<1x16xf32> to vector<16xf32>
      %get3A_226 = arith.index_cast %add3A_208 : i32 to index
      %get3A_227 = arith.constant 64 : index
      %get3A_228 = tpu.vector_load %arg23[%get3A_226, %get3A_227] {strides = array<i32>} : memref<40x128xf32, #tpu.memory_space<vmem>>, vector<1x16xf32>,
      %get3A_229 = vector.shape_cast %get3A_228 : vector<1x16xf32> to vector<16xf32>
      %add3A_230 = arith.addf %get3A_225, %get3A_229 : vector<16xf32>
      %and3A = arith.andi %get3A_211, %broadcast_in_dim3A_5 : vector<16xi32>
      %bitcast_convert_type3A_231 = tpu.bitcast %and3A : vector<16xi32> -> vector<16xf32>
      %add3A_232 = arith.addf %add3A_230, %bitcast_convert_type3A_231 : vector<16xf32>
      %max3A = arith.constant 0.000000e+00 : f32
      %max3A_233 = vector.broadcast %max3A : f32 to vector<16xf32>
      %max3A_234 = arith.maximumf %add3A_221, %max3A_233 : vector<16xf32>
      %swap3A = arith.index_cast %add3A_208 : i32 to index
      %swap3A_235 = arith.constant 0 : index
      %swap3A_236 = tpu.vector_load %arg22[%swap3A, %swap3A_235] {strides = array<i32>} : memref<40x128xf32, #tpu.memory_space<vmem>>, vector<1x16xf32>,
      %swap3A_237 = vector.shape_cast %swap3A_236 : vector<1x16xf32> to vector<16xf32>
      %swap3A_238 = vector.shape_cast %max3A_234 : vector<16xf32> to vector<1x16xf32>
      tpu.vector_store %arg22[%swap3A, %swap3A_235], %swap3A_238 {strides = array<i32>} : memref<40x128xf32, #tpu.memory_space<vmem>>, vector<1x16xf32>,
      %max3A_239 = arith.constant 0.000000e+00 : f32
      %max3A_240 = vector.broadcast %max3A_239 : f32 to vector<16xf32>
      %max3A_241 = arith.maximumf %add3A_232, %max3A_240 : vector<16xf32>
      %swap3A_242 = arith.index_cast %add3A_208 : i32 to index
      %swap3A_243 = arith.constant 64 : index
      %swap3A_244 = tpu.vector_load %arg22[%swap3A_242, %swap3A_243] {strides = array<i32>} : memref<40x128xf32, #tpu.memory_space<vmem>>, vector<1x16xf32>,
      %swap3A_245 = vector.shape_cast %swap3A_244 : vector<1x16xf32> to vector<16xf32>
      %swap3A_246 = vector.shape_cast %max3A_241 : vector<16xf32> to vector<1x16xf32>
      tpu.vector_store %arg22[%swap3A_242, %swap3A_243], %swap3A_246 {strides = array<i32>} : memref<40x128xf32, #tpu.memory_space<vmem>>, vector<1x16xf32>,
      %get3A_247 = arith.index_cast %add3A_208 : i32 to index
      %get3A_248 = arith.constant 16 : index
      %get3A_249 = tpu.vector_load %arg24[%get3A_247, %get3A_248] {strides = array<i32>} : memref<40x64xi32, #tpu.memory_space<vmem>>, vector<1x16xi32>,
      %get3A_250 = vector.shape_cast %get3A_249 : vector<1x16xi32> to vector<16xi32>
      %get3A_251 = arith.index_cast %add3A_208 : i32 to index
      %get3A_252 = arith.constant 16 : index
      %get3A_253 = tpu.vector_load %arg22[%get3A_251, %get3A_252] {strides = array<i32>} : memref<40x128xf32, #tpu.memory_space<vmem>>, vector<1x16xf32>,
      %get3A_254 = vector.shape_cast %get3A_253 : vector<1x16xf32> to vector<16xf32>
      %get3A_255 = arith.index_cast %add3A_208 : i32 to index
      %get3A_256 = arith.constant 16 : index
      %get3A_257 = tpu.vector_load %arg23[%get3A_255, %get3A_256] {strides = array<i32>} : memref<40x128xf32, #tpu.memory_space<vmem>>, vector<1x16xf32>,
      %get3A_258 = vector.shape_cast %get3A_257 : vector<1x16xf32> to vector<16xf32>
      %add3A_259 = arith.addf %get3A_254, %get3A_258 : vector<16xf32>
      %shift_left3A_260 = arith.shli %get3A_250, %broadcast_in_dim3A_7 : vector<16xi32>
      %bitcast_convert_type3A_261 = tpu.bitcast %shift_left3A_260 : vector<16xi32> -> vector<16xf32>
      %add3A_262 = arith.addf %add3A_259, %bitcast_convert_type3A_261 : vector<16xf32>
      %get3A_263 = arith.index_cast %add3A_208 : i32 to index
      %get3A_264 = arith.constant 80 : index
      %get3A_265 = tpu.vector_load %arg22[%get3A_263, %get3A_264] {strides = array<i32>} : memref<40x128xf32, #tpu.memory_space<vmem>>, vector<1x16xf32>,
      %get3A_266 = vector.shape_cast %get3A_265 : vector<1x16xf32> to vector<16xf32>
      %get3A_267 = arith.index_cast %add3A_208 : i32 to index
      %get3A_268 = arith.constant 80 : index
      %get3A_269 = tpu.vector_load %arg23[%get3A_267, %get3A_268] {strides = array<i32>} : memref<40x128xf32, #tpu.memory_space<vmem>>, vector<1x16xf32>,
      %get3A_270 = vector.shape_cast %get3A_269 : vector<1x16xf32> to vector<16xf32>
      %add3A_271 = arith.addf %get3A_266, %get3A_270 : vector<16xf32>
      %and3A_272 = arith.andi %get3A_250, %broadcast_in_dim3A_5 : vector<16xi32>
      %bitcast_convert_type3A_273 = tpu.bitcast %and3A_272 : vector<16xi32> -> vector<16xf32>
      %add3A_274 = arith.addf %add3A_271, %bitcast_convert_type3A_273 : vector<16xf32>
      %max3A_275 = arith.constant 0.000000e+00 : f32
      %max3A_276 = vector.broadcast %max3A_275 : f32 to vector<16xf32>
      %max3A_277 = arith.maximumf %add3A_262, %max3A_276 : vector<16xf32>
      %swap3A_278 = arith.index_cast %add3A_208 : i32 to index
      %swap3A_279 = arith.constant 16 : index
      %swap3A_280 = tpu.vector_load %arg22[%swap3A_278, %swap3A_279] {strides = array<i32>} : memref<40x128xf32, #tpu.memory_space<vmem>>, vector<1x16xf32>,
      %swap3A_281 = vector.shape_cast %swap3A_280 : vector<1x16xf32> to vector<16xf32>
      %swap3A_282 = vector.shape_cast %max3A_277 : vector<16xf32> to vector<1x16xf32>
      tpu.vector_store %arg22[%swap3A_278, %swap3A_279], %swap3A_282 {strides = array<i32>} : memref<40x128xf32, #tpu.memory_space<vmem>>, vector<1x16xf32>,
      %max3A_283 = arith.constant 0.000000e+00 : f32
      %max3A_284 = vector.broadcast %max3A_283 : f32 to vector<16xf32>
      %max3A_285 = arith.maximumf %add3A_274, %max3A_284 : vector<16xf32>
      %swap3A_286 = arith.index_cast %add3A_208 : i32 to index
      %swap3A_287 = arith.constant 80 : index
      %swap3A_288 = tpu.vector_load %arg22[%swap3A_286, %swap3A_287] {strides = array<i32>} : memref<40x128xf32, #tpu.memory_space<vmem>>, vector<1x16xf32>,
      %swap3A_289 = vector.shape_cast %swap3A_288 : vector<1x16xf32> to vector<16xf32>
      %swap3A_290 = vector.shape_cast %max3A_285 : vector<16xf32> to vector<1x16xf32>
      tpu.vector_store %arg22[%swap3A_286, %swap3A_287], %swap3A_290 {strides = array<i32>} : memref<40x128xf32, #tpu.memory_space<vmem>>, vector<1x16xf32>,
      %get3A_291 = arith.index_cast %add3A_208 : i32 to index
      %get3A_292 = arith.constant 32 : index
      %get3A_293 = tpu.vector_load %arg24[%get3A_291, %get3A_292] {strides = array<i32>} : memref<40x64xi32, #tpu.memory_space<vmem>>, vector<1x16xi32>,
      %get3A_294 = vector.shape_cast %get3A_293 : vector<1x16xi32> to vector<16xi32>
      %get3A_295 = arith.index_cast %add3A_208 : i32 to index
      %get3A_296 = arith.constant 32 : index
      %get3A_297 = tpu.vector_load %arg22[%get3A_295, %get3A_296] {strides = array<i32>} : memref<40x128xf32, #tpu.memory_space<vmem>>, vector<1x16xf32>,
      %get3A_298 = vector.shape_cast %get3A_297 : vector<1x16xf32> to vector<16xf32>
      %get3A_299 = arith.index_cast %add3A_208 : i32 to index
      %get3A_300 = arith.constant 32 : index
      %get3A_301 = tpu.vector_load %arg23[%get3A_299, %get3A_300] {strides = array<i32>} : memref<40x128xf32, #tpu.memory_space<vmem>>, vector<1x16xf32>,
      %get3A_302 = vector.shape_cast %get3A_301 : vector<1x16xf32> to vector<16xf32>
      %add3A_303 = arith.addf %get3A_298, %get3A_302 : vector<16xf32>
      %shift_left3A_304 = arith.shli %get3A_294, %broadcast_in_dim3A_7 : vector<16xi32>
      %bitcast_convert_type3A_305 = tpu.bitcast %shift_left3A_304 : vector<16xi32> -> vector<16xf32>
      %add3A_306 = arith.addf %add3A_303, %bitcast_convert_type3A_305 : vector<16xf32>
      %get3A_307 = arith.index_cast %add3A_208 : i32 to index
      %get3A_308 = arith.constant 96 : index
      %get3A_309 = tpu.vector_load %arg22[%get3A_307, %get3A_308] {strides = array<i32>} : memref<40x128xf32, #tpu.memory_space<vmem>>, vector<1x16xf32>,
      %get3A_310 = vector.shape_cast %get3A_309 : vector<1x16xf32> to vector<16xf32>
      %get3A_311 = arith.index_cast %add3A_208 : i32 to index
      %get3A_312 = arith.constant 96 : index
      %get3A_313 = tpu.vector_load %arg23[%get3A_311, %get3A_312] {strides = array<i32>} : memref<40x128xf32, #tpu.memory_space<vmem>>, vector<1x16xf32>,
      %get3A_314 = vector.shape_cast %get3A_313 : vector<1x16xf32> to vector<16xf32>
      %add3A_315 = arith.addf %get3A_310, %get3A_314 : vector<16xf32>
      %and3A_316 = arith.andi %get3A_294, %broadcast_in_dim3A_5 : vector<16xi32>
      %bitcast_convert_type3A_317 = tpu.bitcast %and3A_316 : vector<16xi32> -> vector<16xf32>
      %add3A_318 = arith.addf %add3A_315, %bitcast_convert_type3A_317 : vector<16xf32>
      %max3A_319 = arith.constant 0.000000e+00 : f32
      %max3A_320 = vector.broadcast %max3A_319 : f32 to vector<16xf32>
      %max3A_321 = arith.maximumf %add3A_306, %max3A_320 : vector<16xf32>
      %swap3A_322 = arith.index_cast %add3A_208 : i32 to index
      %swap3A_323 = arith.constant 32 : index
      %swap3A_324 = tpu.vector_load %arg22[%swap3A_322, %swap3A_323] {strides = array<i32>} : memref<40x128xf32, #tpu.memory_space<vmem>>, vector<1x16xf32>,
      %swap3A_325 = vector.shape_cast %swap3A_324 : vector<1x16xf32> to vector<16xf32>
      %swap3A_326 = vector.shape_cast %max3A_321 : vector<16xf32> to vector<1x16xf32>
      tpu.vector_store %arg22[%swap3A_322, %swap3A_323], %swap3A_326 {strides = array<i32>} : memref<40x128xf32, #tpu.memory_space<vmem>>, vector<1x16xf32>,
      %max3A_327 = arith.constant 0.000000e+00 : f32
      %max3A_328 = vector.broadcast %max3A_327 : f32 to vector<16xf32>
      %max3A_329 = arith.maximumf %add3A_318, %max3A_328 : vector<16xf32>
      %swap3A_330 = arith.index_cast %add3A_208 : i32 to index
      %swap3A_331 = arith.constant 96 : index
      %swap3A_332 = tpu.vector_load %arg22[%swap3A_330, %swap3A_331] {strides = array<i32>} : memref<40x128xf32, #tpu.memory_space<vmem>>, vector<1x16xf32>,
      %swap3A_333 = vector.shape_cast %swap3A_332 : vector<1x16xf32> to vector<16xf32>
      %swap3A_334 = vector.shape_cast %max3A_329 : vector<16xf32> to vector<1x16xf32>
      tpu.vector_store %arg22[%swap3A_330, %swap3A_331], %swap3A_334 {strides = array<i32>} : memref<40x128xf32, #tpu.memory_space<vmem>>, vector<1x16xf32>,
      %get3A_335 = arith.index_cast %add3A_208 : i32 to index
      %get3A_336 = arith.constant 48 : index
      %get3A_337 = tpu.vector_load %arg24[%get3A_335, %get3A_336] {strides = array<i32>} : memref<40x64xi32, #tpu.memory_space<vmem>>, vector<1x16xi32>,
      %get3A_338 = vector.shape_cast %get3A_337 : vector<1x16xi32> to vector<16xi32>
      %get3A_339 = arith.index_cast %add3A_208 : i32 to index
      %get3A_340 = arith.constant 48 : index
      %get3A_341 = tpu.vector_load %arg22[%get3A_339, %get3A_340] {strides = array<i32>} : memref<40x128xf32, #tpu.memory_space<vmem>>, vector<1x16xf32>,
      %get3A_342 = vector.shape_cast %get3A_341 : vector<1x16xf32> to vector<16xf32>
      %get3A_343 = arith.index_cast %add3A_208 : i32 to index
      %get3A_344 = arith.constant 48 : index
      %get3A_345 = tpu.vector_load %arg23[%get3A_343, %get3A_344] {strides = array<i32>} : memref<40x128xf32, #tpu.memory_space<vmem>>, vector<1x16xf32>,
      %get3A_346 = vector.shape_cast %get3A_345 : vector<1x16xf32> to vector<16xf32>
      %add3A_347 = arith.addf %get3A_342, %get3A_346 : vector<16xf32>
      %shift_left3A_348 = arith.shli %get3A_338, %broadcast_in_dim3A_7 : vector<16xi32>
      %bitcast_convert_type3A_349 = tpu.bitcast %shift_left3A_348 : vector<16xi32> -> vector<16xf32>
      %add3A_350 = arith.addf %add3A_347, %bitcast_convert_type3A_349 : vector<16xf32>
      %get3A_351 = arith.index_cast %add3A_208 : i32 to index
      %get3A_352 = arith.constant 112 : index
      %get3A_353 = tpu.vector_load %arg22[%get3A_351, %get3A_352] {strides = array<i32>} : memref<40x128xf32, #tpu.memory_space<vmem>>, vector<1x16xf32>,
      %get3A_354 = vector.shape_cast %get3A_353 : vector<1x16xf32> to vector<16xf32>
      %get3A_355 = arith.index_cast %add3A_208 : i32 to index
      %get3A_356 = arith.constant 112 : index
      %get3A_357 = tpu.vector_load %arg23[%get3A_355, %get3A_356] {strides = array<i32>} : memref<40x128xf32, #tpu.memory_space<vmem>>, vector<1x16xf32>,
      %get3A_358 = vector.shape_cast %get3A_357 : vector<1x16xf32> to vector<16xf32>
      %add3A_359 = arith.addf %get3A_354, %get3A_358 : vector<16xf32>
      %and3A_360 = arith.andi %get3A_338, %broadcast_in_dim3A_5 : vector<16xi32>
      %bitcast_convert_type3A_361 = tpu.bitcast %and3A_360 : vector<16xi32> -> vector<16xf32>
      %add3A_362 = arith.addf %add3A_359, %bitcast_convert_type3A_361 : vector<16xf32>
      %max3A_363 = arith.constant 0.000000e+00 : f32
      %max3A_364 = vector.broadcast %max3A_363 : f32 to vector<16xf32>
      %max3A_365 = arith.maximumf %add3A_350, %max3A_364 : vector<16xf32>
      %swap3A_366 = arith.index_cast %add3A_208 : i32 to index
      %swap3A_367 = arith.constant 48 : index
      %swap3A_368 = tpu.vector_load %arg22[%swap3A_366, %swap3A_367] {strides = array<i32>} : memref<40x128xf32, #tpu.memory_space<vmem>>, vector<1x16xf32>,
      %swap3A_369 = vector.shape_cast %swap3A_368 : vector<1x16xf32> to vector<16xf32>
      %swap3A_370 = vector.shape_cast %max3A_365 : vector<16xf32> to vector<1x16xf32>
      tpu.vector_store %arg22[%swap3A_366, %swap3A_367], %swap3A_370 {strides = array<i32>} : memref<40x128xf32, #tpu.memory_space<vmem>>, vector<1x16xf32>,
      %max3A_371 = arith.constant 0.000000e+00 : f32
      %max3A_372 = vector.broadcast %max3A_371 : f32 to vector<16xf32>
      %max3A_373 = arith.maximumf %add3A_362, %max3A_372 : vector<16xf32>
      %swap3A_374 = arith.index_cast %add3A_208 : i32 to index
      %swap3A_375 = arith.constant 112 : index
      %swap3A_376 = tpu.vector_load %arg22[%swap3A_374, %swap3A_375] {strides = array<i32>} : memref<40x128xf32, #tpu.memory_space<vmem>>, vector<1x16xf32>,
      %swap3A_377 = vector.shape_cast %swap3A_376 : vector<1x16xf32> to vector<16xf32>
      %swap3A_378 = vector.shape_cast %max3A_373 : vector<16xf32> to vector<1x16xf32>
      tpu.vector_store %arg22[%swap3A_374, %swap3A_375], %swap3A_378 {strides = array<i32>} : memref<40x128xf32, #tpu.memory_space<vmem>>, vector<1x16xf32>,
      %mul3A_379 = arith.constant 2 : i32
      %mul3A_380 = arith.muli %mul3A_379, %scan3A_204 : i32
      %add3A_381 = arith.constant 1 : i32
      %add3A_382 = arith.addi %mul3A_380, %add3A_381 : i32
      %get3A_383 = arith.index_cast %add3A_382 : i32 to index
      %get3A_384 = arith.constant 0 : index
      %get3A_385 = tpu.vector_load %arg24[%get3A_383, %get3A_384] {strides = array<i32>} : memref<40x64xi32, #tpu.memory_space<vmem>>, vector<1x16xi32>,
      %get3A_386 = vector.shape_cast %get3A_385 : vector<1x16xi32> to vector<16xi32>
      %get3A_387 = arith.index_cast %add3A_382 : i32 to index
      %get3A_388 = arith.constant 0 : index
      %get3A_389 = tpu.vector_load %arg22[%get3A_387, %get3A_388] {strides = array<i32>} : memref<40x128xf32, #tpu.memory_space<vmem>>, vector<1x16xf32>,
      %get3A_390 = vector.shape_cast %get3A_389 : vector<1x16xf32> to vector<16xf32>
      %get3A_391 = arith.index_cast %add3A_382 : i32 to index
      %get3A_392 = arith.constant 0 : index
      %get3A_393 = tpu.vector_load %arg23[%get3A_391, %get3A_392] {strides = array<i32>} : memref<40x128xf32, #tpu.memory_space<vmem>>, vector<1x16xf32>,
      %get3A_394 = vector.shape_cast %get3A_393 : vector<1x16xf32> to vector<16xf32>
      %add3A_395 = arith.addf %get3A_390, %get3A_394 : vector<16xf32>
      %shift_left3A_396 = arith.shli %get3A_386, %broadcast_in_dim3A_7 : vector<16xi32>
      %bitcast_convert_type3A_397 = tpu.bitcast %shift_left3A_396 : vector<16xi32> -> vector<16xf32>
      %add3A_398 = arith.addf %add3A_395, %bitcast_convert_type3A_397 : vector<16xf32>
      %get3A_399 = arith.index_cast %add3A_382 : i32 to index
      %get3A_400 = arith.constant 64 : index
      %get3A_401 = tpu.vector_load %arg22[%get3A_399, %get3A_400] {strides = array<i32>} : memref<40x128xf32, #tpu.memory_space<vmem>>, vector<1x16xf32>,
      %get3A_402 = vector.shape_cast %get3A_401 : vector<1x16xf32> to vector<16xf32>
      %get3A_403 = arith.index_cast %add3A_382 : i32 to index
      %get3A_404 = arith.constant 64 : index
      %get3A_405 = tpu.vector_load %arg23[%get3A_403, %get3A_404] {strides = array<i32>} : memref<40x128xf32, #tpu.memory_space<vmem>>, vector<1x16xf32>,
      %get3A_406 = vector.shape_cast %get3A_405 : vector<1x16xf32> to vector<16xf32>
      %add3A_407 = arith.addf %get3A_402, %get3A_406 : vector<16xf32>
      %and3A_408 = arith.andi %get3A_386, %broadcast_in_dim3A_5 : vector<16xi32>
      %bitcast_convert_type3A_409 = tpu.bitcast %and3A_408 : vector<16xi32> -> vector<16xf32>
      %add3A_410 = arith.addf %add3A_407, %bitcast_convert_type3A_409 : vector<16xf32>
      %max3A_411 = arith.constant 0.000000e+00 : f32
      %max3A_412 = vector.broadcast %max3A_411 : f32 to vector<16xf32>
      %max3A_413 = arith.maximumf %add3A_398, %max3A_412 : vector<16xf32>
      %swap3A_414 = arith.index_cast %add3A_382 : i32 to index
      %swap3A_415 = arith.constant 0 : index
      %swap3A_416 = tpu.vector_load %arg22[%swap3A_414, %swap3A_415] {strides = array<i32>} : memref<40x128xf32, #tpu.memory_space<vmem>>, vector<1x16xf32>,
      %swap3A_417 = vector.shape_cast %swap3A_416 : vector<1x16xf32> to vector<16xf32>
      %swap3A_418 = vector.shape_cast %max3A_413 : vector<16xf32> to vector<1x16xf32>
      tpu.vector_store %arg22[%swap3A_414, %swap3A_415], %swap3A_418 {strides = array<i32>} : memref<40x128xf32, #tpu.memory_space<vmem>>, vector<1x16xf32>,
      %max3A_419 = arith.constant 0.000000e+00 : f32
      %max3A_420 = vector.broadcast %max3A_419 : f32 to vector<16xf32>
      %max3A_421 = arith.maximumf %add3A_410, %max3A_420 : vector<16xf32>
      %swap3A_422 = arith.index_cast %add3A_382 : i32 to index
      %swap3A_423 = arith.constant 64 : index
      %swap3A_424 = tpu.vector_load %arg22[%swap3A_422, %swap3A_423] {strides = array<i32>} : memref<40x128xf32, #tpu.memory_space<vmem>>, vector<1x16xf32>,
      %swap3A_425 = vector.shape_cast %swap3A_424 : vector<1x16xf32> to vector<16xf32>
      %swap3A_426 = vector.shape_cast %max3A_421 : vector<16xf32> to vector<1x16xf32>
      tpu.vector_store %arg22[%swap3A_422, %swap3A_423], %swap3A_426 {strides = array<i32>} : memref<40x128xf32, #tpu.memory_space<vmem>>, vector<1x16xf32>,
      %get3A_427 = arith.index_cast %add3A_382 : i32 to index
      %get3A_428 = arith.constant 16 : index
      %get3A_429 = tpu.vector_load %arg24[%get3A_427, %get3A_428] {strides = array<i32>} : memref<40x64xi32, #tpu.memory_space<vmem>>, vector<1x16xi32>,
      %get3A_430 = vector.shape_cast %get3A_429 : vector<1x16xi32> to vector<16xi32>
      %get3A_431 = arith.index_cast %add3A_382 : i32 to index
      %get3A_432 = arith.constant 16 : index
      %get3A_433 = tpu.vector_load %arg22[%get3A_431, %get3A_432] {strides = array<i32>} : memref<40x128xf32, #tpu.memory_space<vmem>>, vector<1x16xf32>,
      %get3A_434 = vector.shape_cast %get3A_433 : vector<1x16xf32> to vector<16xf32>
      %get3A_435 = arith.index_cast %add3A_382 : i32 to index
      %get3A_436 = arith.constant 16 : index
      %get3A_437 = tpu.vector_load %arg23[%get3A_435, %get3A_436] {strides = array<i32>} : memref<40x128xf32, #tpu.memory_space<vmem>>, vector<1x16xf32>,
      %get3A_438 = vector.shape_cast %get3A_437 : vector<1x16xf32> to vector<16xf32>
      %add3A_439 = arith.addf %get3A_434, %get3A_438 : vector<16xf32>
      %shift_left3A_440 = arith.shli %get3A_430, %broadcast_in_dim3A_7 : vector<16xi32>
      %bitcast_convert_type3A_441 = tpu.bitcast %shift_left3A_440 : vector<16xi32> -> vector<16xf32>
      %add3A_442 = arith.addf %add3A_439, %bitcast_convert_type3A_441 : vector<16xf32>
      %get3A_443 = arith.index_cast %add3A_382 : i32 to index
      %get3A_444 = arith.constant 80 : index
      %get3A_445 = tpu.vector_load %arg22[%get3A_443, %get3A_444] {strides = array<i32>} : memref<40x128xf32, #tpu.memory_space<vmem>>, vector<1x16xf32>,
      %get3A_446 = vector.shape_cast %get3A_445 : vector<1x16xf32> to vector<16xf32>
      %get3A_447 = arith.index_cast %add3A_382 : i32 to index
      %get3A_448 = arith.constant 80 : index
      %get3A_449 = tpu.vector_load %arg23[%get3A_447, %get3A_448] {strides = array<i32>} : memref<40x128xf32, #tpu.memory_space<vmem>>, vector<1x16xf32>,
      %get3A_450 = vector.shape_cast %get3A_449 : vector<1x16xf32> to vector<16xf32>
      %add3A_451 = arith.addf %get3A_446, %get3A_450 : vector<16xf32>
      %and3A_452 = arith.andi %get3A_430, %broadcast_in_dim3A_5 : vector<16xi32>
      %bitcast_convert_type3A_453 = tpu.bitcast %and3A_452 : vector<16xi32> -> vector<16xf32>
      %add3A_454 = arith.addf %add3A_451, %bitcast_convert_type3A_453 : vector<16xf32>
      %max3A_455 = arith.constant 0.000000e+00 : f32
      %max3A_456 = vector.broadcast %max3A_455 : f32 to vector<16xf32>
      %max3A_457 = arith.maximumf %add3A_442, %max3A_456 : vector<16xf32>
      %swap3A_458 = arith.index_cast %add3A_382 : i32 to index
      %swap3A_459 = arith.constant 16 : index
      %swap3A_460 = tpu.vector_load %arg22[%swap3A_458, %swap3A_459] {strides = array<i32>} : memref<40x128xf32, #tpu.memory_space<vmem>>, vector<1x16xf32>,
      %swap3A_461 = vector.shape_cast %swap3A_460 : vector<1x16xf32> to vector<16xf32>
      %swap3A_462 = vector.shape_cast %max3A_457 : vector<16xf32> to vector<1x16xf32>
      tpu.vector_store %arg22[%swap3A_458, %swap3A_459], %swap3A_462 {strides = array<i32>} : memref<40x128xf32, #tpu.memory_space<vmem>>, vector<1x16xf32>,
      %max3A_463 = arith.constant 0.000000e+00 : f32
      %max3A_464 = vector.broadcast %max3A_463 : f32 to vector<16xf32>
      %max3A_465 = arith.maximumf %add3A_454, %max3A_464 : vector<16xf32>
      %swap3A_466 = arith.index_cast %add3A_382 : i32 to index
      %swap3A_467 = arith.constant 80 : index
      %swap3A_468 = tpu.vector_load %arg22[%swap3A_466, %swap3A_467] {strides = array<i32>} : memref<40x128xf32, #tpu.memory_space<vmem>>, vector<1x16xf32>,
      %swap3A_469 = vector.shape_cast %swap3A_468 : vector<1x16xf32> to vector<16xf32>
      %swap3A_470 = vector.shape_cast %max3A_465 : vector<16xf32> to vector<1x16xf32>
      tpu.vector_store %arg22[%swap3A_466, %swap3A_467], %swap3A_470 {strides = array<i32>} : memref<40x128xf32, #tpu.memory_space<vmem>>, vector<1x16xf32>,
      %get3A_471 = arith.index_cast %add3A_382 : i32 to index
      %get3A_472 = arith.constant 32 : index
      %get3A_473 = tpu.vector_load %arg24[%get3A_471, %get3A_472] {strides = array<i32>} : memref<40x64xi32, #tpu.memory_space<vmem>>, vector<1x16xi32>,
      %get3A_474 = vector.shape_cast %get3A_473 : vector<1x16xi32> to vector<16xi32>
      %get3A_475 = arith.index_cast %add3A_382 : i32 to index
      %get3A_476 = arith.constant 32 : index
      %get3A_477 = tpu.vector_load %arg22[%get3A_475, %get3A_476] {strides = array<i32>} : memref<40x128xf32, #tpu.memory_space<vmem>>, vector<1x16xf32>,
      %get3A_478 = vector.shape_cast %get3A_477 : vector<1x16xf32> to vector<16xf32>
      %get3A_479 = arith.index_cast %add3A_382 : i32 to index
      %get3A_480 = arith.constant 32 : index
      %get3A_481 = tpu.vector_load %arg23[%get3A_479, %get3A_480] {strides = array<i32>} : memref<40x128xf32, #tpu.memory_space<vmem>>, vector<1x16xf32>,
      %get3A_482 = vector.shape_cast %get3A_481 : vector<1x16xf32> to vector<16xf32>
      %add3A_483 = arith.addf %get3A_478, %get3A_482 : vector<16xf32>
      %shift_left3A_484 = arith.shli %get3A_474, %broadcast_in_dim3A_7 : vector<16xi32>
      %bitcast_convert_type3A_485 = tpu.bitcast %shift_left3A_484 : vector<16xi32> -> vector<16xf32>
      %add3A_486 = arith.addf %add3A_483, %bitcast_convert_type3A_485 : vector<16xf32>
      %get3A_487 = arith.index_cast %add3A_382 : i32 to index
      %get3A_488 = arith.constant 96 : index
      %get3A_489 = tpu.vector_load %arg22[%get3A_487, %get3A_488] {strides = array<i32>} : memref<40x128xf32, #tpu.memory_space<vmem>>, vector<1x16xf32>,
      %get3A_490 = vector.shape_cast %get3A_489 : vector<1x16xf32> to vector<16xf32>
      %get3A_491 = arith.index_cast %add3A_382 : i32 to index
      %get3A_492 = arith.constant 96 : index
      %get3A_493 = tpu.vector_load %arg23[%get3A_491, %get3A_492] {strides = array<i32>} : memref<40x128xf32, #tpu.memory_space<vmem>>, vector<1x16xf32>,
      %get3A_494 = vector.shape_cast %get3A_493 : vector<1x16xf32> to vector<16xf32>
      %add3A_495 = arith.addf %get3A_490, %get3A_494 : vector<16xf32>
      %and3A_496 = arith.andi %get3A_474, %broadcast_in_dim3A_5 : vector<16xi32>
      %bitcast_convert_type3A_497 = tpu.bitcast %and3A_496 : vector<16xi32> -> vector<16xf32>
      %add3A_498 = arith.addf %add3A_495, %bitcast_convert_type3A_497 : vector<16xf32>
      %max3A_499 = arith.constant 0.000000e+00 : f32
      %max3A_500 = vector.broadcast %max3A_499 : f32 to vector<16xf32>
      %max3A_501 = arith.maximumf %add3A_486, %max3A_500 : vector<16xf32>
      %swap3A_502 = arith.index_cast %add3A_382 : i32 to index
      %swap3A_503 = arith.constant 32 : index
      %swap3A_504 = tpu.vector_load %arg22[%swap3A_502, %swap3A_503] {strides = array<i32>} : memref<40x128xf32, #tpu.memory_space<vmem>>, vector<1x16xf32>,
      %swap3A_505 = vector.shape_cast %swap3A_504 : vector<1x16xf32> to vector<16xf32>
      %swap3A_506 = vector.shape_cast %max3A_501 : vector<16xf32> to vector<1x16xf32>
      tpu.vector_store %arg22[%swap3A_502, %swap3A_503], %swap3A_506 {strides = array<i32>} : memref<40x128xf32, #tpu.memory_space<vmem>>, vector<1x16xf32>,
      %max3A_507 = arith.constant 0.000000e+00 : f32
      %max3A_508 = vector.broadcast %max3A_507 : f32 to vector<16xf32>
      %max3A_509 = arith.maximumf %add3A_498, %max3A_508 : vector<16xf32>
      %swap3A_510 = arith.index_cast %add3A_382 : i32 to index
      %swap3A_511 = arith.constant 96 : index
      %swap3A_512 = tpu.vector_load %arg22[%swap3A_510, %swap3A_511] {strides = array<i32>} : memref<40x128xf32, #tpu.memory_space<vmem>>, vector<1x16xf32>,
      %swap3A_513 = vector.shape_cast %swap3A_512 : vector<1x16xf32> to vector<16xf32>
      %swap3A_514 = vector.shape_cast %max3A_509 : vector<16xf32> to vector<1x16xf32>
      tpu.vector_store %arg22[%swap3A_510, %swap3A_511], %swap3A_514 {strides = array<i32>} : memref<40x128xf32, #tpu.memory_space<vmem>>, vector<1x16xf32>,
      %get3A_515 = arith.index_cast %add3A_382 : i32 to index
      %get3A_516 = arith.constant 48 : index
      %get3A_517 = tpu.vector_load %arg24[%get3A_515, %get3A_516] {strides = array<i32>} : memref<40x64xi32, #tpu.memory_space<vmem>>, vector<1x16xi32>,
      %get3A_518 = vector.shape_cast %get3A_517 : vector<1x16xi32> to vector<16xi32>
      %get3A_519 = arith.index_cast %add3A_382 : i32 to index
      %get3A_520 = arith.constant 48 : index
      %get3A_521 = tpu.vector_load %arg22[%get3A_519, %get3A_520] {strides = array<i32>} : memref<40x128xf32, #tpu.memory_space<vmem>>, vector<1x16xf32>,
      %get3A_522 = vector.shape_cast %get3A_521 : vector<1x16xf32> to vector<16xf32>
      %get3A_523 = arith.index_cast %add3A_382 : i32 to index
      %get3A_524 = arith.constant 48 : index
      %get3A_525 = tpu.vector_load %arg23[%get3A_523, %get3A_524] {strides = array<i32>} : memref<40x128xf32, #tpu.memory_space<vmem>>, vector<1x16xf32>,
      %get3A_526 = vector.shape_cast %get3A_525 : vector<1x16xf32> to vector<16xf32>
      %add3A_527 = arith.addf %get3A_522, %get3A_526 : vector<16xf32>
      %shift_left3A_528 = arith.shli %get3A_518, %broadcast_in_dim3A_7 : vector<16xi32>
      %bitcast_convert_type3A_529 = tpu.bitcast %shift_left3A_528 : vector<16xi32> -> vector<16xf32>
      %add3A_530 = arith.addf %add3A_527, %bitcast_convert_type3A_529 : vector<16xf32>
      %get3A_531 = arith.index_cast %add3A_382 : i32 to index
      %get3A_532 = arith.constant 112 : index
      %get3A_533 = tpu.vector_load %arg22[%get3A_531, %get3A_532] {strides = array<i32>} : memref<40x128xf32, #tpu.memory_space<vmem>>, vector<1x16xf32>,
      %get3A_534 = vector.shape_cast %get3A_533 : vector<1x16xf32> to vector<16xf32>
      %get3A_535 = arith.index_cast %add3A_382 : i32 to index
      %get3A_536 = arith.constant 112 : index
      %get3A_537 = tpu.vector_load %arg23[%get3A_535, %get3A_536] {strides = array<i32>} : memref<40x128xf32, #tpu.memory_space<vmem>>, vector<1x16xf32>,
      %get3A_538 = vector.shape_cast %get3A_537 : vector<1x16xf32> to vector<16xf32>
      %add3A_539 = arith.addf %get3A_534, %get3A_538 : vector<16xf32>
      %and3A_540 = arith.andi %get3A_518, %broadcast_in_dim3A_5 : vector<16xi32>
      %bitcast_convert_type3A_541 = tpu.bitcast %and3A_540 : vector<16xi32> -> vector<16xf32>
      %add3A_542 = arith.addf %add3A_539, %bitcast_convert_type3A_541 : vector<16xf32>
      %max3A_543 = arith.constant 0.000000e+00 : f32
      %max3A_544 = vector.broadcast %max3A_543 : f32 to vector<16xf32>
      %max3A_545 = arith.maximumf %add3A_530, %max3A_544 : vector<16xf32>
      %swap3A_546 = arith.index_cast %add3A_382 : i32 to index
      %swap3A_547 = arith.constant 48 : index
      %swap3A_548 = tpu.vector_load %arg22[%swap3A_546, %swap3A_547] {strides = array<i32>} : memref<40x128xf32, #tpu.memory_space<vmem>>, vector<1x16xf32>,
      %swap3A_549 = vector.shape_cast %swap3A_548 : vector<1x16xf32> to vector<16xf32>
      %swap3A_550 = vector.shape_cast %max3A_545 : vector<16xf32> to vector<1x16xf32>
      tpu.vector_store %arg22[%swap3A_546, %swap3A_547], %swap3A_550 {strides = array<i32>} : memref<40x128xf32, #tpu.memory_space<vmem>>, vector<1x16xf32>,
      %max3A_551 = arith.constant 0.000000e+00 : f32
      %max3A_552 = vector.broadcast %max3A_551 : f32 to vector<16xf32>
      %max3A_553 = arith.maximumf %add3A_542, %max3A_552 : vector<16xf32>
      %swap3A_554 = arith.index_cast %add3A_382 : i32 to index
      %swap3A_555 = arith.constant 112 : index
      %swap3A_556 = tpu.vector_load %arg22[%swap3A_554, %swap3A_555] {strides = array<i32>} : memref<40x128xf32, #tpu.memory_space<vmem>>, vector<1x16xf32>,
      %swap3A_557 = vector.shape_cast %swap3A_556 : vector<1x16xf32> to vector<16xf32>
      %swap3A_558 = vector.shape_cast %max3A_553 : vector<16xf32> to vector<1x16xf32>
      tpu.vector_store %arg22[%swap3A_554, %swap3A_555], %swap3A_558 {strides = array<i32>} : memref<40x128xf32, #tpu.memory_space<vmem>>, vector<1x16xf32>,
    }
    %scan3A_121 = arith.constant 20 : i32
    %dma_start3A_122 = arith.constant 0 : i32
    %dma_start3A_123 = arith.constant 0 : i32
    %dma_start3A_124 = tpu.memref_slice %arg9[%dma_start3A_122, %dma_start3A_123] : memref<10112x128xf32, #tpu.memory_space<vmem_shared>> -> memref<10112x128xf32, #tpu.memory_space<vmem_shared>>
    tpu.enqueue_indirect_dma source(%arg22 : memref<40x128xf32, #tpu.memory_space<vmem>>) target(%dma_start3A_124 : memref<10112x128xf32, #tpu.memory_space<vmem_shared>>) offsets(%arg21 : memref<40xi32, #tpu.memory_space<vmem>>) semaphore(%arg29 : memref<!tpu.dma_semaphore, #tpu.memory_space<semaphore_mem>>) {add = true}
    %dma_wait3A_125 = arith.constant 0 : i32
    %dma_wait3A_126 = arith.constant 0 : i32
    %dma_wait3A_127 = tpu.memref_slice %arg9[%dma_wait3A_125, %dma_wait3A_126] : memref<10112x128xf32, #tpu.memory_space<vmem_shared>> -> memref<10112x128xf32, #tpu.memory_space<vmem_shared>>
    tpu.wait_indirect_dma semaphore(%arg19 : memref<!tpu.dma_semaphore, #tpu.memory_space<semaphore_mem>>) src(%arg12 : memref<40x128xf32, #tpu.memory_space<vmem>>) dst(%dma_wait3A_127 : memref<10112x128xf32, #tpu.memory_space<vmem_shared>>)
    %add3A_128 = arith.constant 9960 : i32
    %add3A_129 = arith.addi %mul3A_4, %add3A_128 : i32
    %dma_start3A_130 = tpu.memref_slice %arg5[%add3A_129] : memref<320000xi32, #tpu.memory_space<hbm>> -> memref<40xi32, #tpu.memory_space<hbm>>
    %dma_start3A_131 = tpu.memref_slice %arg5[%add3A_129] : memref<320000xi32, #tpu.memory_space<hbm>> -> memref<40xi32, #tpu.memory_space<hbm>>
    tpu.enqueue_dma source(%dma_start3A_131 : memref<40xi32, #tpu.memory_space<hbm>>) target(%arg10 : memref<40xi32, #tpu.memory_space<vmem>>) target_semaphore(%arg15 : memref<!tpu.dma_semaphore, #tpu.memory_space<semaphore_mem>>)
    %dma_start3A_132 = tpu.memref_slice %arg6[%add3A_129] : memref<320000xi32, #tpu.memory_space<hbm>> -> memref<40xi32, #tpu.memory_space<hbm>>
    %dma_start3A_133 = tpu.memref_slice %arg6[%add3A_129] : memref<320000xi32, #tpu.memory_space<hbm>> -> memref<40xi32, #tpu.memory_space<hbm>>
    tpu.enqueue_dma source(%dma_start3A_133 : memref<40xi32, #tpu.memory_space<hbm>>) target(%arg11 : memref<40xi32, #tpu.memory_space<vmem>>) target_semaphore(%arg15 : memref<!tpu.dma_semaphore, #tpu.memory_space<semaphore_mem>>)
    %add3A_134 = arith.constant 9960 : i32
    %add3A_135 = arith.addi %mul3A_4, %add3A_134 : i32
    %dma_wait3A_136 = tpu.memref_slice %arg5[%add3A_135] : memref<320000xi32, #tpu.memory_space<hbm>> -> memref<40xi32, #tpu.memory_space<hbm>>
    %dma_wait3A_137 = tpu.memref_slice %arg5[%add3A_135] : memref<320000xi32, #tpu.memory_space<hbm>> -> memref<40xi32, #tpu.memory_space<hbm>>
    tpu.wait_dma2 semaphore(%arg15 : memref<!tpu.dma_semaphore, #tpu.memory_space<semaphore_mem>>) src(%dma_wait3A_137 : memref<40xi32, #tpu.memory_space<hbm>>) dst(%arg10 : memref<40xi32, #tpu.memory_space<vmem>>)
    %dma_wait3A_138 = tpu.memref_slice %arg6[%add3A_135] : memref<320000xi32, #tpu.memory_space<hbm>> -> memref<40xi32, #tpu.memory_space<hbm>>
    %dma_wait3A_139 = tpu.memref_slice %arg6[%add3A_135] : memref<320000xi32, #tpu.memory_space<hbm>> -> memref<40xi32, #tpu.memory_space<hbm>>
    tpu.wait_dma2 semaphore(%arg15 : memref<!tpu.dma_semaphore, #tpu.memory_space<semaphore_mem>>) src(%dma_wait3A_139 : memref<40xi32, #tpu.memory_space<hbm>>) dst(%arg11 : memref<40xi32, #tpu.memory_space<vmem>>)
    %add3A_140 = arith.constant 9960 : i32
    %add3A_141 = arith.addi %mul3A_4, %add3A_140 : i32
    %dma_start3A_142 = arith.constant 0 : i32
    %dma_start3A_143 = arith.constant 0 : i32
    %dma_start3A_144 = tpu.memref_slice %arg2[%dma_start3A_142, %dma_start3A_143] : memref<10000x128xf32, #tpu.memory_space<hbm>> -> memref<10000x128xf32, #tpu.memory_space<hbm>>
    tpu.enqueue_indirect_dma source(%dma_start3A_144 : memref<10000x128xf32, #tpu.memory_space<hbm>>) target(%arg12 : memref<40x128xf32, #tpu.memory_space<vmem>>) offsets(%arg10 : memref<40xi32, #tpu.memory_space<vmem>>) semaphore(%arg16 : memref<!tpu.dma_semaphore, #tpu.memory_space<semaphore_mem>>)
    %dma_start3A_145 = arith.constant 0 : i32
    %dma_start3A_146 = arith.constant 0 : i32
    %dma_start3A_147 = tpu.memref_slice %arg3[%dma_start3A_145, %dma_start3A_146] : memref<10000x128xf32, #tpu.memory_space<hbm>> -> memref<10000x128xf32, #tpu.memory_space<hbm>>
    tpu.enqueue_indirect_dma source(%dma_start3A_147 : memref<10000x128xf32, #tpu.memory_space<hbm>>) target(%arg13 : memref<40x128xf32, #tpu.memory_space<vmem>>) offsets(%arg11 : memref<40xi32, #tpu.memory_space<vmem>>) semaphore(%arg17 : memref<!tpu.dma_semaphore, #tpu.memory_space<semaphore_mem>>)
    %dma_start3A_148 = arith.constant 0 : i32
    %dma_start3A_149 = tpu.memref_slice %arg4[%add3A_141, %dma_start3A_148] : memref<320000x64xi32, #tpu.memory_space<hbm>> -> memref<40x64xi32, #tpu.memory_space<hbm>>
    %dma_start3A_150 = arith.constant 0 : i32
    %dma_start3A_151 = tpu.memref_slice %arg4[%add3A_141, %dma_start3A_150] : memref<320000x64xi32, #tpu.memory_space<hbm>> -> memref<40x64xi32, #tpu.memory_space<hbm>>
    tpu.enqueue_dma source(%dma_start3A_151 : memref<40x64xi32, #tpu.memory_space<hbm>>) target(%arg14 : memref<40x64xi32, #tpu.memory_space<vmem>>) target_semaphore(%arg18 : memref<!tpu.dma_semaphore, #tpu.memory_space<semaphore_mem>>)
    %add3A_152 = arith.constant 9920 : i32
    %add3A_153 = arith.addi %mul3A_4, %add3A_152 : i32
    %dma_wait3A_154 = arith.constant 0 : i32
    %dma_wait3A_155 = arith.constant 0 : i32
    %dma_wait3A_156 = tpu.memref_slice %arg2[%dma_wait3A_154, %dma_wait3A_155] : memref<10000x128xf32, #tpu.memory_space<hbm>> -> memref<10000x128xf32, #tpu.memory_space<hbm>>
    tpu.wait_indirect_dma semaphore(%arg36 : memref<!tpu.dma_semaphore, #tpu.memory_space<semaphore_mem>>) src(%dma_wait3A_156 : memref<10000x128xf32, #tpu.memory_space<hbm>>) dst(%arg32 : memref<40x128xf32, #tpu.memory_space<vmem>>)
    %dma_wait3A_157 = arith.constant 0 : i32
    %dma_wait3A_158 = arith.constant 0 : i32
    %dma_wait3A_159 = tpu.memref_slice %arg3[%dma_wait3A_157, %dma_wait3A_158] : memref<10000x128xf32, #tpu.memory_space<hbm>> -> memref<10000x128xf32, #tpu.memory_space<hbm>>
    tpu.wait_indirect_dma semaphore(%arg37 : memref<!tpu.dma_semaphore, #tpu.memory_space<semaphore_mem>>) src(%dma_wait3A_159 : memref<10000x128xf32, #tpu.memory_space<hbm>>) dst(%arg33 : memref<40x128xf32, #tpu.memory_space<vmem>>)
    %dma_wait3A_160 = arith.constant 0 : i32
    %dma_wait3A_161 = tpu.memref_slice %arg4[%add3A_153, %dma_wait3A_160] : memref<320000x64xi32, #tpu.memory_space<hbm>> -> memref<40x64xi32, #tpu.memory_space<hbm>>
    %dma_wait3A_162 = arith.constant 0 : i32
    %dma_wait3A_163 = tpu.memref_slice %arg4[%add3A_153, %dma_wait3A_162] : memref<320000x64xi32, #tpu.memory_space<hbm>> -> memref<40x64xi32, #tpu.memory_space<hbm>>
    tpu.wait_dma2 semaphore(%arg38 : memref<!tpu.dma_semaphore, #tpu.memory_space<semaphore_mem>>) src(%dma_wait3A_163 : memref<40x64xi32, #tpu.memory_space<hbm>>) dst(%arg34 : memref<40x64xi32, #tpu.memory_space<vmem>>)
    %scan3A_164 = arith.constant 0 : i32
    %scan3A_165 = arith.constant 0 : i32
    %scan3A_166 = arith.constant 20 : i32
    %scan3A_167 = arith.addi %scan3A_165, %scan3A_166 : i32
    %scan3A_168 = arith.constant 1 : i32
    scf.for %scan3A_204 = %scan3A_165 to %scan3A_167 step %scan3A_168  : i32 {
      %mul3A_205 = arith.constant 2 : i32
      %mul3A_206 = arith.muli %mul3A_205, %scan3A_204 : i32
      %add3A_207 = arith.constant 0 : i32
      %add3A_208 = arith.addi %mul3A_206, %add3A_207 : i32
      %get3A = arith.index_cast %add3A_208 : i32 to index
      %get3A_209 = arith.constant 0 : index
      %get3A_210 = tpu.vector_load %arg34[%get3A, %get3A_209] {strides = array<i32>} : memref<40x64xi32, #tpu.memory_space<vmem>>, vector<1x16xi32>,
      %get3A_211 = vector.shape_cast %get3A_210 : vector<1x16xi32> to vector<16xi32>
      %get3A_212 = arith.index_cast %add3A_208 : i32 to index
      %get3A_213 = arith.constant 0 : index
      %get3A_214 = tpu.vector_load %arg32[%get3A_212, %get3A_213] {strides = array<i32>} : memref<40x128xf32, #tpu.memory_space<vmem>>, vector<1x16xf32>,
      %get3A_215 = vector.shape_cast %get3A_214 : vector<1x16xf32> to vector<16xf32>
      %get3A_216 = arith.index_cast %add3A_208 : i32 to index
      %get3A_217 = arith.constant 0 : index
      %get3A_218 = tpu.vector_load %arg33[%get3A_216, %get3A_217] {strides = array<i32>} : memref<40x128xf32, #tpu.memory_space<vmem>>, vector<1x16xf32>,
      %get3A_219 = vector.shape_cast %get3A_218 : vector<1x16xf32> to vector<16xf32>
      %add3A_220 = arith.addf %get3A_215, %get3A_219 : vector<16xf32>
      %shift_left3A = arith.shli %get3A_211, %broadcast_in_dim3A_7 : vector<16xi32>
      %bitcast_convert_type3A = tpu.bitcast %shift_left3A : vector<16xi32> -> vector<16xf32>
      %add3A_221 = arith.addf %add3A_220, %bitcast_convert_type3A : vector<16xf32>
      %get3A_222 = arith.index_cast %add3A_208 : i32 to index
      %get3A_223 = arith.constant 64 : index
      %get3A_224 = tpu.vector_load %arg32[%get3A_222, %get3A_223] {strides = array<i32>} : memref<40x128xf32, #tpu.memory_space<vmem>>, vector<1x16xf32>,
      %get3A_225 = vector.shape_cast %get3A_224 : vector<1x16xf32> to vector<16xf32>
      %get3A_226 = arith.index_cast %add3A_208 : i32 to index
      %get3A_227 = arith.constant 64 : index
      %get3A_228 = tpu.vector_load %arg33[%get3A_226, %get3A_227] {strides = array<i32>} : memref<40x128xf32, #tpu.memory_space<vmem>>, vector<1x16xf32>,
      %get3A_229 = vector.shape_cast %get3A_228 : vector<1x16xf32> to vector<16xf32>
      %add3A_230 = arith.addf %get3A_225, %get3A_229 : vector<16xf32>
      %and3A = arith.andi %get3A_211, %broadcast_in_dim3A_5 : vector<16xi32>
      %bitcast_convert_type3A_231 = tpu.bitcast %and3A : vector<16xi32> -> vector<16xf32>
      %add3A_232 = arith.addf %add3A_230, %bitcast_convert_type3A_231 : vector<16xf32>
      %max3A = arith.constant 0.000000e+00 : f32
      %max3A_233 = vector.broadcast %max3A : f32 to vector<16xf32>
      %max3A_234 = arith.maximumf %add3A_221, %max3A_233 : vector<16xf32>
      %swap3A = arith.index_cast %add3A_208 : i32 to index
      %swap3A_235 = arith.constant 0 : index
      %swap3A_236 = tpu.vector_load %arg32[%swap3A, %swap3A_235] {strides = array<i32>} : memref<40x128xf32, #tpu.memory_space<vmem>>, vector<1x16xf32>,
      %swap3A_237 = vector.shape_cast %swap3A_236 : vector<1x16xf32> to vector<16xf32>
      %swap3A_238 = vector.shape_cast %max3A_234 : vector<16xf32> to vector<1x16xf32>
      tpu.vector_store %arg32[%swap3A, %swap3A_235], %swap3A_238 {strides = array<i32>} : memref<40x128xf32, #tpu.memory_space<vmem>>, vector<1x16xf32>,
      %max3A_239 = arith.constant 0.000000e+00 : f32
      %max3A_240 = vector.broadcast %max3A_239 : f32 to vector<16xf32>
      %max3A_241 = arith.maximumf %add3A_232, %max3A_240 : vector<16xf32>
      %swap3A_242 = arith.index_cast %add3A_208 : i32 to index
      %swap3A_243 = arith.constant 64 : index
      %swap3A_244 = tpu.vector_load %arg32[%swap3A_242, %swap3A_243] {strides = array<i32>} : memref<40x128xf32, #tpu.memory_space<vmem>>, vector<1x16xf32>,
      %swap3A_245 = vector.shape_cast %swap3A_244 : vector<1x16xf32> to vector<16xf32>
      %swap3A_246 = vector.shape_cast %max3A_241 : vector<16xf32> to vector<1x16xf32>
      tpu.vector_store %arg32[%swap3A_242, %swap3A_243], %swap3A_246 {strides = array<i32>} : memref<40x128xf32, #tpu.memory_space<vmem>>, vector<1x16xf32>,
      %get3A_247 = arith.index_cast %add3A_208 : i32 to index
      %get3A_248 = arith.constant 16 : index
      %get3A_249 = tpu.vector_load %arg34[%get3A_247, %get3A_248] {strides = array<i32>} : memref<40x64xi32, #tpu.memory_space<vmem>>, vector<1x16xi32>,
      %get3A_250 = vector.shape_cast %get3A_249 : vector<1x16xi32> to vector<16xi32>
      %get3A_251 = arith.index_cast %add3A_208 : i32 to index
      %get3A_252 = arith.constant 16 : index
      %get3A_253 = tpu.vector_load %arg32[%get3A_251, %get3A_252] {strides = array<i32>} : memref<40x128xf32, #tpu.memory_space<vmem>>, vector<1x16xf32>,
      %get3A_254 = vector.shape_cast %get3A_253 : vector<1x16xf32> to vector<16xf32>
      %get3A_255 = arith.index_cast %add3A_208 : i32 to index
      %get3A_256 = arith.constant 16 : index
      %get3A_257 = tpu.vector_load %arg33[%get3A_255, %get3A_256] {strides = array<i32>} : memref<40x128xf32, #tpu.memory_space<vmem>>, vector<1x16xf32>,
      %get3A_258 = vector.shape_cast %get3A_257 : vector<1x16xf32> to vector<16xf32>
      %add3A_259 = arith.addf %get3A_254, %get3A_258 : vector<16xf32>
      %shift_left3A_260 = arith.shli %get3A_250, %broadcast_in_dim3A_7 : vector<16xi32>
      %bitcast_convert_type3A_261 = tpu.bitcast %shift_left3A_260 : vector<16xi32> -> vector<16xf32>
      %add3A_262 = arith.addf %add3A_259, %bitcast_convert_type3A_261 : vector<16xf32>
      %get3A_263 = arith.index_cast %add3A_208 : i32 to index
      %get3A_264 = arith.constant 80 : index
      %get3A_265 = tpu.vector_load %arg32[%get3A_263, %get3A_264] {strides = array<i32>} : memref<40x128xf32, #tpu.memory_space<vmem>>, vector<1x16xf32>,
      %get3A_266 = vector.shape_cast %get3A_265 : vector<1x16xf32> to vector<16xf32>
      %get3A_267 = arith.index_cast %add3A_208 : i32 to index
      %get3A_268 = arith.constant 80 : index
      %get3A_269 = tpu.vector_load %arg33[%get3A_267, %get3A_268] {strides = array<i32>} : memref<40x128xf32, #tpu.memory_space<vmem>>, vector<1x16xf32>,
      %get3A_270 = vector.shape_cast %get3A_269 : vector<1x16xf32> to vector<16xf32>
      %add3A_271 = arith.addf %get3A_266, %get3A_270 : vector<16xf32>
      %and3A_272 = arith.andi %get3A_250, %broadcast_in_dim3A_5 : vector<16xi32>
      %bitcast_convert_type3A_273 = tpu.bitcast %and3A_272 : vector<16xi32> -> vector<16xf32>
      %add3A_274 = arith.addf %add3A_271, %bitcast_convert_type3A_273 : vector<16xf32>
      %max3A_275 = arith.constant 0.000000e+00 : f32
      %max3A_276 = vector.broadcast %max3A_275 : f32 to vector<16xf32>
      %max3A_277 = arith.maximumf %add3A_262, %max3A_276 : vector<16xf32>
      %swap3A_278 = arith.index_cast %add3A_208 : i32 to index
      %swap3A_279 = arith.constant 16 : index
      %swap3A_280 = tpu.vector_load %arg32[%swap3A_278, %swap3A_279] {strides = array<i32>} : memref<40x128xf32, #tpu.memory_space<vmem>>, vector<1x16xf32>,
      %swap3A_281 = vector.shape_cast %swap3A_280 : vector<1x16xf32> to vector<16xf32>
      %swap3A_282 = vector.shape_cast %max3A_277 : vector<16xf32> to vector<1x16xf32>
      tpu.vector_store %arg32[%swap3A_278, %swap3A_279], %swap3A_282 {strides = array<i32>} : memref<40x128xf32, #tpu.memory_space<vmem>>, vector<1x16xf32>,
      %max3A_283 = arith.constant 0.000000e+00 : f32
      %max3A_284 = vector.broadcast %max3A_283 : f32 to vector<16xf32>
      %max3A_285 = arith.maximumf %add3A_274, %max3A_284 : vector<16xf32>
      %swap3A_286 = arith.index_cast %add3A_208 : i32 to index
      %swap3A_287 = arith.constant 80 : index
      %swap3A_288 = tpu.vector_load %arg32[%swap3A_286, %swap3A_287] {strides = array<i32>} : memref<40x128xf32, #tpu.memory_space<vmem>>, vector<1x16xf32>,
      %swap3A_289 = vector.shape_cast %swap3A_288 : vector<1x16xf32> to vector<16xf32>
      %swap3A_290 = vector.shape_cast %max3A_285 : vector<16xf32> to vector<1x16xf32>
      tpu.vector_store %arg32[%swap3A_286, %swap3A_287], %swap3A_290 {strides = array<i32>} : memref<40x128xf32, #tpu.memory_space<vmem>>, vector<1x16xf32>,
      %get3A_291 = arith.index_cast %add3A_208 : i32 to index
      %get3A_292 = arith.constant 32 : index
      %get3A_293 = tpu.vector_load %arg34[%get3A_291, %get3A_292] {strides = array<i32>} : memref<40x64xi32, #tpu.memory_space<vmem>>, vector<1x16xi32>,
      %get3A_294 = vector.shape_cast %get3A_293 : vector<1x16xi32> to vector<16xi32>
      %get3A_295 = arith.index_cast %add3A_208 : i32 to index
      %get3A_296 = arith.constant 32 : index
      %get3A_297 = tpu.vector_load %arg32[%get3A_295, %get3A_296] {strides = array<i32>} : memref<40x128xf32, #tpu.memory_space<vmem>>, vector<1x16xf32>,
      %get3A_298 = vector.shape_cast %get3A_297 : vector<1x16xf32> to vector<16xf32>
      %get3A_299 = arith.index_cast %add3A_208 : i32 to index
      %get3A_300 = arith.constant 32 : index
      %get3A_301 = tpu.vector_load %arg33[%get3A_299, %get3A_300] {strides = array<i32>} : memref<40x128xf32, #tpu.memory_space<vmem>>, vector<1x16xf32>,
      %get3A_302 = vector.shape_cast %get3A_301 : vector<1x16xf32> to vector<16xf32>
      %add3A_303 = arith.addf %get3A_298, %get3A_302 : vector<16xf32>
      %shift_left3A_304 = arith.shli %get3A_294, %broadcast_in_dim3A_7 : vector<16xi32>
      %bitcast_convert_type3A_305 = tpu.bitcast %shift_left3A_304 : vector<16xi32> -> vector<16xf32>
      %add3A_306 = arith.addf %add3A_303, %bitcast_convert_type3A_305 : vector<16xf32>
      %get3A_307 = arith.index_cast %add3A_208 : i32 to index
      %get3A_308 = arith.constant 96 : index
      %get3A_309 = tpu.vector_load %arg32[%get3A_307, %get3A_308] {strides = array<i32>} : memref<40x128xf32, #tpu.memory_space<vmem>>, vector<1x16xf32>,
      %get3A_310 = vector.shape_cast %get3A_309 : vector<1x16xf32> to vector<16xf32>
      %get3A_311 = arith.index_cast %add3A_208 : i32 to index
      %get3A_312 = arith.constant 96 : index
      %get3A_313 = tpu.vector_load %arg33[%get3A_311, %get3A_312] {strides = array<i32>} : memref<40x128xf32, #tpu.memory_space<vmem>>, vector<1x16xf32>,
      %get3A_314 = vector.shape_cast %get3A_313 : vector<1x16xf32> to vector<16xf32>
      %add3A_315 = arith.addf %get3A_310, %get3A_314 : vector<16xf32>
      %and3A_316 = arith.andi %get3A_294, %broadcast_in_dim3A_5 : vector<16xi32>
      %bitcast_convert_type3A_317 = tpu.bitcast %and3A_316 : vector<16xi32> -> vector<16xf32>
      %add3A_318 = arith.addf %add3A_315, %bitcast_convert_type3A_317 : vector<16xf32>
      %max3A_319 = arith.constant 0.000000e+00 : f32
      %max3A_320 = vector.broadcast %max3A_319 : f32 to vector<16xf32>
      %max3A_321 = arith.maximumf %add3A_306, %max3A_320 : vector<16xf32>
      %swap3A_322 = arith.index_cast %add3A_208 : i32 to index
      %swap3A_323 = arith.constant 32 : index
      %swap3A_324 = tpu.vector_load %arg32[%swap3A_322, %swap3A_323] {strides = array<i32>} : memref<40x128xf32, #tpu.memory_space<vmem>>, vector<1x16xf32>,
      %swap3A_325 = vector.shape_cast %swap3A_324 : vector<1x16xf32> to vector<16xf32>
      %swap3A_326 = vector.shape_cast %max3A_321 : vector<16xf32> to vector<1x16xf32>
      tpu.vector_store %arg32[%swap3A_322, %swap3A_323], %swap3A_326 {strides = array<i32>} : memref<40x128xf32, #tpu.memory_space<vmem>>, vector<1x16xf32>,
      %max3A_327 = arith.constant 0.000000e+00 : f32
      %max3A_328 = vector.broadcast %max3A_327 : f32 to vector<16xf32>
      %max3A_329 = arith.maximumf %add3A_318, %max3A_328 : vector<16xf32>
      %swap3A_330 = arith.index_cast %add3A_208 : i32 to index
      %swap3A_331 = arith.constant 96 : index
      %swap3A_332 = tpu.vector_load %arg32[%swap3A_330, %swap3A_331] {strides = array<i32>} : memref<40x128xf32, #tpu.memory_space<vmem>>, vector<1x16xf32>,
      %swap3A_333 = vector.shape_cast %swap3A_332 : vector<1x16xf32> to vector<16xf32>
      %swap3A_334 = vector.shape_cast %max3A_329 : vector<16xf32> to vector<1x16xf32>
      tpu.vector_store %arg32[%swap3A_330, %swap3A_331], %swap3A_334 {strides = array<i32>} : memref<40x128xf32, #tpu.memory_space<vmem>>, vector<1x16xf32>,
      %get3A_335 = arith.index_cast %add3A_208 : i32 to index
      %get3A_336 = arith.constant 48 : index
      %get3A_337 = tpu.vector_load %arg34[%get3A_335, %get3A_336] {strides = array<i32>} : memref<40x64xi32, #tpu.memory_space<vmem>>, vector<1x16xi32>,
      %get3A_338 = vector.shape_cast %get3A_337 : vector<1x16xi32> to vector<16xi32>
      %get3A_339 = arith.index_cast %add3A_208 : i32 to index
      %get3A_340 = arith.constant 48 : index
      %get3A_341 = tpu.vector_load %arg32[%get3A_339, %get3A_340] {strides = array<i32>} : memref<40x128xf32, #tpu.memory_space<vmem>>, vector<1x16xf32>,
      %get3A_342 = vector.shape_cast %get3A_341 : vector<1x16xf32> to vector<16xf32>
      %get3A_343 = arith.index_cast %add3A_208 : i32 to index
      %get3A_344 = arith.constant 48 : index
      %get3A_345 = tpu.vector_load %arg33[%get3A_343, %get3A_344] {strides = array<i32>} : memref<40x128xf32, #tpu.memory_space<vmem>>, vector<1x16xf32>,
      %get3A_346 = vector.shape_cast %get3A_345 : vector<1x16xf32> to vector<16xf32>
      %add3A_347 = arith.addf %get3A_342, %get3A_346 : vector<16xf32>
      %shift_left3A_348 = arith.shli %get3A_338, %broadcast_in_dim3A_7 : vector<16xi32>
      %bitcast_convert_type3A_349 = tpu.bitcast %shift_left3A_348 : vector<16xi32> -> vector<16xf32>
      %add3A_350 = arith.addf %add3A_347, %bitcast_convert_type3A_349 : vector<16xf32>
      %get3A_351 = arith.index_cast %add3A_208 : i32 to index
      %get3A_352 = arith.constant 112 : index
      %get3A_353 = tpu.vector_load %arg32[%get3A_351, %get3A_352] {strides = array<i32>} : memref<40x128xf32, #tpu.memory_space<vmem>>, vector<1x16xf32>,
      %get3A_354 = vector.shape_cast %get3A_353 : vector<1x16xf32> to vector<16xf32>
      %get3A_355 = arith.index_cast %add3A_208 : i32 to index
      %get3A_356 = arith.constant 112 : index
      %get3A_357 = tpu.vector_load %arg33[%get3A_355, %get3A_356] {strides = array<i32>} : memref<40x128xf32, #tpu.memory_space<vmem>>, vector<1x16xf32>,
      %get3A_358 = vector.shape_cast %get3A_357 : vector<1x16xf32> to vector<16xf32>
      %add3A_359 = arith.addf %get3A_354, %get3A_358 : vector<16xf32>
      %and3A_360 = arith.andi %get3A_338, %broadcast_in_dim3A_5 : vector<16xi32>
      %bitcast_convert_type3A_361 = tpu.bitcast %and3A_360 : vector<16xi32> -> vector<16xf32>
      %add3A_362 = arith.addf %add3A_359, %bitcast_convert_type3A_361 : vector<16xf32>
      %max3A_363 = arith.constant 0.000000e+00 : f32
      %max3A_364 = vector.broadcast %max3A_363 : f32 to vector<16xf32>
      %max3A_365 = arith.maximumf %add3A_350, %max3A_364 : vector<16xf32>
      %swap3A_366 = arith.index_cast %add3A_208 : i32 to index
      %swap3A_367 = arith.constant 48 : index
      %swap3A_368 = tpu.vector_load %arg32[%swap3A_366, %swap3A_367] {strides = array<i32>} : memref<40x128xf32, #tpu.memory_space<vmem>>, vector<1x16xf32>,
      %swap3A_369 = vector.shape_cast %swap3A_368 : vector<1x16xf32> to vector<16xf32>
      %swap3A_370 = vector.shape_cast %max3A_365 : vector<16xf32> to vector<1x16xf32>
      tpu.vector_store %arg32[%swap3A_366, %swap3A_367], %swap3A_370 {strides = array<i32>} : memref<40x128xf32, #tpu.memory_space<vmem>>, vector<1x16xf32>,
      %max3A_371 = arith.constant 0.000000e+00 : f32
      %max3A_372 = vector.broadcast %max3A_371 : f32 to vector<16xf32>
      %max3A_373 = arith.maximumf %add3A_362, %max3A_372 : vector<16xf32>
      %swap3A_374 = arith.index_cast %add3A_208 : i32 to index
      %swap3A_375 = arith.constant 112 : index
      %swap3A_376 = tpu.vector_load %arg32[%swap3A_374, %swap3A_375] {strides = array<i32>} : memref<40x128xf32, #tpu.memory_space<vmem>>, vector<1x16xf32>,
      %swap3A_377 = vector.shape_cast %swap3A_376 : vector<1x16xf32> to vector<16xf32>
      %swap3A_378 = vector.shape_cast %max3A_373 : vector<16xf32> to vector<1x16xf32>
      tpu.vector_store %arg32[%swap3A_374, %swap3A_375], %swap3A_378 {strides = array<i32>} : memref<40x128xf32, #tpu.memory_space<vmem>>, vector<1x16xf32>,
      %mul3A_379 = arith.constant 2 : i32
      %mul3A_380 = arith.muli %mul3A_379, %scan3A_204 : i32
      %add3A_381 = arith.constant 1 : i32
      %add3A_382 = arith.addi %mul3A_380, %add3A_381 : i32
      %get3A_383 = arith.index_cast %add3A_382 : i32 to index
      %get3A_384 = arith.constant 0 : index
      %get3A_385 = tpu.vector_load %arg34[%get3A_383, %get3A_384] {strides = array<i32>} : memref<40x64xi32, #tpu.memory_space<vmem>>, vector<1x16xi32>,
      %get3A_386 = vector.shape_cast %get3A_385 : vector<1x16xi32> to vector<16xi32>
      %get3A_387 = arith.index_cast %add3A_382 : i32 to index
      %get3A_388 = arith.constant 0 : index
      %get3A_389 = tpu.vector_load %arg32[%get3A_387, %get3A_388] {strides = array<i32>} : memref<40x128xf32, #tpu.memory_space<vmem>>, vector<1x16xf32>,
      %get3A_390 = vector.shape_cast %get3A_389 : vector<1x16xf32> to vector<16xf32>
      %get3A_391 = arith.index_cast %add3A_382 : i32 to index
      %get3A_392 = arith.constant 0 : index
      %get3A_393 = tpu.vector_load %arg33[%get3A_391, %get3A_392] {strides = array<i32>} : memref<40x128xf32, #tpu.memory_space<vmem>>, vector<1x16xf32>,
      %get3A_394 = vector.shape_cast %get3A_393 : vector<1x16xf32> to vector<16xf32>
      %add3A_395 = arith.addf %get3A_390, %get3A_394 : vector<16xf32>
      %shift_left3A_396 = arith.shli %get3A_386, %broadcast_in_dim3A_7 : vector<16xi32>
      %bitcast_convert_type3A_397 = tpu.bitcast %shift_left3A_396 : vector<16xi32> -> vector<16xf32>
      %add3A_398 = arith.addf %add3A_395, %bitcast_convert_type3A_397 : vector<16xf32>
      %get3A_399 = arith.index_cast %add3A_382 : i32 to index
      %get3A_400 = arith.constant 64 : index
      %get3A_401 = tpu.vector_load %arg32[%get3A_399, %get3A_400] {strides = array<i32>} : memref<40x128xf32, #tpu.memory_space<vmem>>, vector<1x16xf32>,
      %get3A_402 = vector.shape_cast %get3A_401 : vector<1x16xf32> to vector<16xf32>
      %get3A_403 = arith.index_cast %add3A_382 : i32 to index
      %get3A_404 = arith.constant 64 : index
      %get3A_405 = tpu.vector_load %arg33[%get3A_403, %get3A_404] {strides = array<i32>} : memref<40x128xf32, #tpu.memory_space<vmem>>, vector<1x16xf32>,
      %get3A_406 = vector.shape_cast %get3A_405 : vector<1x16xf32> to vector<16xf32>
      %add3A_407 = arith.addf %get3A_402, %get3A_406 : vector<16xf32>
      %and3A_408 = arith.andi %get3A_386, %broadcast_in_dim3A_5 : vector<16xi32>
      %bitcast_convert_type3A_409 = tpu.bitcast %and3A_408 : vector<16xi32> -> vector<16xf32>
      %add3A_410 = arith.addf %add3A_407, %bitcast_convert_type3A_409 : vector<16xf32>
      %max3A_411 = arith.constant 0.000000e+00 : f32
      %max3A_412 = vector.broadcast %max3A_411 : f32 to vector<16xf32>
      %max3A_413 = arith.maximumf %add3A_398, %max3A_412 : vector<16xf32>
      %swap3A_414 = arith.index_cast %add3A_382 : i32 to index
      %swap3A_415 = arith.constant 0 : index
      %swap3A_416 = tpu.vector_load %arg32[%swap3A_414, %swap3A_415] {strides = array<i32>} : memref<40x128xf32, #tpu.memory_space<vmem>>, vector<1x16xf32>,
      %swap3A_417 = vector.shape_cast %swap3A_416 : vector<1x16xf32> to vector<16xf32>
      %swap3A_418 = vector.shape_cast %max3A_413 : vector<16xf32> to vector<1x16xf32>
      tpu.vector_store %arg32[%swap3A_414, %swap3A_415], %swap3A_418 {strides = array<i32>} : memref<40x128xf32, #tpu.memory_space<vmem>>, vector<1x16xf32>,
      %max3A_419 = arith.constant 0.000000e+00 : f32
      %max3A_420 = vector.broadcast %max3A_419 : f32 to vector<16xf32>
      %max3A_421 = arith.maximumf %add3A_410, %max3A_420 : vector<16xf32>
      %swap3A_422 = arith.index_cast %add3A_382 : i32 to index
      %swap3A_423 = arith.constant 64 : index
      %swap3A_424 = tpu.vector_load %arg32[%swap3A_422, %swap3A_423] {strides = array<i32>} : memref<40x128xf32, #tpu.memory_space<vmem>>, vector<1x16xf32>,
      %swap3A_425 = vector.shape_cast %swap3A_424 : vector<1x16xf32> to vector<16xf32>
      %swap3A_426 = vector.shape_cast %max3A_421 : vector<16xf32> to vector<1x16xf32>
      tpu.vector_store %arg32[%swap3A_422, %swap3A_423], %swap3A_426 {strides = array<i32>} : memref<40x128xf32, #tpu.memory_space<vmem>>, vector<1x16xf32>,
      %get3A_427 = arith.index_cast %add3A_382 : i32 to index
      %get3A_428 = arith.constant 16 : index
      %get3A_429 = tpu.vector_load %arg34[%get3A_427, %get3A_428] {strides = array<i32>} : memref<40x64xi32, #tpu.memory_space<vmem>>, vector<1x16xi32>,
      %get3A_430 = vector.shape_cast %get3A_429 : vector<1x16xi32> to vector<16xi32>
      %get3A_431 = arith.index_cast %add3A_382 : i32 to index
      %get3A_432 = arith.constant 16 : index
      %get3A_433 = tpu.vector_load %arg32[%get3A_431, %get3A_432] {strides = array<i32>} : memref<40x128xf32, #tpu.memory_space<vmem>>, vector<1x16xf32>,
      %get3A_434 = vector.shape_cast %get3A_433 : vector<1x16xf32> to vector<16xf32>
      %get3A_435 = arith.index_cast %add3A_382 : i32 to index
      %get3A_436 = arith.constant 16 : index
      %get3A_437 = tpu.vector_load %arg33[%get3A_435, %get3A_436] {strides = array<i32>} : memref<40x128xf32, #tpu.memory_space<vmem>>, vector<1x16xf32>,
      %get3A_438 = vector.shape_cast %get3A_437 : vector<1x16xf32> to vector<16xf32>
      %add3A_439 = arith.addf %get3A_434, %get3A_438 : vector<16xf32>
      %shift_left3A_440 = arith.shli %get3A_430, %broadcast_in_dim3A_7 : vector<16xi32>
      %bitcast_convert_type3A_441 = tpu.bitcast %shift_left3A_440 : vector<16xi32> -> vector<16xf32>
      %add3A_442 = arith.addf %add3A_439, %bitcast_convert_type3A_441 : vector<16xf32>
      %get3A_443 = arith.index_cast %add3A_382 : i32 to index
      %get3A_444 = arith.constant 80 : index
      %get3A_445 = tpu.vector_load %arg32[%get3A_443, %get3A_444] {strides = array<i32>} : memref<40x128xf32, #tpu.memory_space<vmem>>, vector<1x16xf32>,
      %get3A_446 = vector.shape_cast %get3A_445 : vector<1x16xf32> to vector<16xf32>
      %get3A_447 = arith.index_cast %add3A_382 : i32 to index
      %get3A_448 = arith.constant 80 : index
      %get3A_449 = tpu.vector_load %arg33[%get3A_447, %get3A_448] {strides = array<i32>} : memref<40x128xf32, #tpu.memory_space<vmem>>, vector<1x16xf32>,
      %get3A_450 = vector.shape_cast %get3A_449 : vector<1x16xf32> to vector<16xf32>
      %add3A_451 = arith.addf %get3A_446, %get3A_450 : vector<16xf32>
      %and3A_452 = arith.andi %get3A_430, %broadcast_in_dim3A_5 : vector<16xi32>
      %bitcast_convert_type3A_453 = tpu.bitcast %and3A_452 : vector<16xi32> -> vector<16xf32>
      %add3A_454 = arith.addf %add3A_451, %bitcast_convert_type3A_453 : vector<16xf32>
      %max3A_455 = arith.constant 0.000000e+00 : f32
      %max3A_456 = vector.broadcast %max3A_455 : f32 to vector<16xf32>
      %max3A_457 = arith.maximumf %add3A_442, %max3A_456 : vector<16xf32>
      %swap3A_458 = arith.index_cast %add3A_382 : i32 to index
      %swap3A_459 = arith.constant 16 : index
      %swap3A_460 = tpu.vector_load %arg32[%swap3A_458, %swap3A_459] {strides = array<i32>} : memref<40x128xf32, #tpu.memory_space<vmem>>, vector<1x16xf32>,
      %swap3A_461 = vector.shape_cast %swap3A_460 : vector<1x16xf32> to vector<16xf32>
      %swap3A_462 = vector.shape_cast %max3A_457 : vector<16xf32> to vector<1x16xf32>
      tpu.vector_store %arg32[%swap3A_458, %swap3A_459], %swap3A_462 {strides = array<i32>} : memref<40x128xf32, #tpu.memory_space<vmem>>, vector<1x16xf32>,
      %max3A_463 = arith.constant 0.000000e+00 : f32
      %max3A_464 = vector.broadcast %max3A_463 : f32 to vector<16xf32>
      %max3A_465 = arith.maximumf %add3A_454, %max3A_464 : vector<16xf32>
      %swap3A_466 = arith.index_cast %add3A_382 : i32 to index
      %swap3A_467 = arith.constant 80 : index
      %swap3A_468 = tpu.vector_load %arg32[%swap3A_466, %swap3A_467] {strides = array<i32>} : memref<40x128xf32, #tpu.memory_space<vmem>>, vector<1x16xf32>,
      %swap3A_469 = vector.shape_cast %swap3A_468 : vector<1x16xf32> to vector<16xf32>
      %swap3A_470 = vector.shape_cast %max3A_465 : vector<16xf32> to vector<1x16xf32>
      tpu.vector_store %arg32[%swap3A_466, %swap3A_467], %swap3A_470 {strides = array<i32>} : memref<40x128xf32, #tpu.memory_space<vmem>>, vector<1x16xf32>,
      %get3A_471 = arith.index_cast %add3A_382 : i32 to index
      %get3A_472 = arith.constant 32 : index
      %get3A_473 = tpu.vector_load %arg34[%get3A_471, %get3A_472] {strides = array<i32>} : memref<40x64xi32, #tpu.memory_space<vmem>>, vector<1x16xi32>,
      %get3A_474 = vector.shape_cast %get3A_473 : vector<1x16xi32> to vector<16xi32>
      %get3A_475 = arith.index_cast %add3A_382 : i32 to index
      %get3A_476 = arith.constant 32 : index
      %get3A_477 = tpu.vector_load %arg32[%get3A_475, %get3A_476] {strides = array<i32>} : memref<40x128xf32, #tpu.memory_space<vmem>>, vector<1x16xf32>,
      %get3A_478 = vector.shape_cast %get3A_477 : vector<1x16xf32> to vector<16xf32>
      %get3A_479 = arith.index_cast %add3A_382 : i32 to index
      %get3A_480 = arith.constant 32 : index
      %get3A_481 = tpu.vector_load %arg33[%get3A_479, %get3A_480] {strides = array<i32>} : memref<40x128xf32, #tpu.memory_space<vmem>>, vector<1x16xf32>,
      %get3A_482 = vector.shape_cast %get3A_481 : vector<1x16xf32> to vector<16xf32>
      %add3A_483 = arith.addf %get3A_478, %get3A_482 : vector<16xf32>
      %shift_left3A_484 = arith.shli %get3A_474, %broadcast_in_dim3A_7 : vector<16xi32>
      %bitcast_convert_type3A_485 = tpu.bitcast %shift_left3A_484 : vector<16xi32> -> vector<16xf32>
      %add3A_486 = arith.addf %add3A_483, %bitcast_convert_type3A_485 : vector<16xf32>
      %get3A_487 = arith.index_cast %add3A_382 : i32 to index
      %get3A_488 = arith.constant 96 : index
      %get3A_489 = tpu.vector_load %arg32[%get3A_487, %get3A_488] {strides = array<i32>} : memref<40x128xf32, #tpu.memory_space<vmem>>, vector<1x16xf32>,
      %get3A_490 = vector.shape_cast %get3A_489 : vector<1x16xf32> to vector<16xf32>
      %get3A_491 = arith.index_cast %add3A_382 : i32 to index
      %get3A_492 = arith.constant 96 : index
      %get3A_493 = tpu.vector_load %arg33[%get3A_491, %get3A_492] {strides = array<i32>} : memref<40x128xf32, #tpu.memory_space<vmem>>, vector<1x16xf32>,
      %get3A_494 = vector.shape_cast %get3A_493 : vector<1x16xf32> to vector<16xf32>
      %add3A_495 = arith.addf %get3A_490, %get3A_494 : vector<16xf32>
      %and3A_496 = arith.andi %get3A_474, %broadcast_in_dim3A_5 : vector<16xi32>
      %bitcast_convert_type3A_497 = tpu.bitcast %and3A_496 : vector<16xi32> -> vector<16xf32>
      %add3A_498 = arith.addf %add3A_495, %bitcast_convert_type3A_497 : vector<16xf32>
      %max3A_499 = arith.constant 0.000000e+00 : f32
      %max3A_500 = vector.broadcast %max3A_499 : f32 to vector<16xf32>
      %max3A_501 = arith.maximumf %add3A_486, %max3A_500 : vector<16xf32>
      %swap3A_502 = arith.index_cast %add3A_382 : i32 to index
      %swap3A_503 = arith.constant 32 : index
      %swap3A_504 = tpu.vector_load %arg32[%swap3A_502, %swap3A_503] {strides = array<i32>} : memref<40x128xf32, #tpu.memory_space<vmem>>, vector<1x16xf32>,
      %swap3A_505 = vector.shape_cast %swap3A_504 : vector<1x16xf32> to vector<16xf32>
      %swap3A_506 = vector.shape_cast %max3A_501 : vector<16xf32> to vector<1x16xf32>
      tpu.vector_store %arg32[%swap3A_502, %swap3A_503], %swap3A_506 {strides = array<i32>} : memref<40x128xf32, #tpu.memory_space<vmem>>, vector<1x16xf32>,
      %max3A_507 = arith.constant 0.000000e+00 : f32
      %max3A_508 = vector.broadcast %max3A_507 : f32 to vector<16xf32>
      %max3A_509 = arith.maximumf %add3A_498, %max3A_508 : vector<16xf32>
      %swap3A_510 = arith.index_cast %add3A_382 : i32 to index
      %swap3A_511 = arith.constant 96 : index
      %swap3A_512 = tpu.vector_load %arg32[%swap3A_510, %swap3A_511] {strides = array<i32>} : memref<40x128xf32, #tpu.memory_space<vmem>>, vector<1x16xf32>,
      %swap3A_513 = vector.shape_cast %swap3A_512 : vector<1x16xf32> to vector<16xf32>
      %swap3A_514 = vector.shape_cast %max3A_509 : vector<16xf32> to vector<1x16xf32>
      tpu.vector_store %arg32[%swap3A_510, %swap3A_511], %swap3A_514 {strides = array<i32>} : memref<40x128xf32, #tpu.memory_space<vmem>>, vector<1x16xf32>,
      %get3A_515 = arith.index_cast %add3A_382 : i32 to index
      %get3A_516 = arith.constant 48 : index
      %get3A_517 = tpu.vector_load %arg34[%get3A_515, %get3A_516] {strides = array<i32>} : memref<40x64xi32, #tpu.memory_space<vmem>>, vector<1x16xi32>,
      %get3A_518 = vector.shape_cast %get3A_517 : vector<1x16xi32> to vector<16xi32>
      %get3A_519 = arith.index_cast %add3A_382 : i32 to index
      %get3A_520 = arith.constant 48 : index
      %get3A_521 = tpu.vector_load %arg32[%get3A_519, %get3A_520] {strides = array<i32>} : memref<40x128xf32, #tpu.memory_space<vmem>>, vector<1x16xf32>,
      %get3A_522 = vector.shape_cast %get3A_521 : vector<1x16xf32> to vector<16xf32>
      %get3A_523 = arith.index_cast %add3A_382 : i32 to index
      %get3A_524 = arith.constant 48 : index
      %get3A_525 = tpu.vector_load %arg33[%get3A_523, %get3A_524] {strides = array<i32>} : memref<40x128xf32, #tpu.memory_space<vmem>>, vector<1x16xf32>,
      %get3A_526 = vector.shape_cast %get3A_525 : vector<1x16xf32> to vector<16xf32>
      %add3A_527 = arith.addf %get3A_522, %get3A_526 : vector<16xf32>
      %shift_left3A_528 = arith.shli %get3A_518, %broadcast_in_dim3A_7 : vector<16xi32>
      %bitcast_convert_type3A_529 = tpu.bitcast %shift_left3A_528 : vector<16xi32> -> vector<16xf32>
      %add3A_530 = arith.addf %add3A_527, %bitcast_convert_type3A_529 : vector<16xf32>
      %get3A_531 = arith.index_cast %add3A_382 : i32 to index
      %get3A_532 = arith.constant 112 : index
      %get3A_533 = tpu.vector_load %arg32[%get3A_531, %get3A_532] {strides = array<i32>} : memref<40x128xf32, #tpu.memory_space<vmem>>, vector<1x16xf32>,
      %get3A_534 = vector.shape_cast %get3A_533 : vector<1x16xf32> to vector<16xf32>
      %get3A_535 = arith.index_cast %add3A_382 : i32 to index
      %get3A_536 = arith.constant 112 : index
      %get3A_537 = tpu.vector_load %arg33[%get3A_535, %get3A_536] {strides = array<i32>} : memref<40x128xf32, #tpu.memory_space<vmem>>, vector<1x16xf32>,
      %get3A_538 = vector.shape_cast %get3A_537 : vector<1x16xf32> to vector<16xf32>
      %add3A_539 = arith.addf %get3A_534, %get3A_538 : vector<16xf32>
      %and3A_540 = arith.andi %get3A_518, %broadcast_in_dim3A_5 : vector<16xi32>
      %bitcast_convert_type3A_541 = tpu.bitcast %and3A_540 : vector<16xi32> -> vector<16xf32>
      %add3A_542 = arith.addf %add3A_539, %bitcast_convert_type3A_541 : vector<16xf32>
      %max3A_543 = arith.constant 0.000000e+00 : f32
      %max3A_544 = vector.broadcast %max3A_543 : f32 to vector<16xf32>
      %max3A_545 = arith.maximumf %add3A_530, %max3A_544 : vector<16xf32>
      %swap3A_546 = arith.index_cast %add3A_382 : i32 to index
      %swap3A_547 = arith.constant 48 : index
      %swap3A_548 = tpu.vector_load %arg32[%swap3A_546, %swap3A_547] {strides = array<i32>} : memref<40x128xf32, #tpu.memory_space<vmem>>, vector<1x16xf32>,
      %swap3A_549 = vector.shape_cast %swap3A_548 : vector<1x16xf32> to vector<16xf32>
      %swap3A_550 = vector.shape_cast %max3A_545 : vector<16xf32> to vector<1x16xf32>
      tpu.vector_store %arg32[%swap3A_546, %swap3A_547], %swap3A_550 {strides = array<i32>} : memref<40x128xf32, #tpu.memory_space<vmem>>, vector<1x16xf32>,
      %max3A_551 = arith.constant 0.000000e+00 : f32
      %max3A_552 = vector.broadcast %max3A_551 : f32 to vector<16xf32>
      %max3A_553 = arith.maximumf %add3A_542, %max3A_552 : vector<16xf32>
      %swap3A_554 = arith.index_cast %add3A_382 : i32 to index
      %swap3A_555 = arith.constant 112 : index
      %swap3A_556 = tpu.vector_load %arg32[%swap3A_554, %swap3A_555] {strides = array<i32>} : memref<40x128xf32, #tpu.memory_space<vmem>>, vector<1x16xf32>,
      %swap3A_557 = vector.shape_cast %swap3A_556 : vector<1x16xf32> to vector<16xf32>
      %swap3A_558 = vector.shape_cast %max3A_553 : vector<16xf32> to vector<1x16xf32>
      tpu.vector_store %arg32[%swap3A_554, %swap3A_555], %swap3A_558 {strides = array<i32>} : memref<40x128xf32, #tpu.memory_space<vmem>>, vector<1x16xf32>,
    }
    %scan3A_169 = arith.constant 20 : i32
    %dma_start3A_170 = arith.constant 0 : i32
    %dma_start3A_171 = arith.constant 0 : i32
    %dma_start3A_172 = tpu.memref_slice %arg9[%dma_start3A_170, %dma_start3A_171] : memref<10112x128xf32, #tpu.memory_space<vmem_shared>> -> memref<10112x128xf32, #tpu.memory_space<vmem_shared>>
    tpu.enqueue_indirect_dma source(%arg32 : memref<40x128xf32, #tpu.memory_space<vmem>>) target(%dma_start3A_172 : memref<10112x128xf32, #tpu.memory_space<vmem_shared>>) offsets(%arg31 : memref<40xi32, #tpu.memory_space<vmem>>) semaphore(%arg39 : memref<!tpu.dma_semaphore, #tpu.memory_space<semaphore_mem>>) {add = true}
    %dma_wait3A_173 = arith.constant 0 : i32
    %dma_wait3A_174 = arith.constant 0 : i32
    %dma_wait3A_175 = tpu.memref_slice %arg9[%dma_wait3A_173, %dma_wait3A_174] : memref<10112x128xf32, #tpu.memory_space<vmem_shared>> -> memref<10112x128xf32, #tpu.memory_space<vmem_shared>>
    tpu.wait_indirect_dma semaphore(%arg29 : memref<!tpu.dma_semaphore, #tpu.memory_space<semaphore_mem>>) src(%arg22 : memref<40x128xf32, #tpu.memory_space<vmem>>) dst(%dma_wait3A_175 : memref<10112x128xf32, #tpu.memory_space<vmem_shared>>)
    %add3A_176 = arith.constant 9960 : i32
    %add3A_177 = arith.addi %mul3A_4, %add3A_176 : i32
    %dma_wait3A_178 = arith.constant 0 : i32
    %dma_wait3A_179 = arith.constant 0 : i32
    %dma_wait3A_180 = tpu.memref_slice %arg2[%dma_wait3A_178, %dma_wait3A_179] : memref<10000x128xf32, #tpu.memory_space<hbm>> -> memref<10000x128xf32, #tpu.memory_space<hbm>>
    tpu.wait_indirect_dma semaphore(%arg16 : memref<!tpu.dma_semaphore, #tpu.memory_space<semaphore_mem>>) src(%dma_wait3A_180 : memref<10000x128xf32, #tpu.memory_space<hbm>>) dst(%arg12 : memref<40x128xf32, #tpu.memory_space<vmem>>)
    %dma_wait3A_181 = arith.constant 0 : i32
    %dma_wait3A_182 = arith.constant 0 : i32
    %dma_wait3A_183 = tpu.memref_slice %arg3[%dma_wait3A_181, %dma_wait3A_182] : memref<10000x128xf32, #tpu.memory_space<hbm>> -> memref<10000x128xf32, #tpu.memory_space<hbm>>
    tpu.wait_indirect_dma semaphore(%arg17 : memref<!tpu.dma_semaphore, #tpu.memory_space<semaphore_mem>>) src(%dma_wait3A_183 : memref<10000x128xf32, #tpu.memory_space<hbm>>) dst(%arg13 : memref<40x128xf32, #tpu.memory_space<vmem>>)
    %dma_wait3A_184 = arith.constant 0 : i32
    %dma_wait3A_185 = tpu.memref_slice %arg4[%add3A_177, %dma_wait3A_184] : memref<320000x64xi32, #tpu.memory_space<hbm>> -> memref<40x64xi32, #tpu.memory_space<hbm>>
    %dma_wait3A_186 = arith.constant 0 : i32
    %dma_wait3A_187 = tpu.memref_slice %arg4[%add3A_177, %dma_wait3A_186] : memref<320000x64xi32, #tpu.memory_space<hbm>> -> memref<40x64xi32, #tpu.memory_space<hbm>>
    tpu.wait_dma2 semaphore(%arg18 : memref<!tpu.dma_semaphore, #tpu.memory_space<semaphore_mem>>) src(%dma_wait3A_187 : memref<40x64xi32, #tpu.memory_space<hbm>>) dst(%arg14 : memref<40x64xi32, #tpu.memory_space<vmem>>)
    %scan3A_188 = arith.constant 0 : i32
    %scan3A_189 = arith.constant 0 : i32
    %scan3A_190 = arith.constant 20 : i32
    %scan3A_191 = arith.addi %scan3A_189, %scan3A_190 : i32
    %scan3A_192 = arith.constant 1 : i32
    scf.for %scan3A_204 = %scan3A_189 to %scan3A_191 step %scan3A_192  : i32 {
      %mul3A_205 = arith.constant 2 : i32
      %mul3A_206 = arith.muli %mul3A_205, %scan3A_204 : i32
      %add3A_207 = arith.constant 0 : i32
      %add3A_208 = arith.addi %mul3A_206, %add3A_207 : i32
      %get3A = arith.index_cast %add3A_208 : i32 to index
      %get3A_209 = arith.constant 0 : index
      %get3A_210 = tpu.vector_load %arg14[%get3A, %get3A_209] {strides = array<i32>} : memref<40x64xi32, #tpu.memory_space<vmem>>, vector<1x16xi32>,
      %get3A_211 = vector.shape_cast %get3A_210 : vector<1x16xi32> to vector<16xi32>
      %get3A_212 = arith.index_cast %add3A_208 : i32 to index
      %get3A_213 = arith.constant 0 : index
      %get3A_214 = tpu.vector_load %arg12[%get3A_212, %get3A_213] {strides = array<i32>} : memref<40x128xf32, #tpu.memory_space<vmem>>, vector<1x16xf32>,
      %get3A_215 = vector.shape_cast %get3A_214 : vector<1x16xf32> to vector<16xf32>
      %get3A_216 = arith.index_cast %add3A_208 : i32 to index
      %get3A_217 = arith.constant 0 : index
      %get3A_218 = tpu.vector_load %arg13[%get3A_216, %get3A_217] {strides = array<i32>} : memref<40x128xf32, #tpu.memory_space<vmem>>, vector<1x16xf32>,
      %get3A_219 = vector.shape_cast %get3A_218 : vector<1x16xf32> to vector<16xf32>
      %add3A_220 = arith.addf %get3A_215, %get3A_219 : vector<16xf32>
      %shift_left3A = arith.shli %get3A_211, %broadcast_in_dim3A_7 : vector<16xi32>
      %bitcast_convert_type3A = tpu.bitcast %shift_left3A : vector<16xi32> -> vector<16xf32>
      %add3A_221 = arith.addf %add3A_220, %bitcast_convert_type3A : vector<16xf32>
      %get3A_222 = arith.index_cast %add3A_208 : i32 to index
      %get3A_223 = arith.constant 64 : index
      %get3A_224 = tpu.vector_load %arg12[%get3A_222, %get3A_223] {strides = array<i32>} : memref<40x128xf32, #tpu.memory_space<vmem>>, vector<1x16xf32>,
      %get3A_225 = vector.shape_cast %get3A_224 : vector<1x16xf32> to vector<16xf32>
      %get3A_226 = arith.index_cast %add3A_208 : i32 to index
      %get3A_227 = arith.constant 64 : index
      %get3A_228 = tpu.vector_load %arg13[%get3A_226, %get3A_227] {strides = array<i32>} : memref<40x128xf32, #tpu.memory_space<vmem>>, vector<1x16xf32>,
      %get3A_229 = vector.shape_cast %get3A_228 : vector<1x16xf32> to vector<16xf32>
      %add3A_230 = arith.addf %get3A_225, %get3A_229 : vector<16xf32>
      %and3A = arith.andi %get3A_211, %broadcast_in_dim3A_5 : vector<16xi32>
      %bitcast_convert_type3A_231 = tpu.bitcast %and3A : vector<16xi32> -> vector<16xf32>
      %add3A_232 = arith.addf %add3A_230, %bitcast_convert_type3A_231 : vector<16xf32>
      %max3A = arith.constant 0.000000e+00 : f32
      %max3A_233 = vector.broadcast %max3A : f32 to vector<16xf32>
      %max3A_234 = arith.maximumf %add3A_221, %max3A_233 : vector<16xf32>
      %swap3A = arith.index_cast %add3A_208 : i32 to index
      %swap3A_235 = arith.constant 0 : index
      %swap3A_236 = tpu.vector_load %arg12[%swap3A, %swap3A_235] {strides = array<i32>} : memref<40x128xf32, #tpu.memory_space<vmem>>, vector<1x16xf32>,
      %swap3A_237 = vector.shape_cast %swap3A_236 : vector<1x16xf32> to vector<16xf32>
      %swap3A_238 = vector.shape_cast %max3A_234 : vector<16xf32> to vector<1x16xf32>
      tpu.vector_store %arg12[%swap3A, %swap3A_235], %swap3A_238 {strides = array<i32>} : memref<40x128xf32, #tpu.memory_space<vmem>>, vector<1x16xf32>,
      %max3A_239 = arith.constant 0.000000e+00 : f32
      %max3A_240 = vector.broadcast %max3A_239 : f32 to vector<16xf32>
      %max3A_241 = arith.maximumf %add3A_232, %max3A_240 : vector<16xf32>
      %swap3A_242 = arith.index_cast %add3A_208 : i32 to index
      %swap3A_243 = arith.constant 64 : index
      %swap3A_244 = tpu.vector_load %arg12[%swap3A_242, %swap3A_243] {strides = array<i32>} : memref<40x128xf32, #tpu.memory_space<vmem>>, vector<1x16xf32>,
      %swap3A_245 = vector.shape_cast %swap3A_244 : vector<1x16xf32> to vector<16xf32>
      %swap3A_246 = vector.shape_cast %max3A_241 : vector<16xf32> to vector<1x16xf32>
      tpu.vector_store %arg12[%swap3A_242, %swap3A_243], %swap3A_246 {strides = array<i32>} : memref<40x128xf32, #tpu.memory_space<vmem>>, vector<1x16xf32>,
      %get3A_247 = arith.index_cast %add3A_208 : i32 to index
      %get3A_248 = arith.constant 16 : index
      %get3A_249 = tpu.vector_load %arg14[%get3A_247, %get3A_248] {strides = array<i32>} : memref<40x64xi32, #tpu.memory_space<vmem>>, vector<1x16xi32>,
      %get3A_250 = vector.shape_cast %get3A_249 : vector<1x16xi32> to vector<16xi32>
      %get3A_251 = arith.index_cast %add3A_208 : i32 to index
      %get3A_252 = arith.constant 16 : index
      %get3A_253 = tpu.vector_load %arg12[%get3A_251, %get3A_252] {strides = array<i32>} : memref<40x128xf32, #tpu.memory_space<vmem>>, vector<1x16xf32>,
      %get3A_254 = vector.shape_cast %get3A_253 : vector<1x16xf32> to vector<16xf32>
      %get3A_255 = arith.index_cast %add3A_208 : i32 to index
      %get3A_256 = arith.constant 16 : index
      %get3A_257 = tpu.vector_load %arg13[%get3A_255, %get3A_256] {strides = array<i32>} : memref<40x128xf32, #tpu.memory_space<vmem>>, vector<1x16xf32>,
      %get3A_258 = vector.shape_cast %get3A_257 : vector<1x16xf32> to vector<16xf32>
      %add3A_259 = arith.addf %get3A_254, %get3A_258 : vector<16xf32>
      %shift_left3A_260 = arith.shli %get3A_250, %broadcast_in_dim3A_7 : vector<16xi32>
      %bitcast_convert_type3A_261 = tpu.bitcast %shift_left3A_260 : vector<16xi32> -> vector<16xf32>
      %add3A_262 = arith.addf %add3A_259, %bitcast_convert_type3A_261 : vector<16xf32>
      %get3A_263 = arith.index_cast %add3A_208 : i32 to index
      %get3A_264 = arith.constant 80 : index
      %get3A_265 = tpu.vector_load %arg12[%get3A_263, %get3A_264] {strides = array<i32>} : memref<40x128xf32, #tpu.memory_space<vmem>>, vector<1x16xf32>,
      %get3A_266 = vector.shape_cast %get3A_265 : vector<1x16xf32> to vector<16xf32>
      %get3A_267 = arith.index_cast %add3A_208 : i32 to index
      %get3A_268 = arith.constant 80 : index
      %get3A_269 = tpu.vector_load %arg13[%get3A_267, %get3A_268] {strides = array<i32>} : memref<40x128xf32, #tpu.memory_space<vmem>>, vector<1x16xf32>,
      %get3A_270 = vector.shape_cast %get3A_269 : vector<1x16xf32> to vector<16xf32>
      %add3A_271 = arith.addf %get3A_266, %get3A_270 : vector<16xf32>
      %and3A_272 = arith.andi %get3A_250, %broadcast_in_dim3A_5 : vector<16xi32>
      %bitcast_convert_type3A_273 = tpu.bitcast %and3A_272 : vector<16xi32> -> vector<16xf32>
      %add3A_274 = arith.addf %add3A_271, %bitcast_convert_type3A_273 : vector<16xf32>
      %max3A_275 = arith.constant 0.000000e+00 : f32
      %max3A_276 = vector.broadcast %max3A_275 : f32 to vector<16xf32>
      %max3A_277 = arith.maximumf %add3A_262, %max3A_276 : vector<16xf32>
      %swap3A_278 = arith.index_cast %add3A_208 : i32 to index
      %swap3A_279 = arith.constant 16 : index
      %swap3A_280 = tpu.vector_load %arg12[%swap3A_278, %swap3A_279] {strides = array<i32>} : memref<40x128xf32, #tpu.memory_space<vmem>>, vector<1x16xf32>,
      %swap3A_281 = vector.shape_cast %swap3A_280 : vector<1x16xf32> to vector<16xf32>
      %swap3A_282 = vector.shape_cast %max3A_277 : vector<16xf32> to vector<1x16xf32>
      tpu.vector_store %arg12[%swap3A_278, %swap3A_279], %swap3A_282 {strides = array<i32>} : memref<40x128xf32, #tpu.memory_space<vmem>>, vector<1x16xf32>,
      %max3A_283 = arith.constant 0.000000e+00 : f32
      %max3A_284 = vector.broadcast %max3A_283 : f32 to vector<16xf32>
      %max3A_285 = arith.maximumf %add3A_274, %max3A_284 : vector<16xf32>
      %swap3A_286 = arith.index_cast %add3A_208 : i32 to index
      %swap3A_287 = arith.constant 80 : index
      %swap3A_288 = tpu.vector_load %arg12[%swap3A_286, %swap3A_287] {strides = array<i32>} : memref<40x128xf32, #tpu.memory_space<vmem>>, vector<1x16xf32>,
      %swap3A_289 = vector.shape_cast %swap3A_288 : vector<1x16xf32> to vector<16xf32>
      %swap3A_290 = vector.shape_cast %max3A_285 : vector<16xf32> to vector<1x16xf32>
      tpu.vector_store %arg12[%swap3A_286, %swap3A_287], %swap3A_290 {strides = array<i32>} : memref<40x128xf32, #tpu.memory_space<vmem>>, vector<1x16xf32>,
      %get3A_291 = arith.index_cast %add3A_208 : i32 to index
      %get3A_292 = arith.constant 32 : index
      %get3A_293 = tpu.vector_load %arg14[%get3A_291, %get3A_292] {strides = array<i32>} : memref<40x64xi32, #tpu.memory_space<vmem>>, vector<1x16xi32>,
      %get3A_294 = vector.shape_cast %get3A_293 : vector<1x16xi32> to vector<16xi32>
      %get3A_295 = arith.index_cast %add3A_208 : i32 to index
      %get3A_296 = arith.constant 32 : index
      %get3A_297 = tpu.vector_load %arg12[%get3A_295, %get3A_296] {strides = array<i32>} : memref<40x128xf32, #tpu.memory_space<vmem>>, vector<1x16xf32>,
      %get3A_298 = vector.shape_cast %get3A_297 : vector<1x16xf32> to vector<16xf32>
      %get3A_299 = arith.index_cast %add3A_208 : i32 to index
      %get3A_300 = arith.constant 32 : index
      %get3A_301 = tpu.vector_load %arg13[%get3A_299, %get3A_300] {strides = array<i32>} : memref<40x128xf32, #tpu.memory_space<vmem>>, vector<1x16xf32>,
      %get3A_302 = vector.shape_cast %get3A_301 : vector<1x16xf32> to vector<16xf32>
      %add3A_303 = arith.addf %get3A_298, %get3A_302 : vector<16xf32>
      %shift_left3A_304 = arith.shli %get3A_294, %broadcast_in_dim3A_7 : vector<16xi32>
      %bitcast_convert_type3A_305 = tpu.bitcast %shift_left3A_304 : vector<16xi32> -> vector<16xf32>
      %add3A_306 = arith.addf %add3A_303, %bitcast_convert_type3A_305 : vector<16xf32>
      %get3A_307 = arith.index_cast %add3A_208 : i32 to index
      %get3A_308 = arith.constant 96 : index
      %get3A_309 = tpu.vector_load %arg12[%get3A_307, %get3A_308] {strides = array<i32>} : memref<40x128xf32, #tpu.memory_space<vmem>>, vector<1x16xf32>,
      %get3A_310 = vector.shape_cast %get3A_309 : vector<1x16xf32> to vector<16xf32>
      %get3A_311 = arith.index_cast %add3A_208 : i32 to index
      %get3A_312 = arith.constant 96 : index
      %get3A_313 = tpu.vector_load %arg13[%get3A_311, %get3A_312] {strides = array<i32>} : memref<40x128xf32, #tpu.memory_space<vmem>>, vector<1x16xf32>,
      %get3A_314 = vector.shape_cast %get3A_313 : vector<1x16xf32> to vector<16xf32>
      %add3A_315 = arith.addf %get3A_310, %get3A_314 : vector<16xf32>
      %and3A_316 = arith.andi %get3A_294, %broadcast_in_dim3A_5 : vector<16xi32>
      %bitcast_convert_type3A_317 = tpu.bitcast %and3A_316 : vector<16xi32> -> vector<16xf32>
      %add3A_318 = arith.addf %add3A_315, %bitcast_convert_type3A_317 : vector<16xf32>
      %max3A_319 = arith.constant 0.000000e+00 : f32
      %max3A_320 = vector.broadcast %max3A_319 : f32 to vector<16xf32>
      %max3A_321 = arith.maximumf %add3A_306, %max3A_320 : vector<16xf32>
      %swap3A_322 = arith.index_cast %add3A_208 : i32 to index
      %swap3A_323 = arith.constant 32 : index
      %swap3A_324 = tpu.vector_load %arg12[%swap3A_322, %swap3A_323] {strides = array<i32>} : memref<40x128xf32, #tpu.memory_space<vmem>>, vector<1x16xf32>,
      %swap3A_325 = vector.shape_cast %swap3A_324 : vector<1x16xf32> to vector<16xf32>
      %swap3A_326 = vector.shape_cast %max3A_321 : vector<16xf32> to vector<1x16xf32>
      tpu.vector_store %arg12[%swap3A_322, %swap3A_323], %swap3A_326 {strides = array<i32>} : memref<40x128xf32, #tpu.memory_space<vmem>>, vector<1x16xf32>,
      %max3A_327 = arith.constant 0.000000e+00 : f32
      %max3A_328 = vector.broadcast %max3A_327 : f32 to vector<16xf32>
      %max3A_329 = arith.maximumf %add3A_318, %max3A_328 : vector<16xf32>
      %swap3A_330 = arith.index_cast %add3A_208 : i32 to index
      %swap3A_331 = arith.constant 96 : index
      %swap3A_332 = tpu.vector_load %arg12[%swap3A_330, %swap3A_331] {strides = array<i32>} : memref<40x128xf32, #tpu.memory_space<vmem>>, vector<1x16xf32>,
      %swap3A_333 = vector.shape_cast %swap3A_332 : vector<1x16xf32> to vector<16xf32>
      %swap3A_334 = vector.shape_cast %max3A_329 : vector<16xf32> to vector<1x16xf32>
      tpu.vector_store %arg12[%swap3A_330, %swap3A_331], %swap3A_334 {strides = array<i32>} : memref<40x128xf32, #tpu.memory_space<vmem>>, vector<1x16xf32>,
      %get3A_335 = arith.index_cast %add3A_208 : i32 to index
      %get3A_336 = arith.constant 48 : index
      %get3A_337 = tpu.vector_load %arg14[%get3A_335, %get3A_336] {strides = array<i32>} : memref<40x64xi32, #tpu.memory_space<vmem>>, vector<1x16xi32>,
      %get3A_338 = vector.shape_cast %get3A_337 : vector<1x16xi32> to vector<16xi32>
      %get3A_339 = arith.index_cast %add3A_208 : i32 to index
      %get3A_340 = arith.constant 48 : index
      %get3A_341 = tpu.vector_load %arg12[%get3A_339, %get3A_340] {strides = array<i32>} : memref<40x128xf32, #tpu.memory_space<vmem>>, vector<1x16xf32>,
      %get3A_342 = vector.shape_cast %get3A_341 : vector<1x16xf32> to vector<16xf32>
      %get3A_343 = arith.index_cast %add3A_208 : i32 to index
      %get3A_344 = arith.constant 48 : index
      %get3A_345 = tpu.vector_load %arg13[%get3A_343, %get3A_344] {strides = array<i32>} : memref<40x128xf32, #tpu.memory_space<vmem>>, vector<1x16xf32>,
      %get3A_346 = vector.shape_cast %get3A_345 : vector<1x16xf32> to vector<16xf32>
      %add3A_347 = arith.addf %get3A_342, %get3A_346 : vector<16xf32>
      %shift_left3A_348 = arith.shli %get3A_338, %broadcast_in_dim3A_7 : vector<16xi32>
      %bitcast_convert_type3A_349 = tpu.bitcast %shift_left3A_348 : vector<16xi32> -> vector<16xf32>
      %add3A_350 = arith.addf %add3A_347, %bitcast_convert_type3A_349 : vector<16xf32>
      %get3A_351 = arith.index_cast %add3A_208 : i32 to index
      %get3A_352 = arith.constant 112 : index
      %get3A_353 = tpu.vector_load %arg12[%get3A_351, %get3A_352] {strides = array<i32>} : memref<40x128xf32, #tpu.memory_space<vmem>>, vector<1x16xf32>,
      %get3A_354 = vector.shape_cast %get3A_353 : vector<1x16xf32> to vector<16xf32>
      %get3A_355 = arith.index_cast %add3A_208 : i32 to index
      %get3A_356 = arith.constant 112 : index
      %get3A_357 = tpu.vector_load %arg13[%get3A_355, %get3A_356] {strides = array<i32>} : memref<40x128xf32, #tpu.memory_space<vmem>>, vector<1x16xf32>,
      %get3A_358 = vector.shape_cast %get3A_357 : vector<1x16xf32> to vector<16xf32>
      %add3A_359 = arith.addf %get3A_354, %get3A_358 : vector<16xf32>
      %and3A_360 = arith.andi %get3A_338, %broadcast_in_dim3A_5 : vector<16xi32>
      %bitcast_convert_type3A_361 = tpu.bitcast %and3A_360 : vector<16xi32> -> vector<16xf32>
      %add3A_362 = arith.addf %add3A_359, %bitcast_convert_type3A_361 : vector<16xf32>
      %max3A_363 = arith.constant 0.000000e+00 : f32
      %max3A_364 = vector.broadcast %max3A_363 : f32 to vector<16xf32>
      %max3A_365 = arith.maximumf %add3A_350, %max3A_364 : vector<16xf32>
      %swap3A_366 = arith.index_cast %add3A_208 : i32 to index
      %swap3A_367 = arith.constant 48 : index
      %swap3A_368 = tpu.vector_load %arg12[%swap3A_366, %swap3A_367] {strides = array<i32>} : memref<40x128xf32, #tpu.memory_space<vmem>>, vector<1x16xf32>,
      %swap3A_369 = vector.shape_cast %swap3A_368 : vector<1x16xf32> to vector<16xf32>
      %swap3A_370 = vector.shape_cast %max3A_365 : vector<16xf32> to vector<1x16xf32>
      tpu.vector_store %arg12[%swap3A_366, %swap3A_367], %swap3A_370 {strides = array<i32>} : memref<40x128xf32, #tpu.memory_space<vmem>>, vector<1x16xf32>,
      %max3A_371 = arith.constant 0.000000e+00 : f32
      %max3A_372 = vector.broadcast %max3A_371 : f32 to vector<16xf32>
      %max3A_373 = arith.maximumf %add3A_362, %max3A_372 : vector<16xf32>
      %swap3A_374 = arith.index_cast %add3A_208 : i32 to index
      %swap3A_375 = arith.constant 112 : index
      %swap3A_376 = tpu.vector_load %arg12[%swap3A_374, %swap3A_375] {strides = array<i32>} : memref<40x128xf32, #tpu.memory_space<vmem>>, vector<1x16xf32>,
      %swap3A_377 = vector.shape_cast %swap3A_376 : vector<1x16xf32> to vector<16xf32>
      %swap3A_378 = vector.shape_cast %max3A_373 : vector<16xf32> to vector<1x16xf32>
      tpu.vector_store %arg12[%swap3A_374, %swap3A_375], %swap3A_378 {strides = array<i32>} : memref<40x128xf32, #tpu.memory_space<vmem>>, vector<1x16xf32>,
      %mul3A_379 = arith.constant 2 : i32
      %mul3A_380 = arith.muli %mul3A_379, %scan3A_204 : i32
      %add3A_381 = arith.constant 1 : i32
      %add3A_382 = arith.addi %mul3A_380, %add3A_381 : i32
      %get3A_383 = arith.index_cast %add3A_382 : i32 to index
      %get3A_384 = arith.constant 0 : index
      %get3A_385 = tpu.vector_load %arg14[%get3A_383, %get3A_384] {strides = array<i32>} : memref<40x64xi32, #tpu.memory_space<vmem>>, vector<1x16xi32>,
      %get3A_386 = vector.shape_cast %get3A_385 : vector<1x16xi32> to vector<16xi32>
      %get3A_387 = arith.index_cast %add3A_382 : i32 to index
      %get3A_388 = arith.constant 0 : index
      %get3A_389 = tpu.vector_load %arg12[%get3A_387, %get3A_388] {strides = array<i32>} : memref<40x128xf32, #tpu.memory_space<vmem>>, vector<1x16xf32>,
      %get3A_390 = vector.shape_cast %get3A_389 : vector<1x16xf32> to vector<16xf32>
      %get3A_391 = arith.index_cast %add3A_382 : i32 to index
      %get3A_392 = arith.constant 0 : index
      %get3A_393 = tpu.vector_load %arg13[%get3A_391, %get3A_392] {strides = array<i32>} : memref<40x128xf32, #tpu.memory_space<vmem>>, vector<1x16xf32>,
      %get3A_394 = vector.shape_cast %get3A_393 : vector<1x16xf32> to vector<16xf32>
      %add3A_395 = arith.addf %get3A_390, %get3A_394 : vector<16xf32>
      %shift_left3A_396 = arith.shli %get3A_386, %broadcast_in_dim3A_7 : vector<16xi32>
      %bitcast_convert_type3A_397 = tpu.bitcast %shift_left3A_396 : vector<16xi32> -> vector<16xf32>
      %add3A_398 = arith.addf %add3A_395, %bitcast_convert_type3A_397 : vector<16xf32>
      %get3A_399 = arith.index_cast %add3A_382 : i32 to index
      %get3A_400 = arith.constant 64 : index
      %get3A_401 = tpu.vector_load %arg12[%get3A_399, %get3A_400] {strides = array<i32>} : memref<40x128xf32, #tpu.memory_space<vmem>>, vector<1x16xf32>,
      %get3A_402 = vector.shape_cast %get3A_401 : vector<1x16xf32> to vector<16xf32>
      %get3A_403 = arith.index_cast %add3A_382 : i32 to index
      %get3A_404 = arith.constant 64 : index
      %get3A_405 = tpu.vector_load %arg13[%get3A_403, %get3A_404] {strides = array<i32>} : memref<40x128xf32, #tpu.memory_space<vmem>>, vector<1x16xf32>,
      %get3A_406 = vector.shape_cast %get3A_405 : vector<1x16xf32> to vector<16xf32>
      %add3A_407 = arith.addf %get3A_402, %get3A_406 : vector<16xf32>
      %and3A_408 = arith.andi %get3A_386, %broadcast_in_dim3A_5 : vector<16xi32>
      %bitcast_convert_type3A_409 = tpu.bitcast %and3A_408 : vector<16xi32> -> vector<16xf32>
      %add3A_410 = arith.addf %add3A_407, %bitcast_convert_type3A_409 : vector<16xf32>
      %max3A_411 = arith.constant 0.000000e+00 : f32
      %max3A_412 = vector.broadcast %max3A_411 : f32 to vector<16xf32>
      %max3A_413 = arith.maximumf %add3A_398, %max3A_412 : vector<16xf32>
      %swap3A_414 = arith.index_cast %add3A_382 : i32 to index
      %swap3A_415 = arith.constant 0 : index
      %swap3A_416 = tpu.vector_load %arg12[%swap3A_414, %swap3A_415] {strides = array<i32>} : memref<40x128xf32, #tpu.memory_space<vmem>>, vector<1x16xf32>,
      %swap3A_417 = vector.shape_cast %swap3A_416 : vector<1x16xf32> to vector<16xf32>
      %swap3A_418 = vector.shape_cast %max3A_413 : vector<16xf32> to vector<1x16xf32>
      tpu.vector_store %arg12[%swap3A_414, %swap3A_415], %swap3A_418 {strides = array<i32>} : memref<40x128xf32, #tpu.memory_space<vmem>>, vector<1x16xf32>,
      %max3A_419 = arith.constant 0.000000e+00 : f32
      %max3A_420 = vector.broadcast %max3A_419 : f32 to vector<16xf32>
      %max3A_421 = arith.maximumf %add3A_410, %max3A_420 : vector<16xf32>
      %swap3A_422 = arith.index_cast %add3A_382 : i32 to index
      %swap3A_423 = arith.constant 64 : index
      %swap3A_424 = tpu.vector_load %arg12[%swap3A_422, %swap3A_423] {strides = array<i32>} : memref<40x128xf32, #tpu.memory_space<vmem>>, vector<1x16xf32>,
      %swap3A_425 = vector.shape_cast %swap3A_424 : vector<1x16xf32> to vector<16xf32>
      %swap3A_426 = vector.shape_cast %max3A_421 : vector<16xf32> to vector<1x16xf32>
      tpu.vector_store %arg12[%swap3A_422, %swap3A_423], %swap3A_426 {strides = array<i32>} : memref<40x128xf32, #tpu.memory_space<vmem>>, vector<1x16xf32>,
      %get3A_427 = arith.index_cast %add3A_382 : i32 to index
      %get3A_428 = arith.constant 16 : index
      %get3A_429 = tpu.vector_load %arg14[%get3A_427, %get3A_428] {strides = array<i32>} : memref<40x64xi32, #tpu.memory_space<vmem>>, vector<1x16xi32>,
      %get3A_430 = vector.shape_cast %get3A_429 : vector<1x16xi32> to vector<16xi32>
      %get3A_431 = arith.index_cast %add3A_382 : i32 to index
      %get3A_432 = arith.constant 16 : index
      %get3A_433 = tpu.vector_load %arg12[%get3A_431, %get3A_432] {strides = array<i32>} : memref<40x128xf32, #tpu.memory_space<vmem>>, vector<1x16xf32>,
      %get3A_434 = vector.shape_cast %get3A_433 : vector<1x16xf32> to vector<16xf32>
      %get3A_435 = arith.index_cast %add3A_382 : i32 to index
      %get3A_436 = arith.constant 16 : index
      %get3A_437 = tpu.vector_load %arg13[%get3A_435, %get3A_436] {strides = array<i32>} : memref<40x128xf32, #tpu.memory_space<vmem>>, vector<1x16xf32>,
      %get3A_438 = vector.shape_cast %get3A_437 : vector<1x16xf32> to vector<16xf32>
      %add3A_439 = arith.addf %get3A_434, %get3A_438 : vector<16xf32>
      %shift_left3A_440 = arith.shli %get3A_430, %broadcast_in_dim3A_7 : vector<16xi32>
      %bitcast_convert_type3A_441 = tpu.bitcast %shift_left3A_440 : vector<16xi32> -> vector<16xf32>
      %add3A_442 = arith.addf %add3A_439, %bitcast_convert_type3A_441 : vector<16xf32>
      %get3A_443 = arith.index_cast %add3A_382 : i32 to index
      %get3A_444 = arith.constant 80 : index
      %get3A_445 = tpu.vector_load %arg12[%get3A_443, %get3A_444] {strides = array<i32>} : memref<40x128xf32, #tpu.memory_space<vmem>>, vector<1x16xf32>,
      %get3A_446 = vector.shape_cast %get3A_445 : vector<1x16xf32> to vector<16xf32>
      %get3A_447 = arith.index_cast %add3A_382 : i32 to index
      %get3A_448 = arith.constant 80 : index
      %get3A_449 = tpu.vector_load %arg13[%get3A_447, %get3A_448] {strides = array<i32>} : memref<40x128xf32, #tpu.memory_space<vmem>>, vector<1x16xf32>,
      %get3A_450 = vector.shape_cast %get3A_449 : vector<1x16xf32> to vector<16xf32>
      %add3A_451 = arith.addf %get3A_446, %get3A_450 : vector<16xf32>
      %and3A_452 = arith.andi %get3A_430, %broadcast_in_dim3A_5 : vector<16xi32>
      %bitcast_convert_type3A_453 = tpu.bitcast %and3A_452 : vector<16xi32> -> vector<16xf32>
      %add3A_454 = arith.addf %add3A_451, %bitcast_convert_type3A_453 : vector<16xf32>
      %max3A_455 = arith.constant 0.000000e+00 : f32
      %max3A_456 = vector.broadcast %max3A_455 : f32 to vector<16xf32>
      %max3A_457 = arith.maximumf %add3A_442, %max3A_456 : vector<16xf32>
      %swap3A_458 = arith.index_cast %add3A_382 : i32 to index
      %swap3A_459 = arith.constant 16 : index
      %swap3A_460 = tpu.vector_load %arg12[%swap3A_458, %swap3A_459] {strides = array<i32>} : memref<40x128xf32, #tpu.memory_space<vmem>>, vector<1x16xf32>,
      %swap3A_461 = vector.shape_cast %swap3A_460 : vector<1x16xf32> to vector<16xf32>
      %swap3A_462 = vector.shape_cast %max3A_457 : vector<16xf32> to vector<1x16xf32>
      tpu.vector_store %arg12[%swap3A_458, %swap3A_459], %swap3A_462 {strides = array<i32>} : memref<40x128xf32, #tpu.memory_space<vmem>>, vector<1x16xf32>,
      %max3A_463 = arith.constant 0.000000e+00 : f32
      %max3A_464 = vector.broadcast %max3A_463 : f32 to vector<16xf32>
      %max3A_465 = arith.maximumf %add3A_454, %max3A_464 : vector<16xf32>
      %swap3A_466 = arith.index_cast %add3A_382 : i32 to index
      %swap3A_467 = arith.constant 80 : index
      %swap3A_468 = tpu.vector_load %arg12[%swap3A_466, %swap3A_467] {strides = array<i32>} : memref<40x128xf32, #tpu.memory_space<vmem>>, vector<1x16xf32>,
      %swap3A_469 = vector.shape_cast %swap3A_468 : vector<1x16xf32> to vector<16xf32>
      %swap3A_470 = vector.shape_cast %max3A_465 : vector<16xf32> to vector<1x16xf32>
      tpu.vector_store %arg12[%swap3A_466, %swap3A_467], %swap3A_470 {strides = array<i32>} : memref<40x128xf32, #tpu.memory_space<vmem>>, vector<1x16xf32>,
      %get3A_471 = arith.index_cast %add3A_382 : i32 to index
      %get3A_472 = arith.constant 32 : index
      %get3A_473 = tpu.vector_load %arg14[%get3A_471, %get3A_472] {strides = array<i32>} : memref<40x64xi32, #tpu.memory_space<vmem>>, vector<1x16xi32>,
      %get3A_474 = vector.shape_cast %get3A_473 : vector<1x16xi32> to vector<16xi32>
      %get3A_475 = arith.index_cast %add3A_382 : i32 to index
      %get3A_476 = arith.constant 32 : index
      %get3A_477 = tpu.vector_load %arg12[%get3A_475, %get3A_476] {strides = array<i32>} : memref<40x128xf32, #tpu.memory_space<vmem>>, vector<1x16xf32>,
      %get3A_478 = vector.shape_cast %get3A_477 : vector<1x16xf32> to vector<16xf32>
      %get3A_479 = arith.index_cast %add3A_382 : i32 to index
      %get3A_480 = arith.constant 32 : index
      %get3A_481 = tpu.vector_load %arg13[%get3A_479, %get3A_480] {strides = array<i32>} : memref<40x128xf32, #tpu.memory_space<vmem>>, vector<1x16xf32>,
      %get3A_482 = vector.shape_cast %get3A_481 : vector<1x16xf32> to vector<16xf32>
      %add3A_483 = arith.addf %get3A_478, %get3A_482 : vector<16xf32>
      %shift_left3A_484 = arith.shli %get3A_474, %broadcast_in_dim3A_7 : vector<16xi32>
      %bitcast_convert_type3A_485 = tpu.bitcast %shift_left3A_484 : vector<16xi32> -> vector<16xf32>
      %add3A_486 = arith.addf %add3A_483, %bitcast_convert_type3A_485 : vector<16xf32>
      %get3A_487 = arith.index_cast %add3A_382 : i32 to index
      %get3A_488 = arith.constant 96 : index
      %get3A_489 = tpu.vector_load %arg12[%get3A_487, %get3A_488] {strides = array<i32>} : memref<40x128xf32, #tpu.memory_space<vmem>>, vector<1x16xf32>,
      %get3A_490 = vector.shape_cast %get3A_489 : vector<1x16xf32> to vector<16xf32>
      %get3A_491 = arith.index_cast %add3A_382 : i32 to index
      %get3A_492 = arith.constant 96 : index
      %get3A_493 = tpu.vector_load %arg13[%get3A_491, %get3A_492] {strides = array<i32>} : memref<40x128xf32, #tpu.memory_space<vmem>>, vector<1x16xf32>,
      %get3A_494 = vector.shape_cast %get3A_493 : vector<1x16xf32> to vector<16xf32>
      %add3A_495 = arith.addf %get3A_490, %get3A_494 : vector<16xf32>
      %and3A_496 = arith.andi %get3A_474, %broadcast_in_dim3A_5 : vector<16xi32>
      %bitcast_convert_type3A_497 = tpu.bitcast %and3A_496 : vector<16xi32> -> vector<16xf32>
      %add3A_498 = arith.addf %add3A_495, %bitcast_convert_type3A_497 : vector<16xf32>
      %max3A_499 = arith.constant 0.000000e+00 : f32
      %max3A_500 = vector.broadcast %max3A_499 : f32 to vector<16xf32>
      %max3A_501 = arith.maximumf %add3A_486, %max3A_500 : vector<16xf32>
      %swap3A_502 = arith.index_cast %add3A_382 : i32 to index
      %swap3A_503 = arith.constant 32 : index
      %swap3A_504 = tpu.vector_load %arg12[%swap3A_502, %swap3A_503] {strides = array<i32>} : memref<40x128xf32, #tpu.memory_space<vmem>>, vector<1x16xf32>,
      %swap3A_505 = vector.shape_cast %swap3A_504 : vector<1x16xf32> to vector<16xf32>
      %swap3A_506 = vector.shape_cast %max3A_501 : vector<16xf32> to vector<1x16xf32>
      tpu.vector_store %arg12[%swap3A_502, %swap3A_503], %swap3A_506 {strides = array<i32>} : memref<40x128xf32, #tpu.memory_space<vmem>>, vector<1x16xf32>,
      %max3A_507 = arith.constant 0.000000e+00 : f32
      %max3A_508 = vector.broadcast %max3A_507 : f32 to vector<16xf32>
      %max3A_509 = arith.maximumf %add3A_498, %max3A_508 : vector<16xf32>
      %swap3A_510 = arith.index_cast %add3A_382 : i32 to index
      %swap3A_511 = arith.constant 96 : index
      %swap3A_512 = tpu.vector_load %arg12[%swap3A_510, %swap3A_511] {strides = array<i32>} : memref<40x128xf32, #tpu.memory_space<vmem>>, vector<1x16xf32>,
      %swap3A_513 = vector.shape_cast %swap3A_512 : vector<1x16xf32> to vector<16xf32>
      %swap3A_514 = vector.shape_cast %max3A_509 : vector<16xf32> to vector<1x16xf32>
      tpu.vector_store %arg12[%swap3A_510, %swap3A_511], %swap3A_514 {strides = array<i32>} : memref<40x128xf32, #tpu.memory_space<vmem>>, vector<1x16xf32>,
      %get3A_515 = arith.index_cast %add3A_382 : i32 to index
      %get3A_516 = arith.constant 48 : index
      %get3A_517 = tpu.vector_load %arg14[%get3A_515, %get3A_516] {strides = array<i32>} : memref<40x64xi32, #tpu.memory_space<vmem>>, vector<1x16xi32>,
      %get3A_518 = vector.shape_cast %get3A_517 : vector<1x16xi32> to vector<16xi32>
      %get3A_519 = arith.index_cast %add3A_382 : i32 to index
      %get3A_520 = arith.constant 48 : index
      %get3A_521 = tpu.vector_load %arg12[%get3A_519, %get3A_520] {strides = array<i32>} : memref<40x128xf32, #tpu.memory_space<vmem>>, vector<1x16xf32>,
      %get3A_522 = vector.shape_cast %get3A_521 : vector<1x16xf32> to vector<16xf32>
      %get3A_523 = arith.index_cast %add3A_382 : i32 to index
      %get3A_524 = arith.constant 48 : index
      %get3A_525 = tpu.vector_load %arg13[%get3A_523, %get3A_524] {strides = array<i32>} : memref<40x128xf32, #tpu.memory_space<vmem>>, vector<1x16xf32>,
      %get3A_526 = vector.shape_cast %get3A_525 : vector<1x16xf32> to vector<16xf32>
      %add3A_527 = arith.addf %get3A_522, %get3A_526 : vector<16xf32>
      %shift_left3A_528 = arith.shli %get3A_518, %broadcast_in_dim3A_7 : vector<16xi32>
      %bitcast_convert_type3A_529 = tpu.bitcast %shift_left3A_528 : vector<16xi32> -> vector<16xf32>
      %add3A_530 = arith.addf %add3A_527, %bitcast_convert_type3A_529 : vector<16xf32>
      %get3A_531 = arith.index_cast %add3A_382 : i32 to index
      %get3A_532 = arith.constant 112 : index
      %get3A_533 = tpu.vector_load %arg12[%get3A_531, %get3A_532] {strides = array<i32>} : memref<40x128xf32, #tpu.memory_space<vmem>>, vector<1x16xf32>,
      %get3A_534 = vector.shape_cast %get3A_533 : vector<1x16xf32> to vector<16xf32>
      %get3A_535 = arith.index_cast %add3A_382 : i32 to index
      %get3A_536 = arith.constant 112 : index
      %get3A_537 = tpu.vector_load %arg13[%get3A_535, %get3A_536] {strides = array<i32>} : memref<40x128xf32, #tpu.memory_space<vmem>>, vector<1x16xf32>,
      %get3A_538 = vector.shape_cast %get3A_537 : vector<1x16xf32> to vector<16xf32>
      %add3A_539 = arith.addf %get3A_534, %get3A_538 : vector<16xf32>
      %and3A_540 = arith.andi %get3A_518, %broadcast_in_dim3A_5 : vector<16xi32>
      %bitcast_convert_type3A_541 = tpu.bitcast %and3A_540 : vector<16xi32> -> vector<16xf32>
      %add3A_542 = arith.addf %add3A_539, %bitcast_convert_type3A_541 : vector<16xf32>
      %max3A_543 = arith.constant 0.000000e+00 : f32
      %max3A_544 = vector.broadcast %max3A_543 : f32 to vector<16xf32>
      %max3A_545 = arith.maximumf %add3A_530, %max3A_544 : vector<16xf32>
      %swap3A_546 = arith.index_cast %add3A_382 : i32 to index
      %swap3A_547 = arith.constant 48 : index
      %swap3A_548 = tpu.vector_load %arg12[%swap3A_546, %swap3A_547] {strides = array<i32>} : memref<40x128xf32, #tpu.memory_space<vmem>>, vector<1x16xf32>,
      %swap3A_549 = vector.shape_cast %swap3A_548 : vector<1x16xf32> to vector<16xf32>
      %swap3A_550 = vector.shape_cast %max3A_545 : vector<16xf32> to vector<1x16xf32>
      tpu.vector_store %arg12[%swap3A_546, %swap3A_547], %swap3A_550 {strides = array<i32>} : memref<40x128xf32, #tpu.memory_space<vmem>>, vector<1x16xf32>,
      %max3A_551 = arith.constant 0.000000e+00 : f32
      %max3A_552 = vector.broadcast %max3A_551 : f32 to vector<16xf32>
      %max3A_553 = arith.maximumf %add3A_542, %max3A_552 : vector<16xf32>
      %swap3A_554 = arith.index_cast %add3A_382 : i32 to index
      %swap3A_555 = arith.constant 112 : index
      %swap3A_556 = tpu.vector_load %arg12[%swap3A_554, %swap3A_555] {strides = array<i32>} : memref<40x128xf32, #tpu.memory_space<vmem>>, vector<1x16xf32>,
      %swap3A_557 = vector.shape_cast %swap3A_556 : vector<1x16xf32> to vector<16xf32>
      %swap3A_558 = vector.shape_cast %max3A_553 : vector<16xf32> to vector<1x16xf32>
      tpu.vector_store %arg12[%swap3A_554, %swap3A_555], %swap3A_558 {strides = array<i32>} : memref<40x128xf32, #tpu.memory_space<vmem>>, vector<1x16xf32>,
    }
    %scan3A_193 = arith.constant 20 : i32
    %dma_start3A_194 = arith.constant 0 : i32
    %dma_start3A_195 = arith.constant 0 : i32
    %dma_start3A_196 = tpu.memref_slice %arg9[%dma_start3A_194, %dma_start3A_195] : memref<10112x128xf32, #tpu.memory_space<vmem_shared>> -> memref<10112x128xf32, #tpu.memory_space<vmem_shared>>
    tpu.enqueue_indirect_dma source(%arg12 : memref<40x128xf32, #tpu.memory_space<vmem>>) target(%dma_start3A_196 : memref<10112x128xf32, #tpu.memory_space<vmem_shared>>) offsets(%arg11 : memref<40xi32, #tpu.memory_space<vmem>>) semaphore(%arg19 : memref<!tpu.dma_semaphore, #tpu.memory_space<semaphore_mem>>) {add = true}
    %dma_wait3A_197 = arith.constant 0 : i32
    %dma_wait3A_198 = arith.constant 0 : i32
    %dma_wait3A_199 = tpu.memref_slice %arg9[%dma_wait3A_197, %dma_wait3A_198] : memref<10112x128xf32, #tpu.memory_space<vmem_shared>> -> memref<10112x128xf32, #tpu.memory_space<vmem_shared>>
    tpu.wait_indirect_dma semaphore(%arg39 : memref<!tpu.dma_semaphore, #tpu.memory_space<semaphore_mem>>) src(%arg32 : memref<40x128xf32, #tpu.memory_space<vmem>>) dst(%dma_wait3A_199 : memref<10112x128xf32, #tpu.memory_space<vmem_shared>>)
    %dma_wait3A_200 = arith.constant 0 : i32
    %dma_wait3A_201 = arith.constant 0 : i32
    %dma_wait3A_202 = tpu.memref_slice %arg9[%dma_wait3A_200, %dma_wait3A_201] : memref<10112x128xf32, #tpu.memory_space<vmem_shared>> -> memref<10112x128xf32, #tpu.memory_space<vmem_shared>>
    tpu.wait_indirect_dma semaphore(%arg19 : memref<!tpu.dma_semaphore, #tpu.memory_space<semaphore_mem>>) src(%arg12 : memref<40x128xf32, #tpu.memory_space<vmem>>) dst(%dma_wait3A_202 : memref<10112x128xf32, #tpu.memory_space<vmem_shared>>)
    %barrier3A_203 = arith.constant 0 : index
    tpu.barrier barrier_id(%barrier3A_203)
    "tpu.region"() ({
      %run_scoped3A = tpu.sem_alloc : memref<!tpu.dma_semaphore, #tpu.memory_space<semaphore_mem>>
      %dma_start3A_204 = arith.constant 0 : i32
      %dma_start3A_205 = tpu.memref_slice %arg8[%arg0, %mul3A_2, %dma_start3A_204] : memref<2x10112x128xf32, #tpu.memory_space<hbm>> -> memref<1x632x128xf32, #tpu.memory_space<hbm>>
      %dma_start3A_206 = tpu.memref_squeeze %dma_start3A_205 : memref<1x632x128xf32, #tpu.memory_space<hbm>> -> memref<632x128xf32, #tpu.memory_space<hbm>>
      %dma_start3A_207 = arith.constant 0 : i32
      %dma_start3A_208 = tpu.memref_slice %arg9[%mul3A_2, %dma_start3A_207] : memref<10112x128xf32, #tpu.memory_space<vmem_shared>> -> memref<632x128xf32, #tpu.memory_space<vmem_shared>>
      tpu.enqueue_dma source(%dma_start3A_208 : memref<632x128xf32, #tpu.memory_space<vmem_shared>>) target(%dma_start3A_206 : memref<632x128xf32, #tpu.memory_space<hbm>>) target_semaphore(%run_scoped3A : memref<!tpu.dma_semaphore, #tpu.memory_space<semaphore_mem>>)
      %dma_wait3A_209 = arith.constant 0 : i32
      %dma_wait3A_210 = tpu.memref_slice %arg8[%arg0, %mul3A_2, %dma_wait3A_209] : memref<2x10112x128xf32, #tpu.memory_space<hbm>> -> memref<1x632x128xf32, #tpu.memory_space<hbm>>
      %dma_wait3A_211 = tpu.memref_squeeze %dma_wait3A_210 : memref<1x632x128xf32, #tpu.memory_space<hbm>> -> memref<632x128xf32, #tpu.memory_space<hbm>>
      %dma_wait3A_212 = arith.constant 0 : i32
      %dma_wait3A_213 = tpu.memref_slice %arg9[%mul3A_2, %dma_wait3A_212] : memref<10112x128xf32, #tpu.memory_space<vmem_shared>> -> memref<632x128xf32, #tpu.memory_space<vmem_shared>>
      tpu.wait_dma2 semaphore(%run_scoped3A : memref<!tpu.dma_semaphore, #tpu.memory_space<semaphore_mem>>) src(%dma_wait3A_213 : memref<632x128xf32, #tpu.memory_space<vmem_shared>>) dst(%dma_wait3A_211 : memref<632x128xf32, #tpu.memory_space<hbm>>)
      tpu.yield
    }) : () -> ()
    return
  }
}

module attributes {stable_mosaic.version = 14 : i64} {
  func.func @_mlp_body(%arg0: i32, %arg1: memref<2x2000x128xf32, #tpu.memory_space<vmem>>, %arg2: memref<2000x128xf32, #tpu.memory_space<vmem>>, %arg3: memref<256x128xf32, #tpu.memory_space<vmem>>, %arg4: memref<1x128xf32, #tpu.memory_space<vmem>>, %arg5: memref<128x128xf32, #tpu.memory_space<vmem>>, %arg6: memref<1x128xf32, #tpu.memory_space<vmem>>, %arg7: memref<2000x128xf32, #tpu.memory_space<vmem>>) attributes {dimension_semantics = [#tpu.dimension_semantics<arbitrary>], iteration_bounds = array<i64: 5>, scalar_prefetch = 0 : i64, scratch_operands = 0 : i64, tpu.core_type = #tpu.core_type<tc>, window_params = [{transform_indices = @transform_0, window_bounds = array<i64: 2, 2000, 128>}, {transform_indices = @transform_1, window_bounds = array<i64: 2000, 128>}, {pipeline_mode = #tpu.pipeline_mode<synchronous>, transform_indices = @transform_2, window_bounds = array<i64: 256, 128>}, {pipeline_mode = #tpu.pipeline_mode<synchronous>, transform_indices = @transform_3, window_bounds = array<i64: 1, 128>}, {pipeline_mode = #tpu.pipeline_mode<synchronous>, transform_indices = @transform_4, window_bounds = array<i64: 128, 128>}, {pipeline_mode = #tpu.pipeline_mode<synchronous>, transform_indices = @transform_5, window_bounds = array<i64: 1, 128>}, {transform_indices = @transform_6, window_bounds = array<i64: 2000, 128>}]} {
    %get3A = arith.constant 0 : index
    %get3A_0 = arith.constant 0 : index
    %get3A_1 = arith.constant 0 : index
    %get3A_2 = vector.load %arg1[%get3A, %get3A_0, %get3A_1] : memref<2x2000x128xf32, #tpu.memory_space<vmem>>, vector<1x2000x128xf32>
    %get3A_3 = vector.shape_cast %get3A_2 : vector<1x2000x128xf32> to vector<2000x128xf32>
    %get3A_4 = arith.constant 1 : index
    %get3A_5 = arith.constant 0 : index
    %get3A_6 = arith.constant 0 : index
    %get3A_7 = vector.load %arg1[%get3A_4, %get3A_5, %get3A_6] : memref<2x2000x128xf32, #tpu.memory_space<vmem>>, vector<1x2000x128xf32>
    %get3A_8 = vector.shape_cast %get3A_7 : vector<1x2000x128xf32> to vector<2000x128xf32>
    %add3A = arith.addf %get3A_3, %get3A_8 : vector<2000x128xf32>
    %get3A_9 = arith.constant 0 : index
    %get3A_10 = arith.constant 0 : index
    %get3A_11 = vector.load %arg2[%get3A_9, %get3A_10] : memref<2000x128xf32, #tpu.memory_space<vmem>>, vector<2000x128xf32>
    %get3A_12 = arith.constant 0 : index
    %get3A_13 = arith.constant 0 : index
    %get3A_14 = vector.load %arg3[%get3A_12, %get3A_13] : memref<256x128xf32, #tpu.memory_space<vmem>>, vector<128x128xf32>
    %dot_general3A = arith.constant dense<0.000000e+00> : vector<2000x128xf32>
    %dot_general3A_15 = tpu.matmul %add3A, %get3A_14, %dot_general3A {dimension_numbers = #tpu.dot_dimension_numbers<[1], [0], [0], [1], [0, 0, 1, 1], [], []>, transpose_lhs_hint = false} : vector<2000x128xf32>, vector<128x128xf32>, vector<2000x128xf32> -> vector<2000x128xf32>
    %get3A_16 = arith.constant 128 : index
    %get3A_17 = arith.constant 0 : index
    %get3A_18 = vector.load %arg3[%get3A_16, %get3A_17] : memref<256x128xf32, #tpu.memory_space<vmem>>, vector<128x128xf32>
    %dot_general3A_19 = arith.constant dense<0.000000e+00> : vector<2000x128xf32>
    %dot_general3A_20 = tpu.matmul %get3A_11, %get3A_18, %dot_general3A_19 {dimension_numbers = #tpu.dot_dimension_numbers<[1], [0], [0], [1], [0, 0, 1, 1], [], []>, transpose_lhs_hint = false} : vector<2000x128xf32>, vector<128x128xf32>, vector<2000x128xf32> -> vector<2000x128xf32>
    %add3A_21 = arith.addf %dot_general3A_15, %dot_general3A_20 : vector<2000x128xf32>
    %get3A_22 = arith.constant 0 : index
    %get3A_23 = arith.constant 0 : index
    %get3A_24 = vector.load %arg4[%get3A_22, %get3A_23] : memref<1x128xf32, #tpu.memory_space<vmem>>, vector<1x128xf32>
    %add3A_25 = vector.broadcast %get3A_24 : vector<1x128xf32> to vector<2000x128xf32>
    %add3A_26 = arith.addf %add3A_21, %add3A_25 : vector<2000x128xf32>
    %max3A = arith.constant 0.000000e+00 : f32
    %max3A_27 = vector.broadcast %max3A : f32 to vector<2000x128xf32>
    %max3A_28 = arith.maximumf %add3A_26, %max3A_27 : vector<2000x128xf32>
    %get3A_29 = arith.constant 0 : index
    %get3A_30 = arith.constant 0 : index
    %get3A_31 = vector.load %arg5[%get3A_29, %get3A_30] : memref<128x128xf32, #tpu.memory_space<vmem>>, vector<128x128xf32>
    %dot_general3A_32 = arith.constant dense<0.000000e+00> : vector<2000x128xf32>
    %dot_general3A_33 = tpu.matmul %max3A_28, %get3A_31, %dot_general3A_32 {dimension_numbers = #tpu.dot_dimension_numbers<[1], [0], [0], [1], [0, 0, 1, 1], [], []>, transpose_lhs_hint = false} : vector<2000x128xf32>, vector<128x128xf32>, vector<2000x128xf32> -> vector<2000x128xf32>
    %get3A_34 = arith.constant 0 : index
    %get3A_35 = arith.constant 0 : index
    %get3A_36 = vector.load %arg6[%get3A_34, %get3A_35] : memref<1x128xf32, #tpu.memory_space<vmem>>, vector<1x128xf32>
    %add3A_37 = vector.broadcast %get3A_36 : vector<1x128xf32> to vector<2000x128xf32>
    %add3A_38 = arith.addf %dot_general3A_33, %add3A_37 : vector<2000x128xf32>
    %max3A_39 = arith.constant 0.000000e+00 : f32
    %max3A_40 = vector.broadcast %max3A_39 : f32 to vector<2000x128xf32>
    %max3A_41 = arith.maximumf %add3A_38, %max3A_40 : vector<2000x128xf32>
    %add3A_42 = arith.addf %get3A_11, %max3A_41 : vector<2000x128xf32>
    %swap3A = arith.constant 0 : index
    %swap3A_43 = arith.constant 0 : index
    %swap3A_44 = vector.load %arg7[%swap3A, %swap3A_43] : memref<2000x128xf32, #tpu.memory_space<vmem>>, vector<2000x128xf32>
    tpu.vector_store %arg7[%swap3A, %swap3A_43], %add3A_42 {strides = array<i32>} : memref<2000x128xf32, #tpu.memory_space<vmem>>, vector<2000x128xf32>,
    return
  }
  func.func @transform_0(%arg0: i32) -> (i32, i32, i32) {
    %c0_i32 = arith.constant 0 : i32
    %c0_i32_0 = arith.constant 0 : i32
    %c0_i32_1 = arith.constant 0 : i32
    return %c0_i32, %arg0, %c0_i32_0 : i32, i32, i32
  }
  func.func @transform_1(%arg0: i32) -> (i32, i32) {
    %c0_i32 = arith.constant 0 : i32
    %c0_i32_0 = arith.constant 0 : i32
    return %arg0, %c0_i32 : i32, i32
  }
  func.func @transform_2(%arg0: i32) -> (i32, i32) {
    %c0_i32 = arith.constant 0 : i32
    %c0_i32_0 = arith.constant 0 : i32
    %c0_i32_1 = arith.constant 0 : i32
    return %c0_i32, %c0_i32_0 : i32, i32
  }
  func.func @transform_3(%arg0: i32) -> (i32, i32) {
    %c0_i32 = arith.constant 0 : i32
    %c0_i32_0 = arith.constant 0 : i32
    %c0_i32_1 = arith.constant 0 : i32
    return %c0_i32, %c0_i32_0 : i32, i32
  }
  func.func @transform_4(%arg0: i32) -> (i32, i32) {
    %c0_i32 = arith.constant 0 : i32
    %c0_i32_0 = arith.constant 0 : i32
    %c0_i32_1 = arith.constant 0 : i32
    return %c0_i32, %c0_i32_0 : i32, i32
  }
  func.func @transform_5(%arg0: i32) -> (i32, i32) {
    %c0_i32 = arith.constant 0 : i32
    %c0_i32_0 = arith.constant 0 : i32
    %c0_i32_1 = arith.constant 0 : i32
    return %c0_i32, %c0_i32_0 : i32, i32
  }
  func.func @transform_6(%arg0: i32) -> (i32, i32) {
    %c0_i32 = arith.constant 0 : i32
    %c0_i32_0 = arith.constant 0 : i32
    return %arg0, %c0_i32 : i32, i32
  }
}

module attributes {stable_mosaic.version = 14 : i64} {
  func.func @_prologue_body(%arg0: i32, %arg1: memref<3200x16xf32, #tpu.memory_space<vmem>>, %arg2: memref<2000x128xf32, #tpu.memory_space<vmem>>, %arg3: memref<272x128xf32, #tpu.memory_space<vmem>>, %arg4: memref<1x128xf32, #tpu.memory_space<vmem>>, %arg5: memref<3200x64xi32, #tpu.memory_space<vmem>>, %arg6: memref<2000x128xf32, #tpu.memory_space<vmem>>, %arg7: memref<2000x128xf32, #tpu.memory_space<vmem>>) attributes {dimension_semantics = [#tpu.dimension_semantics<arbitrary>], iteration_bounds = array<i64: 100>, scalar_prefetch = 0 : i64, scratch_operands = 0 : i64, tpu.core_type = #tpu.core_type<tc>, window_params = [{transform_indices = @transform_0, window_bounds = array<i64: 3200, 16>}, {transform_indices = @transform_1, window_bounds = array<i64: 2000, 128>}, {pipeline_mode = #tpu.pipeline_mode<synchronous>, transform_indices = @transform_2, window_bounds = array<i64: 272, 128>}, {pipeline_mode = #tpu.pipeline_mode<synchronous>, transform_indices = @transform_3, window_bounds = array<i64: 1, 128>}, {transform_indices = @transform_4, window_bounds = array<i64: 3200, 64>}, {transform_indices = @transform_5, window_bounds = array<i64: 2000, 128>}, {transform_indices = @transform_6, window_bounds = array<i64: 2000, 128>}]} {
    %get3A = arith.constant 256 : index
    %get3A_0 = arith.constant 0 : index
    %get3A_1 = vector.load %arg3[%get3A, %get3A_0] : memref<272x128xf32, #tpu.memory_space<vmem>>, vector<16x128xf32>
    %get3A_2 = arith.constant 0 : index
    %get3A_3 = arith.constant 0 : index
    %get3A_4 = vector.load %arg1[%get3A_2, %get3A_3] : memref<3200x16xf32, #tpu.memory_space<vmem>>, vector<3200x16xf32>
    %dot_general3A = arith.constant dense<0.000000e+00> : vector<3200x128xf32>
    %dot_general3A_5 = tpu.matmul %get3A_4, %get3A_1, %dot_general3A {dimension_numbers = #tpu.dot_dimension_numbers<[1], [0], [0], [1], [0, 0, 1, 1], [], []>, transpose_lhs_hint = false} : vector<3200x16xf32>, vector<16x128xf32>, vector<3200x128xf32> -> vector<3200x128xf32>
    %get3A_6 = arith.constant 0 : index
    %get3A_7 = arith.constant 0 : index
    %get3A_8 = vector.load %arg4[%get3A_6, %get3A_7] : memref<1x128xf32, #tpu.memory_space<vmem>>, vector<1x128xf32>
    %add3A = vector.broadcast %get3A_8 : vector<1x128xf32> to vector<3200x128xf32>
    %add3A_9 = arith.addf %dot_general3A_5, %add3A : vector<3200x128xf32>
    %convert_element_type3A = arith.truncf %add3A_9 : vector<3200x128xf32> to vector<3200x128xbf16>
    %bitcast_convert_type3A = tpu.bitcast %convert_element_type3A : vector<3200x128xbf16> -> vector<3200x128xi16>
    %slice3A = vector.extract_strided_slice %bitcast_convert_type3A {offsets = [0, 0], sizes = [3200, 64], strides = [1, 1]} : vector<3200x128xi16> to vector<3200x64xi16>
    %convert_element_type3A_10 = arith.extui %slice3A : vector<3200x64xi16> to vector<3200x64xi32>
    %slice3A_11 = vector.extract_strided_slice %bitcast_convert_type3A {offsets = [0, 64], sizes = [3200, 64], strides = [1, 1]} : vector<3200x128xi16> to vector<3200x64xi16>
    %convert_element_type3A_12 = arith.extui %slice3A_11 : vector<3200x64xi16> to vector<3200x64xi32>
    %shift_left3A = arith.constant 16 : i32
    %shift_left3A_13 = vector.broadcast %shift_left3A : i32 to vector<3200x64xi32>
    %shift_left3A_14 = arith.shli %convert_element_type3A_12, %shift_left3A_13 : vector<3200x64xi32>
    %or3A = arith.ori %convert_element_type3A_10, %shift_left3A_14 : vector<3200x64xi32>
    %bitcast_convert_type3A_15 = tpu.bitcast %or3A : vector<3200x64xi32> -> vector<3200x64xi32>
    %swap3A = arith.constant 0 : index
    %swap3A_16 = arith.constant 0 : index
    %swap3A_17 = vector.load %arg5[%swap3A, %swap3A_16] : memref<3200x64xi32, #tpu.memory_space<vmem>>, vector<3200x64xi32>
    tpu.vector_store %arg5[%swap3A, %swap3A_16], %bitcast_convert_type3A_15 {strides = array<i32>} : memref<3200x64xi32, #tpu.memory_space<vmem>>, vector<3200x64xi32>,
    %lt3A = arith.constant 5 : i32
    %lt3A_18 = arith.cmpi slt, %arg0, %lt3A : i32
    %convert_element_type3A_19 = arith.extui %lt3A_18 : i1 to i32
    %cond3A = arith.constant 0 : i32
    %cond3A_20 = arith.cmpi ne, %convert_element_type3A_19, %cond3A : i32
    scf.if %cond3A_20 {
      %get3A_21 = arith.constant 0 : index
      %get3A_22 = arith.constant 0 : index
      %get3A_23 = vector.load %arg2[%get3A_21, %get3A_22] : memref<2000x128xf32, #tpu.memory_space<vmem>>, vector<2000x128xf32>
      %get3A_24 = arith.constant 0 : index
      %get3A_25 = arith.constant 0 : index
      %get3A_26 = vector.load %arg3[%get3A_24, %get3A_25] : memref<272x128xf32, #tpu.memory_space<vmem>>, vector<128x128xf32>
      %dot_general3A_27 = arith.constant dense<0.000000e+00> : vector<2000x128xf32>
      %dot_general3A_28 = tpu.matmul %get3A_23, %get3A_26, %dot_general3A_27 {dimension_numbers = #tpu.dot_dimension_numbers<[1], [0], [0], [1], [0, 0, 1, 1], [], []>, transpose_lhs_hint = false} : vector<2000x128xf32>, vector<128x128xf32>, vector<2000x128xf32> -> vector<2000x128xf32>
      %swap3A_29 = arith.constant 0 : index
      %swap3A_30 = arith.constant 0 : index
      %swap3A_31 = vector.load %arg6[%swap3A_29, %swap3A_30] : memref<2000x128xf32, #tpu.memory_space<vmem>>, vector<2000x128xf32>
      tpu.vector_store %arg6[%swap3A_29, %swap3A_30], %dot_general3A_28 {strides = array<i32>} : memref<2000x128xf32, #tpu.memory_space<vmem>>, vector<2000x128xf32>,
      %get3A_32 = arith.constant 128 : index
      %get3A_33 = arith.constant 0 : index
      %get3A_34 = vector.load %arg3[%get3A_32, %get3A_33] : memref<272x128xf32, #tpu.memory_space<vmem>>, vector<128x128xf32>
      %dot_general3A_35 = arith.constant dense<0.000000e+00> : vector<2000x128xf32>
      %dot_general3A_36 = tpu.matmul %get3A_23, %get3A_34, %dot_general3A_35 {dimension_numbers = #tpu.dot_dimension_numbers<[1], [0], [0], [1], [0, 0, 1, 1], [], []>, transpose_lhs_hint = false} : vector<2000x128xf32>, vector<128x128xf32>, vector<2000x128xf32> -> vector<2000x128xf32>
      %swap3A_37 = arith.constant 0 : index
      %swap3A_38 = arith.constant 0 : index
      %swap3A_39 = vector.load %arg7[%swap3A_37, %swap3A_38] : memref<2000x128xf32, #tpu.memory_space<vmem>>, vector<2000x128xf32>
      tpu.vector_store %arg7[%swap3A_37, %swap3A_38], %dot_general3A_36 {strides = array<i32>} : memref<2000x128xf32, #tpu.memory_space<vmem>>, vector<2000x128xf32>,
    } else {
    }
    return
  }
  func.func @transform_0(%arg0: i32) -> (i32, i32) {
    %c0_i32 = arith.constant 0 : i32
    %c0_i32_0 = arith.constant 0 : i32
    return %arg0, %c0_i32 : i32, i32
  }
  func.func @transform_1(%arg0: i32) -> (i32, i32) {
    %min3A = arith.constant 4 : i32
    %min3A_0 = arith.minsi %arg0, %min3A : i32
    %c0_i32 = arith.constant 0 : i32
    %c0_i32_1 = arith.constant 0 : i32
    return %min3A_0, %c0_i32 : i32, i32
  }
  func.func @transform_2(%arg0: i32) -> (i32, i32) {
    %c0_i32 = arith.constant 0 : i32
    %c0_i32_0 = arith.constant 0 : i32
    %c0_i32_1 = arith.constant 0 : i32
    return %c0_i32, %c0_i32_0 : i32, i32
  }
  func.func @transform_3(%arg0: i32) -> (i32, i32) {
    %c0_i32 = arith.constant 0 : i32
    %c0_i32_0 = arith.constant 0 : i32
    %c0_i32_1 = arith.constant 0 : i32
    return %c0_i32, %c0_i32_0 : i32, i32
  }
  func.func @transform_4(%arg0: i32) -> (i32, i32) {
    %c0_i32 = arith.constant 0 : i32
    %c0_i32_0 = arith.constant 0 : i32
    return %arg0, %c0_i32 : i32, i32
  }
  func.func @transform_5(%arg0: i32) -> (i32, i32) {
    %min3A = arith.constant 4 : i32
    %min3A_0 = arith.minsi %arg0, %min3A : i32
    %c0_i32 = arith.constant 0 : i32
    %c0_i32_1 = arith.constant 0 : i32
    return %min3A_0, %c0_i32 : i32, i32
  }
  func.func @transform_6(%arg0: i32) -> (i32, i32) {
    %min3A = arith.constant 4 : i32
    %min3A_0 = arith.minsi %arg0, %min3A : i32
    %c0_i32 = arith.constant 0 : i32
    %c0_i32_1 = arith.constant 0 : i32
    return %min3A_0, %c0_i32 : i32, i32
  }
}

</mosaic_0001>

<sc_bundles>
// kernel: kernel.5.cloned.1.call-start
scs
__scs_entry_jumppad:
0x0: {  	(pc) =	sbr.rel $0x88, $3  }
0x1: {  	(tag) =	ssettag $0x0;
	lr =	simm.s32 $0x1  }
0x2: {  	[smem:$0x3F97] =	sst lr;
	_ =	strace $0xD0000000  }
0x3: {  	_ = 	snop  }
0x4: {  	_ = 	snop  }
0x5: {  	_ = 	snop  }
0x6: {  	_ = 	snop  }
0x7: {  	_ = 	snop  }
__scs_overlays_trampoline_lowered:
0x8: {  	[smem:$0x3FA6] =	sst s0  }
0x9: {  	[smem:$0x3FA7] =	sst s1  }
0xa: {  	[smem:$0x3FA8] =	sst s2  }
0xb: {  	[smem:$0x3FA9] =	sst s3  }
0xc: {  	[smem:$0x3FAA] =	sst s4  }
0xd: {  	[smem:$0x3FAB] =	sst s5  }
0xe: {  	[smem:$0x3FAC] =	sst s6  }
0xf: {  	[smem:$0x3FAD] =	sst s7  }
0x10: {  	[smem:$0x3FAE] =	sst s8  }
0x11: {  	[smem:$0x3FAF] =	sst s9;
	s0 =	simm.s32 @!p0 $0x0  }
0x12: {  	s1 =	sld [smem:$0x3F95];
	s0 =	simm.s32 @p0 $0x1  }
0x13: {  	[smem:$0x3FB0] =	sst s0;
	s0 =	simm.s32 @!p1 $0x0  }
0x14: {  	s2 =	sld [smem:$0x3F94];
	s0 =	simm.s32 @p1 $0x1  }
0x15: {  	[smem:$0x3FB1] =	sst s0;
	s0 =	simm.s32 @!p2 $0x0  }
0x16: {  	s3 =	sld [smem:$0x3FDB];
	s0 =	simm.s32 @p2 $0x1  }
0x17: {  	s4 =	simm.s32 $0x1BF5;
	[smem:$0x3FB3] =	sst s0  }
0x18: {  	s0 =	sld [smem:$0x3F96];
	_ =	swait.ge [sflag:s4], $0x0  }
0x19: {  	s7 =	sld [smem:$0x3F97]  }
0x1a: {  	s8 =	sadd.s32 $0xFFFFE003, lr  }
0x1b: {  	s9 =	sadd.s32 $0xFFFFFEF7, lr;
	s5 =	simm.s32 $0xFFFFFFFF;
	p2 =	slt.u32 s8, $0xFFFFF086  }
0x1c: {  	p1 =	slt.u32 s9, $0xF7A;
	s5 =	simm.s32 @!p2 $0x0  }
0x1d: {  	s5 =	simm.s32 @p1 $0x1;
	p0 =	seq.s32 s7, s2  }
0x1e: {  	s7 =	smul.u32 @!p0 $0xF7A, s2;
	p2 =	seq.s32 @!p0 s5, $0x0  }
0x1f: {  	s9 =	smul.u32 $0xF7A, s1;
	s8 =	simm.s32 @!p0 $0x1BF5;
	p2 =	por !p2, p0  }
0x20: {  	[sflag:s8] =	ssyncset.s32 @!p0 $0xFFFFF086;
	s6 =	sadd.s32 @!p0 s3, s7;
	s7 =	simm.s32 @!p0 $0x108  }
0x21: {  	s3 =	sadd.s32 s3, s9;
	s6 =	sadd.s32 @!p0 $0x88, s6;
	s7 =	simm.s32 @p2 $0x1082  }
0x22: {  	[simem:s7], [sflag:s8] =	dma.local @!p0 [hbm:s6], $0xF7A  }
0x23: {  	s9 =	sor.u32 $0xD0000000, s2;
	s6 =	simm.s32 $0x108;
	_ =	swait.ge @!p0 [sflag:s8], $0x0  }
0x24: {  	s3 =	sadd.s32 $0x88, s3;
	s6 =	simm.s32 @!p1 $0x1082;
	[sflag:s4] =	ssyncset.s32 $0xFFFFF086  }
0x25: {  	[simem:s6], [sflag:s4] =	dma.local [hbm:s3], $0xF7A  }
0x26: {  	[smem:$0x3F97] =	sst s1;
	(tag) =	ssettag s2;
	_ =	strace s9  }
0x27: {  	s1 =	sld [smem:$0x3FA7]  }
0x28: {  	s2 =	sld [smem:$0x3FA8]  }
0x29: {  	s4 =	sld [smem:$0x3FAA]  }
0x2a: {  	p0 =	seq.s32 s5, $0x0;
	s5 =	sld [smem:$0x3FAB]  }
0x2b: {  	s6 =	sld [smem:$0x3FAC]  }
0x2c: {  	s7 =	sld [smem:$0x3FAD]  }
0x2d: {  	s3 =	simm.s32 $0x108;
	s8 =	sld [smem:$0x3FAE]  }
0x2e: {  	s3 =	simm.s32 @!p0 $0x1082;
	s9 =	sld [smem:$0x3FAF]  }
0x2f: {  	lr =	sadd.s32 s0, s3;
	s0 =	sld [smem:$0x3FA6]  }
0x30: {  	s3 =	sld [smem:$0x3FA9]  }
0x31: {  	[smem:$0x3FB2] =	sst s10  }
0x32: {  	s10 =	sld [smem:$0x3FB0];
	_ =	sdelay $0x3  }
0x33: {  	p0 =	seq.s32 s10, $0x1;
	s10 =	sld [smem:$0x3FB2];
	_ =	sdelay $0x3  }
0x34: {  	[smem:$0x3FB2] =	sst s10  }
0x35: {  	s10 =	sld [smem:$0x3FB1];
	_ =	sdelay $0x3  }
0x36: {  	p1 =	seq.s32 s10, $0x1;
	s10 =	sld [smem:$0x3FB2];
	_ =	sdelay $0x3  }
0x37: {  	[smem:$0x3FB2] =	sst s10  }
0x38: {  	s10 =	sld [smem:$0x3FB3]  }
0x39: {  	_ = 	snop;
	(pc) =	sbr.ind lr, $3  }
0x3a: {  	_ = 	snop  }
0x3b: {  	_ = 	snop  }
0x3c: {  	p2 =	seq.s32 s10, $0x1;
	s10 =	sld [smem:$0x3FB2]  }
0x3d: {  	_ =	shalt  }
0x3e: {  	_ =	shalt  }
0x3f: {  	_ =	shalt  }
0x40: {  	_ =	shalt  }
0x41: {  	_ =	shalt  }
0x42: {  	_ =	shalt  }
0x43: {  	_ =	shalt  }
0x44: {  	_ =	shalt  }
0x45: {  	_ =	shalt  }
0x46: {  	_ =	shalt  }
0x47: {  	_ =	shalt  }
0x48: {  	_ =	shalt  }
0x49: {  	_ =	shalt  }
0x4a: {  	_ =	shalt  }
0x4b: {  	_ =	shalt  }
0x4c: {  	_ =	shalt  }
0x4d: {  	_ =	shalt  }
0x4e: {  	_ =	shalt  }
0x4f: {  	_ =	shalt  }
0x50: {  	_ =	shalt  }
0x51: {  	_ =	shalt  }
0x52: {  	_ =	shalt  }
0x53: {  	_ =	shalt  }
0x54: {  	_ =	shalt  }
0x55: {  	_ =	shalt  }
0x56: {  	_ =	shalt  }
0x57: {  	_ =	shalt  }
0x58: {  	_ =	shalt  }
0x59: {  	_ =	shalt  }
0x5a: {  	_ =	shalt  }
0x5b: {  	_ =	shalt  }
0x5c: {  	_ =	shalt  }
0x5d: {  	_ =	shalt  }
0x5e: {  	_ =	shalt  }
0x5f: {  	_ =	shalt  }
0x60: {  	_ =	shalt  }
0x61: {  	_ =	shalt  }
0x62: {  	_ =	shalt  }
0x63: {  	_ =	shalt  }
0x64: {  	_ =	shalt  }
0x65: {  	_ =	shalt  }
0x66: {  	_ =	shalt  }
0x67: {  	_ =	shalt  }
0x68: {  	_ =	shalt  }
0x69: {  	_ =	shalt  }
0x6a: {  	_ =	shalt  }
0x6b: {  	_ =	shalt  }
0x6c: {  	_ =	shalt  }
0x6d: {  	_ =	shalt  }
0x6e: {  	_ =	shalt  }
0x6f: {  	_ =	shalt  }
0x70: {  	_ =	shalt  }
0x71: {  	_ =	shalt  }
0x72: {  	_ =	shalt  }
0x73: {  	_ =	shalt  }
0x74: {  	_ =	shalt  }
0x75: {  	_ =	shalt  }
0x76: {  	_ =	shalt  }
0x77: {  	_ =	shalt  }
0x78: {  	_ =	shalt  }
0x79: {  	_ =	shalt  }
0x7a: {  	_ =	shalt  }
0x7b: {  	_ =	shalt  }
0x7c: {  	_ =	shalt  }
0x7d: {  	_ =	shalt  }
0x7e: {  	_ =	shalt  }
0x7f: {  	_ =	shalt  }
0x80: {  	_ =	shalt  }
0x81: {  	_ =	shalt  }
0x82: {  	_ =	shalt  }
0x83: {  	_ =	shalt  }
0x84: {  	_ =	shalt  }
0x85: {  	_ =	shalt  }
0x86: {  	_ =	shalt  }
0x87: {  	_ =	shalt  }
.Lfunc_end0:
.L_simem_size_0:
called_computation_lowered:
.L_overlay_start_0:
0x88: {  	s2 =	sld [smem:$0x3FD9]  }
0x89: {  	s3 =	sld [smem:$0x3FFE];
	_ =	sdelay $0x1  }
0x8a: {  	s1 =	srdreg.scid  }
0x8b: {  	s0 =	sand.u32 $0x1, s1  }
0x8c: {  	s17 =	sshll.u32 s0, $0xA;
	s2 =	sadd.s32 s3, s2  }
0x8d: {  	s2 =	sadd.s32 s2, s17  }
0x8e: {  	[smem:$0x3FBE] =	sst s2  }
0x8f: {  	_ = 	snop  }
0x90: {  	s2 =	sld [smem:$0x3FC8]  }
0x91: {  	s18 =	sld [smem:$0x3FC7]  }
0x92: {  	s4 =	sld [smem:$0x3FD0];
	(tm) =	ssettm $0x1  }
0x93: {  	s5 =	sld [smem:$0x3FFB];
	_ =	sdelay $0x3  }
0x94: {  	_ =	strace s5  }
0x95: {  	s5 =	sld [smem:$0x3FFC];
	_ =	sdelay $0x3  }
0x96: {  	_ =	strace s5  }
0x97: {  	s5 =	sld [smem:$0x3FFD];
	_ =	sdelay $0x3  }
0x98: {  	_ =	strace s5  }
0x99: {  	_ =	strace $0x8FFFFFFF  }
0x9a: {  	s19 =	sld [smem:$0x3FDB];
	_ =	sdelay $0x1  }
0x9b: {  	s6 =	simm.s32 $_scs_section_size  }
0x9c: {  	s7 =	simm.s32 $_size__tile_overlayer_lowered;
	s8 =	simm.s32 $_tile_overlayer_lowered  }
0x9d: {  	s22 =	simm.s32 $0x1BFF;
	s21 =	sshll.u32 s8, $0x1;
	s5 =	sadd.s32 s6, s19  }
0x9e: {  	s9 =	simm.s32 $0x0;
	s20 =	sshll.u32 s7, $0x1;
	s7 =	sadd.s32 s21, s5  }
0x9f: {  	[timem:s9], [sflag:s22] =	dma.local [hbm:s7], s20  }
0xa0: {  	_ =	swait.ge [sflag:s22], s20  }
0xa1: {  	s6 =	ssub.s32 $0x0, s20;
	[sflag:s22] =	ssyncset.done $0x0  }
0xa2: {  	[sflag:s22] =	ssyncadd.s32 s6;
	_ =	sdelay $0x1  }
0xa3: {  	s23 =	simm.s32 $0x1B8B  }
0xa4: {  	_ =	swait.ge [sflag:s23], $0x1  }
0xa5: {  	[sflag:s23] =	ssyncset.done $0x0  }
0xa6: {  	s25 =	simm.s32 $0x1B8E;
	s24 =	sld [smem:$0x3FFE];
	[sflag:s23] =	ssyncadd.s32 $0xFFFFFFFF  }
0xa7: {  	s26 =	simm.s32 $execute0_lowered;
	[smem:$0x3FD2] =	sst s25  }
0xa8: {  	s7 =	sshll.u32 s26, $0x1;
	_ =	strace $0x80000046;
	[dreg:$0x1] =	wrdreg $0xFFFFFFFF  }
0xa9: {  	s28 =	simm.s32 $_size_execute0_lowered;
	s5 =	sadd.s32 s5, s7;
	[dreg:$0x0] =	wrdreg $0x0  }
0xaa: {  	s7 =	sshll.u32 s28, $0x1;
	[dreg:$0x2] =	wrdreg s5  }
0xab: {  	[dreg:$0x3] =	wrdreg s7  }
0xac: {  	[dreg:$0x4] =	wrdreg $0xC0  }
0xad: {  	_ =	task [dreg:s9], $0x5FFFF  }
0xae: {  	[dreg:$0x1] =	wrdreg $0xFFFFFFFF  }
0xaf: {  	[dreg:$0x0] =	wrdreg $0x60  }
0xb0: {  	[dreg:$0x2] =	wrdreg s4  }
0xb1: {  	[dreg:$0x3] =	wrdreg s24  }
0xb2: {  	[dreg:$0x4] =	wrdreg s2  }
0xb3: {  	[dreg:$0x5] =	wrdreg s18  }
0xb4: {  	[dreg:$0x6] =	wrdreg $0x0  }
0xb5: {  	[dreg:$0x7] =	wrdreg $0x9  }
0xb6: {  	_ =	task.clear_ibuf [dreg:s9], $0x8FFFF;
	_ =	strace $0x90000046  }
0xb7: {  	s29 =	simm.s32 $0x9;
	_ =	strace $0x80000048  }
0xb8: {  	_ =	swait.ge [sflag:s29], $0x1  }
0xb9: {  	[sflag:s29] =	ssyncadd.s32 $0xFFFFFFFF  }
0xba: {  	_ =	strace $0x90000048  }
0xbb: {  	_ =	sfence  }
0xbc: {  	s30 =	sld [smem:$0x0];
	_ =	sdelay $0x2  }
0xbd: {  	s31 =	sshll.u32 s1, $0xD;
	s1 =	sshrl.u32 s1, $0x2  }
0xbe: {  	s3 =	sand.u32 $0x4000, s31;
	s1 =	sadd.s32 s1, s30  }
0xbf: {  	s0 =	sor.u32 s3, s0;
	s1 =	sshll.u32 s1, $0x11  }
0xc0: {  	s0 =	sor.u32 s1, s0  }
0xc1: {  	s0 =	sadd.s32 $0x8F2B, s0  }
0xc2: {  	[sflag:s0] =	ssyncadd.remote.s32 $0x1  }
0xc3: {  	_ =	sfence.sel $0xFFFF  }
0xc4: {  	[dreg:$0x0] =	wrdreg $0xFFFFFFFF;
	(pc) =	sbr.abs _section_cstart, $3  }
0xc5: {  	[dreg:$0x1] =	wrdreg $0xFFFFFFFF  }
0xc6: {  	_ =	task.clear_ibuf [dreg:s9], $0x2FFFF;
	_ =	strace $0x9FFFFFFF  }
0xc7: {  	(tm) =	ssettm $0x7FFFFFFF  }
tec
execute0_lowered:
.L_overlay_start_1:
0x0: {  	(tag) =	ssettag $0x1  }
0x1: {  	s1 =	rddreg [dreg:$0x0]  }
0x2: {  	s0 =	rddreg [dreg:$0x1]  }
0x3: {  	s3 =	rddreg [dreg:$0x2]  }
0x4: {  	s4 =	rddreg [dreg:$0x3]  }
0x5: {  	s5 =	rddreg [dreg:$0x4];
	s6 =	stileid.u32  }
0x6: {  	s8 =	simm.s32 $0x0;
	s7 =	srdreg.scid;
	s28 =	simm.s32 $0x4  }
0x7: {  	s31 =	simm.s32 $0x1B600;
	s2 =	smul.u32 $0x13C00, s6;
	[smem:$0x7FF] =	sst s8  }
0x8: {  	s9 =	sand.u32 $0x1, s7;
	s7 =	sadd.s32 $0x1C00, s0;
	s8 =	sadd.s32 $0x4E3C00, s0  }
0x9: {  	s22 =	sshll.u32 s6, $0x1;
	s12 =	smul.u32 $0x4F000, s6;
	s25 =	sshll.u32 s6, $0x6  }
0xa: {  	s11 =	smul.u32 $0x13C000, s9;
	s13 =	ssub.s32 $0x2, s9;
	s9 =	sor.u32 s9, s22  }
0xb: {  	_ =	strace $0x80000047;
	s6 =	sor.u32 $0x1C10, s25;
	s14 =	smul.u32 $0x2710, s9  }
0xc: {  	s10 =	sshrl.u32 s2, $0x3;
	s23 =	sshrl.u32 s13, $0x1;
	s16 =	smul.u32 $0x27100, s9  }
0xd: {  	s12 =	sshrl.u32 s12, $0x2;
	s9 =	smul.u32 $0x138800, s9;
	[dreg:$0x8] =	wrdreg s6  }
0xe: {  	s10 =	sadd.s32 s10, s0;
	s2 =	sadd.s32 s2, s11;
	s24 =	sadd.s32 s12, s5  }
0xf: {  	s2 =	sshrl.u32 s2, $0x3;
	[dreg:$0x6] =	wrdreg s24;
	s10 =	sadd.s32 $0x28E00, s10  }
0x10: {  	s26 =	sadd.s32 $0x28, s14;
	s29 =	sshrl.u32 s14, $0x3;
	s17 =	sadd.s32 $0x50, s14  }
0x11: {  	s21 =	sadd.s32 $0x78, s14;
	s9 =	sshrl.u32 s9, $0x3;
	s22 =	sadd.s32 $0xA0, s14  }
0x12: {  	s24 =	sadd.s32 $0xC8, s14;
	s0 =	sadd.s32 s2, s0;
	[dreg:$0x7] =	wrdreg s10  }
0x13: {  	s2 =	ssub.s32 s13, s23;
	s30 =	sshrl.u32 s26, $0x3;
	[dreg:$0xd] =	wrdreg s17  }
0x14: {  	s5 =	sadd.s32 s3, s29;
	s10 =	sadd.s32 s4, s29;
	[dreg:$0x12] =	wrdreg s21  }
0x15: {  	s11 =	sshll.u32 s26, $0x4;
	s12 =	sshrl.u32 s17, $0x3;
	[dreg:$0x13] =	wrdreg s22  }
0x16: {  	s9 =	sadd.s32 s8, s9;
	s23 =	sadd.s32 $0x26E8, s14;
	[dreg:$0x14] =	wrdreg s24  }
0x17: {  	s14 =	simm.s32 $0x10;
	s24 =	simm.s32 $0x8;
	s17 =	simm.s32 $0x5  }
0x18: {  	s21 =	simm.s32 $0xD;
	s22 =	simm.s32 $0xE;
	[dreg:$0x9] =	wrdreg s5  }
0x19: {  	[dreg:$0xa] =	wrdreg s10;
	s13 =	sadd.s32 s3, s30;
	s15 =	sadd.s32 s4, s30  }
0x1a: {  	s10 =	sadd.s32 s8, s16;
	s18 =	sadd.s32 s8, s11;
	[dreg:$0xb] =	wrdreg s13  }
0x1b: {  	s19 =	sadd.s32 s3, s12;
	s20 =	sadd.s32 s4, s12;
	[dreg:$0xc] =	wrdreg s15  }
0x1c: {  	s9 =	sadd.s32 $0x26C00, s9;
	s25 =	sshrl.u32 s23, $0x3;
	[dreg:$0xe] =	wrdreg s10  }
0x1d: {  	s29 =	sshll.u32 s23, $0x4;
	s0 =	sadd.s32 $0x50600, s0;
	[dreg:$0xf] =	wrdreg s18  }
0x1e: {  	s30 =	smax.u32 s2, $0x1;
	s2 =	simm.s32 $0x13C80;
	[dreg:$0x10] =	wrdreg s19  }
0x1f: {  	s12 =	simm.s32 $0x1;
	s5 =	simm.s32 $0x13D00;
	[dreg:$0x11] =	wrdreg s20  }
0x20: {  	s11 =	simm.s32 $0xB;
	s16 =	simm.s32 $0xC;
	[dreg:$0x15] =	wrdreg s9  }
0x21: {  	s23 =	simm.s32 $0xA;
	s26 =	sadd.s32 s3, s25;
	[dreg:$0x19] =	wrdreg s0  }
0x22: {  	s9 =	sadd.s32 s4, s25;
	[dreg:$0x1a] =	wrdreg s30;
	s13 =	simm.s32 $0x28  }
0x23: {  	s18 =	simm.s32 $0x6;
	s19 =	simm.s32 $0x17A00;
	s25 =	simm.s32 $0x2  }
0x24: {  	s20 =	simm.s32 $0x1B700;
	s15 =	simm.s32 $0x9;
	[dreg:$0x16] =	wrdreg s26  }
0x25: {  	s4 =	simm.s32 $0x0;
	[dreg:$0x17] =	wrdreg s9;
	s9 =	sadd.s32 s8, s29  }
0x26: {  	s26 =	simm.s32 $0x3;
	[dreg:$0x18] =	wrdreg s9;
	s9 =	simm.s32 $0xF  }
.LBB2_1:
0x27: {  	[dreg:$0x1b] =	wrdreg s4  }
0x28: {  	s0 =	rddreg [dreg:$0x6]  }
0x29: {  	s10 =	rddreg [dreg:$0x7];
	s0 =	sshrl.u32 s0, $0x3  }
0x2a: {  	[dreg:$0x1c] =	wrdreg s0  }
0x2b: {  	[spmem:s0], [sflag:s6] =	dma.local [hbm:s10], $0x2780  }
0x2c: {  	_ =	swait.ge [sflag:s14], $0x2780  }
0x2d: {  	[sflag:s14] =	ssyncset.done $0x0  }
0x2e: {  	[sflag:s14] =	ssyncadd.s32 $0xFFFFD880  }
0x2f: {  	[bflag:$0x0] =	sbarrier.arrive $0xFFFF  }
0x30: {  	s0 =	simm.s32 $0x0;
	s14 =	simm.s32 $0x13C00;
	s29 =	rddreg [dreg:$0x9]  }
0x31: {  	[tilespmem:s14], [sflag:$0x1] =	stream.linear.gather [hbm4b:s29+s0], $0x28, $0x38;
	[tilespmem:$0x1F300] =	vst v63  }
0x32: {  	s4 =	rddreg [dreg:$0xa]  }
0x33: {  	[tilespmem:s2], [sflag:$0x1] =	stream.linear.gather [hbm4b:s4+s0], $0x28, $0x38;
	[tilespmem:$0x1F300] =	vst v63  }
0x34: {  	s10 =	rddreg [dreg:$0xb];
	s4 =	simm.s32 $0x17900  }
0x35: {  	[tilespmem:s4], [sflag:$0x6] =	stream.linear.gather [hbm4b:s10+s0], $0x28, $0x38;
	[tilespmem:$0x1F300] =	vst v63  }
0x36: {  	s29 =	rddreg [dreg:$0xc];
	s10 =	simm.s32 $0x17980  }
0x37: {  	[tilespmem:s10], [sflag:$0x6] =	stream.linear.gather [hbm4b:s29+s0], $0x28, $0x38;
	[tilespmem:$0x1F300] =	vst v63  }
0x38: {  	_ =	swait.ge [sflag:s12], $0x28  }
0x39: {  	[sflag:s12] =	ssyncset.done $0x0  }
0x3a: {  	[sflag:s12] =	ssyncadd.s32 $0xFFFFFFD8  }
0x3b: {  	_ =	swait.ge [sflag:s12], $0x28  }
0x3c: {  	[sflag:s12] =	ssyncset.done $0x0  }
0x3d: {  	[sflag:s12] =	ssyncadd.s32 $0xFFFFFFD8  }
0x3e: {  	[tilespmem:s5], [sflag:$0x2] =	stream.indirect.gather [hbm4b:s1+s13], $0x80, s14, s13, $0xb8;
	[tilespmem:$0x1F300] =	vst v63  }
0x3f: {  	s29 =	simm.s32 $0x15100  }
0x40: {  	[tilespmem:s29], [sflag:$0x3] =	stream.indirect.gather [hbm4b:s7+s13], $0x80, s2, s13, $0xb8;
	[tilespmem:$0x1F300] =	vst v63  }
0x41: {  	s14 =	rddreg [dreg:$0xe];
	s29 =	simm.s32 $0x16500  }
0x42: {  	[tilespmem:s29], [sflag:$0x4] =	stream.linear.gather [hbm4b:s14+s0], $0x1400, $0x38;
	[tilespmem:$0x1F300] =	vst v63  }
0x43: {  	_ =	swait.ge [sflag:s18], $0x28  }
0x44: {  	[sflag:s18] =	ssyncset.done $0x0  }
0x45: {  	[sflag:s18] =	ssyncadd.s32 $0xFFFFFFD8  }
0x46: {  	_ =	swait.ge [sflag:s18], $0x28  }
0x47: {  	[sflag:s18] =	ssyncset.done $0x0  }
0x48: {  	[sflag:s18] =	ssyncadd.s32 $0xFFFFFFD8  }
0x49: {  	[tilespmem:s19], [sflag:$0x7] =	stream.indirect.gather [hbm4b:s1+s13], $0x80, s4, s13, $0xb8;
	[tilespmem:$0x1F300] =	vst v63  }
0x4a: {  	s14 =	simm.s32 $0x18E00  }
0x4b: {  	[tilespmem:s14], [sflag:$0x8] =	stream.indirect.gather [hbm4b:s7+s13], $0x80, s10, s13, $0xb8;
	[tilespmem:$0x1F300] =	vst v63  }
0x4c: {  	s29 =	simm.s32 $0x1A200;
	s19 =	rddreg [dreg:$0xf]  }
0x4d: {  	[tilespmem:s29], [sflag:$0x9] =	stream.linear.gather [hbm4b:s19+s0], $0x1400, $0x38;
	[tilespmem:$0x1F300] =	vst v63  }
0x4e: {  	_ =	swait.ge [sflag:s25], $0x1400  }
0x4f: {  	[sflag:s25] =	ssyncset.done $0x0  }
0x50: {  	[sflag:s25] =	ssyncadd.s32 $0xFFFFEC00  }
0x51: {  	_ =	swait.ge [sflag:s26], $0x1400  }
0x52: {  	[sflag:s26] =	ssyncset.done $0x0  }
0x53: {  	[sflag:s26] =	ssyncadd.s32 $0xFFFFEC00  }
0x54: {  	_ =	swait.ge [sflag:s28], $0x1400  }
0x55: {  	[sflag:s28] =	ssyncset.done $0x0  }
0x56: {  	s19 =	simm.s32 $0x0;
	[sflag:s28] =	ssyncadd.s32 $0xFFFFEC00  }
0x57: {  	v7 =	vld [tilespmem:s19+$0x16500]  }
0x58: {  	v8 =	vld [tilespmem:s19+$0x16510]  }
0x59: {  	v9 =	vld [tilespmem:s19+$0x16520]  }
0x5a: {  	v10 =	vld [tilespmem:s19+$0x16530]  }
0x5b: {  	v11 =	vld [tilespmem:s19+$0x16580]  }
0x5c: {  	v16 =	vld [tilespmem:s19+$0x16590]  }
0x5d: {  	v17 =	vld [tilespmem:s19+$0x165A0]  }
0x5e: {  	v0 =	vld [tilespmem:s19+$0x165B0]  }
0x5f: {  	v12 =	vld [tilespmem:s19+$0x15100]  }
0x60: {  	v13 =	vld [tilespmem:s19+$0x15140]  }
0x61: {  	v14 =	vld [tilespmem:s19+$0x15110]  }
0x62: {  	v15 =	vld [tilespmem:s19+$0x15150]  }
0x63: {  	v18 =	vld [tilespmem:s19+$0x15120]  }
0x64: {  	v19 =	vld [tilespmem:s19+$0x15160]  }
0x65: {  	v20 =	vld [tilespmem:s19+$0x15130]  }
0x66: {  	v21 =	vld [tilespmem:s19+$0x15170]  }
0x67: {  	v22 =	vld [tilespmem:s19+$0x15180]  }
0x68: {  	v24 =	vld [tilespmem:s19+$0x151C0]  }
0x69: {  	v6 =	vld [tilespmem:s19+$0x15190]  }
0x6a: {  	v5 =	vld [tilespmem:s19+$0x151D0]  }
0x6b: {  	v23 =	vld [tilespmem:s19+$0x13D00]  }
0x6c: {  	v25 =	vld [tilespmem:s19+$0x13D40]  }
0x6d: {  	v26 =	vld [tilespmem:s19+$0x13D10]  }
0x6e: {  	v27 =	vld [tilespmem:s19+$0x13D50]  }
0x6f: {  	v30 =	vld [tilespmem:s19+$0x13D30]  }
0x70: {  	v59 =	vld [tilespmem:s19+$0x13D70]  }
0x71: {  	v31 =	vld [tilespmem:s19+$0x13D80];
	v12 =	vadd.f32 v12, v23;
	v29 =	vshll.u32 v7, $0x10;
	v13 =	vadd.f32 v13, v25  }
0x72: {  	v28 =	vld [tilespmem:s19+$0x13D20];
	v7 =	vand.u32 $0xFFFF0000, v7;
	v60 =	vshll.u32 v8, $0x10;
	v14 =	vadd.f32 v14, v26  }
0x73: {  	v61 =	vld [tilespmem:s19+$0x13DC0];
	v8 =	vand.u32 $0xFFFF0000, v8;
	v32 =	vshll.u32 v9, $0x10;
	v33 =	vand.u32 $0xFFFF0000, v9  }
0x74: {  	v23 =	vld [tilespmem:s19+$0x13D60];
	v9 =	vadd.f32 v15, v27;
	v62 =	vshll.u32 v10, $0x10;
	v12 =	vadd.f32 v29, v12  }
0x75: {  	v4 =	vld [tilespmem:s19+$0x151A0];
	v63 =	vand.u32 $0xFFFF0000, v10;
	v20 =	vadd.f32 v20, v30;
	v7 =	vadd.f32 v7, v13  }
0x76: {  	v3 =	vld [tilespmem:s19+$0x151E0];
	v25 =	vadd.f32 v21, v59;
	v22 =	vadd.f32 v22, v31;
	v12 =	vmax.f32 v12, $0.0e+00  }
0x77: {  	v2 =	vld [tilespmem:s19+$0x151B0];
	v8 =	vadd.f32 v8, v9;
	v21 =	vadd.f32 v62, v20;
	v7 =	vmax.f32 v7, $0.0e+00;
	[tilespmem:s19+$0x13D00] =	vst v12  }
0x78: {  	v1 =	vld [tilespmem:s19+$0x151F0];
	v10 =	vand.u32 $0xFFFF0000, v16;
	v12 =	vadd.f32 v60, v14;
	[tilespmem:s19+$0x13D40] =	vst v7;
	v7 =	vadd.f32 v18, v28  }
0x79: {  	v13 =	vshll.u32 v11, $0x10;
	v20 =	vadd.f32 v24, v61;
	v14 =	vld [tilespmem:s19+$0x13D90];
	v18 =	vadd.f32 v19, v23  }
0x7a: {  	v15 =	vld [tilespmem:s19+$0x13DD0];
	v8 =	vmax.f32 v8, $0.0e+00;
	v9 =	vmax.f32 v12, $0.0e+00;
	v19 =	vadd.f32 v32, v7  }
0x7b: {  	[tilespmem:s19+$0x13D50] =	vst v8;
	v12 =	vand.u32 $0xFFFF0000, v11;
	v11 =	vshll.u32 v16, $0x10;
	v16 =	vld [tilespmem:s19+$0x13DA0];
	v18 =	vadd.f32 v33, v18  }
0x7c: {  	v7 =	vand.u32 $0xFFFF0000, v17;
	[tilespmem:s19+$0x13D10] =	vst v9;
	v9 =	vshll.u32 v17, $0x10;
	v17 =	vld [tilespmem:s19+$0x13DE0];
	v19 =	vmax.f32 v19, $0.0e+00  }
0x7d: {  	s30 =	simm.s32 $0x17980;
	s0 =	simm.s32 $0x400;
	v8 =	vshll.u32 v0, $0x10;
	v23 =	vmax.f32 v18, $0.0e+00;
	v18 =	vld [tilespmem:s19+$0x13DB0];
	[tilespmem:s19+$0x13D20] =	vst v19;
	v19 =	vadd.f32 v63, v25  }
.LBB2_2:
0x7e: {  	s14 =	sshra.s32 s0, $0x2;
	p0 =	sne.s32 s0, $0x4C00;
	[tilespmem:s19+$0x13D60] =	vst v23;
	v21 =	vmax.f32 v21, $0.0e+00;
	v13 =	vadd.f32 v13, v22;
	v6 =	vadd.f32 v6, v14;
	v14 =	vld [tilespmem:s19+$0x13DF0]  }
0x7f: {  	v22 =	vld [tilespmem:s14+$0x16500];
	[tilespmem:s19+$0x13D30] =	vst v21;
	v19 =	vmax.f32 v19, $0.0e+00;
	v12 =	vadd.f32 v12, v20;
	v5 =	vadd.f32 v5, v15  }
0x80: {  	v15 =	vld [tilespmem:s14+$0x16510];
	[tilespmem:s19+$0x13D70] =	vst v19;
	v13 =	vmax.f32 v13, $0.0e+00;
	v6 =	vadd.f32 v11, v6;
	v4 =	vadd.f32 v4, v16  }
0x81: {  	v11 =	vld [tilespmem:s14+$0x16520];
	[tilespmem:s19+$0x13D80] =	vst v13;
	v12 =	vmax.f32 v12, $0.0e+00;
	v5 =	vadd.f32 v10, v5;
	v3 =	vadd.f32 v3, v17  }
0x82: {  	v10 =	vld [tilespmem:s14+$0x16530];
	[tilespmem:s19+$0x13DC0] =	vst v12;
	v6 =	vmax.f32 v6, $0.0e+00;
	v4 =	vadd.f32 v9, v4;
	v2 =	vadd.f32 v2, v18  }
0x83: {  	v9 =	vld [tilespmem:s14+$0x16580];
	[tilespmem:s19+$0x13D90] =	vst v6;
	v5 =	vmax.f32 v5, $0.0e+00;
	v3 =	vadd.f32 v7, v3;
	v1 =	vadd.f32 v1, v14  }
0x84: {  	v0 =	vand.u32 $0xFFFF0000, v0;
	v7 =	vld [tilespmem:s14+$0x16590];
	[tilespmem:s19+$0x13DD0] =	vst v5;
	v4 =	vmax.f32 v4, $0.0e+00;
	v2 =	vadd.f32 v8, v2  }
0x85: {  	v8 =	vld [tilespmem:s14+$0x165A0];
	[tilespmem:s19+$0x13DA0] =	vst v4;
	v3 =	vmax.f32 v3, $0.0e+00;
	v1 =	vadd.f32 v0, v1  }
0x86: {  	v0 =	vld [tilespmem:s14+$0x165B0];
	[tilespmem:s19+$0x13DE0] =	vst v3;
	v2 =	vmax.f32 v2, $0.0e+00  }
0x87: {  	v12 =	vld [tilespmem:s14+$0x15100];
	[tilespmem:s19+$0x13DB0] =	vst v2;
	v1 =	vmax.f32 v1, $0.0e+00  }
0x88: {  	v14 =	vld [tilespmem:s14+$0x15140];
	[tilespmem:s19+$0x13DF0] =	vst v1;
	s19 =	smov.u32 s14  }
0x89: {  	v16 =	vld [tilespmem:s19+$0x15110]  }
0x8a: {  	v17 =	vld [tilespmem:s19+$0x15150]  }
0x8b: {  	v18 =	vld [tilespmem:s19+$0x15120]  }
0x8c: {  	v19 =	vld [tilespmem:s19+$0x15160]  }
0x8d: {  	v20 =	vld [tilespmem:s19+$0x15130]  }
0x8e: {  	v21 =	vld [tilespmem:s19+$0x15170]  }
0x8f: {  	v23 =	vld [tilespmem:s19+$0x15180]  }
0x90: {  	v24 =	vld [tilespmem:s19+$0x151C0]  }
0x91: {  	v6 =	vld [tilespmem:s19+$0x15190]  }
0x92: {  	v5 =	vld [tilespmem:s19+$0x151D0]  }
0x93: {  	v4 =	vld [tilespmem:s19+$0x151A0]  }
0x94: {  	v3 =	vld [tilespmem:s19+$0x151E0]  }
0x95: {  	v2 =	vld [tilespmem:s19+$0x151B0]  }
0x96: {  	v1 =	vld [tilespmem:s19+$0x151F0]  }
0x97: {  	v25 =	vld [tilespmem:s19+$0x13D00]  }
0x98: {  	v26 =	vld [tilespmem:s19+$0x13D40]  }
0x99: {  	v27 =	vshll.u32 v22, $0x10;
	v22 =	vand.u32 $0xFFFF0000, v22;
	v29 =	vshll.u32 v15, $0x10;
	v28 =	vld [tilespmem:s19+$0x13D10]  }
0x9a: {  	v15 =	vand.u32 $0xFFFF0000, v15;
	v31 =	vshll.u32 v11, $0x10;
	v32 =	vand.u32 $0xFFFF0000, v11;
	v30 =	vld [tilespmem:s19+$0x13D50]  }
0x9b: {  	v34 =	vshll.u32 v10, $0x10;
	v35 =	vand.u32 $0xFFFF0000, v10;
	v13 =	vshll.u32 v9, $0x10;
	v33 =	vld [tilespmem:s19+$0x13D20]  }
0x9c: {  	v11 =	vshll.u32 v7, $0x10;
	v25 =	vadd.f32 v12, v25;
	v36 =	vld [tilespmem:s19+$0x13D60];
	v12 =	vand.u32 $0xFFFF0000, v9  }
0x9d: {  	v10 =	vand.u32 $0xFFFF0000, v7;
	v9 =	vshll.u32 v8, $0x10;
	v14 =	vadd.f32 v14, v26;
	v26 =	vld [tilespmem:s19+$0x13D30]  }
0x9e: {  	v7 =	vand.u32 $0xFFFF0000, v8;
	v25 =	vadd.f32 v27, v25;
	v16 =	vadd.f32 v16, v28;
	v27 =	vld [tilespmem:s19+$0x13D70]  }
0x9f: {  	v8 =	vshll.u32 v0, $0x10;
	v14 =	vadd.f32 v22, v14;
	v17 =	vadd.f32 v17, v30;
	v22 =	vld [tilespmem:s19+$0x13D80]  }
0xa0: {  	v25 =	vmax.f32 v25, $0.0e+00;
	v16 =	vadd.f32 v29, v16;
	v18 =	vadd.f32 v18, v33;
	v28 =	vld [tilespmem:s19+$0x13DC0]  }
.Ltmp0:
0xa1: {  	[tilespmem:s19+$0x13D00] =	vst v25;
	v25 =	vmax.f32 v14, $0.0e+00;
	v17 =	vadd.f32 v15, v17;
	v19 =	vadd.f32 v19, v36;
	v14 =	vld [tilespmem:s19+$0x13D90];
	(pc) =	sbr.rel @p0 .LBB2_2-.Ltmp0, $4  }
0xa2: {  	[tilespmem:s19+$0x13D40] =	vst v25;
	v16 =	vmax.f32 v16, $0.0e+00;
	v18 =	vadd.f32 v31, v18;
	v20 =	vadd.f32 v20, v26;
	v15 =	vld [tilespmem:s19+$0x13DD0]  }
0xa3: {  	[tilespmem:s19+$0x13D10] =	vst v16;
	v17 =	vmax.f32 v17, $0.0e+00;
	v19 =	vadd.f32 v32, v19;
	v25 =	vadd.f32 v21, v27;
	v16 =	vld [tilespmem:s19+$0x13DA0]  }
0xa4: {  	[tilespmem:s19+$0x13D50] =	vst v17;
	v18 =	vmax.f32 v18, $0.0e+00;
	v21 =	vadd.f32 v34, v20;
	v22 =	vadd.f32 v23, v22;
	v17 =	vld [tilespmem:s19+$0x13DE0]  }
0xa5: {  	s0 =	sadd.s32 $0x400, s0;
	[tilespmem:s19+$0x13D20] =	vst v18;
	v23 =	vmax.f32 v19, $0.0e+00;
	v19 =	vadd.f32 v35, v25;
	v20 =	vadd.f32 v24, v28;
	v18 =	vld [tilespmem:s19+$0x13DB0]  }
0xa6: {  	[tilespmem:s19+$0x13D60] =	vst v23;
	v21 =	vmax.f32 v21, $0.0e+00;
	v13 =	vadd.f32 v13, v22;
	v6 =	vadd.f32 v6, v14;
	v61 =	vld [tilespmem:s19+$0x13DF0]  }
0xa7: {  	[tilespmem:s19+$0x13D30] =	vst v21;
	v19 =	vmax.f32 v19, $0.0e+00;
	v12 =	vadd.f32 v12, v20;
	v5 =	vadd.f32 v5, v15  }
0xa8: {  	[tilespmem:s19+$0x13D70] =	vst v19;
	v13 =	vmax.f32 v13, $0.0e+00;
	v6 =	vadd.f32 v11, v6;
	v4 =	vadd.f32 v4, v16  }
0xa9: {  	[tilespmem:s19+$0x13D80] =	vst v13;
	v62 =	vmax.f32 v12, $0.0e+00;
	v5 =	vadd.f32 v10, v5;
	v3 =	vadd.f32 v3, v17  }
0xaa: {  	[tilespmem:s19+$0x13DC0] =	vst v62;
	v6 =	vmax.f32 v6, $0.0e+00;
	v4 =	vadd.f32 v9, v4;
	v2 =	vadd.f32 v2, v18  }
0xab: {  	[tilespmem:s19+$0x13D90] =	vst v6;
	v5 =	vmax.f32 v5, $0.0e+00;
	v3 =	vadd.f32 v7, v3;
	v1 =	vadd.f32 v1, v61  }
0xac: {  	v0 =	vand.u32 $0xFFFF0000, v0;
	[tilespmem:s19+$0x13DD0] =	vst v5;
	v4 =	vmax.f32 v4, $0.0e+00;
	v2 =	vadd.f32 v8, v2  }
0xad: {  	[tilespmem:s19+$0x13DA0] =	vst v4;
	v3 =	vmax.f32 v3, $0.0e+00;
	v0 =	vadd.f32 v0, v1  }
0xae: {  	[tilespmem:s19+$0x13DE0] =	vst v3;
	v63 =	vmax.f32 v2, $0.0e+00  }
0xaf: {  	[tilespmem:s19+$0x13DB0] =	vst v63;
	v0 =	vmax.f32 v0, $0.0e+00  }
0xb0: {  	s0 =	rddreg [dreg:$0x4];
	[tilespmem:s19+$0x13DF0] =	vst v0  }
0xb1: {  	[spmem:s0] =	stream.indirect.scatter.add.f32 [tilespmem:s5], [sflag:$0x5], $0x80, s2, s13, $0xb8;
	[tilespmem:$0x1F300] =	vst v63  }
0xb2: {  	s10 =	simm.s32 $0x0;
	s14 =	rddreg [dreg:$0x10];
	s4 =	simm.s32 $0x1B680  }
0xb3: {  	[tilespmem:s31], [sflag:$0xB] =	stream.linear.gather [hbm4b:s14+s10], $0x28, $0x38;
	[tilespmem:$0x1F300] =	vst v63  }
0xb4: {  	s29 =	simm.s32 $0x0;
	s19 =	rddreg [dreg:$0x11];
	s0 =	simm.s32 $0x1B680  }
0xb5: {  	[tilespmem:s4], [sflag:$0xB] =	stream.linear.gather [hbm4b:s19+s10], $0x28, $0x38;
	[tilespmem:$0x1F300] =	vst v63  }
.LBB2_4:
0xb6: {  	_ =	swait.ge [sflag:s11], $0x28  }
0xb7: {  	[sflag:s11] =	ssyncset.done $0x0  }
0xb8: {  	[sflag:s11] =	ssyncadd.s32 $0xFFFFFFD8  }
0xb9: {  	_ =	swait.ge [sflag:s11], $0x28  }
0xba: {  	[sflag:s11] =	ssyncset.done $0x0  }
0xbb: {  	[sflag:s11] =	ssyncadd.s32 $0xFFFFFFD8  }
0xbc: {  	[tilespmem:s20], [sflag:$0xC] =	stream.indirect.gather [hbm4b:s1+s13], $0x80, s31, s13, $0xb8;
	[tilespmem:$0x1F300] =	vst v63  }
0xbd: {  	s4 =	simm.s32 $0x1CB00;
	s6 =	rddreg [dreg:$0xd];
	s31 =	smul.u32 $0x78, s29  }
0xbe: {  	[tilespmem:s4], [sflag:$0xD] =	stream.indirect.gather [hbm4b:s7+s13], $0x80, s0, s13, $0xb8;
	[tilespmem:$0x1F300] =	vst v63  }
0xbf: {  	s0 =	sadd.s32 s31, s6  }
0xc0: {  	s14 =	simm.s32 $0x1DF00;
	s0 =	sshll.u32 s0, $0x4  }
0xc1: {  	s5 =	simm.s32 $0x0;
	s19 =	simm.s32 $0x7;
	s0 =	sadd.s32 s8, s0  }
0xc2: {  	[tilespmem:s14], [sflag:$0xE] =	stream.linear.gather [hbm4b:s0+s5], $0x1400, $0x38;
	[tilespmem:$0x1F300] =	vst v63  }
0xc3: {  	_ =	swait.ge [sflag:s19], $0x1400  }
0xc4: {  	[sflag:s19] =	ssyncset.done $0x0  }
0xc5: {  	[sflag:s19] =	ssyncadd.s32 $0xFFFFEC00  }
0xc6: {  	_ =	swait.ge [sflag:s24], $0x1400  }
0xc7: {  	[sflag:s24] =	ssyncset.done $0x0  }
0xc8: {  	[sflag:s24] =	ssyncadd.s32 $0xFFFFEC00  }
0xc9: {  	_ =	swait.ge [sflag:s15], $0x1400  }
0xca: {  	[sflag:s15] =	ssyncset.done $0x0  }
0xcb: {  	s0 =	simm.s32 $0x0;
	[sflag:s15] =	ssyncadd.s32 $0xFFFFEC00  }
0xcc: {  	v7 =	vld [tilespmem:s0+$0x1A200]  }
0xcd: {  	v8 =	vld [tilespmem:s0+$0x1A210]  }
0xce: {  	v9 =	vld [tilespmem:s0+$0x1A220]  }
0xcf: {  	v10 =	vld [tilespmem:s0+$0x1A230]  }
0xd0: {  	v11 =	vld [tilespmem:s0+$0x1A280]  }
0xd1: {  	v16 =	vld [tilespmem:s0+$0x1A290]  }
0xd2: {  	v17 =	vld [tilespmem:s0+$0x1A2A0]  }
0xd3: {  	v0 =	vld [tilespmem:s0+$0x1A2B0]  }
0xd4: {  	v12 =	vld [tilespmem:s0+$0x18E00]  }
0xd5: {  	v13 =	vld [tilespmem:s0+$0x18E40]  }
0xd6: {  	v14 =	vld [tilespmem:s0+$0x18E10]  }
0xd7: {  	v15 =	vld [tilespmem:s0+$0x18E50]  }
0xd8: {  	v18 =	vld [tilespmem:s0+$0x18E20]  }
0xd9: {  	v19 =	vld [tilespmem:s0+$0x18E60]  }
0xda: {  	v20 =	vld [tilespmem:s0+$0x18E30]  }
0xdb: {  	v21 =	vld [tilespmem:s0+$0x18E70]  }
0xdc: {  	v22 =	vld [tilespmem:s0+$0x18E80]  }
0xdd: {  	v24 =	vld [tilespmem:s0+$0x18EC0]  }
0xde: {  	v6 =	vld [tilespmem:s0+$0x18E90]  }
0xdf: {  	v5 =	vld [tilespmem:s0+$0x18ED0]  }
0xe0: {  	v23 =	vld [tilespmem:s0+$0x17A00]  }
0xe1: {  	v25 =	vld [tilespmem:s0+$0x17A40]  }
0xe2: {  	v26 =	vld [tilespmem:s0+$0x17A10]  }
0xe3: {  	v27 =	vld [tilespmem:s0+$0x17A50]  }
0xe4: {  	v30 =	vld [tilespmem:s0+$0x17A30]  }
0xe5: {  	v59 =	vld [tilespmem:s0+$0x17A70]  }
0xe6: {  	v31 =	vld [tilespmem:s0+$0x17A80];
	v12 =	vadd.f32 v12, v23;
	v29 =	vshll.u32 v7, $0x10;
	v13 =	vadd.f32 v13, v25  }
0xe7: {  	v28 =	vld [tilespmem:s0+$0x17A20];
	v7 =	vand.u32 $0xFFFF0000, v7;
	v60 =	vshll.u32 v8, $0x10;
	v14 =	vadd.f32 v14, v26  }
0xe8: {  	v61 =	vld [tilespmem:s0+$0x17AC0];
	v8 =	vand.u32 $0xFFFF0000, v8;
	v32 =	vshll.u32 v9, $0x10;
	v33 =	vand.u32 $0xFFFF0000, v9  }
0xe9: {  	v23 =	vld [tilespmem:s0+$0x17A60];
	v9 =	vadd.f32 v15, v27;
	v62 =	vshll.u32 v10, $0x10;
	v12 =	vadd.f32 v29, v12  }
0xea: {  	v4 =	vld [tilespmem:s0+$0x18EA0];
	v63 =	vand.u32 $0xFFFF0000, v10;
	v20 =	vadd.f32 v20, v30;
	v7 =	vadd.f32 v7, v13  }
0xeb: {  	v3 =	vld [tilespmem:s0+$0x18EE0];
	v25 =	vadd.f32 v21, v59;
	v22 =	vadd.f32 v22, v31;
	v12 =	vmax.f32 v12, $0.0e+00  }
0xec: {  	v2 =	vld [tilespmem:s0+$0x18EB0];
	v8 =	vadd.f32 v8, v9;
	v21 =	vadd.f32 v62, v20;
	v7 =	vmax.f32 v7, $0.0e+00;
	[tilespmem:s0+$0x17A00] =	vst v12  }
0xed: {  	v1 =	vld [tilespmem:s0+$0x18EF0];
	v10 =	vand.u32 $0xFFFF0000, v16;
	v12 =	vadd.f32 v60, v14;
	[tilespmem:s0+$0x17A40] =	vst v7;
	v7 =	vadd.f32 v18, v28  }
0xee: {  	v13 =	vshll.u32 v11, $0x10;
	v20 =	vadd.f32 v24, v61;
	v14 =	vld [tilespmem:s0+$0x17A90];
	v18 =	vadd.f32 v19, v23  }
0xef: {  	v15 =	vld [tilespmem:s0+$0x17AD0];
	v8 =	vmax.f32 v8, $0.0e+00;
	v9 =	vmax.f32 v12, $0.0e+00;
	v19 =	vadd.f32 v32, v7  }
0xf0: {  	[tilespmem:s0+$0x17A50] =	vst v8;
	v12 =	vand.u32 $0xFFFF0000, v11;
	v11 =	vshll.u32 v16, $0x10;
	v16 =	vld [tilespmem:s0+$0x17AA0];
	v18 =	vadd.f32 v33, v18  }
0xf1: {  	v7 =	vand.u32 $0xFFFF0000, v17;
	[tilespmem:s0+$0x17A10] =	vst v9;
	v9 =	vshll.u32 v17, $0x10;
	v17 =	vld [tilespmem:s0+$0x17AE0];
	v19 =	vmax.f32 v19, $0.0e+00  }
0xf2: {  	s10 =	simm.s32 $0x13D00;
	s20 =	simm.s32 $0x1B680;
	s14 =	simm.s32 $0x400;
	v8 =	vshll.u32 v0, $0x10;
	v23 =	vmax.f32 v18, $0.0e+00;
	v18 =	vld [tilespmem:s0+$0x17AB0];
	[tilespmem:s0+$0x17A20] =	vst v19;
	v19 =	vadd.f32 v63, v25  }
.LBB2_5:
0xf3: {  	s6 =	sshra.s32 s14, $0x2;
	p0 =	sne.s32 s14, $0x4C00;
	[tilespmem:s0+$0x17A60] =	vst v23;
	v21 =	vmax.f32 v21, $0.0e+00;
	v13 =	vadd.f32 v13, v22;
	v6 =	vadd.f32 v6, v14;
	v14 =	vld [tilespmem:s0+$0x17AF0]  }
0xf4: {  	v22 =	vld [tilespmem:s6+$0x1A200];
	[tilespmem:s0+$0x17A30] =	vst v21;
	v19 =	vmax.f32 v19, $0.0e+00;
	v12 =	vadd.f32 v12, v20;
	v5 =	vadd.f32 v5, v15  }
0xf5: {  	v15 =	vld [tilespmem:s6+$0x1A210];
	[tilespmem:s0+$0x17A70] =	vst v19;
	v13 =	vmax.f32 v13, $0.0e+00;
	v6 =	vadd.f32 v11, v6;
	v4 =	vadd.f32 v4, v16  }
0xf6: {  	v11 =	vld [tilespmem:s6+$0x1A220];
	[tilespmem:s0+$0x17A80] =	vst v13;
	v12 =	vmax.f32 v12, $0.0e+00;
	v5 =	vadd.f32 v10, v5;
	v3 =	vadd.f32 v3, v17  }
0xf7: {  	v10 =	vld [tilespmem:s6+$0x1A230];
	[tilespmem:s0+$0x17AC0] =	vst v12;
	v6 =	vmax.f32 v6, $0.0e+00;
	v4 =	vadd.f32 v9, v4;
	v2 =	vadd.f32 v2, v18  }
0xf8: {  	v9 =	vld [tilespmem:s6+$0x1A280];
	[tilespmem:s0+$0x17A90] =	vst v6;
	v5 =	vmax.f32 v5, $0.0e+00;
	v3 =	vadd.f32 v7, v3;
	v1 =	vadd.f32 v1, v14  }
0xf9: {  	v0 =	vand.u32 $0xFFFF0000, v0;
	v7 =	vld [tilespmem:s6+$0x1A290];
	[tilespmem:s0+$0x17AD0] =	vst v5;
	v4 =	vmax.f32 v4, $0.0e+00;
	v2 =	vadd.f32 v8, v2  }
0xfa: {  	v8 =	vld [tilespmem:s6+$0x1A2A0];
	[tilespmem:s0+$0x17AA0] =	vst v4;
	v3 =	vmax.f32 v3, $0.0e+00;
	v1 =	vadd.f32 v0, v1  }
0xfb: {  	v0 =	vld [tilespmem:s6+$0x1A2B0];
	[tilespmem:s0+$0x17AE0] =	vst v3;
	v2 =	vmax.f32 v2, $0.0e+00  }
0xfc: {  	v12 =	vld [tilespmem:s6+$0x18E00];
	[tilespmem:s0+$0x17AB0] =	vst v2;
	v1 =	vmax.f32 v1, $0.0e+00  }
0xfd: {  	v14 =	vld [tilespmem:s6+$0x18E40];
	[tilespmem:s0+$0x17AF0] =	vst v1;
	s0 =	smov.u32 s6  }
0xfe: {  	v16 =	vld [tilespmem:s0+$0x18E10]  }
0xff: {  	v17 =	vld [tilespmem:s0+$0x18E50]  }
0x100: {  	v18 =	vld [tilespmem:s0+$0x18E20]  }
0x101: {  	v19 =	vld [tilespmem:s0+$0x18E60]  }
0x102: {  	v20 =	vld [tilespmem:s0+$0x18E30]  }
0x103: {  	v21 =	vld [tilespmem:s0+$0x18E70]  }
0x104: {  	v23 =	vld [tilespmem:s0+$0x18E80]  }
0x105: {  	v24 =	vld [tilespmem:s0+$0x18EC0]  }
0x106: {  	v6 =	vld [tilespmem:s0+$0x18E90]  }
0x107: {  	v5 =	vld [tilespmem:s0+$0x18ED0]  }
0x108: {  	v4 =	vld [tilespmem:s0+$0x18EA0]  }
0x109: {  	v3 =	vld [tilespmem:s0+$0x18EE0]  }
0x10a: {  	v2 =	vld [tilespmem:s0+$0x18EB0]  }
0x10b: {  	v1 =	vld [tilespmem:s0+$0x18EF0]  }
0x10c: {  	v25 =	vld [tilespmem:s0+$0x17A00]  }
0x10d: {  	v26 =	vld [tilespmem:s0+$0x17A40]  }
0x10e: {  	v27 =	vshll.u32 v22, $0x10;
	v22 =	vand.u32 $0xFFFF0000, v22;
	v29 =	vshll.u32 v15, $0x10;
	v28 =	vld [tilespmem:s0+$0x17A10]  }
0x10f: {  	v15 =	vand.u32 $0xFFFF0000, v15;
	v31 =	vshll.u32 v11, $0x10;
	v32 =	vand.u32 $0xFFFF0000, v11;
	v30 =	vld [tilespmem:s0+$0x17A50]  }
0x110: {  	v34 =	vshll.u32 v10, $0x10;
	v35 =	vand.u32 $0xFFFF0000, v10;
	v13 =	vshll.u32 v9, $0x10;
	v33 =	vld [tilespmem:s0+$0x17A20]  }
0x111: {  	v11 =	vshll.u32 v7, $0x10;
	v25 =	vadd.f32 v12, v25;
	v36 =	vld [tilespmem:s0+$0x17A60];
	v12 =	vand.u32 $0xFFFF0000, v9  }
0x112: {  	v10 =	vand.u32 $0xFFFF0000, v7;
	v9 =	vshll.u32 v8, $0x10;
	v14 =	vadd.f32 v14, v26;
	v26 =	vld [tilespmem:s0+$0x17A30]  }
0x113: {  	v7 =	vand.u32 $0xFFFF0000, v8;
	v25 =	vadd.f32 v27, v25;
	v16 =	vadd.f32 v16, v28;
	v27 =	vld [tilespmem:s0+$0x17A70]  }
0x114: {  	v8 =	vshll.u32 v0, $0x10;
	v14 =	vadd.f32 v22, v14;
	v17 =	vadd.f32 v17, v30;
	v22 =	vld [tilespmem:s0+$0x17A80]  }
0x115: {  	v25 =	vmax.f32 v25, $0.0e+00;
	v16 =	vadd.f32 v29, v16;
	v18 =	vadd.f32 v18, v33;
	v28 =	vld [tilespmem:s0+$0x17AC0]  }
.Ltmp1:
0x116: {  	[tilespmem:s0+$0x17A00] =	vst v25;
	v25 =	vmax.f32 v14, $0.0e+00;
	v17 =	vadd.f32 v15, v17;
	v19 =	vadd.f32 v19, v36;
	v14 =	vld [tilespmem:s0+$0x17A90];
	(pc) =	sbr.rel @p0 .LBB2_5-.Ltmp1, $4  }
0x117: {  	[tilespmem:s0+$0x17A40] =	vst v25;
	v16 =	vmax.f32 v16, $0.0e+00;
	v18 =	vadd.f32 v31, v18;
	v20 =	vadd.f32 v20, v26;
	v15 =	vld [tilespmem:s0+$0x17AD0]  }
0x118: {  	[tilespmem:s0+$0x17A10] =	vst v16;
	v17 =	vmax.f32 v17, $0.0e+00;
	v19 =	vadd.f32 v32, v19;
	v25 =	vadd.f32 v21, v27;
	v16 =	vld [tilespmem:s0+$0x17AA0]  }
0x119: {  	[tilespmem:s0+$0x17A50] =	vst v17;
	v18 =	vmax.f32 v18, $0.0e+00;
	v21 =	vadd.f32 v34, v20;
	v22 =	vadd.f32 v23, v22;
	v17 =	vld [tilespmem:s0+$0x17AE0]  }
0x11a: {  	s14 =	sadd.s32 $0x400, s14;
	[tilespmem:s0+$0x17A20] =	vst v18;
	v23 =	vmax.f32 v19, $0.0e+00;
	v19 =	vadd.f32 v35, v25;
	v20 =	vadd.f32 v24, v28;
	v18 =	vld [tilespmem:s0+$0x17AB0]  }
0x11b: {  	[tilespmem:s0+$0x17A60] =	vst v23;
	v21 =	vmax.f32 v21, $0.0e+00;
	v13 =	vadd.f32 v13, v22;
	v6 =	vadd.f32 v6, v14;
	v14 =	vld [tilespmem:s0+$0x17AF0]  }
0x11c: {  	[tilespmem:s0+$0x17A30] =	vst v21;
	v19 =	vmax.f32 v19, $0.0e+00;
	v12 =	vadd.f32 v12, v20;
	v5 =	vadd.f32 v5, v15  }
0x11d: {  	[tilespmem:s0+$0x17A70] =	vst v19;
	v13 =	vmax.f32 v13, $0.0e+00;
	v6 =	vadd.f32 v11, v6;
	v4 =	vadd.f32 v4, v16  }
0x11e: {  	[tilespmem:s0+$0x17A80] =	vst v13;
	v11 =	vmax.f32 v12, $0.0e+00;
	v5 =	vadd.f32 v10, v5;
	v3 =	vadd.f32 v3, v17  }
0x11f: {  	[tilespmem:s0+$0x17AC0] =	vst v11;
	v6 =	vmax.f32 v6, $0.0e+00;
	v4 =	vadd.f32 v9, v4;
	v2 =	vadd.f32 v2, v18  }
0x120: {  	[tilespmem:s0+$0x17A90] =	vst v6;
	v5 =	vmax.f32 v5, $0.0e+00;
	v3 =	vadd.f32 v7, v3;
	v1 =	vadd.f32 v1, v14  }
0x121: {  	v0 =	vand.u32 $0xFFFF0000, v0;
	[tilespmem:s0+$0x17AD0] =	vst v5;
	v4 =	vmax.f32 v4, $0.0e+00;
	v2 =	vadd.f32 v8, v2  }
0x122: {  	[tilespmem:s0+$0x17AA0] =	vst v4;
	v3 =	vmax.f32 v3, $0.0e+00;
	v0 =	vadd.f32 v0, v1  }
0x123: {  	[tilespmem:s0+$0x17AE0] =	vst v3;
	v1 =	vmax.f32 v2, $0.0e+00  }
0x124: {  	[tilespmem:s0+$0x17AB0] =	vst v1;
	v0 =	vmax.f32 v0, $0.0e+00  }
0x125: {  	s19 =	rddreg [dreg:$0x4];
	s4 =	simm.s32 $0x17A00;
	[tilespmem:s0+$0x17AF0] =	vst v0  }
0x126: {  	[spmem:s19] =	stream.indirect.scatter.add.f32 [tilespmem:s4], [sflag:$0xA], $0x80, s30, s13, $0xb8;
	[tilespmem:$0x1F300] =	vst v63  }
0x127: {  	_ =	swait.ge [sflag:s17], $0x1400  }
0x128: {  	s4 =	rddreg [dreg:$0x12]  }
0x129: {  	s19 =	simm.s32 $0x0;
	[sflag:s17] =	ssyncset.done $0x0;
	s0 =	sadd.s32 s31, s4  }
0x12a: {  	[sflag:s17] =	ssyncadd.s32 $0xFFFFEC00;
	s4 =	smov.u32 s3;
	s6 =	sshrl.u32 s0, $0x3  }
0x12b: {  	s5 =	rddreg [dreg:$0x3];
	s14 =	sadd.s32 s3, s6;
	s3 =	simm.s32 $0x13C00  }
0x12c: {  	[tilespmem:s3], [sflag:$0x1] =	stream.linear.gather [hbm4b:s14+s19], $0x28, $0x38;
	[tilespmem:$0x1F300] =	vst v63  }
0x12d: {  	s6 =	sadd.s32 s5, s6  }
0x12e: {  	[tilespmem:s2], [sflag:$0x1] =	stream.linear.gather [hbm4b:s6+s19], $0x28, $0x38;
	[tilespmem:$0x1F300] =	vst v63  }
0x12f: {  	_ =	swait.ge [sflag:s12], $0x28  }
0x130: {  	[sflag:s12] =	ssyncset.done $0x0  }
0x131: {  	[sflag:s12] =	ssyncadd.s32 $0xFFFFFFD8  }
0x132: {  	_ =	swait.ge [sflag:s12], $0x28  }
0x133: {  	[sflag:s12] =	ssyncset.done $0x0  }
0x134: {  	[sflag:s12] =	ssyncadd.s32 $0xFFFFFFD8  }
0x135: {  	[tilespmem:s10], [sflag:$0x2] =	stream.indirect.gather [hbm4b:s1+s13], $0x80, s3, s13, $0xb8;
	[tilespmem:$0x1F300] =	vst v63  }
0x136: {  	s0 =	sshll.u32 s0, $0x4;
	s10 =	simm.s32 $0x15100  }
0x137: {  	[tilespmem:s10], [sflag:$0x3] =	stream.indirect.gather [hbm4b:s7+s13], $0x80, s2, s13, $0xb8;
	[tilespmem:$0x1F300] =	vst v63  }
0x138: {  	s0 =	sadd.s32 s8, s0;
	s14 =	simm.s32 $0x16500  }
0x139: {  	[tilespmem:s14], [sflag:$0x4] =	stream.linear.gather [hbm4b:s0+s19], $0x1400, $0x38;
	[tilespmem:$0x1F300] =	vst v63  }
0x13a: {  	_ =	swait.ge [sflag:s16], $0x1400  }
0x13b: {  	[sflag:s16] =	ssyncset.done $0x0  }
0x13c: {  	[sflag:s16] =	ssyncadd.s32 $0xFFFFEC00  }
0x13d: {  	_ =	swait.ge [sflag:s21], $0x1400  }
0x13e: {  	[sflag:s21] =	ssyncset.done $0x0  }
0x13f: {  	[sflag:s21] =	ssyncadd.s32 $0xFFFFEC00  }
0x140: {  	_ =	swait.ge [sflag:s22], $0x1400  }
0x141: {  	[sflag:s22] =	ssyncset.done $0x0  }
0x142: {  	s0 =	simm.s32 $0x0;
	[sflag:s22] =	ssyncadd.s32 $0xFFFFEC00  }
0x143: {  	v7 =	vld [tilespmem:s0+$0x1DF00]  }
0x144: {  	v8 =	vld [tilespmem:s0+$0x1DF10]  }
0x145: {  	v9 =	vld [tilespmem:s0+$0x1DF20]  }
0x146: {  	v10 =	vld [tilespmem:s0+$0x1DF30]  }
0x147: {  	v11 =	vld [tilespmem:s0+$0x1DF80]  }
0x148: {  	v16 =	vld [tilespmem:s0+$0x1DF90]  }
0x149: {  	v17 =	vld [tilespmem:s0+$0x1DFA0]  }
0x14a: {  	v0 =	vld [tilespmem:s0+$0x1DFB0]  }
0x14b: {  	v12 =	vld [tilespmem:s0+$0x1CB00]  }
0x14c: {  	v13 =	vld [tilespmem:s0+$0x1CB40]  }
0x14d: {  	v14 =	vld [tilespmem:s0+$0x1CB10]  }
0x14e: {  	v15 =	vld [tilespmem:s0+$0x1CB50]  }
0x14f: {  	v18 =	vld [tilespmem:s0+$0x1CB20]  }
0x150: {  	v19 =	vld [tilespmem:s0+$0x1CB60]  }
0x151: {  	v20 =	vld [tilespmem:s0+$0x1CB30]  }
0x152: {  	v21 =	vld [tilespmem:s0+$0x1CB70]  }
0x153: {  	v22 =	vld [tilespmem:s0+$0x1CB80]  }
0x154: {  	v24 =	vld [tilespmem:s0+$0x1CBC0]  }
0x155: {  	v6 =	vld [tilespmem:s0+$0x1CB90]  }
0x156: {  	v5 =	vld [tilespmem:s0+$0x1CBD0]  }
0x157: {  	v23 =	vld [tilespmem:s0+$0x1B700]  }
0x158: {  	v25 =	vld [tilespmem:s0+$0x1B740]  }
0x159: {  	v26 =	vld [tilespmem:s0+$0x1B710]  }
0x15a: {  	v27 =	vld [tilespmem:s0+$0x1B750]  }
0x15b: {  	v30 =	vld [tilespmem:s0+$0x1B730]  }
0x15c: {  	v59 =	vld [tilespmem:s0+$0x1B770]  }
0x15d: {  	v31 =	vld [tilespmem:s0+$0x1B780];
	v12 =	vadd.f32 v12, v23;
	v29 =	vshll.u32 v7, $0x10;
	v13 =	vadd.f32 v13, v25  }
0x15e: {  	v28 =	vld [tilespmem:s0+$0x1B720];
	v7 =	vand.u32 $0xFFFF0000, v7;
	v60 =	vshll.u32 v8, $0x10;
	v14 =	vadd.f32 v14, v26  }
0x15f: {  	v61 =	vld [tilespmem:s0+$0x1B7C0];
	v8 =	vand.u32 $0xFFFF0000, v8;
	v32 =	vshll.u32 v9, $0x10;
	v33 =	vand.u32 $0xFFFF0000, v9  }
0x160: {  	v23 =	vld [tilespmem:s0+$0x1B760];
	v9 =	vadd.f32 v15, v27;
	v62 =	vshll.u32 v10, $0x10;
	v12 =	vadd.f32 v29, v12  }
0x161: {  	v4 =	vld [tilespmem:s0+$0x1CBA0];
	v63 =	vand.u32 $0xFFFF0000, v10;
	v20 =	vadd.f32 v20, v30;
	v7 =	vadd.f32 v7, v13  }
0x162: {  	v3 =	vld [tilespmem:s0+$0x1CBE0];
	v25 =	vadd.f32 v21, v59;
	v22 =	vadd.f32 v22, v31;
	v12 =	vmax.f32 v12, $0.0e+00  }
0x163: {  	v2 =	vld [tilespmem:s0+$0x1CBB0];
	v8 =	vadd.f32 v8, v9;
	v21 =	vadd.f32 v62, v20;
	v7 =	vmax.f32 v7, $0.0e+00;
	[tilespmem:s0+$0x1B700] =	vst v12  }
0x164: {  	v1 =	vld [tilespmem:s0+$0x1CBF0];
	v10 =	vand.u32 $0xFFFF0000, v16;
	v12 =	vadd.f32 v60, v14;
	[tilespmem:s0+$0x1B740] =	vst v7;
	v7 =	vadd.f32 v18, v28  }
0x165: {  	v13 =	vshll.u32 v11, $0x10;
	v20 =	vadd.f32 v24, v61;
	v14 =	vld [tilespmem:s0+$0x1B790];
	v18 =	vadd.f32 v19, v23  }
0x166: {  	v15 =	vld [tilespmem:s0+$0x1B7D0];
	v8 =	vmax.f32 v8, $0.0e+00;
	v9 =	vmax.f32 v12, $0.0e+00;
	v19 =	vadd.f32 v32, v7  }
0x167: {  	[tilespmem:s0+$0x1B750] =	vst v8;
	v12 =	vand.u32 $0xFFFF0000, v11;
	v11 =	vshll.u32 v16, $0x10;
	v16 =	vld [tilespmem:s0+$0x1B7A0];
	v18 =	vadd.f32 v33, v18  }
0x168: {  	v7 =	vand.u32 $0xFFFF0000, v17;
	[tilespmem:s0+$0x1B710] =	vst v9;
	v9 =	vshll.u32 v17, $0x10;
	v17 =	vld [tilespmem:s0+$0x1B7E0];
	v19 =	vmax.f32 v19, $0.0e+00  }
0x169: {  	s30 =	simm.s32 $0x17A00;
	s5 =	smov.u32 s1;
	s14 =	simm.s32 $0x400;
	v8 =	vshll.u32 v0, $0x10;
	v23 =	vmax.f32 v18, $0.0e+00;
	v18 =	vld [tilespmem:s0+$0x1B7B0];
	[tilespmem:s0+$0x1B720] =	vst v19;
	v19 =	vadd.f32 v63, v25  }
.LBB2_7:
0x16a: {  	s6 =	sshra.s32 s14, $0x2;
	p0 =	sne.s32 s14, $0x4C00;
	[tilespmem:s0+$0x1B760] =	vst v23;
	v21 =	vmax.f32 v21, $0.0e+00;
	v13 =	vadd.f32 v13, v22;
	v6 =	vadd.f32 v6, v14;
	v14 =	vld [tilespmem:s0+$0x1B7F0]  }
0x16b: {  	v22 =	vld [tilespmem:s6+$0x1DF00];
	[tilespmem:s0+$0x1B730] =	vst v21;
	v19 =	vmax.f32 v19, $0.0e+00;
	v12 =	vadd.f32 v12, v20;
	v5 =	vadd.f32 v5, v15  }
0x16c: {  	v15 =	vld [tilespmem:s6+$0x1DF10];
	[tilespmem:s0+$0x1B770] =	vst v19;
	v13 =	vmax.f32 v13, $0.0e+00;
	v6 =	vadd.f32 v11, v6;
	v4 =	vadd.f32 v4, v16  }
0x16d: {  	v11 =	vld [tilespmem:s6+$0x1DF20];
	[tilespmem:s0+$0x1B780] =	vst v13;
	v12 =	vmax.f32 v12, $0.0e+00;
	v5 =	vadd.f32 v10, v5;
	v3 =	vadd.f32 v3, v17  }
0x16e: {  	v10 =	vld [tilespmem:s6+$0x1DF30];
	[tilespmem:s0+$0x1B7C0] =	vst v12;
	v6 =	vmax.f32 v6, $0.0e+00;
	v4 =	vadd.f32 v9, v4;
	v2 =	vadd.f32 v2, v18  }
0x16f: {  	v9 =	vld [tilespmem:s6+$0x1DF80];
	[tilespmem:s0+$0x1B790] =	vst v6;
	v5 =	vmax.f32 v5, $0.0e+00;
	v3 =	vadd.f32 v7, v3;
	v1 =	vadd.f32 v1, v14  }
0x170: {  	v0 =	vand.u32 $0xFFFF0000, v0;
	v7 =	vld [tilespmem:s6+$0x1DF90];
	[tilespmem:s0+$0x1B7D0] =	vst v5;
	v4 =	vmax.f32 v4, $0.0e+00;
	v2 =	vadd.f32 v8, v2  }
0x171: {  	v8 =	vld [tilespmem:s6+$0x1DFA0];
	[tilespmem:s0+$0x1B7A0] =	vst v4;
	v3 =	vmax.f32 v3, $0.0e+00;
	v1 =	vadd.f32 v0, v1  }
0x172: {  	v0 =	vld [tilespmem:s6+$0x1DFB0];
	[tilespmem:s0+$0x1B7E0] =	vst v3;
	v2 =	vmax.f32 v2, $0.0e+00  }
0x173: {  	v12 =	vld [tilespmem:s6+$0x1CB00];
	[tilespmem:s0+$0x1B7B0] =	vst v2;
	v1 =	vmax.f32 v1, $0.0e+00  }
0x174: {  	v14 =	vld [tilespmem:s6+$0x1CB40];
	[tilespmem:s0+$0x1B7F0] =	vst v1;
	s0 =	smov.u32 s6  }
0x175: {  	v16 =	vld [tilespmem:s0+$0x1CB10]  }
0x176: {  	v17 =	vld [tilespmem:s0+$0x1CB50]  }
0x177: {  	v18 =	vld [tilespmem:s0+$0x1CB20]  }
0x178: {  	v19 =	vld [tilespmem:s0+$0x1CB60]  }
0x179: {  	v20 =	vld [tilespmem:s0+$0x1CB30]  }
0x17a: {  	v21 =	vld [tilespmem:s0+$0x1CB70]  }
0x17b: {  	v23 =	vld [tilespmem:s0+$0x1CB80]  }
0x17c: {  	v24 =	vld [tilespmem:s0+$0x1CBC0]  }
0x17d: {  	v6 =	vld [tilespmem:s0+$0x1CB90]  }
0x17e: {  	v5 =	vld [tilespmem:s0+$0x1CBD0]  }
0x17f: {  	v4 =	vld [tilespmem:s0+$0x1CBA0]  }
0x180: {  	v3 =	vld [tilespmem:s0+$0x1CBE0]  }
0x181: {  	v2 =	vld [tilespmem:s0+$0x1CBB0]  }
0x182: {  	v1 =	vld [tilespmem:s0+$0x1CBF0]  }
0x183: {  	v25 =	vld [tilespmem:s0+$0x1B700]  }
0x184: {  	v26 =	vld [tilespmem:s0+$0x1B740]  }
0x185: {  	v27 =	vshll.u32 v22, $0x10;
	v22 =	vand.u32 $0xFFFF0000, v22;
	v29 =	vshll.u32 v15, $0x10;
	v28 =	vld [tilespmem:s0+$0x1B710]  }
0x186: {  	v15 =	vand.u32 $0xFFFF0000, v15;
	v31 =	vshll.u32 v11, $0x10;
	v32 =	vand.u32 $0xFFFF0000, v11;
	v30 =	vld [tilespmem:s0+$0x1B750]  }
0x187: {  	v34 =	vshll.u32 v10, $0x10;
	v35 =	vand.u32 $0xFFFF0000, v10;
	v13 =	vshll.u32 v9, $0x10;
	v33 =	vld [tilespmem:s0+$0x1B720]  }
0x188: {  	v11 =	vshll.u32 v7, $0x10;
	v25 =	vadd.f32 v12, v25;
	v36 =	vld [tilespmem:s0+$0x1B760];
	v12 =	vand.u32 $0xFFFF0000, v9  }
0x189: {  	v10 =	vand.u32 $0xFFFF0000, v7;
	v9 =	vshll.u32 v8, $0x10;
	v14 =	vadd.f32 v14, v26;
	v26 =	vld [tilespmem:s0+$0x1B730]  }
0x18a: {  	v7 =	vand.u32 $0xFFFF0000, v8;
	v25 =	vadd.f32 v27, v25;
	v16 =	vadd.f32 v16, v28;
	v27 =	vld [tilespmem:s0+$0x1B770]  }
0x18b: {  	v8 =	vshll.u32 v0, $0x10;
	v14 =	vadd.f32 v22, v14;
	v17 =	vadd.f32 v17, v30;
	v22 =	vld [tilespmem:s0+$0x1B780]  }
0x18c: {  	v25 =	vmax.f32 v25, $0.0e+00;
	v16 =	vadd.f32 v29, v16;
	v18 =	vadd.f32 v18, v33;
	v28 =	vld [tilespmem:s0+$0x1B7C0]  }
.Ltmp2:
0x18d: {  	[tilespmem:s0+$0x1B700] =	vst v25;
	v25 =	vmax.f32 v14, $0.0e+00;
	v17 =	vadd.f32 v15, v17;
	v19 =	vadd.f32 v19, v36;
	v14 =	vld [tilespmem:s0+$0x1B790];
	(pc) =	sbr.rel @p0 .LBB2_7-.Ltmp2, $4  }
0x18e: {  	[tilespmem:s0+$0x1B740] =	vst v25;
	v16 =	vmax.f32 v16, $0.0e+00;
	v18 =	vadd.f32 v31, v18;
	v20 =	vadd.f32 v20, v26;
	v15 =	vld [tilespmem:s0+$0x1B7D0]  }
0x18f: {  	[tilespmem:s0+$0x1B710] =	vst v16;
	v17 =	vmax.f32 v17, $0.0e+00;
	v19 =	vadd.f32 v32, v19;
	v25 =	vadd.f32 v21, v27;
	v16 =	vld [tilespmem:s0+$0x1B7A0]  }
0x190: {  	[tilespmem:s0+$0x1B750] =	vst v17;
	v18 =	vmax.f32 v18, $0.0e+00;
	v21 =	vadd.f32 v34, v20;
	v22 =	vadd.f32 v23, v22;
	v17 =	vld [tilespmem:s0+$0x1B7E0]  }
0x191: {  	s14 =	sadd.s32 $0x400, s14;
	[tilespmem:s0+$0x1B720] =	vst v18;
	v23 =	vmax.f32 v19, $0.0e+00;
	v19 =	vadd.f32 v35, v25;
	v20 =	vadd.f32 v24, v28;
	v18 =	vld [tilespmem:s0+$0x1B7B0]  }
0x192: {  	[tilespmem:s0+$0x1B760] =	vst v23;
	v21 =	vmax.f32 v21, $0.0e+00;
	v13 =	vadd.f32 v13, v22;
	v6 =	vadd.f32 v6, v14;
	v14 =	vld [tilespmem:s0+$0x1B7F0]  }
0x193: {  	[tilespmem:s0+$0x1B730] =	vst v21;
	v19 =	vmax.f32 v19, $0.0e+00;
	v12 =	vadd.f32 v12, v20;
	v5 =	vadd.f32 v5, v15  }
0x194: {  	[tilespmem:s0+$0x1B770] =	vst v19;
	v13 =	vmax.f32 v13, $0.0e+00;
	v6 =	vadd.f32 v11, v6;
	v4 =	vadd.f32 v4, v16  }
0x195: {  	[tilespmem:s0+$0x1B780] =	vst v13;
	v11 =	vmax.f32 v12, $0.0e+00;
	v5 =	vadd.f32 v10, v5;
	v3 =	vadd.f32 v3, v17  }
0x196: {  	[tilespmem:s0+$0x1B7C0] =	vst v11;
	v6 =	vmax.f32 v6, $0.0e+00;
	v4 =	vadd.f32 v9, v4;
	v2 =	vadd.f32 v2, v18  }
0x197: {  	[tilespmem:s0+$0x1B790] =	vst v6;
	v5 =	vmax.f32 v5, $0.0e+00;
	v3 =	vadd.f32 v7, v3;
	v1 =	vadd.f32 v1, v14  }
0x198: {  	v0 =	vand.u32 $0xFFFF0000, v0;
	[tilespmem:s0+$0x1B7D0] =	vst v5;
	v4 =	vmax.f32 v4, $0.0e+00;
	v2 =	vadd.f32 v8, v2  }
0x199: {  	[tilespmem:s0+$0x1B7A0] =	vst v4;
	v3 =	vmax.f32 v3, $0.0e+00;
	v0 =	vadd.f32 v0, v1  }
0x19a: {  	[tilespmem:s0+$0x1B7E0] =	vst v3;
	v1 =	vmax.f32 v2, $0.0e+00  }
0x19b: {  	[tilespmem:s0+$0x1B7B0] =	vst v1;
	v0 =	vmax.f32 v0, $0.0e+00  }
0x19c: {  	s3 =	rddreg [dreg:$0x4];
	s1 =	simm.s32 $0x1B700;
	[tilespmem:s0+$0x1B7F0] =	vst v0  }
0x19d: {  	[spmem:s3] =	stream.indirect.scatter.add.f32 [tilespmem:s1], [sflag:$0xF], $0x80, s20, s13, $0xb8;
	[tilespmem:$0x1F300] =	vst v63  }
0x19e: {  	_ =	swait.ge [sflag:s23], $0x1400  }
0x19f: {  	s6 =	rddreg [dreg:$0x13]  }
0x1a0: {  	[sflag:s23] =	ssyncset.done $0x0;
	s0 =	sadd.s32 s31, s6  }
0x1a1: {  	s19 =	simm.s32 $0x0;
	[sflag:s23] =	ssyncadd.s32 $0xFFFFEC00;
	s6 =	sshrl.u32 s0, $0x3  }
0x1a2: {  	s1 =	simm.s32 $0x17900;
	s10 =	rddreg [dreg:$0x3];
	s14 =	sadd.s32 s4, s6  }
0x1a3: {  	[tilespmem:s1], [sflag:$0x6] =	stream.linear.gather [hbm4b:s14+s19], $0x28, $0x38;
	[tilespmem:$0x1F300] =	vst v63  }
0x1a4: {  	s6 =	sadd.s32 s10, s6;
	s10 =	simm.s32 $0x17980  }
0x1a5: {  	[tilespmem:s10], [sflag:$0x6] =	stream.linear.gather [hbm4b:s6+s19], $0x28, $0x38;
	[tilespmem:$0x1F300] =	vst v63  }
0x1a6: {  	_ =	swait.ge [sflag:s18], $0x28  }
0x1a7: {  	[sflag:s18] =	ssyncset.done $0x0  }
0x1a8: {  	[sflag:s18] =	ssyncadd.s32 $0xFFFFFFD8  }
0x1a9: {  	_ =	swait.ge [sflag:s18], $0x28  }
0x1aa: {  	[sflag:s18] =	ssyncset.done $0x0  }
0x1ab: {  	[sflag:s18] =	ssyncadd.s32 $0xFFFFFFD8  }
0x1ac: {  	[tilespmem:s30], [sflag:$0x7] =	stream.indirect.gather [hbm4b:s5+s13], $0x80, s1, s13, $0xb8;
	[tilespmem:$0x1F300] =	vst v63  }
0x1ad: {  	s0 =	sshll.u32 s0, $0x4;
	s6 =	simm.s32 $0x18E00  }
0x1ae: {  	[tilespmem:s6], [sflag:$0x8] =	stream.indirect.gather [hbm4b:s7+s13], $0x80, s10, s13, $0xb8;
	[tilespmem:$0x1F300] =	vst v63  }
0x1af: {  	s0 =	sadd.s32 s8, s0;
	s14 =	simm.s32 $0x1A200  }
0x1b0: {  	[tilespmem:s14], [sflag:$0x9] =	stream.linear.gather [hbm4b:s0+s19], $0x1400, $0x38;
	[tilespmem:$0x1F300] =	vst v63  }
0x1b1: {  	_ =	swait.ge [sflag:s25], $0x1400  }
0x1b2: {  	[sflag:s25] =	ssyncset.done $0x0  }
0x1b3: {  	[sflag:s25] =	ssyncadd.s32 $0xFFFFEC00  }
0x1b4: {  	_ =	swait.ge [sflag:s26], $0x1400  }
0x1b5: {  	[sflag:s26] =	ssyncset.done $0x0  }
0x1b6: {  	[sflag:s26] =	ssyncadd.s32 $0xFFFFEC00  }
0x1b7: {  	_ =	swait.ge [sflag:s28], $0x1400  }
0x1b8: {  	[sflag:s28] =	ssyncset.done $0x0  }
0x1b9: {  	s0 =	simm.s32 $0x0;
	[sflag:s28] =	ssyncadd.s32 $0xFFFFEC00  }
0x1ba: {  	v7 =	vld [tilespmem:s0+$0x16500]  }
0x1bb: {  	v8 =	vld [tilespmem:s0+$0x16510]  }
0x1bc: {  	v9 =	vld [tilespmem:s0+$0x16520]  }
0x1bd: {  	v10 =	vld [tilespmem:s0+$0x16530]  }
0x1be: {  	v11 =	vld [tilespmem:s0+$0x16580]  }
0x1bf: {  	v16 =	vld [tilespmem:s0+$0x16590]  }
0x1c0: {  	v17 =	vld [tilespmem:s0+$0x165A0]  }
0x1c1: {  	v0 =	vld [tilespmem:s0+$0x165B0]  }
0x1c2: {  	v12 =	vld [tilespmem:s0+$0x15100]  }
0x1c3: {  	v13 =	vld [tilespmem:s0+$0x15140]  }
0x1c4: {  	v14 =	vld [tilespmem:s0+$0x15110]  }
0x1c5: {  	v15 =	vld [tilespmem:s0+$0x15150]  }
0x1c6: {  	v18 =	vld [tilespmem:s0+$0x15120]  }
0x1c7: {  	v19 =	vld [tilespmem:s0+$0x15160]  }
0x1c8: {  	v20 =	vld [tilespmem:s0+$0x15130]  }
0x1c9: {  	v21 =	vld [tilespmem:s0+$0x15170]  }
0x1ca: {  	v22 =	vld [tilespmem:s0+$0x15180]  }
0x1cb: {  	v24 =	vld [tilespmem:s0+$0x151C0]  }
0x1cc: {  	v6 =	vld [tilespmem:s0+$0x15190]  }
0x1cd: {  	v5 =	vld [tilespmem:s0+$0x151D0]  }
0x1ce: {  	v23 =	vld [tilespmem:s0+$0x13D00]  }
0x1cf: {  	v25 =	vld [tilespmem:s0+$0x13D40]  }
0x1d0: {  	v26 =	vld [tilespmem:s0+$0x13D10]  }
0x1d1: {  	v27 =	vld [tilespmem:s0+$0x13D50]  }
0x1d2: {  	v30 =	vld [tilespmem:s0+$0x13D30]  }
0x1d3: {  	v59 =	vld [tilespmem:s0+$0x13D70]  }
0x1d4: {  	v31 =	vld [tilespmem:s0+$0x13D80];
	v12 =	vadd.f32 v12, v23;
	v29 =	vshll.u32 v7, $0x10;
	v13 =	vadd.f32 v13, v25  }
0x1d5: {  	v28 =	vld [tilespmem:s0+$0x13D20];
	v7 =	vand.u32 $0xFFFF0000, v7;
	v60 =	vshll.u32 v8, $0x10;
	v14 =	vadd.f32 v14, v26  }
0x1d6: {  	v61 =	vld [tilespmem:s0+$0x13DC0];
	v8 =	vand.u32 $0xFFFF0000, v8;
	v32 =	vshll.u32 v9, $0x10;
	v33 =	vand.u32 $0xFFFF0000, v9  }
0x1d7: {  	v23 =	vld [tilespmem:s0+$0x13D60];
	v9 =	vadd.f32 v15, v27;
	v62 =	vshll.u32 v10, $0x10;
	v12 =	vadd.f32 v29, v12  }
0x1d8: {  	v4 =	vld [tilespmem:s0+$0x151A0];
	v63 =	vand.u32 $0xFFFF0000, v10;
	v20 =	vadd.f32 v20, v30;
	v7 =	vadd.f32 v7, v13  }
0x1d9: {  	v3 =	vld [tilespmem:s0+$0x151E0];
	v25 =	vadd.f32 v21, v59;
	v22 =	vadd.f32 v22, v31;
	v12 =	vmax.f32 v12, $0.0e+00  }
0x1da: {  	v2 =	vld [tilespmem:s0+$0x151B0];
	v8 =	vadd.f32 v8, v9;
	v21 =	vadd.f32 v62, v20;
	v7 =	vmax.f32 v7, $0.0e+00;
	[tilespmem:s0+$0x13D00] =	vst v12  }
0x1db: {  	v1 =	vld [tilespmem:s0+$0x151F0];
	v10 =	vand.u32 $0xFFFF0000, v16;
	v12 =	vadd.f32 v60, v14;
	[tilespmem:s0+$0x13D40] =	vst v7;
	v7 =	vadd.f32 v18, v28  }
0x1dc: {  	v13 =	vshll.u32 v11, $0x10;
	v20 =	vadd.f32 v24, v61;
	v14 =	vld [tilespmem:s0+$0x13D90];
	v18 =	vadd.f32 v19, v23  }
0x1dd: {  	v15 =	vld [tilespmem:s0+$0x13DD0];
	v8 =	vmax.f32 v8, $0.0e+00;
	v9 =	vmax.f32 v12, $0.0e+00;
	v19 =	vadd.f32 v32, v7  }
0x1de: {  	[tilespmem:s0+$0x13D50] =	vst v8;
	v12 =	vand.u32 $0xFFFF0000, v11;
	v11 =	vshll.u32 v16, $0x10;
	v16 =	vld [tilespmem:s0+$0x13DA0];
	v18 =	vadd.f32 v33, v18  }
0x1df: {  	s20 =	simm.s32 $0x1B700;
	s3 =	smov.u32 s4;
	v7 =	vand.u32 $0xFFFF0000, v17;
	[tilespmem:s0+$0x13D10] =	vst v9;
	v9 =	vshll.u32 v17, $0x10;
	v17 =	vld [tilespmem:s0+$0x13DE0];
	v19 =	vmax.f32 v19, $0.0e+00  }
0x1e0: {  	s1 =	smov.u32 s5;
	s30 =	simm.s32 $0x17980;
	s14 =	simm.s32 $0x400;
	v8 =	vshll.u32 v0, $0x10;
	v23 =	vmax.f32 v18, $0.0e+00;
	v18 =	vld [tilespmem:s0+$0x13DB0];
	[tilespmem:s0+$0x13D20] =	vst v19;
	v19 =	vadd.f32 v63, v25  }
.LBB2_9:
0x1e1: {  	s6 =	sshra.s32 s14, $0x2;
	p0 =	sne.s32 s14, $0x4C00;
	[tilespmem:s0+$0x13D60] =	vst v23;
	v21 =	vmax.f32 v21, $0.0e+00;
	v13 =	vadd.f32 v13, v22;
	v6 =	vadd.f32 v6, v14;
	v14 =	vld [tilespmem:s0+$0x13DF0]  }
0x1e2: {  	v22 =	vld [tilespmem:s6+$0x16500];
	[tilespmem:s0+$0x13D30] =	vst v21;
	v19 =	vmax.f32 v19, $0.0e+00;
	v12 =	vadd.f32 v12, v20;
	v5 =	vadd.f32 v5, v15  }
0x1e3: {  	v15 =	vld [tilespmem:s6+$0x16510];
	[tilespmem:s0+$0x13D70] =	vst v19;
	v13 =	vmax.f32 v13, $0.0e+00;
	v6 =	vadd.f32 v11, v6;
	v4 =	vadd.f32 v4, v16  }
0x1e4: {  	v11 =	vld [tilespmem:s6+$0x16520];
	[tilespmem:s0+$0x13D80] =	vst v13;
	v12 =	vmax.f32 v12, $0.0e+00;
	v5 =	vadd.f32 v10, v5;
	v3 =	vadd.f32 v3, v17  }
0x1e5: {  	v10 =	vld [tilespmem:s6+$0x16530];
	[tilespmem:s0+$0x13DC0] =	vst v12;
	v6 =	vmax.f32 v6, $0.0e+00;
	v4 =	vadd.f32 v9, v4;
	v2 =	vadd.f32 v2, v18  }
0x1e6: {  	v9 =	vld [tilespmem:s6+$0x16580];
	[tilespmem:s0+$0x13D90] =	vst v6;
	v5 =	vmax.f32 v5, $0.0e+00;
	v3 =	vadd.f32 v7, v3;
	v1 =	vadd.f32 v1, v14  }
0x1e7: {  	v0 =	vand.u32 $0xFFFF0000, v0;
	v7 =	vld [tilespmem:s6+$0x16590];
	[tilespmem:s0+$0x13DD0] =	vst v5;
	v4 =	vmax.f32 v4, $0.0e+00;
	v2 =	vadd.f32 v8, v2  }
0x1e8: {  	v8 =	vld [tilespmem:s6+$0x165A0];
	[tilespmem:s0+$0x13DA0] =	vst v4;
	v3 =	vmax.f32 v3, $0.0e+00;
	v1 =	vadd.f32 v0, v1  }
0x1e9: {  	v0 =	vld [tilespmem:s6+$0x165B0];
	[tilespmem:s0+$0x13DE0] =	vst v3;
	v2 =	vmax.f32 v2, $0.0e+00  }
0x1ea: {  	v12 =	vld [tilespmem:s6+$0x15100];
	[tilespmem:s0+$0x13DB0] =	vst v2;
	v1 =	vmax.f32 v1, $0.0e+00  }
0x1eb: {  	v14 =	vld [tilespmem:s6+$0x15140];
	[tilespmem:s0+$0x13DF0] =	vst v1;
	s0 =	smov.u32 s6  }
0x1ec: {  	v16 =	vld [tilespmem:s0+$0x15110]  }
0x1ed: {  	v17 =	vld [tilespmem:s0+$0x15150]  }
0x1ee: {  	v18 =	vld [tilespmem:s0+$0x15120]  }
0x1ef: {  	v19 =	vld [tilespmem:s0+$0x15160]  }
0x1f0: {  	v20 =	vld [tilespmem:s0+$0x15130]  }
0x1f1: {  	v21 =	vld [tilespmem:s0+$0x15170]  }
0x1f2: {  	v23 =	vld [tilespmem:s0+$0x15180]  }
0x1f3: {  	v24 =	vld [tilespmem:s0+$0x151C0]  }
0x1f4: {  	v6 =	vld [tilespmem:s0+$0x15190]  }
0x1f5: {  	v5 =	vld [tilespmem:s0+$0x151D0]  }
0x1f6: {  	v4 =	vld [tilespmem:s0+$0x151A0]  }
0x1f7: {  	v3 =	vld [tilespmem:s0+$0x151E0]  }
0x1f8: {  	v2 =	vld [tilespmem:s0+$0x151B0]  }
0x1f9: {  	v1 =	vld [tilespmem:s0+$0x151F0]  }
0x1fa: {  	v25 =	vld [tilespmem:s0+$0x13D00]  }
0x1fb: {  	v26 =	vld [tilespmem:s0+$0x13D40]  }
0x1fc: {  	v27 =	vshll.u32 v22, $0x10;
	v22 =	vand.u32 $0xFFFF0000, v22;
	v29 =	vshll.u32 v15, $0x10;
	v28 =	vld [tilespmem:s0+$0x13D10]  }
0x1fd: {  	v15 =	vand.u32 $0xFFFF0000, v15;
	v31 =	vshll.u32 v11, $0x10;
	v32 =	vand.u32 $0xFFFF0000, v11;
	v30 =	vld [tilespmem:s0+$0x13D50]  }
0x1fe: {  	v34 =	vshll.u32 v10, $0x10;
	v35 =	vand.u32 $0xFFFF0000, v10;
	v13 =	vshll.u32 v9, $0x10;
	v33 =	vld [tilespmem:s0+$0x13D20]  }
0x1ff: {  	v11 =	vshll.u32 v7, $0x10;
	v25 =	vadd.f32 v12, v25;
	v36 =	vld [tilespmem:s0+$0x13D60];
	v12 =	vand.u32 $0xFFFF0000, v9  }
0x200: {  	v10 =	vand.u32 $0xFFFF0000, v7;
	v9 =	vshll.u32 v8, $0x10;
	v14 =	vadd.f32 v14, v26;
	v26 =	vld [tilespmem:s0+$0x13D30]  }
0x201: {  	v7 =	vand.u32 $0xFFFF0000, v8;
	v25 =	vadd.f32 v27, v25;
	v16 =	vadd.f32 v16, v28;
	v27 =	vld [tilespmem:s0+$0x13D70]  }
0x202: {  	v8 =	vshll.u32 v0, $0x10;
	v14 =	vadd.f32 v22, v14;
	v17 =	vadd.f32 v17, v30;
	v22 =	vld [tilespmem:s0+$0x13D80]  }
0x203: {  	v25 =	vmax.f32 v25, $0.0e+00;
	v16 =	vadd.f32 v29, v16;
	v18 =	vadd.f32 v18, v33;
	v28 =	vld [tilespmem:s0+$0x13DC0]  }
.Ltmp3:
0x204: {  	[tilespmem:s0+$0x13D00] =	vst v25;
	v25 =	vmax.f32 v14, $0.0e+00;
	v17 =	vadd.f32 v15, v17;
	v19 =	vadd.f32 v19, v36;
	v14 =	vld [tilespmem:s0+$0x13D90];
	(pc) =	sbr.rel @p0 .LBB2_9-.Ltmp3, $4  }
0x205: {  	[tilespmem:s0+$0x13D40] =	vst v25;
	v16 =	vmax.f32 v16, $0.0e+00;
	v18 =	vadd.f32 v31, v18;
	v20 =	vadd.f32 v20, v26;
	v15 =	vld [tilespmem:s0+$0x13DD0]  }
0x206: {  	[tilespmem:s0+$0x13D10] =	vst v16;
	v17 =	vmax.f32 v17, $0.0e+00;
	v19 =	vadd.f32 v32, v19;
	v25 =	vadd.f32 v21, v27;
	v16 =	vld [tilespmem:s0+$0x13DA0]  }
0x207: {  	[tilespmem:s0+$0x13D50] =	vst v17;
	v18 =	vmax.f32 v18, $0.0e+00;
	v21 =	vadd.f32 v34, v20;
	v22 =	vadd.f32 v23, v22;
	v17 =	vld [tilespmem:s0+$0x13DE0]  }
0x208: {  	s14 =	sadd.s32 $0x400, s14;
	[tilespmem:s0+$0x13D20] =	vst v18;
	v23 =	vmax.f32 v19, $0.0e+00;
	v19 =	vadd.f32 v35, v25;
	v20 =	vadd.f32 v24, v28;
	v18 =	vld [tilespmem:s0+$0x13DB0]  }
0x209: {  	[tilespmem:s0+$0x13D60] =	vst v23;
	v21 =	vmax.f32 v21, $0.0e+00;
	v13 =	vadd.f32 v13, v22;
	v6 =	vadd.f32 v6, v14;
	v61 =	vld [tilespmem:s0+$0x13DF0]  }
0x20a: {  	[tilespmem:s0+$0x13D30] =	vst v21;
	v19 =	vmax.f32 v19, $0.0e+00;
	v12 =	vadd.f32 v12, v20;
	v5 =	vadd.f32 v5, v15  }
0x20b: {  	[tilespmem:s0+$0x13D70] =	vst v19;
	v13 =	vmax.f32 v13, $0.0e+00;
	v6 =	vadd.f32 v11, v6;
	v4 =	vadd.f32 v4, v16  }
0x20c: {  	[tilespmem:s0+$0x13D80] =	vst v13;
	v62 =	vmax.f32 v12, $0.0e+00;
	v5 =	vadd.f32 v10, v5;
	v3 =	vadd.f32 v3, v17  }
0x20d: {  	[tilespmem:s0+$0x13DC0] =	vst v62;
	v6 =	vmax.f32 v6, $0.0e+00;
	v4 =	vadd.f32 v9, v4;
	v2 =	vadd.f32 v2, v18  }
0x20e: {  	[tilespmem:s0+$0x13D90] =	vst v6;
	v5 =	vmax.f32 v5, $0.0e+00;
	v3 =	vadd.f32 v7, v3;
	v1 =	vadd.f32 v1, v61  }
0x20f: {  	v0 =	vand.u32 $0xFFFF0000, v0;
	[tilespmem:s0+$0x13DD0] =	vst v5;
	v4 =	vmax.f32 v4, $0.0e+00;
	v2 =	vadd.f32 v8, v2  }
0x210: {  	[tilespmem:s0+$0x13DA0] =	vst v4;
	v3 =	vmax.f32 v3, $0.0e+00;
	v0 =	vadd.f32 v0, v1  }
0x211: {  	[tilespmem:s0+$0x13DE0] =	vst v3;
	v63 =	vmax.f32 v2, $0.0e+00  }
0x212: {  	[tilespmem:s0+$0x13DB0] =	vst v63;
	v0 =	vmax.f32 v0, $0.0e+00  }
0x213: {  	s19 =	rddreg [dreg:$0x4];
	s5 =	simm.s32 $0x13D00;
	[tilespmem:s0+$0x13DF0] =	vst v0  }
0x214: {  	[spmem:s19] =	stream.indirect.scatter.add.f32 [tilespmem:s5], [sflag:$0x5], $0x80, s2, s13, $0xb8;
	[tilespmem:$0x1F300] =	vst v63  }
0x215: {  	_ =	swait.ge [sflag:s9], $0x1400  }
0x216: {  	s14 =	simm.s32 $0x0;
	s29 =	sadd.s32 $0x1, s29;
	s6 =	rddreg [dreg:$0x14]  }
0x217: {  	p0 =	sne.s32 s29, $0x52;
	[sflag:s9] =	ssyncset.done $0x0;
	s0 =	sadd.s32 s31, s6  }
0x218: {  	[sflag:s9] =	ssyncadd.s32 $0xFFFFEC00;
	s31 =	simm.s32 $0x1B600;
	s0 =	sshrl.u32 s0, $0x3  }
.Ltmp4:
0x219: {  	s10 =	rddreg [dreg:$0x3];
	s6 =	sadd.s32 s3, s0;
	(pc) =	sbr.rel @p0 .LBB2_4-.Ltmp4, $4  }
0x21a: {  	[tilespmem:s31], [sflag:$0xB] =	stream.linear.gather [hbm4b:s6+s14], $0x28, $0x38;
	[tilespmem:$0x1F300] =	vst v63  }
0x21b: {  	s19 =	simm.s32 $0x1B680;
	s0 =	sadd.s32 s10, s0  }
0x21c: {  	[tilespmem:s19], [sflag:$0xB] =	stream.linear.gather [hbm4b:s0+s14], $0x28, $0x38;
	[tilespmem:$0x1F300] =	vst v63  }
0x21d: {  	s0 =	simm.s32 $0x1B680  }
0x21e: {  	_ =	swait.ge [sflag:s11], $0x28  }
0x21f: {  	[sflag:s11] =	ssyncset.done $0x0  }
0x220: {  	[sflag:s11] =	ssyncadd.s32 $0xFFFFFFD8  }
0x221: {  	_ =	swait.ge [sflag:s11], $0x28  }
0x222: {  	[sflag:s11] =	ssyncset.done $0x0  }
0x223: {  	[sflag:s11] =	ssyncadd.s32 $0xFFFFFFD8  }
0x224: {  	[tilespmem:s20], [sflag:$0xC] =	stream.indirect.gather [hbm4b:s1+s13], $0x80, s31, s13, $0xb8;
	[tilespmem:$0x1F300] =	vst v63  }
0x225: {  	s3 =	simm.s32 $0x1CB00;
	s14 =	simm.s32 $0x0  }
0x226: {  	[tilespmem:s3], [sflag:$0xD] =	stream.indirect.gather [hbm4b:s7+s13], $0x80, s0, s13, $0xb8;
	[tilespmem:$0x1F300] =	vst v63  }
0x227: {  	s19 =	simm.s32 $0x1DF00;
	s29 =	simm.s32 $0x7;
	s6 =	rddreg [dreg:$0x15]  }
0x228: {  	[tilespmem:s19], [sflag:$0xE] =	stream.linear.gather [hbm4b:s6+s14], $0x1400, $0x38;
	[tilespmem:$0x1F300] =	vst v63  }
0x229: {  	_ =	swait.ge [sflag:s29], $0x1400  }
0x22a: {  	[sflag:s29] =	ssyncset.done $0x0  }
0x22b: {  	[sflag:s29] =	ssyncadd.s32 $0xFFFFEC00  }
0x22c: {  	_ =	swait.ge [sflag:s24], $0x1400  }
0x22d: {  	[sflag:s24] =	ssyncset.done $0x0  }
0x22e: {  	[sflag:s24] =	ssyncadd.s32 $0xFFFFEC00  }
0x22f: {  	_ =	swait.ge [sflag:s15], $0x1400  }
0x230: {  	[sflag:s15] =	ssyncset.done $0x0  }
0x231: {  	s0 =	simm.s32 $0x0;
	[sflag:s15] =	ssyncadd.s32 $0xFFFFEC00  }
0x232: {  	v7 =	vld [tilespmem:s0+$0x1A200]  }
0x233: {  	v8 =	vld [tilespmem:s0+$0x1A210]  }
0x234: {  	v9 =	vld [tilespmem:s0+$0x1A220]  }
0x235: {  	v10 =	vld [tilespmem:s0+$0x1A230]  }
0x236: {  	v11 =	vld [tilespmem:s0+$0x1A280]  }
0x237: {  	v16 =	vld [tilespmem:s0+$0x1A290]  }
0x238: {  	v17 =	vld [tilespmem:s0+$0x1A2A0]  }
0x239: {  	v0 =	vld [tilespmem:s0+$0x1A2B0]  }
0x23a: {  	v12 =	vld [tilespmem:s0+$0x18E00]  }
0x23b: {  	v13 =	vld [tilespmem:s0+$0x18E40]  }
0x23c: {  	v14 =	vld [tilespmem:s0+$0x18E10]  }
0x23d: {  	v15 =	vld [tilespmem:s0+$0x18E50]  }
0x23e: {  	v18 =	vld [tilespmem:s0+$0x18E20]  }
0x23f: {  	v19 =	vld [tilespmem:s0+$0x18E60]  }
0x240: {  	v20 =	vld [tilespmem:s0+$0x18E30]  }
0x241: {  	v21 =	vld [tilespmem:s0+$0x18E70]  }
0x242: {  	v22 =	vld [tilespmem:s0+$0x18E80]  }
0x243: {  	v24 =	vld [tilespmem:s0+$0x18EC0]  }
0x244: {  	v6 =	vld [tilespmem:s0+$0x18E90]  }
0x245: {  	v5 =	vld [tilespmem:s0+$0x18ED0]  }
0x246: {  	v23 =	vld [tilespmem:s0+$0x17A00]  }
0x247: {  	v25 =	vld [tilespmem:s0+$0x17A40]  }
0x248: {  	v26 =	vld [tilespmem:s0+$0x17A10]  }
0x249: {  	v27 =	vld [tilespmem:s0+$0x17A50]  }
0x24a: {  	v30 =	vld [tilespmem:s0+$0x17A30]  }
0x24b: {  	v59 =	vld [tilespmem:s0+$0x17A70]  }
0x24c: {  	v31 =	vld [tilespmem:s0+$0x17A80];
	v12 =	vadd.f32 v12, v23;
	v29 =	vshll.u32 v7, $0x10;
	v13 =	vadd.f32 v13, v25  }
0x24d: {  	v28 =	vld [tilespmem:s0+$0x17A20];
	v7 =	vand.u32 $0xFFFF0000, v7;
	v60 =	vshll.u32 v8, $0x10;
	v14 =	vadd.f32 v14, v26  }
0x24e: {  	v61 =	vld [tilespmem:s0+$0x17AC0];
	v8 =	vand.u32 $0xFFFF0000, v8;
	v32 =	vshll.u32 v9, $0x10;
	v33 =	vand.u32 $0xFFFF0000, v9  }
0x24f: {  	v23 =	vld [tilespmem:s0+$0x17A60];
	v9 =	vadd.f32 v15, v27;
	v62 =	vshll.u32 v10, $0x10;
	v12 =	vadd.f32 v29, v12  }
0x250: {  	v4 =	vld [tilespmem:s0+$0x18EA0];
	v63 =	vand.u32 $0xFFFF0000, v10;
	v20 =	vadd.f32 v20, v30;
	v7 =	vadd.f32 v7, v13  }
0x251: {  	v3 =	vld [tilespmem:s0+$0x18EE0];
	v25 =	vadd.f32 v21, v59;
	v22 =	vadd.f32 v22, v31;
	v12 =	vmax.f32 v12, $0.0e+00  }
0x252: {  	v2 =	vld [tilespmem:s0+$0x18EB0];
	v8 =	vadd.f32 v8, v9;
	v21 =	vadd.f32 v62, v20;
	v7 =	vmax.f32 v7, $0.0e+00;
	[tilespmem:s0+$0x17A00] =	vst v12  }
0x253: {  	v1 =	vld [tilespmem:s0+$0x18EF0];
	v10 =	vand.u32 $0xFFFF0000, v16;
	v12 =	vadd.f32 v60, v14;
	[tilespmem:s0+$0x17A40] =	vst v7;
	v7 =	vadd.f32 v18, v28  }
0x254: {  	v13 =	vshll.u32 v11, $0x10;
	v20 =	vadd.f32 v24, v61;
	v14 =	vld [tilespmem:s0+$0x17A90];
	v18 =	vadd.f32 v19, v23  }
0x255: {  	v15 =	vld [tilespmem:s0+$0x17AD0];
	v8 =	vmax.f32 v8, $0.0e+00;
	v9 =	vmax.f32 v12, $0.0e+00;
	v19 =	vadd.f32 v32, v7  }
0x256: {  	[tilespmem:s0+$0x17A50] =	vst v8;
	v12 =	vand.u32 $0xFFFF0000, v11;
	v11 =	vshll.u32 v16, $0x10;
	v16 =	vld [tilespmem:s0+$0x17AA0];
	v18 =	vadd.f32 v33, v18  }
0x257: {  	v7 =	vand.u32 $0xFFFF0000, v17;
	[tilespmem:s0+$0x17A10] =	vst v9;
	v9 =	vshll.u32 v17, $0x10;
	v17 =	vld [tilespmem:s0+$0x17AE0];
	v19 =	vmax.f32 v19, $0.0e+00  }
0x258: {  	s10 =	simm.s32 $0x1B680;
	s14 =	simm.s32 $0x400;
	v8 =	vshll.u32 v0, $0x10;
	v23 =	vmax.f32 v18, $0.0e+00;
	v18 =	vld [tilespmem:s0+$0x17AB0];
	[tilespmem:s0+$0x17A20] =	vst v19;
	v19 =	vadd.f32 v63, v25  }
.LBB2_12:
0x259: {  	s6 =	sshra.s32 s14, $0x2;
	p0 =	sne.s32 s14, $0x4C00;
	[tilespmem:s0+$0x17A60] =	vst v23;
	v21 =	vmax.f32 v21, $0.0e+00;
	v13 =	vadd.f32 v13, v22;
	v6 =	vadd.f32 v6, v14;
	v14 =	vld [tilespmem:s0+$0x17AF0]  }
0x25a: {  	v22 =	vld [tilespmem:s6+$0x1A200];
	[tilespmem:s0+$0x17A30] =	vst v21;
	v19 =	vmax.f32 v19, $0.0e+00;
	v12 =	vadd.f32 v12, v20;
	v5 =	vadd.f32 v5, v15  }
0x25b: {  	v15 =	vld [tilespmem:s6+$0x1A210];
	[tilespmem:s0+$0x17A70] =	vst v19;
	v13 =	vmax.f32 v13, $0.0e+00;
	v6 =	vadd.f32 v11, v6;
	v4 =	vadd.f32 v4, v16  }
0x25c: {  	v11 =	vld [tilespmem:s6+$0x1A220];
	[tilespmem:s0+$0x17A80] =	vst v13;
	v12 =	vmax.f32 v12, $0.0e+00;
	v5 =	vadd.f32 v10, v5;
	v3 =	vadd.f32 v3, v17  }
0x25d: {  	v10 =	vld [tilespmem:s6+$0x1A230];
	[tilespmem:s0+$0x17AC0] =	vst v12;
	v6 =	vmax.f32 v6, $0.0e+00;
	v4 =	vadd.f32 v9, v4;
	v2 =	vadd.f32 v2, v18  }
0x25e: {  	v9 =	vld [tilespmem:s6+$0x1A280];
	[tilespmem:s0+$0x17A90] =	vst v6;
	v5 =	vmax.f32 v5, $0.0e+00;
	v3 =	vadd.f32 v7, v3;
	v1 =	vadd.f32 v1, v14  }
0x25f: {  	v0 =	vand.u32 $0xFFFF0000, v0;
	v7 =	vld [tilespmem:s6+$0x1A290];
	[tilespmem:s0+$0x17AD0] =	vst v5;
	v4 =	vmax.f32 v4, $0.0e+00;
	v2 =	vadd.f32 v8, v2  }
0x260: {  	v8 =	vld [tilespmem:s6+$0x1A2A0];
	[tilespmem:s0+$0x17AA0] =	vst v4;
	v3 =	vmax.f32 v3, $0.0e+00;
	v1 =	vadd.f32 v0, v1  }
0x261: {  	v0 =	vld [tilespmem:s6+$0x1A2B0];
	[tilespmem:s0+$0x17AE0] =	vst v3;
	v2 =	vmax.f32 v2, $0.0e+00  }
0x262: {  	v12 =	vld [tilespmem:s6+$0x18E00];
	[tilespmem:s0+$0x17AB0] =	vst v2;
	v1 =	vmax.f32 v1, $0.0e+00  }
0x263: {  	v14 =	vld [tilespmem:s6+$0x18E40];
	[tilespmem:s0+$0x17AF0] =	vst v1;
	s0 =	smov.u32 s6  }
0x264: {  	v16 =	vld [tilespmem:s0+$0x18E10]  }
0x265: {  	v17 =	vld [tilespmem:s0+$0x18E50]  }
0x266: {  	v18 =	vld [tilespmem:s0+$0x18E20]  }
0x267: {  	v19 =	vld [tilespmem:s0+$0x18E60]  }
0x268: {  	v20 =	vld [tilespmem:s0+$0x18E30]  }
0x269: {  	v21 =	vld [tilespmem:s0+$0x18E70]  }
0x26a: {  	v23 =	vld [tilespmem:s0+$0x18E80]  }
0x26b: {  	v24 =	vld [tilespmem:s0+$0x18EC0]  }
0x26c: {  	v6 =	vld [tilespmem:s0+$0x18E90]  }
0x26d: {  	v5 =	vld [tilespmem:s0+$0x18ED0]  }
0x26e: {  	v4 =	vld [tilespmem:s0+$0x18EA0]  }
0x26f: {  	v3 =	vld [tilespmem:s0+$0x18EE0]  }
0x270: {  	v2 =	vld [tilespmem:s0+$0x18EB0]  }
0x271: {  	v1 =	vld [tilespmem:s0+$0x18EF0]  }
0x272: {  	v25 =	vld [tilespmem:s0+$0x17A00]  }
0x273: {  	v26 =	vld [tilespmem:s0+$0x17A40]  }
0x274: {  	v27 =	vshll.u32 v22, $0x10;
	v22 =	vand.u32 $0xFFFF0000, v22;
	v29 =	vshll.u32 v15, $0x10;
	v28 =	vld [tilespmem:s0+$0x17A10]  }
0x275: {  	v15 =	vand.u32 $0xFFFF0000, v15;
	v31 =	vshll.u32 v11, $0x10;
	v32 =	vand.u32 $0xFFFF0000, v11;
	v30 =	vld [tilespmem:s0+$0x17A50]  }
0x276: {  	v34 =	vshll.u32 v10, $0x10;
	v35 =	vand.u32 $0xFFFF0000, v10;
	v13 =	vshll.u32 v9, $0x10;
	v33 =	vld [tilespmem:s0+$0x17A20]  }
0x277: {  	v11 =	vshll.u32 v7, $0x10;
	v25 =	vadd.f32 v12, v25;
	v36 =	vld [tilespmem:s0+$0x17A60];
	v12 =	vand.u32 $0xFFFF0000, v9  }
0x278: {  	v10 =	vand.u32 $0xFFFF0000, v7;
	v9 =	vshll.u32 v8, $0x10;
	v14 =	vadd.f32 v14, v26;
	v26 =	vld [tilespmem:s0+$0x17A30]  }
0x279: {  	v7 =	vand.u32 $0xFFFF0000, v8;
	v25 =	vadd.f32 v27, v25;
	v16 =	vadd.f32 v16, v28;
	v27 =	vld [tilespmem:s0+$0x17A70]  }
0x27a: {  	v8 =	vshll.u32 v0, $0x10;
	v14 =	vadd.f32 v22, v14;
	v17 =	vadd.f32 v17, v30;
	v22 =	vld [tilespmem:s0+$0x17A80]  }
0x27b: {  	v25 =	vmax.f32 v25, $0.0e+00;
	v16 =	vadd.f32 v29, v16;
	v18 =	vadd.f32 v18, v33;
	v28 =	vld [tilespmem:s0+$0x17AC0]  }
.Ltmp5:
0x27c: {  	[tilespmem:s0+$0x17A00] =	vst v25;
	v25 =	vmax.f32 v14, $0.0e+00;
	v17 =	vadd.f32 v15, v17;
	v19 =	vadd.f32 v19, v36;
	v14 =	vld [tilespmem:s0+$0x17A90];
	(pc) =	sbr.rel @p0 .LBB2_12-.Ltmp5, $4  }
0x27d: {  	[tilespmem:s0+$0x17A40] =	vst v25;
	v16 =	vmax.f32 v16, $0.0e+00;
	v18 =	vadd.f32 v31, v18;
	v20 =	vadd.f32 v20, v26;
	v15 =	vld [tilespmem:s0+$0x17AD0]  }
0x27e: {  	[tilespmem:s0+$0x17A10] =	vst v16;
	v17 =	vmax.f32 v17, $0.0e+00;
	v19 =	vadd.f32 v32, v19;
	v25 =	vadd.f32 v21, v27;
	v16 =	vld [tilespmem:s0+$0x17AA0]  }
0x27f: {  	[tilespmem:s0+$0x17A50] =	vst v17;
	v18 =	vmax.f32 v18, $0.0e+00;
	v21 =	vadd.f32 v34, v20;
	v22 =	vadd.f32 v23, v22;
	v17 =	vld [tilespmem:s0+$0x17AE0]  }
0x280: {  	s14 =	sadd.s32 $0x400, s14;
	[tilespmem:s0+$0x17A20] =	vst v18;
	v23 =	vmax.f32 v19, $0.0e+00;
	v19 =	vadd.f32 v35, v25;
	v20 =	vadd.f32 v24, v28;
	v18 =	vld [tilespmem:s0+$0x17AB0]  }
0x281: {  	[tilespmem:s0+$0x17A60] =	vst v23;
	v21 =	vmax.f32 v21, $0.0e+00;
	v13 =	vadd.f32 v13, v22;
	v6 =	vadd.f32 v6, v14;
	v14 =	vld [tilespmem:s0+$0x17AF0]  }
0x282: {  	[tilespmem:s0+$0x17A30] =	vst v21;
	v19 =	vmax.f32 v19, $0.0e+00;
	v12 =	vadd.f32 v12, v20;
	v5 =	vadd.f32 v5, v15  }
0x283: {  	[tilespmem:s0+$0x17A70] =	vst v19;
	v13 =	vmax.f32 v13, $0.0e+00;
	v6 =	vadd.f32 v11, v6;
	v4 =	vadd.f32 v4, v16  }
0x284: {  	[tilespmem:s0+$0x17A80] =	vst v13;
	v11 =	vmax.f32 v12, $0.0e+00;
	v5 =	vadd.f32 v10, v5;
	v3 =	vadd.f32 v3, v17  }
0x285: {  	[tilespmem:s0+$0x17AC0] =	vst v11;
	v6 =	vmax.f32 v6, $0.0e+00;
	v4 =	vadd.f32 v9, v4;
	v2 =	vadd.f32 v2, v18  }
0x286: {  	[tilespmem:s0+$0x17A90] =	vst v6;
	v5 =	vmax.f32 v5, $0.0e+00;
	v3 =	vadd.f32 v7, v3;
	v1 =	vadd.f32 v1, v14  }
0x287: {  	v0 =	vand.u32 $0xFFFF0000, v0;
	[tilespmem:s0+$0x17AD0] =	vst v5;
	v4 =	vmax.f32 v4, $0.0e+00;
	v2 =	vadd.f32 v8, v2  }
0x288: {  	[tilespmem:s0+$0x17AA0] =	vst v4;
	v3 =	vmax.f32 v3, $0.0e+00;
	v0 =	vadd.f32 v0, v1  }
0x289: {  	[tilespmem:s0+$0x17AE0] =	vst v3;
	v1 =	vmax.f32 v2, $0.0e+00  }
0x28a: {  	[tilespmem:s0+$0x17AB0] =	vst v1;
	v0 =	vmax.f32 v0, $0.0e+00  }
0x28b: {  	s19 =	rddreg [dreg:$0x4];
	s3 =	simm.s32 $0x17A00;
	[tilespmem:s0+$0x17AF0] =	vst v0  }
0x28c: {  	[spmem:s19] =	stream.indirect.scatter.add.f32 [tilespmem:s3], [sflag:$0xA], $0x80, s30, s13, $0xb8;
	[tilespmem:$0x1F300] =	vst v63  }
0x28d: {  	_ =	swait.ge [sflag:s17], $0x1400  }
0x28e: {  	s29 =	simm.s32 $0x13C00;
	[sflag:s17] =	ssyncset.done $0x0  }
0x28f: {  	s0 =	simm.s32 $0x0;
	s6 =	rddreg [dreg:$0x16];
	[sflag:s17] =	ssyncadd.s32 $0xFFFFEC00  }
0x290: {  	[tilespmem:s29], [sflag:$0x1] =	stream.linear.gather [hbm4b:s6+s0], $0x28, $0x38;
	[tilespmem:$0x1F300] =	vst v63  }
0x291: {  	s30 =	rddreg [dreg:$0x17]  }
0x292: {  	[tilespmem:s2], [sflag:$0x1] =	stream.linear.gather [hbm4b:s30+s0], $0x28, $0x38;
	[tilespmem:$0x1F300] =	vst v63  }
0x293: {  	_ =	swait.ge [sflag:s12], $0x28  }
0x294: {  	[sflag:s12] =	ssyncset.done $0x0  }
0x295: {  	[sflag:s12] =	ssyncadd.s32 $0xFFFFFFD8  }
0x296: {  	_ =	swait.ge [sflag:s12], $0x28  }
0x297: {  	[sflag:s12] =	ssyncset.done $0x0  }
0x298: {  	[sflag:s12] =	ssyncadd.s32 $0xFFFFFFD8  }
0x299: {  	[tilespmem:s5], [sflag:$0x2] =	stream.indirect.gather [hbm4b:s1+s13], $0x80, s29, s13, $0xb8;
	[tilespmem:$0x1F300] =	vst v63  }
0x29a: {  	s14 =	simm.s32 $0x15100  }
0x29b: {  	[tilespmem:s14], [sflag:$0x3] =	stream.indirect.gather [hbm4b:s7+s13], $0x80, s2, s13, $0xb8;
	[tilespmem:$0x1F300] =	vst v63  }
0x29c: {  	s30 =	simm.s32 $0x16500;
	s29 =	rddreg [dreg:$0x18]  }
0x29d: {  	[tilespmem:s30], [sflag:$0x4] =	stream.linear.gather [hbm4b:s29+s0], $0x1400, $0x38;
	[tilespmem:$0x1F300] =	vst v63  }
0x29e: {  	_ =	swait.ge [sflag:s16], $0x1400  }
0x29f: {  	[sflag:s16] =	ssyncset.done $0x0  }
0x2a0: {  	[sflag:s16] =	ssyncadd.s32 $0xFFFFEC00  }
0x2a1: {  	_ =	swait.ge [sflag:s21], $0x1400  }
0x2a2: {  	[sflag:s21] =	ssyncset.done $0x0  }
0x2a3: {  	[sflag:s21] =	ssyncadd.s32 $0xFFFFEC00  }
0x2a4: {  	_ =	swait.ge [sflag:s22], $0x1400  }
0x2a5: {  	[sflag:s22] =	ssyncset.done $0x0  }
0x2a6: {  	s0 =	simm.s32 $0x0;
	[sflag:s22] =	ssyncadd.s32 $0xFFFFEC00  }
0x2a7: {  	v7 =	vld [tilespmem:s0+$0x1DF00]  }
0x2a8: {  	v8 =	vld [tilespmem:s0+$0x1DF10]  }
0x2a9: {  	v9 =	vld [tilespmem:s0+$0x1DF20]  }
0x2aa: {  	v10 =	vld [tilespmem:s0+$0x1DF30]  }
0x2ab: {  	v11 =	vld [tilespmem:s0+$0x1DF80]  }
0x2ac: {  	v16 =	vld [tilespmem:s0+$0x1DF90]  }
0x2ad: {  	v17 =	vld [tilespmem:s0+$0x1DFA0]  }
0x2ae: {  	v0 =	vld [tilespmem:s0+$0x1DFB0]  }
0x2af: {  	v12 =	vld [tilespmem:s0+$0x1CB00]  }
0x2b0: {  	v13 =	vld [tilespmem:s0+$0x1CB40]  }
0x2b1: {  	v14 =	vld [tilespmem:s0+$0x1CB10]  }
0x2b2: {  	v15 =	vld [tilespmem:s0+$0x1CB50]  }
0x2b3: {  	v18 =	vld [tilespmem:s0+$0x1CB20]  }
0x2b4: {  	v19 =	vld [tilespmem:s0+$0x1CB60]  }
0x2b5: {  	v20 =	vld [tilespmem:s0+$0x1CB30]  }
0x2b6: {  	v21 =	vld [tilespmem:s0+$0x1CB70]  }
0x2b7: {  	v22 =	vld [tilespmem:s0+$0x1CB80]  }
0x2b8: {  	v24 =	vld [tilespmem:s0+$0x1CBC0]  }
0x2b9: {  	v6 =	vld [tilespmem:s0+$0x1CB90]  }
0x2ba: {  	v5 =	vld [tilespmem:s0+$0x1CBD0]  }
0x2bb: {  	v23 =	vld [tilespmem:s0+$0x1B700]  }
0x2bc: {  	v25 =	vld [tilespmem:s0+$0x1B740]  }
0x2bd: {  	v26 =	vld [tilespmem:s0+$0x1B710]  }
0x2be: {  	v27 =	vld [tilespmem:s0+$0x1B750]  }
0x2bf: {  	v30 =	vld [tilespmem:s0+$0x1B730]  }
0x2c0: {  	v59 =	vld [tilespmem:s0+$0x1B770]  }
0x2c1: {  	v31 =	vld [tilespmem:s0+$0x1B780];
	v12 =	vadd.f32 v12, v23;
	v29 =	vshll.u32 v7, $0x10;
	v13 =	vadd.f32 v13, v25  }
0x2c2: {  	v28 =	vld [tilespmem:s0+$0x1B720];
	v7 =	vand.u32 $0xFFFF0000, v7;
	v60 =	vshll.u32 v8, $0x10;
	v14 =	vadd.f32 v14, v26  }
0x2c3: {  	v61 =	vld [tilespmem:s0+$0x1B7C0];
	v8 =	vand.u32 $0xFFFF0000, v8;
	v32 =	vshll.u32 v9, $0x10;
	v33 =	vand.u32 $0xFFFF0000, v9  }
0x2c4: {  	v23 =	vld [tilespmem:s0+$0x1B760];
	v9 =	vadd.f32 v15, v27;
	v62 =	vshll.u32 v10, $0x10;
	v12 =	vadd.f32 v29, v12  }
0x2c5: {  	v4 =	vld [tilespmem:s0+$0x1CBA0];
	v63 =	vand.u32 $0xFFFF0000, v10;
	v20 =	vadd.f32 v20, v30;
	v7 =	vadd.f32 v7, v13  }
0x2c6: {  	v3 =	vld [tilespmem:s0+$0x1CBE0];
	v25 =	vadd.f32 v21, v59;
	v22 =	vadd.f32 v22, v31;
	v12 =	vmax.f32 v12, $0.0e+00  }
0x2c7: {  	v2 =	vld [tilespmem:s0+$0x1CBB0];
	v8 =	vadd.f32 v8, v9;
	v21 =	vadd.f32 v62, v20;
	v7 =	vmax.f32 v7, $0.0e+00;
	[tilespmem:s0+$0x1B700] =	vst v12  }
0x2c8: {  	v1 =	vld [tilespmem:s0+$0x1CBF0];
	v10 =	vand.u32 $0xFFFF0000, v16;
	v12 =	vadd.f32 v60, v14;
	[tilespmem:s0+$0x1B740] =	vst v7;
	v7 =	vadd.f32 v18, v28  }
0x2c9: {  	v13 =	vshll.u32 v11, $0x10;
	v20 =	vadd.f32 v24, v61;
	v14 =	vld [tilespmem:s0+$0x1B790];
	v18 =	vadd.f32 v19, v23  }
0x2ca: {  	v15 =	vld [tilespmem:s0+$0x1B7D0];
	v8 =	vmax.f32 v8, $0.0e+00;
	v9 =	vmax.f32 v12, $0.0e+00;
	v19 =	vadd.f32 v32, v7  }
0x2cb: {  	[tilespmem:s0+$0x1B750] =	vst v8;
	v12 =	vand.u32 $0xFFFF0000, v11;
	v11 =	vshll.u32 v16, $0x10;
	v16 =	vld [tilespmem:s0+$0x1B7A0];
	v18 =	vadd.f32 v33, v18  }
0x2cc: {  	v7 =	vand.u32 $0xFFFF0000, v17;
	[tilespmem:s0+$0x1B710] =	vst v9;
	v9 =	vshll.u32 v17, $0x10;
	v17 =	vld [tilespmem:s0+$0x1B7E0];
	v19 =	vmax.f32 v19, $0.0e+00  }
0x2cd: {  	s19 =	simm.s32 $0x17A00;
	s14 =	simm.s32 $0x400;
	v8 =	vshll.u32 v0, $0x10;
	v23 =	vmax.f32 v18, $0.0e+00;
	v18 =	vld [tilespmem:s0+$0x1B7B0];
	[tilespmem:s0+$0x1B720] =	vst v19;
	v19 =	vadd.f32 v63, v25  }
.LBB2_14:
0x2ce: {  	s6 =	sshra.s32 s14, $0x2;
	p0 =	sne.s32 s14, $0x4C00;
	[tilespmem:s0+$0x1B760] =	vst v23;
	v21 =	vmax.f32 v21, $0.0e+00;
	v13 =	vadd.f32 v13, v22;
	v6 =	vadd.f32 v6, v14;
	v14 =	vld [tilespmem:s0+$0x1B7F0]  }
0x2cf: {  	v22 =	vld [tilespmem:s6+$0x1DF00];
	[tilespmem:s0+$0x1B730] =	vst v21;
	v19 =	vmax.f32 v19, $0.0e+00;
	v12 =	vadd.f32 v12, v20;
	v5 =	vadd.f32 v5, v15  }
0x2d0: {  	v15 =	vld [tilespmem:s6+$0x1DF10];
	[tilespmem:s0+$0x1B770] =	vst v19;
	v13 =	vmax.f32 v13, $0.0e+00;
	v6 =	vadd.f32 v11, v6;
	v4 =	vadd.f32 v4, v16  }
0x2d1: {  	v11 =	vld [tilespmem:s6+$0x1DF20];
	[tilespmem:s0+$0x1B780] =	vst v13;
	v12 =	vmax.f32 v12, $0.0e+00;
	v5 =	vadd.f32 v10, v5;
	v3 =	vadd.f32 v3, v17  }
0x2d2: {  	v10 =	vld [tilespmem:s6+$0x1DF30];
	[tilespmem:s0+$0x1B7C0] =	vst v12;
	v6 =	vmax.f32 v6, $0.0e+00;
	v4 =	vadd.f32 v9, v4;
	v2 =	vadd.f32 v2, v18  }
0x2d3: {  	v9 =	vld [tilespmem:s6+$0x1DF80];
	[tilespmem:s0+$0x1B790] =	vst v6;
	v5 =	vmax.f32 v5, $0.0e+00;
	v3 =	vadd.f32 v7, v3;
	v1 =	vadd.f32 v1, v14  }
0x2d4: {  	v0 =	vand.u32 $0xFFFF0000, v0;
	v7 =	vld [tilespmem:s6+$0x1DF90];
	[tilespmem:s0+$0x1B7D0] =	vst v5;
	v4 =	vmax.f32 v4, $0.0e+00;
	v2 =	vadd.f32 v8, v2  }
0x2d5: {  	v8 =	vld [tilespmem:s6+$0x1DFA0];
	[tilespmem:s0+$0x1B7A0] =	vst v4;
	v3 =	vmax.f32 v3, $0.0e+00;
	v1 =	vadd.f32 v0, v1  }
0x2d6: {  	v0 =	vld [tilespmem:s6+$0x1DFB0];
	[tilespmem:s0+$0x1B7E0] =	vst v3;
	v2 =	vmax.f32 v2, $0.0e+00  }
0x2d7: {  	v12 =	vld [tilespmem:s6+$0x1CB00];
	[tilespmem:s0+$0x1B7B0] =	vst v2;
	v1 =	vmax.f32 v1, $0.0e+00  }
0x2d8: {  	v14 =	vld [tilespmem:s6+$0x1CB40];
	[tilespmem:s0+$0x1B7F0] =	vst v1;
	s0 =	smov.u32 s6  }
0x2d9: {  	v16 =	vld [tilespmem:s0+$0x1CB10]  }
0x2da: {  	v17 =	vld [tilespmem:s0+$0x1CB50]  }
0x2db: {  	v18 =	vld [tilespmem:s0+$0x1CB20]  }
0x2dc: {  	v19 =	vld [tilespmem:s0+$0x1CB60]  }
0x2dd: {  	v20 =	vld [tilespmem:s0+$0x1CB30]  }
0x2de: {  	v21 =	vld [tilespmem:s0+$0x1CB70]  }
0x2df: {  	v23 =	vld [tilespmem:s0+$0x1CB80]  }
0x2e0: {  	v24 =	vld [tilespmem:s0+$0x1CBC0]  }
0x2e1: {  	v6 =	vld [tilespmem:s0+$0x1CB90]  }
0x2e2: {  	v5 =	vld [tilespmem:s0+$0x1CBD0]  }
0x2e3: {  	v4 =	vld [tilespmem:s0+$0x1CBA0]  }
0x2e4: {  	v3 =	vld [tilespmem:s0+$0x1CBE0]  }
0x2e5: {  	v2 =	vld [tilespmem:s0+$0x1CBB0]  }
0x2e6: {  	v1 =	vld [tilespmem:s0+$0x1CBF0]  }
0x2e7: {  	v25 =	vld [tilespmem:s0+$0x1B700]  }
0x2e8: {  	v26 =	vld [tilespmem:s0+$0x1B740]  }
0x2e9: {  	v27 =	vshll.u32 v22, $0x10;
	v22 =	vand.u32 $0xFFFF0000, v22;
	v29 =	vshll.u32 v15, $0x10;
	v28 =	vld [tilespmem:s0+$0x1B710]  }
0x2ea: {  	v15 =	vand.u32 $0xFFFF0000, v15;
	v31 =	vshll.u32 v11, $0x10;
	v32 =	vand.u32 $0xFFFF0000, v11;
	v30 =	vld [tilespmem:s0+$0x1B750]  }
0x2eb: {  	v34 =	vshll.u32 v10, $0x10;
	v35 =	vand.u32 $0xFFFF0000, v10;
	v13 =	vshll.u32 v9, $0x10;
	v33 =	vld [tilespmem:s0+$0x1B720]  }
0x2ec: {  	v11 =	vshll.u32 v7, $0x10;
	v25 =	vadd.f32 v12, v25;
	v36 =	vld [tilespmem:s0+$0x1B760];
	v12 =	vand.u32 $0xFFFF0000, v9  }
0x2ed: {  	v10 =	vand.u32 $0xFFFF0000, v7;
	v9 =	vshll.u32 v8, $0x10;
	v14 =	vadd.f32 v14, v26;
	v26 =	vld [tilespmem:s0+$0x1B730]  }
0x2ee: {  	v7 =	vand.u32 $0xFFFF0000, v8;
	v25 =	vadd.f32 v27, v25;
	v16 =	vadd.f32 v16, v28;
	v27 =	vld [tilespmem:s0+$0x1B770]  }
0x2ef: {  	v8 =	vshll.u32 v0, $0x10;
	v14 =	vadd.f32 v22, v14;
	v17 =	vadd.f32 v17, v30;
	v22 =	vld [tilespmem:s0+$0x1B780]  }
0x2f0: {  	v25 =	vmax.f32 v25, $0.0e+00;
	v16 =	vadd.f32 v29, v16;
	v18 =	vadd.f32 v18, v33;
	v28 =	vld [tilespmem:s0+$0x1B7C0]  }
.Ltmp6:
0x2f1: {  	[tilespmem:s0+$0x1B700] =	vst v25;
	v25 =	vmax.f32 v14, $0.0e+00;
	v17 =	vadd.f32 v15, v17;
	v19 =	vadd.f32 v19, v36;
	v14 =	vld [tilespmem:s0+$0x1B790];
	(pc) =	sbr.rel @p0 .LBB2_14-.Ltmp6, $4  }
0x2f2: {  	[tilespmem:s0+$0x1B740] =	vst v25;
	v16 =	vmax.f32 v16, $0.0e+00;
	v18 =	vadd.f32 v31, v18;
	v20 =	vadd.f32 v20, v26;
	v15 =	vld [tilespmem:s0+$0x1B7D0]  }
0x2f3: {  	[tilespmem:s0+$0x1B710] =	vst v16;
	v17 =	vmax.f32 v17, $0.0e+00;
	v19 =	vadd.f32 v32, v19;
	v25 =	vadd.f32 v21, v27;
	v16 =	vld [tilespmem:s0+$0x1B7A0]  }
0x2f4: {  	[tilespmem:s0+$0x1B750] =	vst v17;
	v18 =	vmax.f32 v18, $0.0e+00;
	v21 =	vadd.f32 v34, v20;
	v22 =	vadd.f32 v23, v22;
	v17 =	vld [tilespmem:s0+$0x1B7E0]  }
0x2f5: {  	s14 =	sadd.s32 $0x400, s14;
	[tilespmem:s0+$0x1B720] =	vst v18;
	v23 =	vmax.f32 v19, $0.0e+00;
	v19 =	vadd.f32 v35, v25;
	v20 =	vadd.f32 v24, v28;
	v18 =	vld [tilespmem:s0+$0x1B7B0]  }
0x2f6: {  	[tilespmem:s0+$0x1B760] =	vst v23;
	v21 =	vmax.f32 v21, $0.0e+00;
	v13 =	vadd.f32 v13, v22;
	v6 =	vadd.f32 v6, v14;
	v14 =	vld [tilespmem:s0+$0x1B7F0]  }
0x2f7: {  	[tilespmem:s0+$0x1B730] =	vst v21;
	v19 =	vmax.f32 v19, $0.0e+00;
	v12 =	vadd.f32 v12, v20;
	v5 =	vadd.f32 v5, v15  }
0x2f8: {  	[tilespmem:s0+$0x1B770] =	vst v19;
	v13 =	vmax.f32 v13, $0.0e+00;
	v6 =	vadd.f32 v11, v6;
	v4 =	vadd.f32 v4, v16  }
0x2f9: {  	[tilespmem:s0+$0x1B780] =	vst v13;
	v11 =	vmax.f32 v12, $0.0e+00;
	v5 =	vadd.f32 v10, v5;
	v3 =	vadd.f32 v3, v17  }
0x2fa: {  	[tilespmem:s0+$0x1B7C0] =	vst v11;
	v6 =	vmax.f32 v6, $0.0e+00;
	v4 =	vadd.f32 v9, v4;
	v2 =	vadd.f32 v2, v18  }
0x2fb: {  	[tilespmem:s0+$0x1B790] =	vst v6;
	v5 =	vmax.f32 v5, $0.0e+00;
	v3 =	vadd.f32 v7, v3;
	v1 =	vadd.f32 v1, v14  }
0x2fc: {  	v0 =	vand.u32 $0xFFFF0000, v0;
	[tilespmem:s0+$0x1B7D0] =	vst v5;
	v4 =	vmax.f32 v4, $0.0e+00;
	v2 =	vadd.f32 v8, v2  }
0x2fd: {  	[tilespmem:s0+$0x1B7A0] =	vst v4;
	v3 =	vmax.f32 v3, $0.0e+00;
	v0 =	vadd.f32 v0, v1  }
0x2fe: {  	[tilespmem:s0+$0x1B7E0] =	vst v3;
	v1 =	vmax.f32 v2, $0.0e+00  }
0x2ff: {  	[tilespmem:s0+$0x1B7B0] =	vst v1;
	v0 =	vmax.f32 v0, $0.0e+00  }
0x300: {  	s30 =	rddreg [dreg:$0x4];
	[tilespmem:s0+$0x1B7F0] =	vst v0  }
0x301: {  	[spmem:s30] =	stream.indirect.scatter.add.f32 [tilespmem:s20], [sflag:$0xF], $0x80, s10, s13, $0xb8;
	[tilespmem:$0x1F300] =	vst v63  }
0x302: {  	_ =	swait.ge [sflag:s23], $0x1400  }
0x303: {  	[sflag:s23] =	ssyncset.done $0x0  }
0x304: {  	[sflag:s23] =	ssyncadd.s32 $0xFFFFEC00  }
0x305: {  	_ =	swait.ge [sflag:s25], $0x1400  }
0x306: {  	[sflag:s25] =	ssyncset.done $0x0  }
0x307: {  	[sflag:s25] =	ssyncadd.s32 $0xFFFFEC00  }
0x308: {  	_ =	swait.ge [sflag:s26], $0x1400  }
0x309: {  	[sflag:s26] =	ssyncset.done $0x0  }
0x30a: {  	[sflag:s26] =	ssyncadd.s32 $0xFFFFEC00  }
0x30b: {  	_ =	swait.ge [sflag:s28], $0x1400  }
0x30c: {  	[sflag:s28] =	ssyncset.done $0x0  }
0x30d: {  	s0 =	simm.s32 $0x0;
	[sflag:s28] =	ssyncadd.s32 $0xFFFFEC00  }
0x30e: {  	v7 =	vld [tilespmem:s0+$0x16500]  }
0x30f: {  	v8 =	vld [tilespmem:s0+$0x16510]  }
0x310: {  	v9 =	vld [tilespmem:s0+$0x16520]  }
0x311: {  	v10 =	vld [tilespmem:s0+$0x16530]  }
0x312: {  	v11 =	vld [tilespmem:s0+$0x16580]  }
0x313: {  	v16 =	vld [tilespmem:s0+$0x16590]  }
0x314: {  	v17 =	vld [tilespmem:s0+$0x165A0]  }
0x315: {  	v0 =	vld [tilespmem:s0+$0x165B0]  }
0x316: {  	v12 =	vld [tilespmem:s0+$0x15100]  }
0x317: {  	v13 =	vld [tilespmem:s0+$0x15140]  }
0x318: {  	v14 =	vld [tilespmem:s0+$0x15110]  }
0x319: {  	v15 =	vld [tilespmem:s0+$0x15150]  }
0x31a: {  	v18 =	vld [tilespmem:s0+$0x15120]  }
0x31b: {  	v19 =	vld [tilespmem:s0+$0x15160]  }
0x31c: {  	v20 =	vld [tilespmem:s0+$0x15130]  }
0x31d: {  	v21 =	vld [tilespmem:s0+$0x15170]  }
0x31e: {  	v22 =	vld [tilespmem:s0+$0x15180]  }
0x31f: {  	v24 =	vld [tilespmem:s0+$0x151C0]  }
0x320: {  	v6 =	vld [tilespmem:s0+$0x15190]  }
0x321: {  	v5 =	vld [tilespmem:s0+$0x151D0]  }
0x322: {  	v23 =	vld [tilespmem:s0+$0x13D00]  }
0x323: {  	v25 =	vld [tilespmem:s0+$0x13D40]  }
0x324: {  	v26 =	vld [tilespmem:s0+$0x13D10]  }
0x325: {  	v27 =	vld [tilespmem:s0+$0x13D50]  }
0x326: {  	v30 =	vld [tilespmem:s0+$0x13D30]  }
0x327: {  	v59 =	vld [tilespmem:s0+$0x13D70]  }
0x328: {  	v31 =	vld [tilespmem:s0+$0x13D80];
	v12 =	vadd.f32 v12, v23;
	v29 =	vshll.u32 v7, $0x10;
	v13 =	vadd.f32 v13, v25  }
0x329: {  	v28 =	vld [tilespmem:s0+$0x13D20];
	v7 =	vand.u32 $0xFFFF0000, v7;
	v60 =	vshll.u32 v8, $0x10;
	v14 =	vadd.f32 v14, v26  }
0x32a: {  	v61 =	vld [tilespmem:s0+$0x13DC0];
	v8 =	vand.u32 $0xFFFF0000, v8;
	v32 =	vshll.u32 v9, $0x10;
	v33 =	vand.u32 $0xFFFF0000, v9  }
0x32b: {  	v23 =	vld [tilespmem:s0+$0x13D60];
	v9 =	vadd.f32 v15, v27;
	v62 =	vshll.u32 v10, $0x10;
	v12 =	vadd.f32 v29, v12  }
0x32c: {  	v4 =	vld [tilespmem:s0+$0x151A0];
	v63 =	vand.u32 $0xFFFF0000, v10;
	v20 =	vadd.f32 v20, v30;
	v7 =	vadd.f32 v7, v13  }
0x32d: {  	v3 =	vld [tilespmem:s0+$0x151E0];
	v25 =	vadd.f32 v21, v59;
	v22 =	vadd.f32 v22, v31;
	v12 =	vmax.f32 v12, $0.0e+00  }
0x32e: {  	v2 =	vld [tilespmem:s0+$0x151B0];
	v8 =	vadd.f32 v8, v9;
	v21 =	vadd.f32 v62, v20;
	v7 =	vmax.f32 v7, $0.0e+00;
	[tilespmem:s0+$0x13D00] =	vst v12  }
0x32f: {  	v1 =	vld [tilespmem:s0+$0x151F0];
	v10 =	vand.u32 $0xFFFF0000, v16;
	v12 =	vadd.f32 v60, v14;
	[tilespmem:s0+$0x13D40] =	vst v7;
	v7 =	vadd.f32 v18, v28  }
0x330: {  	v13 =	vshll.u32 v11, $0x10;
	v20 =	vadd.f32 v24, v61;
	v14 =	vld [tilespmem:s0+$0x13D90];
	v18 =	vadd.f32 v19, v23  }
0x331: {  	v15 =	vld [tilespmem:s0+$0x13DD0];
	v8 =	vmax.f32 v8, $0.0e+00;
	v9 =	vmax.f32 v12, $0.0e+00;
	v19 =	vadd.f32 v32, v7  }
0x332: {  	[tilespmem:s0+$0x13D50] =	vst v8;
	v12 =	vand.u32 $0xFFFF0000, v11;
	v11 =	vshll.u32 v16, $0x10;
	v16 =	vld [tilespmem:s0+$0x13DA0];
	v18 =	vadd.f32 v33, v18  }
0x333: {  	v7 =	vand.u32 $0xFFFF0000, v17;
	[tilespmem:s0+$0x13D10] =	vst v9;
	v9 =	vshll.u32 v17, $0x10;
	v17 =	vld [tilespmem:s0+$0x13DE0];
	v19 =	vmax.f32 v19, $0.0e+00  }
0x334: {  	s14 =	simm.s32 $0x400;
	s3 =	smov.u32 s4;
	v8 =	vshll.u32 v0, $0x10;
	v23 =	vmax.f32 v18, $0.0e+00;
	v18 =	vld [tilespmem:s0+$0x13DB0];
	[tilespmem:s0+$0x13D20] =	vst v19;
	v19 =	vadd.f32 v63, v25  }
.LBB2_16:
0x335: {  	s6 =	sshra.s32 s14, $0x2;
	p0 =	sne.s32 s14, $0x4C00;
	[tilespmem:s0+$0x13D60] =	vst v23;
	v21 =	vmax.f32 v21, $0.0e+00;
	v13 =	vadd.f32 v13, v22;
	v6 =	vadd.f32 v6, v14;
	v14 =	vld [tilespmem:s0+$0x13DF0]  }
0x336: {  	v22 =	vld [tilespmem:s6+$0x16500];
	[tilespmem:s0+$0x13D30] =	vst v21;
	v19 =	vmax.f32 v19, $0.0e+00;
	v12 =	vadd.f32 v12, v20;
	v5 =	vadd.f32 v5, v15  }
0x337: {  	v15 =	vld [tilespmem:s6+$0x16510];
	[tilespmem:s0+$0x13D70] =	vst v19;
	v13 =	vmax.f32 v13, $0.0e+00;
	v6 =	vadd.f32 v11, v6;
	v4 =	vadd.f32 v4, v16  }
0x338: {  	v11 =	vld [tilespmem:s6+$0x16520];
	[tilespmem:s0+$0x13D80] =	vst v13;
	v12 =	vmax.f32 v12, $0.0e+00;
	v5 =	vadd.f32 v10, v5;
	v3 =	vadd.f32 v3, v17  }
0x339: {  	v10 =	vld [tilespmem:s6+$0x16530];
	[tilespmem:s0+$0x13DC0] =	vst v12;
	v6 =	vmax.f32 v6, $0.0e+00;
	v4 =	vadd.f32 v9, v4;
	v2 =	vadd.f32 v2, v18  }
0x33a: {  	v9 =	vld [tilespmem:s6+$0x16580];
	[tilespmem:s0+$0x13D90] =	vst v6;
	v5 =	vmax.f32 v5, $0.0e+00;
	v3 =	vadd.f32 v7, v3;
	v1 =	vadd.f32 v1, v14  }
0x33b: {  	v0 =	vand.u32 $0xFFFF0000, v0;
	v7 =	vld [tilespmem:s6+$0x16590];
	[tilespmem:s0+$0x13DD0] =	vst v5;
	v4 =	vmax.f32 v4, $0.0e+00;
	v2 =	vadd.f32 v8, v2  }
0x33c: {  	v8 =	vld [tilespmem:s6+$0x165A0];
	[tilespmem:s0+$0x13DA0] =	vst v4;
	v3 =	vmax.f32 v3, $0.0e+00;
	v1 =	vadd.f32 v0, v1  }
0x33d: {  	v0 =	vld [tilespmem:s6+$0x165B0];
	[tilespmem:s0+$0x13DE0] =	vst v3;
	v2 =	vmax.f32 v2, $0.0e+00  }
0x33e: {  	v12 =	vld [tilespmem:s6+$0x15100];
	[tilespmem:s0+$0x13DB0] =	vst v2;
	v1 =	vmax.f32 v1, $0.0e+00  }
0x33f: {  	v14 =	vld [tilespmem:s6+$0x15140];
	[tilespmem:s0+$0x13DF0] =	vst v1;
	s0 =	smov.u32 s6  }
0x340: {  	v16 =	vld [tilespmem:s0+$0x15110]  }
0x341: {  	v17 =	vld [tilespmem:s0+$0x15150]  }
0x342: {  	v18 =	vld [tilespmem:s0+$0x15120]  }
0x343: {  	v19 =	vld [tilespmem:s0+$0x15160]  }
0x344: {  	v20 =	vld [tilespmem:s0+$0x15130]  }
0x345: {  	v21 =	vld [tilespmem:s0+$0x15170]  }
0x346: {  	v23 =	vld [tilespmem:s0+$0x15180]  }
0x347: {  	v24 =	vld [tilespmem:s0+$0x151C0]  }
0x348: {  	v6 =	vld [tilespmem:s0+$0x15190]  }
0x349: {  	v5 =	vld [tilespmem:s0+$0x151D0]  }
0x34a: {  	v4 =	vld [tilespmem:s0+$0x151A0]  }
0x34b: {  	v3 =	vld [tilespmem:s0+$0x151E0]  }
0x34c: {  	v2 =	vld [tilespmem:s0+$0x151B0]  }
0x34d: {  	v1 =	vld [tilespmem:s0+$0x151F0]  }
0x34e: {  	v25 =	vld [tilespmem:s0+$0x13D00]  }
0x34f: {  	v26 =	vld [tilespmem:s0+$0x13D40]  }
0x350: {  	v27 =	vshll.u32 v22, $0x10;
	v22 =	vand.u32 $0xFFFF0000, v22;
	v29 =	vshll.u32 v15, $0x10;
	v28 =	vld [tilespmem:s0+$0x13D10]  }
0x351: {  	v15 =	vand.u32 $0xFFFF0000, v15;
	v31 =	vshll.u32 v11, $0x10;
	v32 =	vand.u32 $0xFFFF0000, v11;
	v30 =	vld [tilespmem:s0+$0x13D50]  }
0x352: {  	v34 =	vshll.u32 v10, $0x10;
	v35 =	vand.u32 $0xFFFF0000, v10;
	v13 =	vshll.u32 v9, $0x10;
	v33 =	vld [tilespmem:s0+$0x13D20]  }
0x353: {  	v11 =	vshll.u32 v7, $0x10;
	v25 =	vadd.f32 v12, v25;
	v36 =	vld [tilespmem:s0+$0x13D60];
	v12 =	vand.u32 $0xFFFF0000, v9  }
0x354: {  	v10 =	vand.u32 $0xFFFF0000, v7;
	v9 =	vshll.u32 v8, $0x10;
	v14 =	vadd.f32 v14, v26;
	v26 =	vld [tilespmem:s0+$0x13D30]  }
0x355: {  	v7 =	vand.u32 $0xFFFF0000, v8;
	v25 =	vadd.f32 v27, v25;
	v16 =	vadd.f32 v16, v28;
	v27 =	vld [tilespmem:s0+$0x13D70]  }
0x356: {  	v8 =	vshll.u32 v0, $0x10;
	v14 =	vadd.f32 v22, v14;
	v17 =	vadd.f32 v17, v30;
	v22 =	vld [tilespmem:s0+$0x13D80]  }
0x357: {  	v25 =	vmax.f32 v25, $0.0e+00;
	v16 =	vadd.f32 v29, v16;
	v18 =	vadd.f32 v18, v33;
	v28 =	vld [tilespmem:s0+$0x13DC0]  }
.Ltmp7:
0x358: {  	[tilespmem:s0+$0x13D00] =	vst v25;
	v25 =	vmax.f32 v14, $0.0e+00;
	v17 =	vadd.f32 v15, v17;
	v19 =	vadd.f32 v19, v36;
	v14 =	vld [tilespmem:s0+$0x13D90];
	(pc) =	sbr.rel @p0 .LBB2_16-.Ltmp7, $4  }
0x359: {  	[tilespmem:s0+$0x13D40] =	vst v25;
	v16 =	vmax.f32 v16, $0.0e+00;
	v18 =	vadd.f32 v31, v18;
	v20 =	vadd.f32 v20, v26;
	v15 =	vld [tilespmem:s0+$0x13DD0]  }
0x35a: {  	[tilespmem:s0+$0x13D10] =	vst v16;
	v17 =	vmax.f32 v17, $0.0e+00;
	v19 =	vadd.f32 v32, v19;
	v25 =	vadd.f32 v21, v27;
	v16 =	vld [tilespmem:s0+$0x13DA0]  }
0x35b: {  	[tilespmem:s0+$0x13D50] =	vst v17;
	v18 =	vmax.f32 v18, $0.0e+00;
	v21 =	vadd.f32 v34, v20;
	v22 =	vadd.f32 v23, v22;
	v17 =	vld [tilespmem:s0+$0x13DE0]  }
0x35c: {  	s14 =	sadd.s32 $0x400, s14;
	[tilespmem:s0+$0x13D20] =	vst v18;
	v23 =	vmax.f32 v19, $0.0e+00;
	v19 =	vadd.f32 v35, v25;
	v20 =	vadd.f32 v24, v28;
	v18 =	vld [tilespmem:s0+$0x13DB0]  }
0x35d: {  	[tilespmem:s0+$0x13D60] =	vst v23;
	v21 =	vmax.f32 v21, $0.0e+00;
	v13 =	vadd.f32 v13, v22;
	v6 =	vadd.f32 v6, v14;
	v61 =	vld [tilespmem:s0+$0x13DF0]  }
0x35e: {  	[tilespmem:s0+$0x13D30] =	vst v21;
	v19 =	vmax.f32 v19, $0.0e+00;
	v12 =	vadd.f32 v12, v20;
	v5 =	vadd.f32 v5, v15  }
0x35f: {  	[tilespmem:s0+$0x13D70] =	vst v19;
	v13 =	vmax.f32 v13, $0.0e+00;
	v6 =	vadd.f32 v11, v6;
	v4 =	vadd.f32 v4, v16  }
0x360: {  	[tilespmem:s0+$0x13D80] =	vst v13;
	v62 =	vmax.f32 v12, $0.0e+00;
	v5 =	vadd.f32 v10, v5;
	v3 =	vadd.f32 v3, v17  }
0x361: {  	[tilespmem:s0+$0x13DC0] =	vst v62;
	v6 =	vmax.f32 v6, $0.0e+00;
	v4 =	vadd.f32 v9, v4;
	v2 =	vadd.f32 v2, v18  }
0x362: {  	[tilespmem:s0+$0x13D90] =	vst v6;
	v5 =	vmax.f32 v5, $0.0e+00;
	v3 =	vadd.f32 v7, v3;
	v1 =	vadd.f32 v1, v61  }
0x363: {  	v0 =	vand.u32 $0xFFFF0000, v0;
	[tilespmem:s0+$0x13DD0] =	vst v5;
	v4 =	vmax.f32 v4, $0.0e+00;
	v2 =	vadd.f32 v8, v2  }
0x364: {  	[tilespmem:s0+$0x13DA0] =	vst v4;
	v3 =	vmax.f32 v3, $0.0e+00;
	v0 =	vadd.f32 v0, v1  }
0x365: {  	[tilespmem:s0+$0x13DE0] =	vst v3;
	v63 =	vmax.f32 v2, $0.0e+00  }
0x366: {  	[tilespmem:s0+$0x13DB0] =	vst v63;
	v0 =	vmax.f32 v0, $0.0e+00  }
0x367: {  	s10 =	rddreg [dreg:$0x4];
	[tilespmem:s0+$0x13DF0] =	vst v0  }
0x368: {  	[spmem:s10] =	stream.indirect.scatter.add.f32 [tilespmem:s5], [sflag:$0x5], $0x80, s2, s13, $0xb8;
	[tilespmem:$0x1F300] =	vst v63  }
0x369: {  	_ =	swait.ge [sflag:s9], $0x1400  }
0x36a: {  	[sflag:s9] =	ssyncset.done $0x0  }
0x36b: {  	[sflag:s9] =	ssyncadd.s32 $0xFFFFEC00  }
0x36c: {  	_ =	swait.ge [sflag:s17], $0x1400  }
0x36d: {  	[sflag:s17] =	ssyncset.done $0x0  }
0x36e: {  	[sflag:s17] =	ssyncadd.s32 $0xFFFFEC00  }
0x36f: {  	[bflag:$0x0] =	sbarrier.arrive $0xFFFF  }
0x370: {  	s6 =	rddreg [dreg:$0x8]  }
0x371: {  	s14 =	rddreg [dreg:$0x19]  }
0x372: {  	s4 =	rddreg [dreg:$0x1c]  }
0x373: {  	[hbm:s14], [sflag:s6] =	dma.local [spmem:s4], $0x2780  }
0x374: {  	s14 =	simm.s32 $0x10  }
0x375: {  	_ =	swait.ge [sflag:s14], $0x2780  }
0x376: {  	s29 =	rddreg [dreg:$0x1b]  }
0x377: {  	s30 =	rddreg [dreg:$0x1a];
	s4 =	sadd.s32 $0x1, s29  }
0x378: {  	p0 =	sne.s32 s4, s30  }
.Ltmp8:
0x379: {  	_ = 	snop;
	(pc) =	sbr.rel @p0 .LBB2_1-.Ltmp8, $3  }
0x37a: {  	_ =	sdelay $0x1  }
0x37b: {  	[sflag:s14] =	ssyncset.done $0x0  }
0x37c: {  	[sflag:s14] =	ssyncadd.s32 $0xFFFFD880  }
0x37d: {  	_ =	sfence.sel $0x180000  }
0x37e: {  	[bflag:$0x0] =	sbarrier.arrive $0xFFFF  }
0x37f: {  	_ =	strace $0x90000047  }
0x380: {  	s0 =	stileid.u32;
	[bflag:$0x2] =	sbarrier.arrive $0xFFFF  }
0x381: {  	p0 =	sne.s32 s0, $0x0;
	s0 =	rddreg [dreg:$0x5]  }
0x382: {  	s0 =	sadd.s32 @!p0 $0x100000, s0  }
0x383: {  	[sflag:s0] =	ssyncadd.tile.s32 @!p0 $0x1;
	_ =	shalt  }
.Lfunc_end2:
_tile_overlayer_lowered:
.L_overlay_start_2:
0x384: {  	(tag) =	ssettag $0x2  }
0x385: {  	s0 =	rddreg [dreg:$0x0];
	s2 =	stileid.u32  }
0x386: {  	s1 =	rddreg [dreg:$0x1];
	p0 =	sne.s32 s2, $0x0  }
0x387: {  	s3 =	rddreg [dreg:$0x2];
	[bflag:$0x3] =	sbarrier.arrive $0xFFFF;
	s2 =	simm.s32 @!p0 $0x1C10  }
0x388: {  	[timem:s3], [sflag:s2] =	dma.local @!p0 [hbm:s0], s1  }
0x389: {  	s0 =	simm.s32 @!p0 $0x10  }
0x38a: {  	_ =	swait.ge @!p0 [sflag:s0], s1  }
0x38b: {  	s1 =	ssub.s32 @!p0 $0x0, s1;
	[sflag:s0] =	ssyncset.done @!p0 $0x0  }
0x38c: {  	[sflag:s0] =	ssyncadd.s32 @!p0 s1  }
0x38d: {  	[bflag:$0x3] =	sbarrier.arrive $0xFFFF  }
0x38e: {  	_ =	shalt  }

</sc_bundles>
